<compile_context>
chip_gen: v7x
topology: tpu7x:2x2x1
jax: 0.10.2.dev20260603
libtpu: 0.0.44.dev20260713+nightly
codegen_flags: <defaults>
</compile_context>

<pallas_src>
import functools

import jax
import jax.numpy as jnp
from jax import lax
from jax.experimental import pallas as pl
from jax.experimental.pallas import tpu as pltpu
from jax.experimental.pallas import tpu_sc as plsc

VOCAB = 30522
D_MODEL = 512
BATCH = 64
SEQ = 512
LN_EPS = 1e-12

NUM_CORES = 2
NUM_SUBCORES = 16
LANES = 16

NW = NUM_CORES * NUM_SUBCORES
P_PER_W = SEQ // NW
NJ = D_MODEL // LANES
BPB = 1
TPB = BPB * P_PER_W
NBLK = BATCH // BPB
RING = 2
STEPS = NBLK // RING


_GATHER_DNUMS = lax.GatherDimensionNumbers(
    offset_dims=(), collapsed_slice_dims=(0,), start_index_map=(0,))


def _perm(x, p):
    return lax.gather(x, p[:, None], _GATHER_DNUMS, (1,),
                      mode=lax.GatherScatterMode.PROMISE_IN_BOUNDS)


def _hsum(x, perms):
    for p in perms:
        x = x + _perm(x, p)
    return x


def _rsqrt_newton(v):
    i = lax.bitcast_convert_type(v, jnp.int32)
    i = jnp.int32(0x5F3759DF) - (i >> 1)
    y = lax.bitcast_convert_type(i, jnp.float32)
    half = v * jnp.float32(0.5)
    for _ in range(2):
        y = y * (jnp.float32(1.5) - half * y * y)
    return y


JB = 16


def _body(ids_hbm, word_hbm, pos_hbm, gamma_hbm, beta_hbm, out_hbm,
          ids_v, pos_v, gam_v, bet_v, mean_sv, rstd_sv, in_v, out_v,
          gsem, osem):
    wid = lax.axis_index("s") * NUM_CORES + lax.axis_index("c")
    p0 = wid * P_PER_W

    pltpu.sync_copy(ids_hbm.at[wid], ids_v)
    pltpu.sync_copy(pos_hbm.at[pl.ds(p0, P_PER_W), :], pos_v)
    pltpu.sync_copy(gamma_hbm, gam_v)
    pltpu.sync_copy(beta_hbm, bet_v)

    def gather_start(k, r):
        pltpu.make_async_copy(
            word_hbm.at[ids_v.at[k]], in_v.at[r], gsem.at[r]).start()

    def gather_wait(r):
        pltpu.make_async_copy(
            word_hbm.at[ids_v.at[0]], in_v.at[r], gsem.at[r]).wait()

    def _out_copy(k, r):
        return pltpu.make_async_copy(
            out_v.at[r], out_hbm.at[k, pl.ds(p0, P_PER_W), :], osem.at[r])

    def out_start(k, r):
        _out_copy(k, r).start()

    def out_wait(k, r):
        _out_copy(k, r).wait()

    for r in range(RING):
        gather_start(r, r)

    inv_d = jnp.float32(1.0 / D_MODEL)
    iota = lax.iota(jnp.int32, LANES)
    perms = [jnp.bitwise_xor(iota, jnp.int32(k)) for k in (8, 4, 2, 1)]

    DIAG_NO_DMA = False

    def step(s, carry):
        if True:
            r = jnp.bitwise_and(s, RING - 1)
            b = s
            if not DIAG_NO_DMA:
                gather_wait(r)

                @pl.when(s >= RING)
                def _():
                    out_wait(b, r)

            @plsc.parallel_loop(0, TPB)
            def token_stats(t):
                accs = [jnp.zeros((LANES,), jnp.float32) for _ in range(4)]
                for j in range(NJ):
                    w = in_v[r, t, pl.ds(j * LANES, LANES)]
                    p = pos_v[t, pl.ds(j * LANES, LANES)]
                    x = w + p
                    out_v[r, t, pl.ds(j * LANES, LANES)] = x
                    k = 2 * (j % 2)
                    accs[k] = accs[k] + x
                    accs[k + 1] = accs[k + 1] + x * x
                s_acc = accs[0] + accs[2]
                q_acc = accs[1] + accs[3]
                mean_v = _hsum(s_acc, perms) * inv_d
                var_v = (_hsum(q_acc, perms) * inv_d - mean_v * mean_v
                         + jnp.float32(LN_EPS))
                rstd_v = _rsqrt_newton(var_v)
                mean_sv[t, :] = mean_v
                rstd_sv[t, :] = rstd_v

            if not DIAG_NO_DMA:
                @pl.when(s < NBLK - RING)
                def _():
                    gather_start(b + RING, r)

            for jb in range(NJ // JB):
                gs = [gam_v[pl.ds((jb * JB + jj) * LANES, LANES)]
                      for jj in range(JB)]
                bs = [bet_v[pl.ds((jb * JB + jj) * LANES, LANES)]
                      for jj in range(JB)]

                @plsc.parallel_loop(0, TPB)
                def token_norm(t, jb=jb, gs=gs, bs=bs):
                    mean_v = mean_sv[t, :]
                    rstd_v = rstd_sv[t, :]
                    for jj in range(JB):
                        j = jb * JB + jj
                        x = out_v[r, t, pl.ds(j * LANES, LANES)]
                        y = (x - mean_v) * rstd_v * gs[jj] + bs[jj]
                        out_v[r, t, pl.ds(j * LANES, LANES)] = y
            if not DIAG_NO_DMA:
                out_start(b, r)

        return carry

    lax.fori_loop(0, NBLK, step, 0)

    for r in range(RING):
        k = NBLK - RING + r
        out_wait(jnp.int32(k), jnp.bitwise_and(jnp.int32(k), RING - 1))


def kernel(input_ids, word_table, pos_table, gamma, beta):
    ids = input_ids.astype(jnp.int32)
    b, s = ids.shape
    d = word_table.shape[1]
    ids3 = (ids.reshape(NBLK, BPB, NW, P_PER_W)
            .transpose(2, 0, 1, 3).reshape(NW, NBLK, TPB))
    f = pl.kernel(
        _body,
        out_type=jax.ShapeDtypeStruct((b, s, d), jnp.float32),
        mesh=plsc.VectorSubcoreMesh(core_axis_name="c", subcore_axis_name="s"),
        scratch_types=[
            pltpu.VMEM((NBLK, TPB), jnp.int32),
            pltpu.VMEM((P_PER_W, D_MODEL), jnp.float32),
            pltpu.VMEM((D_MODEL,), jnp.float32),
            pltpu.VMEM((D_MODEL,), jnp.float32),
            pltpu.VMEM((TPB, LANES), jnp.float32),
            pltpu.VMEM((TPB, LANES), jnp.float32),
            pltpu.VMEM((RING, TPB, D_MODEL), jnp.float32),
            pltpu.VMEM((RING, TPB, D_MODEL), jnp.float32),
            pltpu.SemaphoreType.DMA((RING,)),
            pltpu.SemaphoreType.DMA((RING,)),
        ],
    )
    return f(ids3, word_table, pos_table, gamma, beta)

# --- scband reference (transcript-rebuilt; emitter-appended) ---
"""Pipeline reference for scband-embedding-layer-87067577024882 (READ-ONLY COPY).

The authoritative reference and input builder live on the scoring server;
editing this copy changes nothing except your own understanding.
"""

import jax, jax.numpy as jnp
import numpy as np

VOCAB = 30522
D_MODEL = 512
MAX_POS = 512
BATCH = 64
SEQ = 512
LN_EPS = 1e-12


def setup_inputs(seed: int = 0) -> dict:
    key = jax.random.key(seed)
    k1, k2, k3 = jax.random.split(key, 3)
    input_ids = jax.random.randint(k1, (BATCH, SEQ), 0, VOCAB, dtype=jnp.int64) if jax.config.jax_enable_x64 else jax.random.randint(k1, (BATCH, SEQ), 0, VOCAB, dtype=jnp.int32)
    word_table = jax.random.normal(k2, (VOCAB, D_MODEL), dtype=jnp.float32) * 0.02
    pos_table = jax.random.normal(k3, (MAX_POS, D_MODEL), dtype=jnp.float32) * 0.02
    gamma = jnp.ones((D_MODEL,), dtype=jnp.float32)
    beta = jnp.zeros((D_MODEL,), dtype=jnp.float32)
    return {
        "input_ids": input_ids,
        "word_table": word_table,
        "pos_table": pos_table,
        "gamma": gamma,
        "beta": beta,
    }


def reference(input_ids, word_table, pos_table, gamma, beta):
    seq_length = input_ids.shape[1]
    position_ids = jnp.arange(seq_length)[None, :]  # [1, S]
    word_embeddings = jnp.take(word_table, input_ids, axis=0)        # [B, S, D]
    position_embeddings = jnp.take(pos_table, position_ids, axis=0)  # [1, S, D]
    embeddings = word_embeddings + position_embeddings
    mean = jnp.mean(embeddings, axis=-1, keepdims=True)
    var = jnp.mean(jnp.square(embeddings - mean), axis=-1, keepdims=True)
    normed = (embeddings - mean) / jnp.sqrt(var + LN_EPS)
    out = normed * gamma + beta
    # dropout is identity in eval mode
    return out

if __name__ == "__main__":
    import jax
    _d = setup_inputs()
    print(jax.jit(kernel)(*tuple(_d.values())))

</pallas_src>

<mosaic_0001>
#map = affine_map<(d0, d1) -> (0, 0, 0)>
#map1 = affine_map<(d0, d1) -> (0, 0)>
#map2 = affine_map<(d0, d1) -> (0)>
module attributes {stable_mosaic.version = 14 : i64} {
  func.func @_body(%arg0: i32, %arg1: i32, %arg2: memref<32x64x16xi32, #tpu.memory_space<hbm>>, %arg3: memref<30522x512xf32, #tpu.memory_space<hbm>>, %arg4: memref<512x512xf32, #tpu.memory_space<hbm>>, %arg5: memref<512xf32, #tpu.memory_space<hbm>>, %arg6: memref<512xf32, #tpu.memory_space<hbm>>, %arg7: memref<64x512x512xf32, #tpu.memory_space<hbm>>, %arg8: memref<64x16xi32, #tpu.memory_space<vmem>>, %arg9: memref<16x512xf32, #tpu.memory_space<vmem>>, %arg10: memref<512xf32, #tpu.memory_space<vmem>>, %arg11: memref<512xf32, #tpu.memory_space<vmem>>, %arg12: memref<16x16xf32, #tpu.memory_space<vmem>>, %arg13: memref<16x16xf32, #tpu.memory_space<vmem>>, %arg14: memref<2x16x512xf32, #tpu.memory_space<vmem>>, %arg15: memref<2x16x512xf32, #tpu.memory_space<vmem>>, %arg16: memref<2x!tpu.dma_semaphore, #tpu.memory_space<semaphore_mem>>, %arg17: memref<2x!tpu.dma_semaphore, #tpu.memory_space<semaphore_mem>>) attributes {dimension_semantics = [#tpu.dimension_semantics<core_parallel>, #tpu.dimension_semantics<subcore_parallel>], iteration_bounds = array<i64: 2, 16>, scalar_prefetch = 0 : i64, scratch_operands = 10 : i64, tpu.core_type = #tpu.core_type<sc_vector_subcore>, window_params = [{transform_indices = #map}, {transform_indices = #map1}, {transform_indices = #map1}, {transform_indices = #map2}, {transform_indices = #map2}, {transform_indices = #map}]} {
    %mul3A = arith.constant 2 : i32
    %mul3A_0 = arith.muli %arg1, %mul3A : i32
    %add3A = arith.addi %mul3A_0, %arg0 : i32
    %mul3A_1 = arith.constant 16 : i32
    %mul3A_2 = arith.muli %add3A, %mul3A_1 : i32
    "tpu.region"() ({
      %run_scoped3A = tpu.sem_alloc : memref<!tpu.dma_semaphore, #tpu.memory_space<semaphore_mem>>
      %dma_start3A_87 = arith.constant 0 : i32
      %dma_start3A_88 = arith.constant 0 : i32
      %dma_start3A_89 = tpu.memref_slice %arg2[%add3A, %dma_start3A_87, %dma_start3A_88] : memref<32x64x16xi32, #tpu.memory_space<hbm>> -> memref<1x64x16xi32, #tpu.memory_space<hbm>>
      %dma_start3A_90 = tpu.memref_squeeze %dma_start3A_89 : memref<1x64x16xi32, #tpu.memory_space<hbm>> -> memref<64x16xi32, #tpu.memory_space<hbm>>
      %dma_start3A_91 = arith.constant 0 : i32
      %dma_start3A_92 = arith.constant 0 : i32
      %dma_start3A_93 = tpu.memref_slice %arg2[%add3A, %dma_start3A_91, %dma_start3A_92] : memref<32x64x16xi32, #tpu.memory_space<hbm>> -> memref<1x64x16xi32, #tpu.memory_space<hbm>>
      %dma_start3A_94 = tpu.memref_squeeze %dma_start3A_93 : memref<1x64x16xi32, #tpu.memory_space<hbm>> -> memref<64x16xi32, #tpu.memory_space<hbm>>
      tpu.enqueue_dma source(%dma_start3A_94 : memref<64x16xi32, #tpu.memory_space<hbm>>) target(%arg8 : memref<64x16xi32, #tpu.memory_space<vmem>>) target_semaphore(%run_scoped3A : memref<!tpu.dma_semaphore, #tpu.memory_space<semaphore_mem>>)
      %dma_wait3A_95 = arith.constant 0 : i32
      %dma_wait3A_96 = arith.constant 0 : i32
      %dma_wait3A_97 = tpu.memref_slice %arg2[%add3A, %dma_wait3A_95, %dma_wait3A_96] : memref<32x64x16xi32, #tpu.memory_space<hbm>> -> memref<1x64x16xi32, #tpu.memory_space<hbm>>
      %dma_wait3A_98 = tpu.memref_squeeze %dma_wait3A_97 : memref<1x64x16xi32, #tpu.memory_space<hbm>> -> memref<64x16xi32, #tpu.memory_space<hbm>>
      %dma_wait3A_99 = arith.constant 0 : i32
      %dma_wait3A_100 = arith.constant 0 : i32
      %dma_wait3A_101 = tpu.memref_slice %arg2[%add3A, %dma_wait3A_99, %dma_wait3A_100] : memref<32x64x16xi32, #tpu.memory_space<hbm>> -> memref<1x64x16xi32, #tpu.memory_space<hbm>>
      %dma_wait3A_102 = tpu.memref_squeeze %dma_wait3A_101 : memref<1x64x16xi32, #tpu.memory_space<hbm>> -> memref<64x16xi32, #tpu.memory_space<hbm>>
      tpu.wait_dma2 semaphore(%run_scoped3A : memref<!tpu.dma_semaphore, #tpu.memory_space<semaphore_mem>>) src(%dma_wait3A_102 : memref<64x16xi32, #tpu.memory_space<hbm>>) dst(%arg8 : memref<64x16xi32, #tpu.memory_space<vmem>>)
      tpu.yield
    }) : () -> ()
    "tpu.region"() ({
      %run_scoped3A = tpu.sem_alloc : memref<!tpu.dma_semaphore, #tpu.memory_space<semaphore_mem>>
      %dma_start3A_87 = arith.constant 0 : i32
      %dma_start3A_88 = tpu.memref_slice %arg4[%mul3A_2, %dma_start3A_87] : memref<512x512xf32, #tpu.memory_space<hbm>> -> memref<16x512xf32, #tpu.memory_space<hbm>>
      %dma_start3A_89 = arith.constant 0 : i32
      %dma_start3A_90 = tpu.memref_slice %arg4[%mul3A_2, %dma_start3A_89] : memref<512x512xf32, #tpu.memory_space<hbm>> -> memref<16x512xf32, #tpu.memory_space<hbm>>
      tpu.enqueue_dma source(%dma_start3A_90 : memref<16x512xf32, #tpu.memory_space<hbm>>) target(%arg9 : memref<16x512xf32, #tpu.memory_space<vmem>>) target_semaphore(%run_scoped3A : memref<!tpu.dma_semaphore, #tpu.memory_space<semaphore_mem>>)
      %dma_wait3A_91 = arith.constant 0 : i32
      %dma_wait3A_92 = tpu.memref_slice %arg4[%mul3A_2, %dma_wait3A_91] : memref<512x512xf32, #tpu.memory_space<hbm>> -> memref<16x512xf32, #tpu.memory_space<hbm>>
      %dma_wait3A_93 = arith.constant 0 : i32
      %dma_wait3A_94 = tpu.memref_slice %arg4[%mul3A_2, %dma_wait3A_93] : memref<512x512xf32, #tpu.memory_space<hbm>> -> memref<16x512xf32, #tpu.memory_space<hbm>>
      tpu.wait_dma2 semaphore(%run_scoped3A : memref<!tpu.dma_semaphore, #tpu.memory_space<semaphore_mem>>) src(%dma_wait3A_94 : memref<16x512xf32, #tpu.memory_space<hbm>>) dst(%arg9 : memref<16x512xf32, #tpu.memory_space<vmem>>)
      tpu.yield
    }) : () -> ()
    "tpu.region"() ({
      %run_scoped3A = tpu.sem_alloc : memref<!tpu.dma_semaphore, #tpu.memory_space<semaphore_mem>>
      tpu.enqueue_dma source(%arg5 : memref<512xf32, #tpu.memory_space<hbm>>) target(%arg10 : memref<512xf32, #tpu.memory_space<vmem>>) target_semaphore(%run_scoped3A : memref<!tpu.dma_semaphore, #tpu.memory_space<semaphore_mem>>)
      tpu.wait_dma2 semaphore(%run_scoped3A : memref<!tpu.dma_semaphore, #tpu.memory_space<semaphore_mem>>) src(%arg5 : memref<512xf32, #tpu.memory_space<hbm>>) dst(%arg10 : memref<512xf32, #tpu.memory_space<vmem>>)
      tpu.yield
    }) : () -> ()
    "tpu.region"() ({
      %run_scoped3A = tpu.sem_alloc : memref<!tpu.dma_semaphore, #tpu.memory_space<semaphore_mem>>
      tpu.enqueue_dma source(%arg6 : memref<512xf32, #tpu.memory_space<hbm>>) target(%arg11 : memref<512xf32, #tpu.memory_space<vmem>>) target_semaphore(%run_scoped3A : memref<!tpu.dma_semaphore, #tpu.memory_space<semaphore_mem>>)
      tpu.wait_dma2 semaphore(%run_scoped3A : memref<!tpu.dma_semaphore, #tpu.memory_space<semaphore_mem>>) src(%arg6 : memref<512xf32, #tpu.memory_space<hbm>>) dst(%arg11 : memref<512xf32, #tpu.memory_space<vmem>>)
      tpu.yield
    }) : () -> ()
    %dma_start3A = arith.constant 0 : i32
    %dma_start3A_3 = arith.constant 0 : i32
    %dma_start3A_4 = arith.constant 0 : i32
    %dma_start3A_5 = arith.constant 0 : i32
    %dma_start3A_6 = arith.constant 0 : i32
    %dma_start3A_7 = tpu.memref_slice %arg14[%dma_start3A_3, %dma_start3A_5, %dma_start3A_6] : memref<2x16x512xf32, #tpu.memory_space<vmem>> -> memref<1x16x512xf32, #tpu.memory_space<vmem>>
    %dma_start3A_8 = tpu.memref_squeeze %dma_start3A_7 : memref<1x16x512xf32, #tpu.memory_space<vmem>> -> memref<16x512xf32, #tpu.memory_space<vmem>>
    %dma_start3A_9 = arith.constant 0 : i32
    %dma_start3A_10 = tpu.memref_slice %arg8[%dma_start3A, %dma_start3A_9] : memref<64x16xi32, #tpu.memory_space<vmem>> -> memref<1x16xi32, #tpu.memory_space<vmem>>
    %dma_start3A_11 = tpu.memref_squeeze %dma_start3A_10 : memref<1x16xi32, #tpu.memory_space<vmem>> -> memref<16xi32, #tpu.memory_space<vmem>>
    %dma_start3A_12 = arith.constant 0 : i32
    %dma_start3A_13 = arith.constant 0 : i32
    %dma_start3A_14 = tpu.memref_slice %arg3[%dma_start3A_12, %dma_start3A_13] : memref<30522x512xf32, #tpu.memory_space<hbm>> -> memref<30522x512xf32, #tpu.memory_space<hbm>>
    %dma_start3A_15 = tpu.memref_slice %arg16[%dma_start3A_4] : memref<2x!tpu.dma_semaphore, #tpu.memory_space<semaphore_mem>> -> memref<1x!tpu.dma_semaphore, #tpu.memory_space<semaphore_mem>>
    %dma_start3A_16 = tpu.memref_squeeze %dma_start3A_15 : memref<1x!tpu.dma_semaphore, #tpu.memory_space<semaphore_mem>> -> memref<!tpu.dma_semaphore, #tpu.memory_space<semaphore_mem>>
    tpu.enqueue_indirect_dma source(%dma_start3A_14 : memref<30522x512xf32, #tpu.memory_space<hbm>>) target(%dma_start3A_8 : memref<16x512xf32, #tpu.memory_space<vmem>>) offsets(%dma_start3A_11 : memref<16xi32, #tpu.memory_space<vmem>>) semaphore(%dma_start3A_16 : memref<!tpu.dma_semaphore, #tpu.memory_space<semaphore_mem>>)
    %dma_start3A_17 = arith.constant 1 : i32
    %dma_start3A_18 = arith.constant 1 : i32
    %dma_start3A_19 = arith.constant 1 : i32
    %dma_start3A_20 = arith.constant 0 : i32
    %dma_start3A_21 = arith.constant 0 : i32
    %dma_start3A_22 = tpu.memref_slice %arg14[%dma_start3A_18, %dma_start3A_20, %dma_start3A_21] : memref<2x16x512xf32, #tpu.memory_space<vmem>> -> memref<1x16x512xf32, #tpu.memory_space<vmem>>
    %dma_start3A_23 = tpu.memref_squeeze %dma_start3A_22 : memref<1x16x512xf32, #tpu.memory_space<vmem>> -> memref<16x512xf32, #tpu.memory_space<vmem>>
    %dma_start3A_24 = arith.constant 0 : i32
    %dma_start3A_25 = tpu.memref_slice %arg8[%dma_start3A_17, %dma_start3A_24] : memref<64x16xi32, #tpu.memory_space<vmem>> -> memref<1x16xi32, #tpu.memory_space<vmem>>
    %dma_start3A_26 = tpu.memref_squeeze %dma_start3A_25 : memref<1x16xi32, #tpu.memory_space<vmem>> -> memref<16xi32, #tpu.memory_space<vmem>>
    %dma_start3A_27 = arith.constant 0 : i32
    %dma_start3A_28 = arith.constant 0 : i32
    %dma_start3A_29 = tpu.memref_slice %arg3[%dma_start3A_27, %dma_start3A_28] : memref<30522x512xf32, #tpu.memory_space<hbm>> -> memref<30522x512xf32, #tpu.memory_space<hbm>>
    %dma_start3A_30 = tpu.memref_slice %arg16[%dma_start3A_19] : memref<2x!tpu.dma_semaphore, #tpu.memory_space<semaphore_mem>> -> memref<1x!tpu.dma_semaphore, #tpu.memory_space<semaphore_mem>>
    %dma_start3A_31 = tpu.memref_squeeze %dma_start3A_30 : memref<1x!tpu.dma_semaphore, #tpu.memory_space<semaphore_mem>> -> memref<!tpu.dma_semaphore, #tpu.memory_space<semaphore_mem>>
    tpu.enqueue_indirect_dma source(%dma_start3A_29 : memref<30522x512xf32, #tpu.memory_space<hbm>>) target(%dma_start3A_23 : memref<16x512xf32, #tpu.memory_space<vmem>>) offsets(%dma_start3A_26 : memref<16xi32, #tpu.memory_space<vmem>>) semaphore(%dma_start3A_31 : memref<!tpu.dma_semaphore, #tpu.memory_space<semaphore_mem>>)
    %iota3A = tpu.iota {dimensions = array<i32: 0>} : vector<16xi32>
    %xor3A = arith.constant 8 : i32
    %xor3A_32 = vector.broadcast %xor3A : i32 to vector<16xi32>
    %xor3A_33 = arith.xori %iota3A, %xor3A_32 : vector<16xi32>
    %xor3A_34 = arith.constant 4 : i32
    %xor3A_35 = vector.broadcast %xor3A_34 : i32 to vector<16xi32>
    %xor3A_36 = arith.xori %iota3A, %xor3A_35 : vector<16xi32>
    %xor3A_37 = arith.constant 2 : i32
    %xor3A_38 = vector.broadcast %xor3A_37 : i32 to vector<16xi32>
    %xor3A_39 = arith.xori %iota3A, %xor3A_38 : vector<16xi32>
    %xor3A_40 = arith.constant 1 : i32
    %xor3A_41 = vector.broadcast %xor3A_40 : i32 to vector<16xi32>
    %xor3A_42 = arith.xori %iota3A, %xor3A_41 : vector<16xi32>
    %scan3A = arith.constant 0 : i32
    %scan3A_43 = arith.constant 0.001953125 : f32
    %scan3A_44 = arith.constant 0 : i32
    %scan3A_45 = arith.constant 64 : i32
    %scan3A_46 = arith.addi %scan3A_44, %scan3A_45 : i32
    %scan3A_47 = arith.constant 1 : i32
    scf.for %scan3A_87 = %scan3A_44 to %scan3A_46 step %scan3A_47  : i32 {
      %and3A_88 = arith.constant 1 : i32
      %and3A_89 = arith.andi %scan3A_87, %and3A_88 : i32
      %dma_wait3A_90 = arith.constant 0 : i32
      %dma_wait3A_91 = arith.constant 0 : i32
      %dma_wait3A_92 = arith.constant 0 : i32
      %dma_wait3A_93 = tpu.memref_slice %arg14[%and3A_89, %dma_wait3A_91, %dma_wait3A_92] : memref<2x16x512xf32, #tpu.memory_space<vmem>> -> memref<1x16x512xf32, #tpu.memory_space<vmem>>
      %dma_wait3A_94 = tpu.memref_squeeze %dma_wait3A_93 : memref<1x16x512xf32, #tpu.memory_space<vmem>> -> memref<16x512xf32, #tpu.memory_space<vmem>>
      %dma_wait3A_95 = arith.constant 0 : i32
      %dma_wait3A_96 = tpu.memref_slice %arg8[%dma_wait3A_90, %dma_wait3A_95] : memref<64x16xi32, #tpu.memory_space<vmem>> -> memref<1x16xi32, #tpu.memory_space<vmem>>
      %dma_wait3A_97 = tpu.memref_squeeze %dma_wait3A_96 : memref<1x16xi32, #tpu.memory_space<vmem>> -> memref<16xi32, #tpu.memory_space<vmem>>
      %dma_wait3A_98 = arith.constant 0 : i32
      %dma_wait3A_99 = arith.constant 0 : i32
      %dma_wait3A_100 = tpu.memref_slice %arg3[%dma_wait3A_98, %dma_wait3A_99] : memref<30522x512xf32, #tpu.memory_space<hbm>> -> memref<30522x512xf32, #tpu.memory_space<hbm>>
      %dma_wait3A_101 = tpu.memref_slice %arg16[%and3A_89] : memref<2x!tpu.dma_semaphore, #tpu.memory_space<semaphore_mem>> -> memref<1x!tpu.dma_semaphore, #tpu.memory_space<semaphore_mem>>
      %dma_wait3A_102 = tpu.memref_squeeze %dma_wait3A_101 : memref<1x!tpu.dma_semaphore, #tpu.memory_space<semaphore_mem>> -> memref<!tpu.dma_semaphore, #tpu.memory_space<semaphore_mem>>
      tpu.wait_indirect_dma semaphore(%dma_wait3A_102 : memref<!tpu.dma_semaphore, #tpu.memory_space<semaphore_mem>>) src(%dma_wait3A_100 : memref<30522x512xf32, #tpu.memory_space<hbm>>) dst(%dma_wait3A_94 : memref<16x512xf32, #tpu.memory_space<vmem>>)
      %ge3A = arith.constant 2 : i32
      %ge3A_103 = arith.cmpi sge, %scan3A_87, %ge3A : i32
      %convert_element_type3A = arith.extui %ge3A_103 : i1 to i32
      %cond3A = arith.constant 0 : i32
      %cond3A_104 = arith.cmpi ne, %convert_element_type3A, %cond3A : i32
      scf.if %cond3A_104 {
        %dma_wait3A_324 = arith.constant 0 : i32
        %dma_wait3A_325 = arith.constant 0 : i32
        %dma_wait3A_326 = tpu.memref_slice %arg15[%and3A_89, %dma_wait3A_324, %dma_wait3A_325] : memref<2x16x512xf32, #tpu.memory_space<vmem>> -> memref<1x16x512xf32, #tpu.memory_space<vmem>>
        %dma_wait3A_327 = tpu.memref_squeeze %dma_wait3A_326 : memref<1x16x512xf32, #tpu.memory_space<vmem>> -> memref<16x512xf32, #tpu.memory_space<vmem>>
        %dma_wait3A_328 = arith.constant 0 : i32
        %dma_wait3A_329 = tpu.memref_slice %arg7[%scan3A_87, %mul3A_2, %dma_wait3A_328] : memref<64x512x512xf32, #tpu.memory_space<hbm>> -> memref<1x16x512xf32, #tpu.memory_space<hbm>>
        %dma_wait3A_330 = tpu.memref_squeeze %dma_wait3A_329 : memref<1x16x512xf32, #tpu.memory_space<hbm>> -> memref<16x512xf32, #tpu.memory_space<hbm>>
        %dma_wait3A_331 = tpu.memref_slice %arg17[%and3A_89] : memref<2x!tpu.dma_semaphore, #tpu.memory_space<semaphore_mem>> -> memref<1x!tpu.dma_semaphore, #tpu.memory_space<semaphore_mem>>
        %dma_wait3A_332 = tpu.memref_squeeze %dma_wait3A_331 : memref<1x!tpu.dma_semaphore, #tpu.memory_space<semaphore_mem>> -> memref<!tpu.dma_semaphore, #tpu.memory_space<semaphore_mem>>
        %dma_wait3A_333 = arith.constant 0 : i32
        %dma_wait3A_334 = tpu.memref_slice %arg7[%scan3A_87, %mul3A_2, %dma_wait3A_333] : memref<64x512x512xf32, #tpu.memory_space<hbm>> -> memref<1x16x512xf32, #tpu.memory_space<hbm>>
        %dma_wait3A_335 = tpu.memref_squeeze %dma_wait3A_334 : memref<1x16x512xf32, #tpu.memory_space<hbm>> -> memref<16x512xf32, #tpu.memory_space<hbm>>
        %dma_wait3A_336 = arith.constant 0 : i32
        %dma_wait3A_337 = arith.constant 0 : i32
        %dma_wait3A_338 = tpu.memref_slice %arg15[%and3A_89, %dma_wait3A_336, %dma_wait3A_337] : memref<2x16x512xf32, #tpu.memory_space<vmem>> -> memref<1x16x512xf32, #tpu.memory_space<vmem>>
        %dma_wait3A_339 = tpu.memref_squeeze %dma_wait3A_338 : memref<1x16x512xf32, #tpu.memory_space<vmem>> -> memref<16x512xf32, #tpu.memory_space<vmem>>
        tpu.wait_dma2 semaphore(%dma_wait3A_332 : memref<!tpu.dma_semaphore, #tpu.memory_space<semaphore_mem>>) src(%dma_wait3A_339 : memref<16x512xf32, #tpu.memory_space<vmem>>) dst(%dma_wait3A_335 : memref<16x512xf32, #tpu.memory_space<hbm>>)
      } else {
      }
      %parallel_loop3A = arith.constant 0 : i32
      %parallel_loop3A_105 = arith.constant 16 : i32
      %parallel_loop3A_106 = arith.constant 1 : i32
      scf.for %parallel_loop3A_324 = %parallel_loop3A to %parallel_loop3A_105 step %parallel_loop3A_106  : i32 {
        %parallel_loop3A_325 = arith.constant 0.000000e+00 : f32
        %parallel_loop3A_326 = vector.broadcast %parallel_loop3A_325 : f32 to vector<16xf32>
        %parallel_loop3A_327 = arith.constant 0.000000e+00 : f32
        %parallel_loop3A_328 = vector.broadcast %parallel_loop3A_327 : f32 to vector<16xf32>
        %parallel_loop3A_329 = arith.constant 0.000000e+00 : f32
        %parallel_loop3A_330 = vector.broadcast %parallel_loop3A_329 : f32 to vector<16xf32>
        %parallel_loop3A_331 = arith.constant 0.000000e+00 : f32
        %parallel_loop3A_332 = vector.broadcast %parallel_loop3A_331 : f32 to vector<16xf32>
        %parallel_loop3A_333 = arith.index_cast %and3A_89 : i32 to index
        %parallel_loop3A_334 = arith.index_cast %parallel_loop3A_324 : i32 to index
        %parallel_loop3A_335 = arith.constant 0 : index
        %parallel_loop3A_336 = tpu.vector_load %arg14[%parallel_loop3A_333, %parallel_loop3A_334, %parallel_loop3A_335] {strides = array<i32>} : memref<2x16x512xf32, #tpu.memory_space<vmem>>, vector<1x1x16xf32>,
        %parallel_loop3A_337 = vector.shape_cast %parallel_loop3A_336 : vector<1x1x16xf32> to vector<16xf32>
        %parallel_loop3A_338 = arith.index_cast %parallel_loop3A_324 : i32 to index
        %parallel_loop3A_339 = arith.constant 0 : index
        %parallel_loop3A_340 = tpu.vector_load %arg9[%parallel_loop3A_338, %parallel_loop3A_339] {strides = array<i32>} : memref<16x512xf32, #tpu.memory_space<vmem>>, vector<1x16xf32>,
        %parallel_loop3A_341 = vector.shape_cast %parallel_loop3A_340 : vector<1x16xf32> to vector<16xf32>
        %parallel_loop3A_342 = arith.addf %parallel_loop3A_337, %parallel_loop3A_341 : vector<16xf32>
        %parallel_loop3A_343 = arith.index_cast %and3A_89 : i32 to index
        %parallel_loop3A_344 = arith.index_cast %parallel_loop3A_324 : i32 to index
        %parallel_loop3A_345 = arith.constant 0 : index
        %parallel_loop3A_346 = tpu.vector_load %arg15[%parallel_loop3A_343, %parallel_loop3A_344, %parallel_loop3A_345] {strides = array<i32>} : memref<2x16x512xf32, #tpu.memory_space<vmem>>, vector<1x1x16xf32>,
        %parallel_loop3A_347 = vector.shape_cast %parallel_loop3A_346 : vector<1x1x16xf32> to vector<16xf32>
        %parallel_loop3A_348 = vector.shape_cast %parallel_loop3A_342 : vector<16xf32> to vector<1x1x16xf32>
        tpu.vector_store %arg15[%parallel_loop3A_343, %parallel_loop3A_344, %parallel_loop3A_345], %parallel_loop3A_348 {strides = array<i32>} : memref<2x16x512xf32, #tpu.memory_space<vmem>>, vector<1x1x16xf32>,
        %parallel_loop3A_349 = arith.addf %parallel_loop3A_326, %parallel_loop3A_342 : vector<16xf32>
        %parallel_loop3A_350 = arith.mulf %parallel_loop3A_342, %parallel_loop3A_342 : vector<16xf32>
        %parallel_loop3A_351 = arith.addf %parallel_loop3A_328, %parallel_loop3A_350 : vector<16xf32>
        %parallel_loop3A_352 = arith.index_cast %and3A_89 : i32 to index
        %parallel_loop3A_353 = arith.index_cast %parallel_loop3A_324 : i32 to index
        %parallel_loop3A_354 = arith.constant 16 : index
        %parallel_loop3A_355 = tpu.vector_load %arg14[%parallel_loop3A_352, %parallel_loop3A_353, %parallel_loop3A_354] {strides = array<i32>} : memref<2x16x512xf32, #tpu.memory_space<vmem>>, vector<1x1x16xf32>,
        %parallel_loop3A_356 = vector.shape_cast %parallel_loop3A_355 : vector<1x1x16xf32> to vector<16xf32>
        %parallel_loop3A_357 = arith.index_cast %parallel_loop3A_324 : i32 to index
        %parallel_loop3A_358 = arith.constant 16 : index
        %parallel_loop3A_359 = tpu.vector_load %arg9[%parallel_loop3A_357, %parallel_loop3A_358] {strides = array<i32>} : memref<16x512xf32, #tpu.memory_space<vmem>>, vector<1x16xf32>,
        %parallel_loop3A_360 = vector.shape_cast %parallel_loop3A_359 : vector<1x16xf32> to vector<16xf32>
        %parallel_loop3A_361 = arith.addf %parallel_loop3A_356, %parallel_loop3A_360 : vector<16xf32>
        %parallel_loop3A_362 = arith.index_cast %and3A_89 : i32 to index
        %parallel_loop3A_363 = arith.index_cast %parallel_loop3A_324 : i32 to index
        %parallel_loop3A_364 = arith.constant 16 : index
        %parallel_loop3A_365 = tpu.vector_load %arg15[%parallel_loop3A_362, %parallel_loop3A_363, %parallel_loop3A_364] {strides = array<i32>} : memref<2x16x512xf32, #tpu.memory_space<vmem>>, vector<1x1x16xf32>,
        %parallel_loop3A_366 = vector.shape_cast %parallel_loop3A_365 : vector<1x1x16xf32> to vector<16xf32>
        %parallel_loop3A_367 = vector.shape_cast %parallel_loop3A_361 : vector<16xf32> to vector<1x1x16xf32>
        tpu.vector_store %arg15[%parallel_loop3A_362, %parallel_loop3A_363, %parallel_loop3A_364], %parallel_loop3A_367 {strides = array<i32>} : memref<2x16x512xf32, #tpu.memory_space<vmem>>, vector<1x1x16xf32>,
        %parallel_loop3A_368 = arith.addf %parallel_loop3A_330, %parallel_loop3A_361 : vector<16xf32>
        %parallel_loop3A_369 = arith.mulf %parallel_loop3A_361, %parallel_loop3A_361 : vector<16xf32>
        %parallel_loop3A_370 = arith.addf %parallel_loop3A_332, %parallel_loop3A_369 : vector<16xf32>
        %parallel_loop3A_371 = arith.index_cast %and3A_89 : i32 to index
        %parallel_loop3A_372 = arith.index_cast %parallel_loop3A_324 : i32 to index
        %parallel_loop3A_373 = arith.constant 32 : index
        %parallel_loop3A_374 = tpu.vector_load %arg14[%parallel_loop3A_371, %parallel_loop3A_372, %parallel_loop3A_373] {strides = array<i32>} : memref<2x16x512xf32, #tpu.memory_space<vmem>>, vector<1x1x16xf32>,
        %parallel_loop3A_375 = vector.shape_cast %parallel_loop3A_374 : vector<1x1x16xf32> to vector<16xf32>
        %parallel_loop3A_376 = arith.index_cast %parallel_loop3A_324 : i32 to index
        %parallel_loop3A_377 = arith.constant 32 : index
        %parallel_loop3A_378 = tpu.vector_load %arg9[%parallel_loop3A_376, %parallel_loop3A_377] {strides = array<i32>} : memref<16x512xf32, #tpu.memory_space<vmem>>, vector<1x16xf32>,
        %parallel_loop3A_379 = vector.shape_cast %parallel_loop3A_378 : vector<1x16xf32> to vector<16xf32>
        %parallel_loop3A_380 = arith.addf %parallel_loop3A_375, %parallel_loop3A_379 : vector<16xf32>
        %parallel_loop3A_381 = arith.index_cast %and3A_89 : i32 to index
        %parallel_loop3A_382 = arith.index_cast %parallel_loop3A_324 : i32 to index
        %parallel_loop3A_383 = arith.constant 32 : index
        %parallel_loop3A_384 = tpu.vector_load %arg15[%parallel_loop3A_381, %parallel_loop3A_382, %parallel_loop3A_383] {strides = array<i32>} : memref<2x16x512xf32, #tpu.memory_space<vmem>>, vector<1x1x16xf32>,
        %parallel_loop3A_385 = vector.shape_cast %parallel_loop3A_384 : vector<1x1x16xf32> to vector<16xf32>
        %parallel_loop3A_386 = vector.shape_cast %parallel_loop3A_380 : vector<16xf32> to vector<1x1x16xf32>
        tpu.vector_store %arg15[%parallel_loop3A_381, %parallel_loop3A_382, %parallel_loop3A_383], %parallel_loop3A_386 {strides = array<i32>} : memref<2x16x512xf32, #tpu.memory_space<vmem>>, vector<1x1x16xf32>,
        %parallel_loop3A_387 = arith.addf %parallel_loop3A_349, %parallel_loop3A_380 : vector<16xf32>
        %parallel_loop3A_388 = arith.mulf %parallel_loop3A_380, %parallel_loop3A_380 : vector<16xf32>
        %parallel_loop3A_389 = arith.addf %parallel_loop3A_351, %parallel_loop3A_388 : vector<16xf32>
        %parallel_loop3A_390 = arith.index_cast %and3A_89 : i32 to index
        %parallel_loop3A_391 = arith.index_cast %parallel_loop3A_324 : i32 to index
        %parallel_loop3A_392 = arith.constant 48 : index
        %parallel_loop3A_393 = tpu.vector_load %arg14[%parallel_loop3A_390, %parallel_loop3A_391, %parallel_loop3A_392] {strides = array<i32>} : memref<2x16x512xf32, #tpu.memory_space<vmem>>, vector<1x1x16xf32>,
        %parallel_loop3A_394 = vector.shape_cast %parallel_loop3A_393 : vector<1x1x16xf32> to vector<16xf32>
        %parallel_loop3A_395 = arith.index_cast %parallel_loop3A_324 : i32 to index
        %parallel_loop3A_396 = arith.constant 48 : index
        %parallel_loop3A_397 = tpu.vector_load %arg9[%parallel_loop3A_395, %parallel_loop3A_396] {strides = array<i32>} : memref<16x512xf32, #tpu.memory_space<vmem>>, vector<1x16xf32>,
        %parallel_loop3A_398 = vector.shape_cast %parallel_loop3A_397 : vector<1x16xf32> to vector<16xf32>
        %parallel_loop3A_399 = arith.addf %parallel_loop3A_394, %parallel_loop3A_398 : vector<16xf32>
        %parallel_loop3A_400 = arith.index_cast %and3A_89 : i32 to index
        %parallel_loop3A_401 = arith.index_cast %parallel_loop3A_324 : i32 to index
        %parallel_loop3A_402 = arith.constant 48 : index
        %parallel_loop3A_403 = tpu.vector_load %arg15[%parallel_loop3A_400, %parallel_loop3A_401, %parallel_loop3A_402] {strides = array<i32>} : memref<2x16x512xf32, #tpu.memory_space<vmem>>, vector<1x1x16xf32>,
        %parallel_loop3A_404 = vector.shape_cast %parallel_loop3A_403 : vector<1x1x16xf32> to vector<16xf32>
        %parallel_loop3A_405 = vector.shape_cast %parallel_loop3A_399 : vector<16xf32> to vector<1x1x16xf32>
        tpu.vector_store %arg15[%parallel_loop3A_400, %parallel_loop3A_401, %parallel_loop3A_402], %parallel_loop3A_405 {strides = array<i32>} : memref<2x16x512xf32, #tpu.memory_space<vmem>>, vector<1x1x16xf32>,
        %parallel_loop3A_406 = arith.addf %parallel_loop3A_368, %parallel_loop3A_399 : vector<16xf32>
        %parallel_loop3A_407 = arith.mulf %parallel_loop3A_399, %parallel_loop3A_399 : vector<16xf32>
        %parallel_loop3A_408 = arith.addf %parallel_loop3A_370, %parallel_loop3A_407 : vector<16xf32>
        %parallel_loop3A_409 = arith.index_cast %and3A_89 : i32 to index
        %parallel_loop3A_410 = arith.index_cast %parallel_loop3A_324 : i32 to index
        %parallel_loop3A_411 = arith.constant 64 : index
        %parallel_loop3A_412 = tpu.vector_load %arg14[%parallel_loop3A_409, %parallel_loop3A_410, %parallel_loop3A_411] {strides = array<i32>} : memref<2x16x512xf32, #tpu.memory_space<vmem>>, vector<1x1x16xf32>,
        %parallel_loop3A_413 = vector.shape_cast %parallel_loop3A_412 : vector<1x1x16xf32> to vector<16xf32>
        %parallel_loop3A_414 = arith.index_cast %parallel_loop3A_324 : i32 to index
        %parallel_loop3A_415 = arith.constant 64 : index
        %parallel_loop3A_416 = tpu.vector_load %arg9[%parallel_loop3A_414, %parallel_loop3A_415] {strides = array<i32>} : memref<16x512xf32, #tpu.memory_space<vmem>>, vector<1x16xf32>,
        %parallel_loop3A_417 = vector.shape_cast %parallel_loop3A_416 : vector<1x16xf32> to vector<16xf32>
        %parallel_loop3A_418 = arith.addf %parallel_loop3A_413, %parallel_loop3A_417 : vector<16xf32>
        %parallel_loop3A_419 = arith.index_cast %and3A_89 : i32 to index
        %parallel_loop3A_420 = arith.index_cast %parallel_loop3A_324 : i32 to index
        %parallel_loop3A_421 = arith.constant 64 : index
        %parallel_loop3A_422 = tpu.vector_load %arg15[%parallel_loop3A_419, %parallel_loop3A_420, %parallel_loop3A_421] {strides = array<i32>} : memref<2x16x512xf32, #tpu.memory_space<vmem>>, vector<1x1x16xf32>,
        %parallel_loop3A_423 = vector.shape_cast %parallel_loop3A_422 : vector<1x1x16xf32> to vector<16xf32>
        %parallel_loop3A_424 = vector.shape_cast %parallel_loop3A_418 : vector<16xf32> to vector<1x1x16xf32>
        tpu.vector_store %arg15[%parallel_loop3A_419, %parallel_loop3A_420, %parallel_loop3A_421], %parallel_loop3A_424 {strides = array<i32>} : memref<2x16x512xf32, #tpu.memory_space<vmem>>, vector<1x1x16xf32>,
        %parallel_loop3A_425 = arith.addf %parallel_loop3A_387, %parallel_loop3A_418 : vector<16xf32>
        %parallel_loop3A_426 = arith.mulf %parallel_loop3A_418, %parallel_loop3A_418 : vector<16xf32>
        %parallel_loop3A_427 = arith.addf %parallel_loop3A_389, %parallel_loop3A_426 : vector<16xf32>
        %parallel_loop3A_428 = arith.index_cast %and3A_89 : i32 to index
        %parallel_loop3A_429 = arith.index_cast %parallel_loop3A_324 : i32 to index
        %parallel_loop3A_430 = arith.constant 80 : index
        %parallel_loop3A_431 = tpu.vector_load %arg14[%parallel_loop3A_428, %parallel_loop3A_429, %parallel_loop3A_430] {strides = array<i32>} : memref<2x16x512xf32, #tpu.memory_space<vmem>>, vector<1x1x16xf32>,
        %parallel_loop3A_432 = vector.shape_cast %parallel_loop3A_431 : vector<1x1x16xf32> to vector<16xf32>
        %parallel_loop3A_433 = arith.index_cast %parallel_loop3A_324 : i32 to index
        %parallel_loop3A_434 = arith.constant 80 : index
        %parallel_loop3A_435 = tpu.vector_load %arg9[%parallel_loop3A_433, %parallel_loop3A_434] {strides = array<i32>} : memref<16x512xf32, #tpu.memory_space<vmem>>, vector<1x16xf32>,
        %parallel_loop3A_436 = vector.shape_cast %parallel_loop3A_435 : vector<1x16xf32> to vector<16xf32>
        %parallel_loop3A_437 = arith.addf %parallel_loop3A_432, %parallel_loop3A_436 : vector<16xf32>
        %parallel_loop3A_438 = arith.index_cast %and3A_89 : i32 to index
        %parallel_loop3A_439 = arith.index_cast %parallel_loop3A_324 : i32 to index
        %parallel_loop3A_440 = arith.constant 80 : index
        %parallel_loop3A_441 = tpu.vector_load %arg15[%parallel_loop3A_438, %parallel_loop3A_439, %parallel_loop3A_440] {strides = array<i32>} : memref<2x16x512xf32, #tpu.memory_space<vmem>>, vector<1x1x16xf32>,
        %parallel_loop3A_442 = vector.shape_cast %parallel_loop3A_441 : vector<1x1x16xf32> to vector<16xf32>
        %parallel_loop3A_443 = vector.shape_cast %parallel_loop3A_437 : vector<16xf32> to vector<1x1x16xf32>
        tpu.vector_store %arg15[%parallel_loop3A_438, %parallel_loop3A_439, %parallel_loop3A_440], %parallel_loop3A_443 {strides = array<i32>} : memref<2x16x512xf32, #tpu.memory_space<vmem>>, vector<1x1x16xf32>,
        %parallel_loop3A_444 = arith.addf %parallel_loop3A_406, %parallel_loop3A_437 : vector<16xf32>
        %parallel_loop3A_445 = arith.mulf %parallel_loop3A_437, %parallel_loop3A_437 : vector<16xf32>
        %parallel_loop3A_446 = arith.addf %parallel_loop3A_408, %parallel_loop3A_445 : vector<16xf32>
        %parallel_loop3A_447 = arith.index_cast %and3A_89 : i32 to index
        %parallel_loop3A_448 = arith.index_cast %parallel_loop3A_324 : i32 to index
        %parallel_loop3A_449 = arith.constant 96 : index
        %parallel_loop3A_450 = tpu.vector_load %arg14[%parallel_loop3A_447, %parallel_loop3A_448, %parallel_loop3A_449] {strides = array<i32>} : memref<2x16x512xf32, #tpu.memory_space<vmem>>, vector<1x1x16xf32>,
        %parallel_loop3A_451 = vector.shape_cast %parallel_loop3A_450 : vector<1x1x16xf32> to vector<16xf32>
        %parallel_loop3A_452 = arith.index_cast %parallel_loop3A_324 : i32 to index
        %parallel_loop3A_453 = arith.constant 96 : index
        %parallel_loop3A_454 = tpu.vector_load %arg9[%parallel_loop3A_452, %parallel_loop3A_453] {strides = array<i32>} : memref<16x512xf32, #tpu.memory_space<vmem>>, vector<1x16xf32>,
        %parallel_loop3A_455 = vector.shape_cast %parallel_loop3A_454 : vector<1x16xf32> to vector<16xf32>
        %parallel_loop3A_456 = arith.addf %parallel_loop3A_451, %parallel_loop3A_455 : vector<16xf32>
        %parallel_loop3A_457 = arith.index_cast %and3A_89 : i32 to index
        %parallel_loop3A_458 = arith.index_cast %parallel_loop3A_324 : i32 to index
        %parallel_loop3A_459 = arith.constant 96 : index
        %parallel_loop3A_460 = tpu.vector_load %arg15[%parallel_loop3A_457, %parallel_loop3A_458, %parallel_loop3A_459] {strides = array<i32>} : memref<2x16x512xf32, #tpu.memory_space<vmem>>, vector<1x1x16xf32>,
        %parallel_loop3A_461 = vector.shape_cast %parallel_loop3A_460 : vector<1x1x16xf32> to vector<16xf32>
        %parallel_loop3A_462 = vector.shape_cast %parallel_loop3A_456 : vector<16xf32> to vector<1x1x16xf32>
        tpu.vector_store %arg15[%parallel_loop3A_457, %parallel_loop3A_458, %parallel_loop3A_459], %parallel_loop3A_462 {strides = array<i32>} : memref<2x16x512xf32, #tpu.memory_space<vmem>>, vector<1x1x16xf32>,
        %parallel_loop3A_463 = arith.addf %parallel_loop3A_425, %parallel_loop3A_456 : vector<16xf32>
        %parallel_loop3A_464 = arith.mulf %parallel_loop3A_456, %parallel_loop3A_456 : vector<16xf32>
        %parallel_loop3A_465 = arith.addf %parallel_loop3A_427, %parallel_loop3A_464 : vector<16xf32>
        %parallel_loop3A_466 = arith.index_cast %and3A_89 : i32 to index
        %parallel_loop3A_467 = arith.index_cast %parallel_loop3A_324 : i32 to index
        %parallel_loop3A_468 = arith.constant 112 : index
        %parallel_loop3A_469 = tpu.vector_load %arg14[%parallel_loop3A_466, %parallel_loop3A_467, %parallel_loop3A_468] {strides = array<i32>} : memref<2x16x512xf32, #tpu.memory_space<vmem>>, vector<1x1x16xf32>,
        %parallel_loop3A_470 = vector.shape_cast %parallel_loop3A_469 : vector<1x1x16xf32> to vector<16xf32>
        %parallel_loop3A_471 = arith.index_cast %parallel_loop3A_324 : i32 to index
        %parallel_loop3A_472 = arith.constant 112 : index
        %parallel_loop3A_473 = tpu.vector_load %arg9[%parallel_loop3A_471, %parallel_loop3A_472] {strides = array<i32>} : memref<16x512xf32, #tpu.memory_space<vmem>>, vector<1x16xf32>,
        %parallel_loop3A_474 = vector.shape_cast %parallel_loop3A_473 : vector<1x16xf32> to vector<16xf32>
        %parallel_loop3A_475 = arith.addf %parallel_loop3A_470, %parallel_loop3A_474 : vector<16xf32>
        %parallel_loop3A_476 = arith.index_cast %and3A_89 : i32 to index
        %parallel_loop3A_477 = arith.index_cast %parallel_loop3A_324 : i32 to index
        %parallel_loop3A_478 = arith.constant 112 : index
        %parallel_loop3A_479 = tpu.vector_load %arg15[%parallel_loop3A_476, %parallel_loop3A_477, %parallel_loop3A_478] {strides = array<i32>} : memref<2x16x512xf32, #tpu.memory_space<vmem>>, vector<1x1x16xf32>,
        %parallel_loop3A_480 = vector.shape_cast %parallel_loop3A_479 : vector<1x1x16xf32> to vector<16xf32>
        %parallel_loop3A_481 = vector.shape_cast %parallel_loop3A_475 : vector<16xf32> to vector<1x1x16xf32>
        tpu.vector_store %arg15[%parallel_loop3A_476, %parallel_loop3A_477, %parallel_loop3A_478], %parallel_loop3A_481 {strides = array<i32>} : memref<2x16x512xf32, #tpu.memory_space<vmem>>, vector<1x1x16xf32>,
        %parallel_loop3A_482 = arith.addf %parallel_loop3A_444, %parallel_loop3A_475 : vector<16xf32>
        %parallel_loop3A_483 = arith.mulf %parallel_loop3A_475, %parallel_loop3A_475 : vector<16xf32>
        %parallel_loop3A_484 = arith.addf %parallel_loop3A_446, %parallel_loop3A_483 : vector<16xf32>
        %parallel_loop3A_485 = arith.index_cast %and3A_89 : i32 to index
        %parallel_loop3A_486 = arith.index_cast %parallel_loop3A_324 : i32 to index
        %parallel_loop3A_487 = arith.constant 128 : index
        %parallel_loop3A_488 = tpu.vector_load %arg14[%parallel_loop3A_485, %parallel_loop3A_486, %parallel_loop3A_487] {strides = array<i32>} : memref<2x16x512xf32, #tpu.memory_space<vmem>>, vector<1x1x16xf32>,
        %parallel_loop3A_489 = vector.shape_cast %parallel_loop3A_488 : vector<1x1x16xf32> to vector<16xf32>
        %parallel_loop3A_490 = arith.index_cast %parallel_loop3A_324 : i32 to index
        %parallel_loop3A_491 = arith.constant 128 : index
        %parallel_loop3A_492 = tpu.vector_load %arg9[%parallel_loop3A_490, %parallel_loop3A_491] {strides = array<i32>} : memref<16x512xf32, #tpu.memory_space<vmem>>, vector<1x16xf32>,
        %parallel_loop3A_493 = vector.shape_cast %parallel_loop3A_492 : vector<1x16xf32> to vector<16xf32>
        %parallel_loop3A_494 = arith.addf %parallel_loop3A_489, %parallel_loop3A_493 : vector<16xf32>
        %parallel_loop3A_495 = arith.index_cast %and3A_89 : i32 to index
        %parallel_loop3A_496 = arith.index_cast %parallel_loop3A_324 : i32 to index
        %parallel_loop3A_497 = arith.constant 128 : index
        %parallel_loop3A_498 = tpu.vector_load %arg15[%parallel_loop3A_495, %parallel_loop3A_496, %parallel_loop3A_497] {strides = array<i32>} : memref<2x16x512xf32, #tpu.memory_space<vmem>>, vector<1x1x16xf32>,
        %parallel_loop3A_499 = vector.shape_cast %parallel_loop3A_498 : vector<1x1x16xf32> to vector<16xf32>
        %parallel_loop3A_500 = vector.shape_cast %parallel_loop3A_494 : vector<16xf32> to vector<1x1x16xf32>
        tpu.vector_store %arg15[%parallel_loop3A_495, %parallel_loop3A_496, %parallel_loop3A_497], %parallel_loop3A_500 {strides = array<i32>} : memref<2x16x512xf32, #tpu.memory_space<vmem>>, vector<1x1x16xf32>,
        %parallel_loop3A_501 = arith.addf %parallel_loop3A_463, %parallel_loop3A_494 : vector<16xf32>
        %parallel_loop3A_502 = arith.mulf %parallel_loop3A_494, %parallel_loop3A_494 : vector<16xf32>
        %parallel_loop3A_503 = arith.addf %parallel_loop3A_465, %parallel_loop3A_502 : vector<16xf32>
        %parallel_loop3A_504 = arith.index_cast %and3A_89 : i32 to index
        %parallel_loop3A_505 = arith.index_cast %parallel_loop3A_324 : i32 to index
        %parallel_loop3A_506 = arith.constant 144 : index
        %parallel_loop3A_507 = tpu.vector_load %arg14[%parallel_loop3A_504, %parallel_loop3A_505, %parallel_loop3A_506] {strides = array<i32>} : memref<2x16x512xf32, #tpu.memory_space<vmem>>, vector<1x1x16xf32>,
        %parallel_loop3A_508 = vector.shape_cast %parallel_loop3A_507 : vector<1x1x16xf32> to vector<16xf32>
        %parallel_loop3A_509 = arith.index_cast %parallel_loop3A_324 : i32 to index
        %parallel_loop3A_510 = arith.constant 144 : index
        %parallel_loop3A_511 = tpu.vector_load %arg9[%parallel_loop3A_509, %parallel_loop3A_510] {strides = array<i32>} : memref<16x512xf32, #tpu.memory_space<vmem>>, vector<1x16xf32>,
        %parallel_loop3A_512 = vector.shape_cast %parallel_loop3A_511 : vector<1x16xf32> to vector<16xf32>
        %parallel_loop3A_513 = arith.addf %parallel_loop3A_508, %parallel_loop3A_512 : vector<16xf32>
        %parallel_loop3A_514 = arith.index_cast %and3A_89 : i32 to index
        %parallel_loop3A_515 = arith.index_cast %parallel_loop3A_324 : i32 to index
        %parallel_loop3A_516 = arith.constant 144 : index
        %parallel_loop3A_517 = tpu.vector_load %arg15[%parallel_loop3A_514, %parallel_loop3A_515, %parallel_loop3A_516] {strides = array<i32>} : memref<2x16x512xf32, #tpu.memory_space<vmem>>, vector<1x1x16xf32>,
        %parallel_loop3A_518 = vector.shape_cast %parallel_loop3A_517 : vector<1x1x16xf32> to vector<16xf32>
        %parallel_loop3A_519 = vector.shape_cast %parallel_loop3A_513 : vector<16xf32> to vector<1x1x16xf32>
        tpu.vector_store %arg15[%parallel_loop3A_514, %parallel_loop3A_515, %parallel_loop3A_516], %parallel_loop3A_519 {strides = array<i32>} : memref<2x16x512xf32, #tpu.memory_space<vmem>>, vector<1x1x16xf32>,
        %parallel_loop3A_520 = arith.addf %parallel_loop3A_482, %parallel_loop3A_513 : vector<16xf32>
        %parallel_loop3A_521 = arith.mulf %parallel_loop3A_513, %parallel_loop3A_513 : vector<16xf32>
        %parallel_loop3A_522 = arith.addf %parallel_loop3A_484, %parallel_loop3A_521 : vector<16xf32>
        %parallel_loop3A_523 = arith.index_cast %and3A_89 : i32 to index
        %parallel_loop3A_524 = arith.index_cast %parallel_loop3A_324 : i32 to index
        %parallel_loop3A_525 = arith.constant 160 : index
        %parallel_loop3A_526 = tpu.vector_load %arg14[%parallel_loop3A_523, %parallel_loop3A_524, %parallel_loop3A_525] {strides = array<i32>} : memref<2x16x512xf32, #tpu.memory_space<vmem>>, vector<1x1x16xf32>,
        %parallel_loop3A_527 = vector.shape_cast %parallel_loop3A_526 : vector<1x1x16xf32> to vector<16xf32>
        %parallel_loop3A_528 = arith.index_cast %parallel_loop3A_324 : i32 to index
        %parallel_loop3A_529 = arith.constant 160 : index
        %parallel_loop3A_530 = tpu.vector_load %arg9[%parallel_loop3A_528, %parallel_loop3A_529] {strides = array<i32>} : memref<16x512xf32, #tpu.memory_space<vmem>>, vector<1x16xf32>,
        %parallel_loop3A_531 = vector.shape_cast %parallel_loop3A_530 : vector<1x16xf32> to vector<16xf32>
        %parallel_loop3A_532 = arith.addf %parallel_loop3A_527, %parallel_loop3A_531 : vector<16xf32>
        %parallel_loop3A_533 = arith.index_cast %and3A_89 : i32 to index
        %parallel_loop3A_534 = arith.index_cast %parallel_loop3A_324 : i32 to index
        %parallel_loop3A_535 = arith.constant 160 : index
        %parallel_loop3A_536 = tpu.vector_load %arg15[%parallel_loop3A_533, %parallel_loop3A_534, %parallel_loop3A_535] {strides = array<i32>} : memref<2x16x512xf32, #tpu.memory_space<vmem>>, vector<1x1x16xf32>,
        %parallel_loop3A_537 = vector.shape_cast %parallel_loop3A_536 : vector<1x1x16xf32> to vector<16xf32>
        %parallel_loop3A_538 = vector.shape_cast %parallel_loop3A_532 : vector<16xf32> to vector<1x1x16xf32>
        tpu.vector_store %arg15[%parallel_loop3A_533, %parallel_loop3A_534, %parallel_loop3A_535], %parallel_loop3A_538 {strides = array<i32>} : memref<2x16x512xf32, #tpu.memory_space<vmem>>, vector<1x1x16xf32>,
        %parallel_loop3A_539 = arith.addf %parallel_loop3A_501, %parallel_loop3A_532 : vector<16xf32>
        %parallel_loop3A_540 = arith.mulf %parallel_loop3A_532, %parallel_loop3A_532 : vector<16xf32>
        %parallel_loop3A_541 = arith.addf %parallel_loop3A_503, %parallel_loop3A_540 : vector<16xf32>
        %parallel_loop3A_542 = arith.index_cast %and3A_89 : i32 to index
        %parallel_loop3A_543 = arith.index_cast %parallel_loop3A_324 : i32 to index
        %parallel_loop3A_544 = arith.constant 176 : index
        %parallel_loop3A_545 = tpu.vector_load %arg14[%parallel_loop3A_542, %parallel_loop3A_543, %parallel_loop3A_544] {strides = array<i32>} : memref<2x16x512xf32, #tpu.memory_space<vmem>>, vector<1x1x16xf32>,
        %parallel_loop3A_546 = vector.shape_cast %parallel_loop3A_545 : vector<1x1x16xf32> to vector<16xf32>
        %parallel_loop3A_547 = arith.index_cast %parallel_loop3A_324 : i32 to index
        %parallel_loop3A_548 = arith.constant 176 : index
        %parallel_loop3A_549 = tpu.vector_load %arg9[%parallel_loop3A_547, %parallel_loop3A_548] {strides = array<i32>} : memref<16x512xf32, #tpu.memory_space<vmem>>, vector<1x16xf32>,
        %parallel_loop3A_550 = vector.shape_cast %parallel_loop3A_549 : vector<1x16xf32> to vector<16xf32>
        %parallel_loop3A_551 = arith.addf %parallel_loop3A_546, %parallel_loop3A_550 : vector<16xf32>
        %parallel_loop3A_552 = arith.index_cast %and3A_89 : i32 to index
        %parallel_loop3A_553 = arith.index_cast %parallel_loop3A_324 : i32 to index
        %parallel_loop3A_554 = arith.constant 176 : index
        %parallel_loop3A_555 = tpu.vector_load %arg15[%parallel_loop3A_552, %parallel_loop3A_553, %parallel_loop3A_554] {strides = array<i32>} : memref<2x16x512xf32, #tpu.memory_space<vmem>>, vector<1x1x16xf32>,
        %parallel_loop3A_556 = vector.shape_cast %parallel_loop3A_555 : vector<1x1x16xf32> to vector<16xf32>
        %parallel_loop3A_557 = vector.shape_cast %parallel_loop3A_551 : vector<16xf32> to vector<1x1x16xf32>
        tpu.vector_store %arg15[%parallel_loop3A_552, %parallel_loop3A_553, %parallel_loop3A_554], %parallel_loop3A_557 {strides = array<i32>} : memref<2x16x512xf32, #tpu.memory_space<vmem>>, vector<1x1x16xf32>,
        %parallel_loop3A_558 = arith.addf %parallel_loop3A_520, %parallel_loop3A_551 : vector<16xf32>
        %parallel_loop3A_559 = arith.mulf %parallel_loop3A_551, %parallel_loop3A_551 : vector<16xf32>
        %parallel_loop3A_560 = arith.addf %parallel_loop3A_522, %parallel_loop3A_559 : vector<16xf32>
        %parallel_loop3A_561 = arith.index_cast %and3A_89 : i32 to index
        %parallel_loop3A_562 = arith.index_cast %parallel_loop3A_324 : i32 to index
        %parallel_loop3A_563 = arith.constant 192 : index
        %parallel_loop3A_564 = tpu.vector_load %arg14[%parallel_loop3A_561, %parallel_loop3A_562, %parallel_loop3A_563] {strides = array<i32>} : memref<2x16x512xf32, #tpu.memory_space<vmem>>, vector<1x1x16xf32>,
        %parallel_loop3A_565 = vector.shape_cast %parallel_loop3A_564 : vector<1x1x16xf32> to vector<16xf32>
        %parallel_loop3A_566 = arith.index_cast %parallel_loop3A_324 : i32 to index
        %parallel_loop3A_567 = arith.constant 192 : index
        %parallel_loop3A_568 = tpu.vector_load %arg9[%parallel_loop3A_566, %parallel_loop3A_567] {strides = array<i32>} : memref<16x512xf32, #tpu.memory_space<vmem>>, vector<1x16xf32>,
        %parallel_loop3A_569 = vector.shape_cast %parallel_loop3A_568 : vector<1x16xf32> to vector<16xf32>
        %parallel_loop3A_570 = arith.addf %parallel_loop3A_565, %parallel_loop3A_569 : vector<16xf32>
        %parallel_loop3A_571 = arith.index_cast %and3A_89 : i32 to index
        %parallel_loop3A_572 = arith.index_cast %parallel_loop3A_324 : i32 to index
        %parallel_loop3A_573 = arith.constant 192 : index
        %parallel_loop3A_574 = tpu.vector_load %arg15[%parallel_loop3A_571, %parallel_loop3A_572, %parallel_loop3A_573] {strides = array<i32>} : memref<2x16x512xf32, #tpu.memory_space<vmem>>, vector<1x1x16xf32>,
        %parallel_loop3A_575 = vector.shape_cast %parallel_loop3A_574 : vector<1x1x16xf32> to vector<16xf32>
        %parallel_loop3A_576 = vector.shape_cast %parallel_loop3A_570 : vector<16xf32> to vector<1x1x16xf32>
        tpu.vector_store %arg15[%parallel_loop3A_571, %parallel_loop3A_572, %parallel_loop3A_573], %parallel_loop3A_576 {strides = array<i32>} : memref<2x16x512xf32, #tpu.memory_space<vmem>>, vector<1x1x16xf32>,
        %parallel_loop3A_577 = arith.addf %parallel_loop3A_539, %parallel_loop3A_570 : vector<16xf32>
        %parallel_loop3A_578 = arith.mulf %parallel_loop3A_570, %parallel_loop3A_570 : vector<16xf32>
        %parallel_loop3A_579 = arith.addf %parallel_loop3A_541, %parallel_loop3A_578 : vector<16xf32>
        %parallel_loop3A_580 = arith.index_cast %and3A_89 : i32 to index
        %parallel_loop3A_581 = arith.index_cast %parallel_loop3A_324 : i32 to index
        %parallel_loop3A_582 = arith.constant 208 : index
        %parallel_loop3A_583 = tpu.vector_load %arg14[%parallel_loop3A_580, %parallel_loop3A_581, %parallel_loop3A_582] {strides = array<i32>} : memref<2x16x512xf32, #tpu.memory_space<vmem>>, vector<1x1x16xf32>,
        %parallel_loop3A_584 = vector.shape_cast %parallel_loop3A_583 : vector<1x1x16xf32> to vector<16xf32>
        %parallel_loop3A_585 = arith.index_cast %parallel_loop3A_324 : i32 to index
        %parallel_loop3A_586 = arith.constant 208 : index
        %parallel_loop3A_587 = tpu.vector_load %arg9[%parallel_loop3A_585, %parallel_loop3A_586] {strides = array<i32>} : memref<16x512xf32, #tpu.memory_space<vmem>>, vector<1x16xf32>,
        %parallel_loop3A_588 = vector.shape_cast %parallel_loop3A_587 : vector<1x16xf32> to vector<16xf32>
        %parallel_loop3A_589 = arith.addf %parallel_loop3A_584, %parallel_loop3A_588 : vector<16xf32>
        %parallel_loop3A_590 = arith.index_cast %and3A_89 : i32 to index
        %parallel_loop3A_591 = arith.index_cast %parallel_loop3A_324 : i32 to index
        %parallel_loop3A_592 = arith.constant 208 : index
        %parallel_loop3A_593 = tpu.vector_load %arg15[%parallel_loop3A_590, %parallel_loop3A_591, %parallel_loop3A_592] {strides = array<i32>} : memref<2x16x512xf32, #tpu.memory_space<vmem>>, vector<1x1x16xf32>,
        %parallel_loop3A_594 = vector.shape_cast %parallel_loop3A_593 : vector<1x1x16xf32> to vector<16xf32>
        %parallel_loop3A_595 = vector.shape_cast %parallel_loop3A_589 : vector<16xf32> to vector<1x1x16xf32>
        tpu.vector_store %arg15[%parallel_loop3A_590, %parallel_loop3A_591, %parallel_loop3A_592], %parallel_loop3A_595 {strides = array<i32>} : memref<2x16x512xf32, #tpu.memory_space<vmem>>, vector<1x1x16xf32>,
        %parallel_loop3A_596 = arith.addf %parallel_loop3A_558, %parallel_loop3A_589 : vector<16xf32>
        %parallel_loop3A_597 = arith.mulf %parallel_loop3A_589, %parallel_loop3A_589 : vector<16xf32>
        %parallel_loop3A_598 = arith.addf %parallel_loop3A_560, %parallel_loop3A_597 : vector<16xf32>
        %parallel_loop3A_599 = arith.index_cast %and3A_89 : i32 to index
        %parallel_loop3A_600 = arith.index_cast %parallel_loop3A_324 : i32 to index
        %parallel_loop3A_601 = arith.constant 224 : index
        %parallel_loop3A_602 = tpu.vector_load %arg14[%parallel_loop3A_599, %parallel_loop3A_600, %parallel_loop3A_601] {strides = array<i32>} : memref<2x16x512xf32, #tpu.memory_space<vmem>>, vector<1x1x16xf32>,
        %parallel_loop3A_603 = vector.shape_cast %parallel_loop3A_602 : vector<1x1x16xf32> to vector<16xf32>
        %parallel_loop3A_604 = arith.index_cast %parallel_loop3A_324 : i32 to index
        %parallel_loop3A_605 = arith.constant 224 : index
        %parallel_loop3A_606 = tpu.vector_load %arg9[%parallel_loop3A_604, %parallel_loop3A_605] {strides = array<i32>} : memref<16x512xf32, #tpu.memory_space<vmem>>, vector<1x16xf32>,
        %parallel_loop3A_607 = vector.shape_cast %parallel_loop3A_606 : vector<1x16xf32> to vector<16xf32>
        %parallel_loop3A_608 = arith.addf %parallel_loop3A_603, %parallel_loop3A_607 : vector<16xf32>
        %parallel_loop3A_609 = arith.index_cast %and3A_89 : i32 to index
        %parallel_loop3A_610 = arith.index_cast %parallel_loop3A_324 : i32 to index
        %parallel_loop3A_611 = arith.constant 224 : index
        %parallel_loop3A_612 = tpu.vector_load %arg15[%parallel_loop3A_609, %parallel_loop3A_610, %parallel_loop3A_611] {strides = array<i32>} : memref<2x16x512xf32, #tpu.memory_space<vmem>>, vector<1x1x16xf32>,
        %parallel_loop3A_613 = vector.shape_cast %parallel_loop3A_612 : vector<1x1x16xf32> to vector<16xf32>
        %parallel_loop3A_614 = vector.shape_cast %parallel_loop3A_608 : vector<16xf32> to vector<1x1x16xf32>
        tpu.vector_store %arg15[%parallel_loop3A_609, %parallel_loop3A_610, %parallel_loop3A_611], %parallel_loop3A_614 {strides = array<i32>} : memref<2x16x512xf32, #tpu.memory_space<vmem>>, vector<1x1x16xf32>,
        %parallel_loop3A_615 = arith.addf %parallel_loop3A_577, %parallel_loop3A_608 : vector<16xf32>
        %parallel_loop3A_616 = arith.mulf %parallel_loop3A_608, %parallel_loop3A_608 : vector<16xf32>
        %parallel_loop3A_617 = arith.addf %parallel_loop3A_579, %parallel_loop3A_616 : vector<16xf32>
        %parallel_loop3A_618 = arith.index_cast %and3A_89 : i32 to index
        %parallel_loop3A_619 = arith.index_cast %parallel_loop3A_324 : i32 to index
        %parallel_loop3A_620 = arith.constant 240 : index
        %parallel_loop3A_621 = tpu.vector_load %arg14[%parallel_loop3A_618, %parallel_loop3A_619, %parallel_loop3A_620] {strides = array<i32>} : memref<2x16x512xf32, #tpu.memory_space<vmem>>, vector<1x1x16xf32>,
        %parallel_loop3A_622 = vector.shape_cast %parallel_loop3A_621 : vector<1x1x16xf32> to vector<16xf32>
        %parallel_loop3A_623 = arith.index_cast %parallel_loop3A_324 : i32 to index
        %parallel_loop3A_624 = arith.constant 240 : index
        %parallel_loop3A_625 = tpu.vector_load %arg9[%parallel_loop3A_623, %parallel_loop3A_624] {strides = array<i32>} : memref<16x512xf32, #tpu.memory_space<vmem>>, vector<1x16xf32>,
        %parallel_loop3A_626 = vector.shape_cast %parallel_loop3A_625 : vector<1x16xf32> to vector<16xf32>
        %parallel_loop3A_627 = arith.addf %parallel_loop3A_622, %parallel_loop3A_626 : vector<16xf32>
        %parallel_loop3A_628 = arith.index_cast %and3A_89 : i32 to index
        %parallel_loop3A_629 = arith.index_cast %parallel_loop3A_324 : i32 to index
        %parallel_loop3A_630 = arith.constant 240 : index
        %parallel_loop3A_631 = tpu.vector_load %arg15[%parallel_loop3A_628, %parallel_loop3A_629, %parallel_loop3A_630] {strides = array<i32>} : memref<2x16x512xf32, #tpu.memory_space<vmem>>, vector<1x1x16xf32>,
        %parallel_loop3A_632 = vector.shape_cast %parallel_loop3A_631 : vector<1x1x16xf32> to vector<16xf32>
        %parallel_loop3A_633 = vector.shape_cast %parallel_loop3A_627 : vector<16xf32> to vector<1x1x16xf32>
        tpu.vector_store %arg15[%parallel_loop3A_628, %parallel_loop3A_629, %parallel_loop3A_630], %parallel_loop3A_633 {strides = array<i32>} : memref<2x16x512xf32, #tpu.memory_space<vmem>>, vector<1x1x16xf32>,
        %parallel_loop3A_634 = arith.addf %parallel_loop3A_596, %parallel_loop3A_627 : vector<16xf32>
        %parallel_loop3A_635 = arith.mulf %parallel_loop3A_627, %parallel_loop3A_627 : vector<16xf32>
        %parallel_loop3A_636 = arith.addf %parallel_loop3A_598, %parallel_loop3A_635 : vector<16xf32>
        %parallel_loop3A_637 = arith.index_cast %and3A_89 : i32 to index
        %parallel_loop3A_638 = arith.index_cast %parallel_loop3A_324 : i32 to index
        %parallel_loop3A_639 = arith.constant 256 : index
        %parallel_loop3A_640 = tpu.vector_load %arg14[%parallel_loop3A_637, %parallel_loop3A_638, %parallel_loop3A_639] {strides = array<i32>} : memref<2x16x512xf32, #tpu.memory_space<vmem>>, vector<1x1x16xf32>,
        %parallel_loop3A_641 = vector.shape_cast %parallel_loop3A_640 : vector<1x1x16xf32> to vector<16xf32>
        %parallel_loop3A_642 = arith.index_cast %parallel_loop3A_324 : i32 to index
        %parallel_loop3A_643 = arith.constant 256 : index
        %parallel_loop3A_644 = tpu.vector_load %arg9[%parallel_loop3A_642, %parallel_loop3A_643] {strides = array<i32>} : memref<16x512xf32, #tpu.memory_space<vmem>>, vector<1x16xf32>,
        %parallel_loop3A_645 = vector.shape_cast %parallel_loop3A_644 : vector<1x16xf32> to vector<16xf32>
        %parallel_loop3A_646 = arith.addf %parallel_loop3A_641, %parallel_loop3A_645 : vector<16xf32>
        %parallel_loop3A_647 = arith.index_cast %and3A_89 : i32 to index
        %parallel_loop3A_648 = arith.index_cast %parallel_loop3A_324 : i32 to index
        %parallel_loop3A_649 = arith.constant 256 : index
        %parallel_loop3A_650 = tpu.vector_load %arg15[%parallel_loop3A_647, %parallel_loop3A_648, %parallel_loop3A_649] {strides = array<i32>} : memref<2x16x512xf32, #tpu.memory_space<vmem>>, vector<1x1x16xf32>,
        %parallel_loop3A_651 = vector.shape_cast %parallel_loop3A_650 : vector<1x1x16xf32> to vector<16xf32>
        %parallel_loop3A_652 = vector.shape_cast %parallel_loop3A_646 : vector<16xf32> to vector<1x1x16xf32>
        tpu.vector_store %arg15[%parallel_loop3A_647, %parallel_loop3A_648, %parallel_loop3A_649], %parallel_loop3A_652 {strides = array<i32>} : memref<2x16x512xf32, #tpu.memory_space<vmem>>, vector<1x1x16xf32>,
        %parallel_loop3A_653 = arith.addf %parallel_loop3A_615, %parallel_loop3A_646 : vector<16xf32>
        %parallel_loop3A_654 = arith.mulf %parallel_loop3A_646, %parallel_loop3A_646 : vector<16xf32>
        %parallel_loop3A_655 = arith.addf %parallel_loop3A_617, %parallel_loop3A_654 : vector<16xf32>
        %parallel_loop3A_656 = arith.index_cast %and3A_89 : i32 to index
        %parallel_loop3A_657 = arith.index_cast %parallel_loop3A_324 : i32 to index
        %parallel_loop3A_658 = arith.constant 272 : index
        %parallel_loop3A_659 = tpu.vector_load %arg14[%parallel_loop3A_656, %parallel_loop3A_657, %parallel_loop3A_658] {strides = array<i32>} : memref<2x16x512xf32, #tpu.memory_space<vmem>>, vector<1x1x16xf32>,
        %parallel_loop3A_660 = vector.shape_cast %parallel_loop3A_659 : vector<1x1x16xf32> to vector<16xf32>
        %parallel_loop3A_661 = arith.index_cast %parallel_loop3A_324 : i32 to index
        %parallel_loop3A_662 = arith.constant 272 : index
        %parallel_loop3A_663 = tpu.vector_load %arg9[%parallel_loop3A_661, %parallel_loop3A_662] {strides = array<i32>} : memref<16x512xf32, #tpu.memory_space<vmem>>, vector<1x16xf32>,
        %parallel_loop3A_664 = vector.shape_cast %parallel_loop3A_663 : vector<1x16xf32> to vector<16xf32>
        %parallel_loop3A_665 = arith.addf %parallel_loop3A_660, %parallel_loop3A_664 : vector<16xf32>
        %parallel_loop3A_666 = arith.index_cast %and3A_89 : i32 to index
        %parallel_loop3A_667 = arith.index_cast %parallel_loop3A_324 : i32 to index
        %parallel_loop3A_668 = arith.constant 272 : index
        %parallel_loop3A_669 = tpu.vector_load %arg15[%parallel_loop3A_666, %parallel_loop3A_667, %parallel_loop3A_668] {strides = array<i32>} : memref<2x16x512xf32, #tpu.memory_space<vmem>>, vector<1x1x16xf32>,
        %parallel_loop3A_670 = vector.shape_cast %parallel_loop3A_669 : vector<1x1x16xf32> to vector<16xf32>
        %parallel_loop3A_671 = vector.shape_cast %parallel_loop3A_665 : vector<16xf32> to vector<1x1x16xf32>
        tpu.vector_store %arg15[%parallel_loop3A_666, %parallel_loop3A_667, %parallel_loop3A_668], %parallel_loop3A_671 {strides = array<i32>} : memref<2x16x512xf32, #tpu.memory_space<vmem>>, vector<1x1x16xf32>,
        %parallel_loop3A_672 = arith.addf %parallel_loop3A_634, %parallel_loop3A_665 : vector<16xf32>
        %parallel_loop3A_673 = arith.mulf %parallel_loop3A_665, %parallel_loop3A_665 : vector<16xf32>
        %parallel_loop3A_674 = arith.addf %parallel_loop3A_636, %parallel_loop3A_673 : vector<16xf32>
        %parallel_loop3A_675 = arith.index_cast %and3A_89 : i32 to index
        %parallel_loop3A_676 = arith.index_cast %parallel_loop3A_324 : i32 to index
        %parallel_loop3A_677 = arith.constant 288 : index
        %parallel_loop3A_678 = tpu.vector_load %arg14[%parallel_loop3A_675, %parallel_loop3A_676, %parallel_loop3A_677] {strides = array<i32>} : memref<2x16x512xf32, #tpu.memory_space<vmem>>, vector<1x1x16xf32>,
        %parallel_loop3A_679 = vector.shape_cast %parallel_loop3A_678 : vector<1x1x16xf32> to vector<16xf32>
        %parallel_loop3A_680 = arith.index_cast %parallel_loop3A_324 : i32 to index
        %parallel_loop3A_681 = arith.constant 288 : index
        %parallel_loop3A_682 = tpu.vector_load %arg9[%parallel_loop3A_680, %parallel_loop3A_681] {strides = array<i32>} : memref<16x512xf32, #tpu.memory_space<vmem>>, vector<1x16xf32>,
        %parallel_loop3A_683 = vector.shape_cast %parallel_loop3A_682 : vector<1x16xf32> to vector<16xf32>
        %parallel_loop3A_684 = arith.addf %parallel_loop3A_679, %parallel_loop3A_683 : vector<16xf32>
        %parallel_loop3A_685 = arith.index_cast %and3A_89 : i32 to index
        %parallel_loop3A_686 = arith.index_cast %parallel_loop3A_324 : i32 to index
        %parallel_loop3A_687 = arith.constant 288 : index
        %parallel_loop3A_688 = tpu.vector_load %arg15[%parallel_loop3A_685, %parallel_loop3A_686, %parallel_loop3A_687] {strides = array<i32>} : memref<2x16x512xf32, #tpu.memory_space<vmem>>, vector<1x1x16xf32>,
        %parallel_loop3A_689 = vector.shape_cast %parallel_loop3A_688 : vector<1x1x16xf32> to vector<16xf32>
        %parallel_loop3A_690 = vector.shape_cast %parallel_loop3A_684 : vector<16xf32> to vector<1x1x16xf32>
        tpu.vector_store %arg15[%parallel_loop3A_685, %parallel_loop3A_686, %parallel_loop3A_687], %parallel_loop3A_690 {strides = array<i32>} : memref<2x16x512xf32, #tpu.memory_space<vmem>>, vector<1x1x16xf32>,
        %parallel_loop3A_691 = arith.addf %parallel_loop3A_653, %parallel_loop3A_684 : vector<16xf32>
        %parallel_loop3A_692 = arith.mulf %parallel_loop3A_684, %parallel_loop3A_684 : vector<16xf32>
        %parallel_loop3A_693 = arith.addf %parallel_loop3A_655, %parallel_loop3A_692 : vector<16xf32>
        %parallel_loop3A_694 = arith.index_cast %and3A_89 : i32 to index
        %parallel_loop3A_695 = arith.index_cast %parallel_loop3A_324 : i32 to index
        %parallel_loop3A_696 = arith.constant 304 : index
        %parallel_loop3A_697 = tpu.vector_load %arg14[%parallel_loop3A_694, %parallel_loop3A_695, %parallel_loop3A_696] {strides = array<i32>} : memref<2x16x512xf32, #tpu.memory_space<vmem>>, vector<1x1x16xf32>,
        %parallel_loop3A_698 = vector.shape_cast %parallel_loop3A_697 : vector<1x1x16xf32> to vector<16xf32>
        %parallel_loop3A_699 = arith.index_cast %parallel_loop3A_324 : i32 to index
        %parallel_loop3A_700 = arith.constant 304 : index
        %parallel_loop3A_701 = tpu.vector_load %arg9[%parallel_loop3A_699, %parallel_loop3A_700] {strides = array<i32>} : memref<16x512xf32, #tpu.memory_space<vmem>>, vector<1x16xf32>,
        %parallel_loop3A_702 = vector.shape_cast %parallel_loop3A_701 : vector<1x16xf32> to vector<16xf32>
        %parallel_loop3A_703 = arith.addf %parallel_loop3A_698, %parallel_loop3A_702 : vector<16xf32>
        %parallel_loop3A_704 = arith.index_cast %and3A_89 : i32 to index
        %parallel_loop3A_705 = arith.index_cast %parallel_loop3A_324 : i32 to index
        %parallel_loop3A_706 = arith.constant 304 : index
        %parallel_loop3A_707 = tpu.vector_load %arg15[%parallel_loop3A_704, %parallel_loop3A_705, %parallel_loop3A_706] {strides = array<i32>} : memref<2x16x512xf32, #tpu.memory_space<vmem>>, vector<1x1x16xf32>,
        %parallel_loop3A_708 = vector.shape_cast %parallel_loop3A_707 : vector<1x1x16xf32> to vector<16xf32>
        %parallel_loop3A_709 = vector.shape_cast %parallel_loop3A_703 : vector<16xf32> to vector<1x1x16xf32>
        tpu.vector_store %arg15[%parallel_loop3A_704, %parallel_loop3A_705, %parallel_loop3A_706], %parallel_loop3A_709 {strides = array<i32>} : memref<2x16x512xf32, #tpu.memory_space<vmem>>, vector<1x1x16xf32>,
        %parallel_loop3A_710 = arith.addf %parallel_loop3A_672, %parallel_loop3A_703 : vector<16xf32>
        %parallel_loop3A_711 = arith.mulf %parallel_loop3A_703, %parallel_loop3A_703 : vector<16xf32>
        %parallel_loop3A_712 = arith.addf %parallel_loop3A_674, %parallel_loop3A_711 : vector<16xf32>
        %parallel_loop3A_713 = arith.index_cast %and3A_89 : i32 to index
        %parallel_loop3A_714 = arith.index_cast %parallel_loop3A_324 : i32 to index
        %parallel_loop3A_715 = arith.constant 320 : index
        %parallel_loop3A_716 = tpu.vector_load %arg14[%parallel_loop3A_713, %parallel_loop3A_714, %parallel_loop3A_715] {strides = array<i32>} : memref<2x16x512xf32, #tpu.memory_space<vmem>>, vector<1x1x16xf32>,
        %parallel_loop3A_717 = vector.shape_cast %parallel_loop3A_716 : vector<1x1x16xf32> to vector<16xf32>
        %parallel_loop3A_718 = arith.index_cast %parallel_loop3A_324 : i32 to index
        %parallel_loop3A_719 = arith.constant 320 : index
        %parallel_loop3A_720 = tpu.vector_load %arg9[%parallel_loop3A_718, %parallel_loop3A_719] {strides = array<i32>} : memref<16x512xf32, #tpu.memory_space<vmem>>, vector<1x16xf32>,
        %parallel_loop3A_721 = vector.shape_cast %parallel_loop3A_720 : vector<1x16xf32> to vector<16xf32>
        %parallel_loop3A_722 = arith.addf %parallel_loop3A_717, %parallel_loop3A_721 : vector<16xf32>
        %parallel_loop3A_723 = arith.index_cast %and3A_89 : i32 to index
        %parallel_loop3A_724 = arith.index_cast %parallel_loop3A_324 : i32 to index
        %parallel_loop3A_725 = arith.constant 320 : index
        %parallel_loop3A_726 = tpu.vector_load %arg15[%parallel_loop3A_723, %parallel_loop3A_724, %parallel_loop3A_725] {strides = array<i32>} : memref<2x16x512xf32, #tpu.memory_space<vmem>>, vector<1x1x16xf32>,
        %parallel_loop3A_727 = vector.shape_cast %parallel_loop3A_726 : vector<1x1x16xf32> to vector<16xf32>
        %parallel_loop3A_728 = vector.shape_cast %parallel_loop3A_722 : vector<16xf32> to vector<1x1x16xf32>
        tpu.vector_store %arg15[%parallel_loop3A_723, %parallel_loop3A_724, %parallel_loop3A_725], %parallel_loop3A_728 {strides = array<i32>} : memref<2x16x512xf32, #tpu.memory_space<vmem>>, vector<1x1x16xf32>,
        %parallel_loop3A_729 = arith.addf %parallel_loop3A_691, %parallel_loop3A_722 : vector<16xf32>
        %parallel_loop3A_730 = arith.mulf %parallel_loop3A_722, %parallel_loop3A_722 : vector<16xf32>
        %parallel_loop3A_731 = arith.addf %parallel_loop3A_693, %parallel_loop3A_730 : vector<16xf32>
        %parallel_loop3A_732 = arith.index_cast %and3A_89 : i32 to index
        %parallel_loop3A_733 = arith.index_cast %parallel_loop3A_324 : i32 to index
        %parallel_loop3A_734 = arith.constant 336 : index
        %parallel_loop3A_735 = tpu.vector_load %arg14[%parallel_loop3A_732, %parallel_loop3A_733, %parallel_loop3A_734] {strides = array<i32>} : memref<2x16x512xf32, #tpu.memory_space<vmem>>, vector<1x1x16xf32>,
        %parallel_loop3A_736 = vector.shape_cast %parallel_loop3A_735 : vector<1x1x16xf32> to vector<16xf32>
        %parallel_loop3A_737 = arith.index_cast %parallel_loop3A_324 : i32 to index
        %parallel_loop3A_738 = arith.constant 336 : index
        %parallel_loop3A_739 = tpu.vector_load %arg9[%parallel_loop3A_737, %parallel_loop3A_738] {strides = array<i32>} : memref<16x512xf32, #tpu.memory_space<vmem>>, vector<1x16xf32>,
        %parallel_loop3A_740 = vector.shape_cast %parallel_loop3A_739 : vector<1x16xf32> to vector<16xf32>
        %parallel_loop3A_741 = arith.addf %parallel_loop3A_736, %parallel_loop3A_740 : vector<16xf32>
        %parallel_loop3A_742 = arith.index_cast %and3A_89 : i32 to index
        %parallel_loop3A_743 = arith.index_cast %parallel_loop3A_324 : i32 to index
        %parallel_loop3A_744 = arith.constant 336 : index
        %parallel_loop3A_745 = tpu.vector_load %arg15[%parallel_loop3A_742, %parallel_loop3A_743, %parallel_loop3A_744] {strides = array<i32>} : memref<2x16x512xf32, #tpu.memory_space<vmem>>, vector<1x1x16xf32>,
        %parallel_loop3A_746 = vector.shape_cast %parallel_loop3A_745 : vector<1x1x16xf32> to vector<16xf32>
        %parallel_loop3A_747 = vector.shape_cast %parallel_loop3A_741 : vector<16xf32> to vector<1x1x16xf32>
        tpu.vector_store %arg15[%parallel_loop3A_742, %parallel_loop3A_743, %parallel_loop3A_744], %parallel_loop3A_747 {strides = array<i32>} : memref<2x16x512xf32, #tpu.memory_space<vmem>>, vector<1x1x16xf32>,
        %parallel_loop3A_748 = arith.addf %parallel_loop3A_710, %parallel_loop3A_741 : vector<16xf32>
        %parallel_loop3A_749 = arith.mulf %parallel_loop3A_741, %parallel_loop3A_741 : vector<16xf32>
        %parallel_loop3A_750 = arith.addf %parallel_loop3A_712, %parallel_loop3A_749 : vector<16xf32>
        %parallel_loop3A_751 = arith.index_cast %and3A_89 : i32 to index
        %parallel_loop3A_752 = arith.index_cast %parallel_loop3A_324 : i32 to index
        %parallel_loop3A_753 = arith.constant 352 : index
        %parallel_loop3A_754 = tpu.vector_load %arg14[%parallel_loop3A_751, %parallel_loop3A_752, %parallel_loop3A_753] {strides = array<i32>} : memref<2x16x512xf32, #tpu.memory_space<vmem>>, vector<1x1x16xf32>,
        %parallel_loop3A_755 = vector.shape_cast %parallel_loop3A_754 : vector<1x1x16xf32> to vector<16xf32>
        %parallel_loop3A_756 = arith.index_cast %parallel_loop3A_324 : i32 to index
        %parallel_loop3A_757 = arith.constant 352 : index
        %parallel_loop3A_758 = tpu.vector_load %arg9[%parallel_loop3A_756, %parallel_loop3A_757] {strides = array<i32>} : memref<16x512xf32, #tpu.memory_space<vmem>>, vector<1x16xf32>,
        %parallel_loop3A_759 = vector.shape_cast %parallel_loop3A_758 : vector<1x16xf32> to vector<16xf32>
        %parallel_loop3A_760 = arith.addf %parallel_loop3A_755, %parallel_loop3A_759 : vector<16xf32>
        %parallel_loop3A_761 = arith.index_cast %and3A_89 : i32 to index
        %parallel_loop3A_762 = arith.index_cast %parallel_loop3A_324 : i32 to index
        %parallel_loop3A_763 = arith.constant 352 : index
        %parallel_loop3A_764 = tpu.vector_load %arg15[%parallel_loop3A_761, %parallel_loop3A_762, %parallel_loop3A_763] {strides = array<i32>} : memref<2x16x512xf32, #tpu.memory_space<vmem>>, vector<1x1x16xf32>,
        %parallel_loop3A_765 = vector.shape_cast %parallel_loop3A_764 : vector<1x1x16xf32> to vector<16xf32>
        %parallel_loop3A_766 = vector.shape_cast %parallel_loop3A_760 : vector<16xf32> to vector<1x1x16xf32>
        tpu.vector_store %arg15[%parallel_loop3A_761, %parallel_loop3A_762, %parallel_loop3A_763], %parallel_loop3A_766 {strides = array<i32>} : memref<2x16x512xf32, #tpu.memory_space<vmem>>, vector<1x1x16xf32>,
        %parallel_loop3A_767 = arith.addf %parallel_loop3A_729, %parallel_loop3A_760 : vector<16xf32>
        %parallel_loop3A_768 = arith.mulf %parallel_loop3A_760, %parallel_loop3A_760 : vector<16xf32>
        %parallel_loop3A_769 = arith.addf %parallel_loop3A_731, %parallel_loop3A_768 : vector<16xf32>
        %parallel_loop3A_770 = arith.index_cast %and3A_89 : i32 to index
        %parallel_loop3A_771 = arith.index_cast %parallel_loop3A_324 : i32 to index
        %parallel_loop3A_772 = arith.constant 368 : index
        %parallel_loop3A_773 = tpu.vector_load %arg14[%parallel_loop3A_770, %parallel_loop3A_771, %parallel_loop3A_772] {strides = array<i32>} : memref<2x16x512xf32, #tpu.memory_space<vmem>>, vector<1x1x16xf32>,
        %parallel_loop3A_774 = vector.shape_cast %parallel_loop3A_773 : vector<1x1x16xf32> to vector<16xf32>
        %parallel_loop3A_775 = arith.index_cast %parallel_loop3A_324 : i32 to index
        %parallel_loop3A_776 = arith.constant 368 : index
        %parallel_loop3A_777 = tpu.vector_load %arg9[%parallel_loop3A_775, %parallel_loop3A_776] {strides = array<i32>} : memref<16x512xf32, #tpu.memory_space<vmem>>, vector<1x16xf32>,
        %parallel_loop3A_778 = vector.shape_cast %parallel_loop3A_777 : vector<1x16xf32> to vector<16xf32>
        %parallel_loop3A_779 = arith.addf %parallel_loop3A_774, %parallel_loop3A_778 : vector<16xf32>
        %parallel_loop3A_780 = arith.index_cast %and3A_89 : i32 to index
        %parallel_loop3A_781 = arith.index_cast %parallel_loop3A_324 : i32 to index
        %parallel_loop3A_782 = arith.constant 368 : index
        %parallel_loop3A_783 = tpu.vector_load %arg15[%parallel_loop3A_780, %parallel_loop3A_781, %parallel_loop3A_782] {strides = array<i32>} : memref<2x16x512xf32, #tpu.memory_space<vmem>>, vector<1x1x16xf32>,
        %parallel_loop3A_784 = vector.shape_cast %parallel_loop3A_783 : vector<1x1x16xf32> to vector<16xf32>
        %parallel_loop3A_785 = vector.shape_cast %parallel_loop3A_779 : vector<16xf32> to vector<1x1x16xf32>
        tpu.vector_store %arg15[%parallel_loop3A_780, %parallel_loop3A_781, %parallel_loop3A_782], %parallel_loop3A_785 {strides = array<i32>} : memref<2x16x512xf32, #tpu.memory_space<vmem>>, vector<1x1x16xf32>,
        %parallel_loop3A_786 = arith.addf %parallel_loop3A_748, %parallel_loop3A_779 : vector<16xf32>
        %parallel_loop3A_787 = arith.mulf %parallel_loop3A_779, %parallel_loop3A_779 : vector<16xf32>
        %parallel_loop3A_788 = arith.addf %parallel_loop3A_750, %parallel_loop3A_787 : vector<16xf32>
        %parallel_loop3A_789 = arith.index_cast %and3A_89 : i32 to index
        %parallel_loop3A_790 = arith.index_cast %parallel_loop3A_324 : i32 to index
        %parallel_loop3A_791 = arith.constant 384 : index
        %parallel_loop3A_792 = tpu.vector_load %arg14[%parallel_loop3A_789, %parallel_loop3A_790, %parallel_loop3A_791] {strides = array<i32>} : memref<2x16x512xf32, #tpu.memory_space<vmem>>, vector<1x1x16xf32>,
        %parallel_loop3A_793 = vector.shape_cast %parallel_loop3A_792 : vector<1x1x16xf32> to vector<16xf32>
        %parallel_loop3A_794 = arith.index_cast %parallel_loop3A_324 : i32 to index
        %parallel_loop3A_795 = arith.constant 384 : index
        %parallel_loop3A_796 = tpu.vector_load %arg9[%parallel_loop3A_794, %parallel_loop3A_795] {strides = array<i32>} : memref<16x512xf32, #tpu.memory_space<vmem>>, vector<1x16xf32>,
        %parallel_loop3A_797 = vector.shape_cast %parallel_loop3A_796 : vector<1x16xf32> to vector<16xf32>
        %parallel_loop3A_798 = arith.addf %parallel_loop3A_793, %parallel_loop3A_797 : vector<16xf32>
        %parallel_loop3A_799 = arith.index_cast %and3A_89 : i32 to index
        %parallel_loop3A_800 = arith.index_cast %parallel_loop3A_324 : i32 to index
        %parallel_loop3A_801 = arith.constant 384 : index
        %parallel_loop3A_802 = tpu.vector_load %arg15[%parallel_loop3A_799, %parallel_loop3A_800, %parallel_loop3A_801] {strides = array<i32>} : memref<2x16x512xf32, #tpu.memory_space<vmem>>, vector<1x1x16xf32>,
        %parallel_loop3A_803 = vector.shape_cast %parallel_loop3A_802 : vector<1x1x16xf32> to vector<16xf32>
        %parallel_loop3A_804 = vector.shape_cast %parallel_loop3A_798 : vector<16xf32> to vector<1x1x16xf32>
        tpu.vector_store %arg15[%parallel_loop3A_799, %parallel_loop3A_800, %parallel_loop3A_801], %parallel_loop3A_804 {strides = array<i32>} : memref<2x16x512xf32, #tpu.memory_space<vmem>>, vector<1x1x16xf32>,
        %parallel_loop3A_805 = arith.addf %parallel_loop3A_767, %parallel_loop3A_798 : vector<16xf32>
        %parallel_loop3A_806 = arith.mulf %parallel_loop3A_798, %parallel_loop3A_798 : vector<16xf32>
        %parallel_loop3A_807 = arith.addf %parallel_loop3A_769, %parallel_loop3A_806 : vector<16xf32>
        %parallel_loop3A_808 = arith.index_cast %and3A_89 : i32 to index
        %parallel_loop3A_809 = arith.index_cast %parallel_loop3A_324 : i32 to index
        %parallel_loop3A_810 = arith.constant 400 : index
        %parallel_loop3A_811 = tpu.vector_load %arg14[%parallel_loop3A_808, %parallel_loop3A_809, %parallel_loop3A_810] {strides = array<i32>} : memref<2x16x512xf32, #tpu.memory_space<vmem>>, vector<1x1x16xf32>,
        %parallel_loop3A_812 = vector.shape_cast %parallel_loop3A_811 : vector<1x1x16xf32> to vector<16xf32>
        %parallel_loop3A_813 = arith.index_cast %parallel_loop3A_324 : i32 to index
        %parallel_loop3A_814 = arith.constant 400 : index
        %parallel_loop3A_815 = tpu.vector_load %arg9[%parallel_loop3A_813, %parallel_loop3A_814] {strides = array<i32>} : memref<16x512xf32, #tpu.memory_space<vmem>>, vector<1x16xf32>,
        %parallel_loop3A_816 = vector.shape_cast %parallel_loop3A_815 : vector<1x16xf32> to vector<16xf32>
        %parallel_loop3A_817 = arith.addf %parallel_loop3A_812, %parallel_loop3A_816 : vector<16xf32>
        %parallel_loop3A_818 = arith.index_cast %and3A_89 : i32 to index
        %parallel_loop3A_819 = arith.index_cast %parallel_loop3A_324 : i32 to index
        %parallel_loop3A_820 = arith.constant 400 : index
        %parallel_loop3A_821 = tpu.vector_load %arg15[%parallel_loop3A_818, %parallel_loop3A_819, %parallel_loop3A_820] {strides = array<i32>} : memref<2x16x512xf32, #tpu.memory_space<vmem>>, vector<1x1x16xf32>,
        %parallel_loop3A_822 = vector.shape_cast %parallel_loop3A_821 : vector<1x1x16xf32> to vector<16xf32>
        %parallel_loop3A_823 = vector.shape_cast %parallel_loop3A_817 : vector<16xf32> to vector<1x1x16xf32>
        tpu.vector_store %arg15[%parallel_loop3A_818, %parallel_loop3A_819, %parallel_loop3A_820], %parallel_loop3A_823 {strides = array<i32>} : memref<2x16x512xf32, #tpu.memory_space<vmem>>, vector<1x1x16xf32>,
        %parallel_loop3A_824 = arith.addf %parallel_loop3A_786, %parallel_loop3A_817 : vector<16xf32>
        %parallel_loop3A_825 = arith.mulf %parallel_loop3A_817, %parallel_loop3A_817 : vector<16xf32>
        %parallel_loop3A_826 = arith.addf %parallel_loop3A_788, %parallel_loop3A_825 : vector<16xf32>
        %parallel_loop3A_827 = arith.index_cast %and3A_89 : i32 to index
        %parallel_loop3A_828 = arith.index_cast %parallel_loop3A_324 : i32 to index
        %parallel_loop3A_829 = arith.constant 416 : index
        %parallel_loop3A_830 = tpu.vector_load %arg14[%parallel_loop3A_827, %parallel_loop3A_828, %parallel_loop3A_829] {strides = array<i32>} : memref<2x16x512xf32, #tpu.memory_space<vmem>>, vector<1x1x16xf32>,
        %parallel_loop3A_831 = vector.shape_cast %parallel_loop3A_830 : vector<1x1x16xf32> to vector<16xf32>
        %parallel_loop3A_832 = arith.index_cast %parallel_loop3A_324 : i32 to index
        %parallel_loop3A_833 = arith.constant 416 : index
        %parallel_loop3A_834 = tpu.vector_load %arg9[%parallel_loop3A_832, %parallel_loop3A_833] {strides = array<i32>} : memref<16x512xf32, #tpu.memory_space<vmem>>, vector<1x16xf32>,
        %parallel_loop3A_835 = vector.shape_cast %parallel_loop3A_834 : vector<1x16xf32> to vector<16xf32>
        %parallel_loop3A_836 = arith.addf %parallel_loop3A_831, %parallel_loop3A_835 : vector<16xf32>
        %parallel_loop3A_837 = arith.index_cast %and3A_89 : i32 to index
        %parallel_loop3A_838 = arith.index_cast %parallel_loop3A_324 : i32 to index
        %parallel_loop3A_839 = arith.constant 416 : index
        %parallel_loop3A_840 = tpu.vector_load %arg15[%parallel_loop3A_837, %parallel_loop3A_838, %parallel_loop3A_839] {strides = array<i32>} : memref<2x16x512xf32, #tpu.memory_space<vmem>>, vector<1x1x16xf32>,
        %parallel_loop3A_841 = vector.shape_cast %parallel_loop3A_840 : vector<1x1x16xf32> to vector<16xf32>
        %parallel_loop3A_842 = vector.shape_cast %parallel_loop3A_836 : vector<16xf32> to vector<1x1x16xf32>
        tpu.vector_store %arg15[%parallel_loop3A_837, %parallel_loop3A_838, %parallel_loop3A_839], %parallel_loop3A_842 {strides = array<i32>} : memref<2x16x512xf32, #tpu.memory_space<vmem>>, vector<1x1x16xf32>,
        %parallel_loop3A_843 = arith.addf %parallel_loop3A_805, %parallel_loop3A_836 : vector<16xf32>
        %parallel_loop3A_844 = arith.mulf %parallel_loop3A_836, %parallel_loop3A_836 : vector<16xf32>
        %parallel_loop3A_845 = arith.addf %parallel_loop3A_807, %parallel_loop3A_844 : vector<16xf32>
        %parallel_loop3A_846 = arith.index_cast %and3A_89 : i32 to index
        %parallel_loop3A_847 = arith.index_cast %parallel_loop3A_324 : i32 to index
        %parallel_loop3A_848 = arith.constant 432 : index
        %parallel_loop3A_849 = tpu.vector_load %arg14[%parallel_loop3A_846, %parallel_loop3A_847, %parallel_loop3A_848] {strides = array<i32>} : memref<2x16x512xf32, #tpu.memory_space<vmem>>, vector<1x1x16xf32>,
        %parallel_loop3A_850 = vector.shape_cast %parallel_loop3A_849 : vector<1x1x16xf32> to vector<16xf32>
        %parallel_loop3A_851 = arith.index_cast %parallel_loop3A_324 : i32 to index
        %parallel_loop3A_852 = arith.constant 432 : index
        %parallel_loop3A_853 = tpu.vector_load %arg9[%parallel_loop3A_851, %parallel_loop3A_852] {strides = array<i32>} : memref<16x512xf32, #tpu.memory_space<vmem>>, vector<1x16xf32>,
        %parallel_loop3A_854 = vector.shape_cast %parallel_loop3A_853 : vector<1x16xf32> to vector<16xf32>
        %parallel_loop3A_855 = arith.addf %parallel_loop3A_850, %parallel_loop3A_854 : vector<16xf32>
        %parallel_loop3A_856 = arith.index_cast %and3A_89 : i32 to index
        %parallel_loop3A_857 = arith.index_cast %parallel_loop3A_324 : i32 to index
        %parallel_loop3A_858 = arith.constant 432 : index
        %parallel_loop3A_859 = tpu.vector_load %arg15[%parallel_loop3A_856, %parallel_loop3A_857, %parallel_loop3A_858] {strides = array<i32>} : memref<2x16x512xf32, #tpu.memory_space<vmem>>, vector<1x1x16xf32>,
        %parallel_loop3A_860 = vector.shape_cast %parallel_loop3A_859 : vector<1x1x16xf32> to vector<16xf32>
        %parallel_loop3A_861 = vector.shape_cast %parallel_loop3A_855 : vector<16xf32> to vector<1x1x16xf32>
        tpu.vector_store %arg15[%parallel_loop3A_856, %parallel_loop3A_857, %parallel_loop3A_858], %parallel_loop3A_861 {strides = array<i32>} : memref<2x16x512xf32, #tpu.memory_space<vmem>>, vector<1x1x16xf32>,
        %parallel_loop3A_862 = arith.addf %parallel_loop3A_824, %parallel_loop3A_855 : vector<16xf32>
        %parallel_loop3A_863 = arith.mulf %parallel_loop3A_855, %parallel_loop3A_855 : vector<16xf32>
        %parallel_loop3A_864 = arith.addf %parallel_loop3A_826, %parallel_loop3A_863 : vector<16xf32>
        %parallel_loop3A_865 = arith.index_cast %and3A_89 : i32 to index
        %parallel_loop3A_866 = arith.index_cast %parallel_loop3A_324 : i32 to index
        %parallel_loop3A_867 = arith.constant 448 : index
        %parallel_loop3A_868 = tpu.vector_load %arg14[%parallel_loop3A_865, %parallel_loop3A_866, %parallel_loop3A_867] {strides = array<i32>} : memref<2x16x512xf32, #tpu.memory_space<vmem>>, vector<1x1x16xf32>,
        %parallel_loop3A_869 = vector.shape_cast %parallel_loop3A_868 : vector<1x1x16xf32> to vector<16xf32>
        %parallel_loop3A_870 = arith.index_cast %parallel_loop3A_324 : i32 to index
        %parallel_loop3A_871 = arith.constant 448 : index
        %parallel_loop3A_872 = tpu.vector_load %arg9[%parallel_loop3A_870, %parallel_loop3A_871] {strides = array<i32>} : memref<16x512xf32, #tpu.memory_space<vmem>>, vector<1x16xf32>,
        %parallel_loop3A_873 = vector.shape_cast %parallel_loop3A_872 : vector<1x16xf32> to vector<16xf32>
        %parallel_loop3A_874 = arith.addf %parallel_loop3A_869, %parallel_loop3A_873 : vector<16xf32>
        %parallel_loop3A_875 = arith.index_cast %and3A_89 : i32 to index
        %parallel_loop3A_876 = arith.index_cast %parallel_loop3A_324 : i32 to index
        %parallel_loop3A_877 = arith.constant 448 : index
        %parallel_loop3A_878 = tpu.vector_load %arg15[%parallel_loop3A_875, %parallel_loop3A_876, %parallel_loop3A_877] {strides = array<i32>} : memref<2x16x512xf32, #tpu.memory_space<vmem>>, vector<1x1x16xf32>,
        %parallel_loop3A_879 = vector.shape_cast %parallel_loop3A_878 : vector<1x1x16xf32> to vector<16xf32>
        %parallel_loop3A_880 = vector.shape_cast %parallel_loop3A_874 : vector<16xf32> to vector<1x1x16xf32>
        tpu.vector_store %arg15[%parallel_loop3A_875, %parallel_loop3A_876, %parallel_loop3A_877], %parallel_loop3A_880 {strides = array<i32>} : memref<2x16x512xf32, #tpu.memory_space<vmem>>, vector<1x1x16xf32>,
        %parallel_loop3A_881 = arith.addf %parallel_loop3A_843, %parallel_loop3A_874 : vector<16xf32>
        %parallel_loop3A_882 = arith.mulf %parallel_loop3A_874, %parallel_loop3A_874 : vector<16xf32>
        %parallel_loop3A_883 = arith.addf %parallel_loop3A_845, %parallel_loop3A_882 : vector<16xf32>
        %parallel_loop3A_884 = arith.index_cast %and3A_89 : i32 to index
        %parallel_loop3A_885 = arith.index_cast %parallel_loop3A_324 : i32 to index
        %parallel_loop3A_886 = arith.constant 464 : index
        %parallel_loop3A_887 = tpu.vector_load %arg14[%parallel_loop3A_884, %parallel_loop3A_885, %parallel_loop3A_886] {strides = array<i32>} : memref<2x16x512xf32, #tpu.memory_space<vmem>>, vector<1x1x16xf32>,
        %parallel_loop3A_888 = vector.shape_cast %parallel_loop3A_887 : vector<1x1x16xf32> to vector<16xf32>
        %parallel_loop3A_889 = arith.index_cast %parallel_loop3A_324 : i32 to index
        %parallel_loop3A_890 = arith.constant 464 : index
        %parallel_loop3A_891 = tpu.vector_load %arg9[%parallel_loop3A_889, %parallel_loop3A_890] {strides = array<i32>} : memref<16x512xf32, #tpu.memory_space<vmem>>, vector<1x16xf32>,
        %parallel_loop3A_892 = vector.shape_cast %parallel_loop3A_891 : vector<1x16xf32> to vector<16xf32>
        %parallel_loop3A_893 = arith.addf %parallel_loop3A_888, %parallel_loop3A_892 : vector<16xf32>
        %parallel_loop3A_894 = arith.index_cast %and3A_89 : i32 to index
        %parallel_loop3A_895 = arith.index_cast %parallel_loop3A_324 : i32 to index
        %parallel_loop3A_896 = arith.constant 464 : index
        %parallel_loop3A_897 = tpu.vector_load %arg15[%parallel_loop3A_894, %parallel_loop3A_895, %parallel_loop3A_896] {strides = array<i32>} : memref<2x16x512xf32, #tpu.memory_space<vmem>>, vector<1x1x16xf32>,
        %parallel_loop3A_898 = vector.shape_cast %parallel_loop3A_897 : vector<1x1x16xf32> to vector<16xf32>
        %parallel_loop3A_899 = vector.shape_cast %parallel_loop3A_893 : vector<16xf32> to vector<1x1x16xf32>
        tpu.vector_store %arg15[%parallel_loop3A_894, %parallel_loop3A_895, %parallel_loop3A_896], %parallel_loop3A_899 {strides = array<i32>} : memref<2x16x512xf32, #tpu.memory_space<vmem>>, vector<1x1x16xf32>,
        %parallel_loop3A_900 = arith.addf %parallel_loop3A_862, %parallel_loop3A_893 : vector<16xf32>
        %parallel_loop3A_901 = arith.mulf %parallel_loop3A_893, %parallel_loop3A_893 : vector<16xf32>
        %parallel_loop3A_902 = arith.addf %parallel_loop3A_864, %parallel_loop3A_901 : vector<16xf32>
        %parallel_loop3A_903 = arith.index_cast %and3A_89 : i32 to index
        %parallel_loop3A_904 = arith.index_cast %parallel_loop3A_324 : i32 to index
        %parallel_loop3A_905 = arith.constant 480 : index
        %parallel_loop3A_906 = tpu.vector_load %arg14[%parallel_loop3A_903, %parallel_loop3A_904, %parallel_loop3A_905] {strides = array<i32>} : memref<2x16x512xf32, #tpu.memory_space<vmem>>, vector<1x1x16xf32>,
        %parallel_loop3A_907 = vector.shape_cast %parallel_loop3A_906 : vector<1x1x16xf32> to vector<16xf32>
        %parallel_loop3A_908 = arith.index_cast %parallel_loop3A_324 : i32 to index
        %parallel_loop3A_909 = arith.constant 480 : index
        %parallel_loop3A_910 = tpu.vector_load %arg9[%parallel_loop3A_908, %parallel_loop3A_909] {strides = array<i32>} : memref<16x512xf32, #tpu.memory_space<vmem>>, vector<1x16xf32>,
        %parallel_loop3A_911 = vector.shape_cast %parallel_loop3A_910 : vector<1x16xf32> to vector<16xf32>
        %parallel_loop3A_912 = arith.addf %parallel_loop3A_907, %parallel_loop3A_911 : vector<16xf32>
        %parallel_loop3A_913 = arith.index_cast %and3A_89 : i32 to index
        %parallel_loop3A_914 = arith.index_cast %parallel_loop3A_324 : i32 to index
        %parallel_loop3A_915 = arith.constant 480 : index
        %parallel_loop3A_916 = tpu.vector_load %arg15[%parallel_loop3A_913, %parallel_loop3A_914, %parallel_loop3A_915] {strides = array<i32>} : memref<2x16x512xf32, #tpu.memory_space<vmem>>, vector<1x1x16xf32>,
        %parallel_loop3A_917 = vector.shape_cast %parallel_loop3A_916 : vector<1x1x16xf32> to vector<16xf32>
        %parallel_loop3A_918 = vector.shape_cast %parallel_loop3A_912 : vector<16xf32> to vector<1x1x16xf32>
        tpu.vector_store %arg15[%parallel_loop3A_913, %parallel_loop3A_914, %parallel_loop3A_915], %parallel_loop3A_918 {strides = array<i32>} : memref<2x16x512xf32, #tpu.memory_space<vmem>>, vector<1x1x16xf32>,
        %parallel_loop3A_919 = arith.addf %parallel_loop3A_881, %parallel_loop3A_912 : vector<16xf32>
        %parallel_loop3A_920 = arith.mulf %parallel_loop3A_912, %parallel_loop3A_912 : vector<16xf32>
        %parallel_loop3A_921 = arith.addf %parallel_loop3A_883, %parallel_loop3A_920 : vector<16xf32>
        %parallel_loop3A_922 = arith.index_cast %and3A_89 : i32 to index
        %parallel_loop3A_923 = arith.index_cast %parallel_loop3A_324 : i32 to index
        %parallel_loop3A_924 = arith.constant 496 : index
        %parallel_loop3A_925 = tpu.vector_load %arg14[%parallel_loop3A_922, %parallel_loop3A_923, %parallel_loop3A_924] {strides = array<i32>} : memref<2x16x512xf32, #tpu.memory_space<vmem>>, vector<1x1x16xf32>,
        %parallel_loop3A_926 = vector.shape_cast %parallel_loop3A_925 : vector<1x1x16xf32> to vector<16xf32>
        %parallel_loop3A_927 = arith.index_cast %parallel_loop3A_324 : i32 to index
        %parallel_loop3A_928 = arith.constant 496 : index
        %parallel_loop3A_929 = tpu.vector_load %arg9[%parallel_loop3A_927, %parallel_loop3A_928] {strides = array<i32>} : memref<16x512xf32, #tpu.memory_space<vmem>>, vector<1x16xf32>,
        %parallel_loop3A_930 = vector.shape_cast %parallel_loop3A_929 : vector<1x16xf32> to vector<16xf32>
        %parallel_loop3A_931 = arith.addf %parallel_loop3A_926, %parallel_loop3A_930 : vector<16xf32>
        %parallel_loop3A_932 = arith.index_cast %and3A_89 : i32 to index
        %parallel_loop3A_933 = arith.index_cast %parallel_loop3A_324 : i32 to index
        %parallel_loop3A_934 = arith.constant 496 : index
        %parallel_loop3A_935 = tpu.vector_load %arg15[%parallel_loop3A_932, %parallel_loop3A_933, %parallel_loop3A_934] {strides = array<i32>} : memref<2x16x512xf32, #tpu.memory_space<vmem>>, vector<1x1x16xf32>,
        %parallel_loop3A_936 = vector.shape_cast %parallel_loop3A_935 : vector<1x1x16xf32> to vector<16xf32>
        %parallel_loop3A_937 = vector.shape_cast %parallel_loop3A_931 : vector<16xf32> to vector<1x1x16xf32>
        tpu.vector_store %arg15[%parallel_loop3A_932, %parallel_loop3A_933, %parallel_loop3A_934], %parallel_loop3A_937 {strides = array<i32>} : memref<2x16x512xf32, #tpu.memory_space<vmem>>, vector<1x1x16xf32>,
        %parallel_loop3A_938 = arith.addf %parallel_loop3A_900, %parallel_loop3A_931 : vector<16xf32>
        %parallel_loop3A_939 = arith.mulf %parallel_loop3A_931, %parallel_loop3A_931 : vector<16xf32>
        %parallel_loop3A_940 = arith.addf %parallel_loop3A_902, %parallel_loop3A_939 : vector<16xf32>
        %parallel_loop3A_941 = arith.addf %parallel_loop3A_919, %parallel_loop3A_938 : vector<16xf32>
        %parallel_loop3A_942 = arith.addf %parallel_loop3A_921, %parallel_loop3A_940 : vector<16xf32>
        %parallel_loop3A_943 = vector.shape_cast %xor3A_33 : vector<16xi32> to vector<16x1xi32>
        %parallel_loop3A_944 = vector.shape_cast %parallel_loop3A_943 : vector<16x1xi32> to vector<16xi32>
        %parallel_loop3A_945 = tpu.dynamic_gather %parallel_loop3A_941[%parallel_loop3A_944] in [0] : vector<16xf32>, vector<16xi32> -> vector<16xf32>
        %parallel_loop3A_946 = arith.addf %parallel_loop3A_941, %parallel_loop3A_945 : vector<16xf32>
        %parallel_loop3A_947 = vector.shape_cast %xor3A_36 : vector<16xi32> to vector<16x1xi32>
        %parallel_loop3A_948 = vector.shape_cast %parallel_loop3A_947 : vector<16x1xi32> to vector<16xi32>
        %parallel_loop3A_949 = tpu.dynamic_gather %parallel_loop3A_946[%parallel_loop3A_948] in [0] : vector<16xf32>, vector<16xi32> -> vector<16xf32>
        %parallel_loop3A_950 = arith.addf %parallel_loop3A_946, %parallel_loop3A_949 : vector<16xf32>
        %parallel_loop3A_951 = vector.shape_cast %xor3A_39 : vector<16xi32> to vector<16x1xi32>
        %parallel_loop3A_952 = vector.shape_cast %parallel_loop3A_951 : vector<16x1xi32> to vector<16xi32>
        %parallel_loop3A_953 = tpu.dynamic_gather %parallel_loop3A_950[%parallel_loop3A_952] in [0] : vector<16xf32>, vector<16xi32> -> vector<16xf32>
        %parallel_loop3A_954 = arith.addf %parallel_loop3A_950, %parallel_loop3A_953 : vector<16xf32>
        %parallel_loop3A_955 = vector.shape_cast %xor3A_42 : vector<16xi32> to vector<16x1xi32>
        %parallel_loop3A_956 = vector.shape_cast %parallel_loop3A_955 : vector<16x1xi32> to vector<16xi32>
        %parallel_loop3A_957 = tpu.dynamic_gather %parallel_loop3A_954[%parallel_loop3A_956] in [0] : vector<16xf32>, vector<16xi32> -> vector<16xf32>
        %parallel_loop3A_958 = arith.addf %parallel_loop3A_954, %parallel_loop3A_957 : vector<16xf32>
        %parallel_loop3A_959 = vector.broadcast %scan3A_43 : f32 to vector<16xf32>
        %parallel_loop3A_960 = arith.mulf %parallel_loop3A_958, %parallel_loop3A_959 : vector<16xf32>
        %parallel_loop3A_961 = vector.shape_cast %xor3A_33 : vector<16xi32> to vector<16x1xi32>
        %parallel_loop3A_962 = vector.shape_cast %parallel_loop3A_961 : vector<16x1xi32> to vector<16xi32>
        %parallel_loop3A_963 = tpu.dynamic_gather %parallel_loop3A_942[%parallel_loop3A_962] in [0] : vector<16xf32>, vector<16xi32> -> vector<16xf32>
        %parallel_loop3A_964 = arith.addf %parallel_loop3A_942, %parallel_loop3A_963 : vector<16xf32>
        %parallel_loop3A_965 = vector.shape_cast %xor3A_36 : vector<16xi32> to vector<16x1xi32>
        %parallel_loop3A_966 = vector.shape_cast %parallel_loop3A_965 : vector<16x1xi32> to vector<16xi32>
        %parallel_loop3A_967 = tpu.dynamic_gather %parallel_loop3A_964[%parallel_loop3A_966] in [0] : vector<16xf32>, vector<16xi32> -> vector<16xf32>
        %parallel_loop3A_968 = arith.addf %parallel_loop3A_964, %parallel_loop3A_967 : vector<16xf32>
        %parallel_loop3A_969 = vector.shape_cast %xor3A_39 : vector<16xi32> to vector<16x1xi32>
        %parallel_loop3A_970 = vector.shape_cast %parallel_loop3A_969 : vector<16x1xi32> to vector<16xi32>
        %parallel_loop3A_971 = tpu.dynamic_gather %parallel_loop3A_968[%parallel_loop3A_970] in [0] : vector<16xf32>, vector<16xi32> -> vector<16xf32>
        %parallel_loop3A_972 = arith.addf %parallel_loop3A_968, %parallel_loop3A_971 : vector<16xf32>
        %parallel_loop3A_973 = vector.shape_cast %xor3A_42 : vector<16xi32> to vector<16x1xi32>
        %parallel_loop3A_974 = vector.shape_cast %parallel_loop3A_973 : vector<16x1xi32> to vector<16xi32>
        %parallel_loop3A_975 = tpu.dynamic_gather %parallel_loop3A_972[%parallel_loop3A_974] in [0] : vector<16xf32>, vector<16xi32> -> vector<16xf32>
        %parallel_loop3A_976 = arith.addf %parallel_loop3A_972, %parallel_loop3A_975 : vector<16xf32>
        %parallel_loop3A_977 = vector.broadcast %scan3A_43 : f32 to vector<16xf32>
        %parallel_loop3A_978 = arith.mulf %parallel_loop3A_976, %parallel_loop3A_977 : vector<16xf32>
        %parallel_loop3A_979 = arith.mulf %parallel_loop3A_960, %parallel_loop3A_960 : vector<16xf32>
        %parallel_loop3A_980 = arith.subf %parallel_loop3A_978, %parallel_loop3A_979 : vector<16xf32>
        %parallel_loop3A_981 = arith.constant 9.99999996E-13 : f32
        %parallel_loop3A_982 = vector.broadcast %parallel_loop3A_981 : f32 to vector<16xf32>
        %parallel_loop3A_983 = arith.addf %parallel_loop3A_980, %parallel_loop3A_982 : vector<16xf32>
        %parallel_loop3A_984 = tpu.bitcast %parallel_loop3A_983 : vector<16xf32> -> vector<16xi32>
        %parallel_loop3A_985 = arith.constant 1 : i32
        %parallel_loop3A_986 = vector.broadcast %parallel_loop3A_985 : i32 to vector<16xi32>
        %parallel_loop3A_987 = arith.shrsi %parallel_loop3A_984, %parallel_loop3A_986 : vector<16xi32>
        %parallel_loop3A_988 = arith.constant 1597463007 : i32
        %parallel_loop3A_989 = vector.broadcast %parallel_loop3A_988 : i32 to vector<16xi32>
        %parallel_loop3A_990 = arith.subi %parallel_loop3A_989, %parallel_loop3A_987 : vector<16xi32>
        %parallel_loop3A_991 = tpu.bitcast %parallel_loop3A_990 : vector<16xi32> -> vector<16xf32>
        %parallel_loop3A_992 = arith.constant 5.000000e-01 : f32
        %parallel_loop3A_993 = vector.broadcast %parallel_loop3A_992 : f32 to vector<16xf32>
        %parallel_loop3A_994 = arith.mulf %parallel_loop3A_983, %parallel_loop3A_993 : vector<16xf32>
        %parallel_loop3A_995 = arith.mulf %parallel_loop3A_994, %parallel_loop3A_991 : vector<16xf32>
        %parallel_loop3A_996 = arith.mulf %parallel_loop3A_995, %parallel_loop3A_991 : vector<16xf32>
        %parallel_loop3A_997 = arith.constant 1.500000e+00 : f32
        %parallel_loop3A_998 = vector.broadcast %parallel_loop3A_997 : f32 to vector<16xf32>
        %parallel_loop3A_999 = arith.subf %parallel_loop3A_998, %parallel_loop3A_996 : vector<16xf32>
        %parallel_loop3A_1000 = arith.mulf %parallel_loop3A_991, %parallel_loop3A_999 : vector<16xf32>
        %parallel_loop3A_1001 = arith.mulf %parallel_loop3A_994, %parallel_loop3A_1000 : vector<16xf32>
        %parallel_loop3A_1002 = arith.mulf %parallel_loop3A_1001, %parallel_loop3A_1000 : vector<16xf32>
        %parallel_loop3A_1003 = arith.constant 1.500000e+00 : f32
        %parallel_loop3A_1004 = vector.broadcast %parallel_loop3A_1003 : f32 to vector<16xf32>
        %parallel_loop3A_1005 = arith.subf %parallel_loop3A_1004, %parallel_loop3A_1002 : vector<16xf32>
        %parallel_loop3A_1006 = arith.mulf %parallel_loop3A_1000, %parallel_loop3A_1005 : vector<16xf32>
        %parallel_loop3A_1007 = arith.index_cast %parallel_loop3A_324 : i32 to index
        %parallel_loop3A_1008 = arith.constant 0 : index
        %parallel_loop3A_1009 = tpu.vector_load %arg12[%parallel_loop3A_1007, %parallel_loop3A_1008] {strides = array<i32>} : memref<16x16xf32, #tpu.memory_space<vmem>>, vector<1x16xf32>,
        %parallel_loop3A_1010 = vector.shape_cast %parallel_loop3A_1009 : vector<1x16xf32> to vector<16xf32>
        %parallel_loop3A_1011 = vector.shape_cast %parallel_loop3A_960 : vector<16xf32> to vector<1x16xf32>
        tpu.vector_store %arg12[%parallel_loop3A_1007, %parallel_loop3A_1008], %parallel_loop3A_1011 {strides = array<i32>} : memref<16x16xf32, #tpu.memory_space<vmem>>, vector<1x16xf32>,
        %parallel_loop3A_1012 = arith.index_cast %parallel_loop3A_324 : i32 to index
        %parallel_loop3A_1013 = arith.constant 0 : index
        %parallel_loop3A_1014 = tpu.vector_load %arg13[%parallel_loop3A_1012, %parallel_loop3A_1013] {strides = array<i32>} : memref<16x16xf32, #tpu.memory_space<vmem>>, vector<1x16xf32>,
        %parallel_loop3A_1015 = vector.shape_cast %parallel_loop3A_1014 : vector<1x16xf32> to vector<16xf32>
        %parallel_loop3A_1016 = vector.shape_cast %parallel_loop3A_1006 : vector<16xf32> to vector<1x16xf32>
        tpu.vector_store %arg13[%parallel_loop3A_1012, %parallel_loop3A_1013], %parallel_loop3A_1016 {strides = array<i32>} : memref<16x16xf32, #tpu.memory_space<vmem>>, vector<1x16xf32>,
      } {sc.loop_unroll_factor = 1 : i64, sc.parallel_access}
      %lt3A = arith.constant 62 : i32
      %lt3A_107 = arith.cmpi slt, %scan3A_87, %lt3A : i32
      %convert_element_type3A_108 = arith.extui %lt3A_107 : i1 to i32
      %cond3A_109 = arith.constant 0 : i32
      %cond3A_110 = arith.cmpi ne, %convert_element_type3A_108, %cond3A_109 : i32
      scf.if %cond3A_110 {
        %add3A_324 = arith.constant 2 : i32
        %add3A_325 = arith.addi %scan3A_87, %add3A_324 : i32
        %dma_start3A_326 = arith.constant 0 : i32
        %dma_start3A_327 = arith.constant 0 : i32
        %dma_start3A_328 = tpu.memref_slice %arg14[%and3A_89, %dma_start3A_326, %dma_start3A_327] : memref<2x16x512xf32, #tpu.memory_space<vmem>> -> memref<1x16x512xf32, #tpu.memory_space<vmem>>
        %dma_start3A_329 = tpu.memref_squeeze %dma_start3A_328 : memref<1x16x512xf32, #tpu.memory_space<vmem>> -> memref<16x512xf32, #tpu.memory_space<vmem>>
        %dma_start3A_330 = arith.constant 0 : i32
        %dma_start3A_331 = tpu.memref_slice %arg8[%add3A_325, %dma_start3A_330] : memref<64x16xi32, #tpu.memory_space<vmem>> -> memref<1x16xi32, #tpu.memory_space<vmem>>
        %dma_start3A_332 = tpu.memref_squeeze %dma_start3A_331 : memref<1x16xi32, #tpu.memory_space<vmem>> -> memref<16xi32, #tpu.memory_space<vmem>>
        %dma_start3A_333 = arith.constant 0 : i32
        %dma_start3A_334 = arith.constant 0 : i32
        %dma_start3A_335 = tpu.memref_slice %arg3[%dma_start3A_333, %dma_start3A_334] : memref<30522x512xf32, #tpu.memory_space<hbm>> -> memref<30522x512xf32, #tpu.memory_space<hbm>>
        %dma_start3A_336 = tpu.memref_slice %arg16[%and3A_89] : memref<2x!tpu.dma_semaphore, #tpu.memory_space<semaphore_mem>> -> memref<1x!tpu.dma_semaphore, #tpu.memory_space<semaphore_mem>>
        %dma_start3A_337 = tpu.memref_squeeze %dma_start3A_336 : memref<1x!tpu.dma_semaphore, #tpu.memory_space<semaphore_mem>> -> memref<!tpu.dma_semaphore, #tpu.memory_space<semaphore_mem>>
        tpu.enqueue_indirect_dma source(%dma_start3A_335 : memref<30522x512xf32, #tpu.memory_space<hbm>>) target(%dma_start3A_329 : memref<16x512xf32, #tpu.memory_space<vmem>>) offsets(%dma_start3A_332 : memref<16xi32, #tpu.memory_space<vmem>>) semaphore(%dma_start3A_337 : memref<!tpu.dma_semaphore, #tpu.memory_space<semaphore_mem>>)
      } else {
      }
      %get3A = arith.constant 0 : index
      %get3A_111 = tpu.vector_load %arg10[%get3A] {strides = array<i32>} : memref<512xf32, #tpu.memory_space<vmem>>, vector<16xf32>,
      %get3A_112 = vector.shape_cast %get3A_111 : vector<16xf32> to vector<16xf32>
      %get3A_113 = arith.constant 16 : index
      %get3A_114 = tpu.vector_load %arg10[%get3A_113] {strides = array<i32>} : memref<512xf32, #tpu.memory_space<vmem>>, vector<16xf32>,
      %get3A_115 = vector.shape_cast %get3A_114 : vector<16xf32> to vector<16xf32>
      %get3A_116 = arith.constant 32 : index
      %get3A_117 = tpu.vector_load %arg10[%get3A_116] {strides = array<i32>} : memref<512xf32, #tpu.memory_space<vmem>>, vector<16xf32>,
      %get3A_118 = vector.shape_cast %get3A_117 : vector<16xf32> to vector<16xf32>
      %get3A_119 = arith.constant 48 : index
      %get3A_120 = tpu.vector_load %arg10[%get3A_119] {strides = array<i32>} : memref<512xf32, #tpu.memory_space<vmem>>, vector<16xf32>,
      %get3A_121 = vector.shape_cast %get3A_120 : vector<16xf32> to vector<16xf32>
      %get3A_122 = arith.constant 64 : index
      %get3A_123 = tpu.vector_load %arg10[%get3A_122] {strides = array<i32>} : memref<512xf32, #tpu.memory_space<vmem>>, vector<16xf32>,
      %get3A_124 = vector.shape_cast %get3A_123 : vector<16xf32> to vector<16xf32>
      %get3A_125 = arith.constant 80 : index
      %get3A_126 = tpu.vector_load %arg10[%get3A_125] {strides = array<i32>} : memref<512xf32, #tpu.memory_space<vmem>>, vector<16xf32>,
      %get3A_127 = vector.shape_cast %get3A_126 : vector<16xf32> to vector<16xf32>
      %get3A_128 = arith.constant 96 : index
      %get3A_129 = tpu.vector_load %arg10[%get3A_128] {strides = array<i32>} : memref<512xf32, #tpu.memory_space<vmem>>, vector<16xf32>,
      %get3A_130 = vector.shape_cast %get3A_129 : vector<16xf32> to vector<16xf32>
      %get3A_131 = arith.constant 112 : index
      %get3A_132 = tpu.vector_load %arg10[%get3A_131] {strides = array<i32>} : memref<512xf32, #tpu.memory_space<vmem>>, vector<16xf32>,
      %get3A_133 = vector.shape_cast %get3A_132 : vector<16xf32> to vector<16xf32>
      %get3A_134 = arith.constant 128 : index
      %get3A_135 = tpu.vector_load %arg10[%get3A_134] {strides = array<i32>} : memref<512xf32, #tpu.memory_space<vmem>>, vector<16xf32>,
      %get3A_136 = vector.shape_cast %get3A_135 : vector<16xf32> to vector<16xf32>
      %get3A_137 = arith.constant 144 : index
      %get3A_138 = tpu.vector_load %arg10[%get3A_137] {strides = array<i32>} : memref<512xf32, #tpu.memory_space<vmem>>, vector<16xf32>,
      %get3A_139 = vector.shape_cast %get3A_138 : vector<16xf32> to vector<16xf32>
      %get3A_140 = arith.constant 160 : index
      %get3A_141 = tpu.vector_load %arg10[%get3A_140] {strides = array<i32>} : memref<512xf32, #tpu.memory_space<vmem>>, vector<16xf32>,
      %get3A_142 = vector.shape_cast %get3A_141 : vector<16xf32> to vector<16xf32>
      %get3A_143 = arith.constant 176 : index
      %get3A_144 = tpu.vector_load %arg10[%get3A_143] {strides = array<i32>} : memref<512xf32, #tpu.memory_space<vmem>>, vector<16xf32>,
      %get3A_145 = vector.shape_cast %get3A_144 : vector<16xf32> to vector<16xf32>
      %get3A_146 = arith.constant 192 : index
      %get3A_147 = tpu.vector_load %arg10[%get3A_146] {strides = array<i32>} : memref<512xf32, #tpu.memory_space<vmem>>, vector<16xf32>,
      %get3A_148 = vector.shape_cast %get3A_147 : vector<16xf32> to vector<16xf32>
      %get3A_149 = arith.constant 208 : index
      %get3A_150 = tpu.vector_load %arg10[%get3A_149] {strides = array<i32>} : memref<512xf32, #tpu.memory_space<vmem>>, vector<16xf32>,
      %get3A_151 = vector.shape_cast %get3A_150 : vector<16xf32> to vector<16xf32>
      %get3A_152 = arith.constant 224 : index
      %get3A_153 = tpu.vector_load %arg10[%get3A_152] {strides = array<i32>} : memref<512xf32, #tpu.memory_space<vmem>>, vector<16xf32>,
      %get3A_154 = vector.shape_cast %get3A_153 : vector<16xf32> to vector<16xf32>
      %get3A_155 = arith.constant 240 : index
      %get3A_156 = tpu.vector_load %arg10[%get3A_155] {strides = array<i32>} : memref<512xf32, #tpu.memory_space<vmem>>, vector<16xf32>,
      %get3A_157 = vector.shape_cast %get3A_156 : vector<16xf32> to vector<16xf32>
      %get3A_158 = arith.constant 0 : index
      %get3A_159 = tpu.vector_load %arg11[%get3A_158] {strides = array<i32>} : memref<512xf32, #tpu.memory_space<vmem>>, vector<16xf32>,
      %get3A_160 = vector.shape_cast %get3A_159 : vector<16xf32> to vector<16xf32>
      %get3A_161 = arith.constant 16 : index
      %get3A_162 = tpu.vector_load %arg11[%get3A_161] {strides = array<i32>} : memref<512xf32, #tpu.memory_space<vmem>>, vector<16xf32>,
      %get3A_163 = vector.shape_cast %get3A_162 : vector<16xf32> to vector<16xf32>
      %get3A_164 = arith.constant 32 : index
      %get3A_165 = tpu.vector_load %arg11[%get3A_164] {strides = array<i32>} : memref<512xf32, #tpu.memory_space<vmem>>, vector<16xf32>,
      %get3A_166 = vector.shape_cast %get3A_165 : vector<16xf32> to vector<16xf32>
      %get3A_167 = arith.constant 48 : index
      %get3A_168 = tpu.vector_load %arg11[%get3A_167] {strides = array<i32>} : memref<512xf32, #tpu.memory_space<vmem>>, vector<16xf32>,
      %get3A_169 = vector.shape_cast %get3A_168 : vector<16xf32> to vector<16xf32>
      %get3A_170 = arith.constant 64 : index
      %get3A_171 = tpu.vector_load %arg11[%get3A_170] {strides = array<i32>} : memref<512xf32, #tpu.memory_space<vmem>>, vector<16xf32>,
      %get3A_172 = vector.shape_cast %get3A_171 : vector<16xf32> to vector<16xf32>
      %get3A_173 = arith.constant 80 : index
      %get3A_174 = tpu.vector_load %arg11[%get3A_173] {strides = array<i32>} : memref<512xf32, #tpu.memory_space<vmem>>, vector<16xf32>,
      %get3A_175 = vector.shape_cast %get3A_174 : vector<16xf32> to vector<16xf32>
      %get3A_176 = arith.constant 96 : index
      %get3A_177 = tpu.vector_load %arg11[%get3A_176] {strides = array<i32>} : memref<512xf32, #tpu.memory_space<vmem>>, vector<16xf32>,
      %get3A_178 = vector.shape_cast %get3A_177 : vector<16xf32> to vector<16xf32>
      %get3A_179 = arith.constant 112 : index
      %get3A_180 = tpu.vector_load %arg11[%get3A_179] {strides = array<i32>} : memref<512xf32, #tpu.memory_space<vmem>>, vector<16xf32>,
      %get3A_181 = vector.shape_cast %get3A_180 : vector<16xf32> to vector<16xf32>
      %get3A_182 = arith.constant 128 : index
      %get3A_183 = tpu.vector_load %arg11[%get3A_182] {strides = array<i32>} : memref<512xf32, #tpu.memory_space<vmem>>, vector<16xf32>,
      %get3A_184 = vector.shape_cast %get3A_183 : vector<16xf32> to vector<16xf32>
      %get3A_185 = arith.constant 144 : index
      %get3A_186 = tpu.vector_load %arg11[%get3A_185] {strides = array<i32>} : memref<512xf32, #tpu.memory_space<vmem>>, vector<16xf32>,
      %get3A_187 = vector.shape_cast %get3A_186 : vector<16xf32> to vector<16xf32>
      %get3A_188 = arith.constant 160 : index
      %get3A_189 = tpu.vector_load %arg11[%get3A_188] {strides = array<i32>} : memref<512xf32, #tpu.memory_space<vmem>>, vector<16xf32>,
      %get3A_190 = vector.shape_cast %get3A_189 : vector<16xf32> to vector<16xf32>
      %get3A_191 = arith.constant 176 : index
      %get3A_192 = tpu.vector_load %arg11[%get3A_191] {strides = array<i32>} : memref<512xf32, #tpu.memory_space<vmem>>, vector<16xf32>,
      %get3A_193 = vector.shape_cast %get3A_192 : vector<16xf32> to vector<16xf32>
      %get3A_194 = arith.constant 192 : index
      %get3A_195 = tpu.vector_load %arg11[%get3A_194] {strides = array<i32>} : memref<512xf32, #tpu.memory_space<vmem>>, vector<16xf32>,
      %get3A_196 = vector.shape_cast %get3A_195 : vector<16xf32> to vector<16xf32>
      %get3A_197 = arith.constant 208 : index
      %get3A_198 = tpu.vector_load %arg11[%get3A_197] {strides = array<i32>} : memref<512xf32, #tpu.memory_space<vmem>>, vector<16xf32>,
      %get3A_199 = vector.shape_cast %get3A_198 : vector<16xf32> to vector<16xf32>
      %get3A_200 = arith.constant 224 : index
      %get3A_201 = tpu.vector_load %arg11[%get3A_200] {strides = array<i32>} : memref<512xf32, #tpu.memory_space<vmem>>, vector<16xf32>,
      %get3A_202 = vector.shape_cast %get3A_201 : vector<16xf32> to vector<16xf32>
      %get3A_203 = arith.constant 240 : index
      %get3A_204 = tpu.vector_load %arg11[%get3A_203] {strides = array<i32>} : memref<512xf32, #tpu.memory_space<vmem>>, vector<16xf32>,
      %get3A_205 = vector.shape_cast %get3A_204 : vector<16xf32> to vector<16xf32>
      %parallel_loop3A_206 = arith.constant 0 : i32
      %parallel_loop3A_207 = arith.constant 16 : i32
      %parallel_loop3A_208 = arith.constant 1 : i32
      scf.for %parallel_loop3A_324 = %parallel_loop3A_206 to %parallel_loop3A_207 step %parallel_loop3A_208  : i32 {
        %parallel_loop3A_325 = arith.index_cast %parallel_loop3A_324 : i32 to index
        %parallel_loop3A_326 = arith.constant 0 : index
        %parallel_loop3A_327 = tpu.vector_load %arg12[%parallel_loop3A_325, %parallel_loop3A_326] {strides = array<i32>} : memref<16x16xf32, #tpu.memory_space<vmem>>, vector<1x16xf32>,
        %parallel_loop3A_328 = vector.shape_cast %parallel_loop3A_327 : vector<1x16xf32> to vector<16xf32>
        %parallel_loop3A_329 = arith.index_cast %parallel_loop3A_324 : i32 to index
        %parallel_loop3A_330 = arith.constant 0 : index
        %parallel_loop3A_331 = tpu.vector_load %arg13[%parallel_loop3A_329, %parallel_loop3A_330] {strides = array<i32>} : memref<16x16xf32, #tpu.memory_space<vmem>>, vector<1x16xf32>,
        %parallel_loop3A_332 = vector.shape_cast %parallel_loop3A_331 : vector<1x16xf32> to vector<16xf32>
        %parallel_loop3A_333 = arith.index_cast %and3A_89 : i32 to index
        %parallel_loop3A_334 = arith.index_cast %parallel_loop3A_324 : i32 to index
        %parallel_loop3A_335 = arith.constant 0 : index
        %parallel_loop3A_336 = tpu.vector_load %arg15[%parallel_loop3A_333, %parallel_loop3A_334, %parallel_loop3A_335] {strides = array<i32>} : memref<2x16x512xf32, #tpu.memory_space<vmem>>, vector<1x1x16xf32>,
        %parallel_loop3A_337 = vector.shape_cast %parallel_loop3A_336 : vector<1x1x16xf32> to vector<16xf32>
        %parallel_loop3A_338 = arith.subf %parallel_loop3A_337, %parallel_loop3A_328 : vector<16xf32>
        %parallel_loop3A_339 = arith.mulf %parallel_loop3A_338, %parallel_loop3A_332 : vector<16xf32>
        %parallel_loop3A_340 = arith.mulf %parallel_loop3A_339, %get3A_112 : vector<16xf32>
        %parallel_loop3A_341 = arith.addf %parallel_loop3A_340, %get3A_160 : vector<16xf32>
        %parallel_loop3A_342 = arith.index_cast %and3A_89 : i32 to index
        %parallel_loop3A_343 = arith.index_cast %parallel_loop3A_324 : i32 to index
        %parallel_loop3A_344 = arith.constant 0 : index
        %parallel_loop3A_345 = tpu.vector_load %arg15[%parallel_loop3A_342, %parallel_loop3A_343, %parallel_loop3A_344] {strides = array<i32>} : memref<2x16x512xf32, #tpu.memory_space<vmem>>, vector<1x1x16xf32>,
        %parallel_loop3A_346 = vector.shape_cast %parallel_loop3A_345 : vector<1x1x16xf32> to vector<16xf32>
        %parallel_loop3A_347 = vector.shape_cast %parallel_loop3A_341 : vector<16xf32> to vector<1x1x16xf32>
        tpu.vector_store %arg15[%parallel_loop3A_342, %parallel_loop3A_343, %parallel_loop3A_344], %parallel_loop3A_347 {strides = array<i32>} : memref<2x16x512xf32, #tpu.memory_space<vmem>>, vector<1x1x16xf32>,
        %parallel_loop3A_348 = arith.index_cast %and3A_89 : i32 to index
        %parallel_loop3A_349 = arith.index_cast %parallel_loop3A_324 : i32 to index
        %parallel_loop3A_350 = arith.constant 16 : index
        %parallel_loop3A_351 = tpu.vector_load %arg15[%parallel_loop3A_348, %parallel_loop3A_349, %parallel_loop3A_350] {strides = array<i32>} : memref<2x16x512xf32, #tpu.memory_space<vmem>>, vector<1x1x16xf32>,
        %parallel_loop3A_352 = vector.shape_cast %parallel_loop3A_351 : vector<1x1x16xf32> to vector<16xf32>
        %parallel_loop3A_353 = arith.subf %parallel_loop3A_352, %parallel_loop3A_328 : vector<16xf32>
        %parallel_loop3A_354 = arith.mulf %parallel_loop3A_353, %parallel_loop3A_332 : vector<16xf32>
        %parallel_loop3A_355 = arith.mulf %parallel_loop3A_354, %get3A_115 : vector<16xf32>
        %parallel_loop3A_356 = arith.addf %parallel_loop3A_355, %get3A_163 : vector<16xf32>
        %parallel_loop3A_357 = arith.index_cast %and3A_89 : i32 to index
        %parallel_loop3A_358 = arith.index_cast %parallel_loop3A_324 : i32 to index
        %parallel_loop3A_359 = arith.constant 16 : index
        %parallel_loop3A_360 = tpu.vector_load %arg15[%parallel_loop3A_357, %parallel_loop3A_358, %parallel_loop3A_359] {strides = array<i32>} : memref<2x16x512xf32, #tpu.memory_space<vmem>>, vector<1x1x16xf32>,
        %parallel_loop3A_361 = vector.shape_cast %parallel_loop3A_360 : vector<1x1x16xf32> to vector<16xf32>
        %parallel_loop3A_362 = vector.shape_cast %parallel_loop3A_356 : vector<16xf32> to vector<1x1x16xf32>
        tpu.vector_store %arg15[%parallel_loop3A_357, %parallel_loop3A_358, %parallel_loop3A_359], %parallel_loop3A_362 {strides = array<i32>} : memref<2x16x512xf32, #tpu.memory_space<vmem>>, vector<1x1x16xf32>,
        %parallel_loop3A_363 = arith.index_cast %and3A_89 : i32 to index
        %parallel_loop3A_364 = arith.index_cast %parallel_loop3A_324 : i32 to index
        %parallel_loop3A_365 = arith.constant 32 : index
        %parallel_loop3A_366 = tpu.vector_load %arg15[%parallel_loop3A_363, %parallel_loop3A_364, %parallel_loop3A_365] {strides = array<i32>} : memref<2x16x512xf32, #tpu.memory_space<vmem>>, vector<1x1x16xf32>,
        %parallel_loop3A_367 = vector.shape_cast %parallel_loop3A_366 : vector<1x1x16xf32> to vector<16xf32>
        %parallel_loop3A_368 = arith.subf %parallel_loop3A_367, %parallel_loop3A_328 : vector<16xf32>
        %parallel_loop3A_369 = arith.mulf %parallel_loop3A_368, %parallel_loop3A_332 : vector<16xf32>
        %parallel_loop3A_370 = arith.mulf %parallel_loop3A_369, %get3A_118 : vector<16xf32>
        %parallel_loop3A_371 = arith.addf %parallel_loop3A_370, %get3A_166 : vector<16xf32>
        %parallel_loop3A_372 = arith.index_cast %and3A_89 : i32 to index
        %parallel_loop3A_373 = arith.index_cast %parallel_loop3A_324 : i32 to index
        %parallel_loop3A_374 = arith.constant 32 : index
        %parallel_loop3A_375 = tpu.vector_load %arg15[%parallel_loop3A_372, %parallel_loop3A_373, %parallel_loop3A_374] {strides = array<i32>} : memref<2x16x512xf32, #tpu.memory_space<vmem>>, vector<1x1x16xf32>,
        %parallel_loop3A_376 = vector.shape_cast %parallel_loop3A_375 : vector<1x1x16xf32> to vector<16xf32>
        %parallel_loop3A_377 = vector.shape_cast %parallel_loop3A_371 : vector<16xf32> to vector<1x1x16xf32>
        tpu.vector_store %arg15[%parallel_loop3A_372, %parallel_loop3A_373, %parallel_loop3A_374], %parallel_loop3A_377 {strides = array<i32>} : memref<2x16x512xf32, #tpu.memory_space<vmem>>, vector<1x1x16xf32>,
        %parallel_loop3A_378 = arith.index_cast %and3A_89 : i32 to index
        %parallel_loop3A_379 = arith.index_cast %parallel_loop3A_324 : i32 to index
        %parallel_loop3A_380 = arith.constant 48 : index
        %parallel_loop3A_381 = tpu.vector_load %arg15[%parallel_loop3A_378, %parallel_loop3A_379, %parallel_loop3A_380] {strides = array<i32>} : memref<2x16x512xf32, #tpu.memory_space<vmem>>, vector<1x1x16xf32>,
        %parallel_loop3A_382 = vector.shape_cast %parallel_loop3A_381 : vector<1x1x16xf32> to vector<16xf32>
        %parallel_loop3A_383 = arith.subf %parallel_loop3A_382, %parallel_loop3A_328 : vector<16xf32>
        %parallel_loop3A_384 = arith.mulf %parallel_loop3A_383, %parallel_loop3A_332 : vector<16xf32>
        %parallel_loop3A_385 = arith.mulf %parallel_loop3A_384, %get3A_121 : vector<16xf32>
        %parallel_loop3A_386 = arith.addf %parallel_loop3A_385, %get3A_169 : vector<16xf32>
        %parallel_loop3A_387 = arith.index_cast %and3A_89 : i32 to index
        %parallel_loop3A_388 = arith.index_cast %parallel_loop3A_324 : i32 to index
        %parallel_loop3A_389 = arith.constant 48 : index
        %parallel_loop3A_390 = tpu.vector_load %arg15[%parallel_loop3A_387, %parallel_loop3A_388, %parallel_loop3A_389] {strides = array<i32>} : memref<2x16x512xf32, #tpu.memory_space<vmem>>, vector<1x1x16xf32>,
        %parallel_loop3A_391 = vector.shape_cast %parallel_loop3A_390 : vector<1x1x16xf32> to vector<16xf32>
        %parallel_loop3A_392 = vector.shape_cast %parallel_loop3A_386 : vector<16xf32> to vector<1x1x16xf32>
        tpu.vector_store %arg15[%parallel_loop3A_387, %parallel_loop3A_388, %parallel_loop3A_389], %parallel_loop3A_392 {strides = array<i32>} : memref<2x16x512xf32, #tpu.memory_space<vmem>>, vector<1x1x16xf32>,
        %parallel_loop3A_393 = arith.index_cast %and3A_89 : i32 to index
        %parallel_loop3A_394 = arith.index_cast %parallel_loop3A_324 : i32 to index
        %parallel_loop3A_395 = arith.constant 64 : index
        %parallel_loop3A_396 = tpu.vector_load %arg15[%parallel_loop3A_393, %parallel_loop3A_394, %parallel_loop3A_395] {strides = array<i32>} : memref<2x16x512xf32, #tpu.memory_space<vmem>>, vector<1x1x16xf32>,
        %parallel_loop3A_397 = vector.shape_cast %parallel_loop3A_396 : vector<1x1x16xf32> to vector<16xf32>
        %parallel_loop3A_398 = arith.subf %parallel_loop3A_397, %parallel_loop3A_328 : vector<16xf32>
        %parallel_loop3A_399 = arith.mulf %parallel_loop3A_398, %parallel_loop3A_332 : vector<16xf32>
        %parallel_loop3A_400 = arith.mulf %parallel_loop3A_399, %get3A_124 : vector<16xf32>
        %parallel_loop3A_401 = arith.addf %parallel_loop3A_400, %get3A_172 : vector<16xf32>
        %parallel_loop3A_402 = arith.index_cast %and3A_89 : i32 to index
        %parallel_loop3A_403 = arith.index_cast %parallel_loop3A_324 : i32 to index
        %parallel_loop3A_404 = arith.constant 64 : index
        %parallel_loop3A_405 = tpu.vector_load %arg15[%parallel_loop3A_402, %parallel_loop3A_403, %parallel_loop3A_404] {strides = array<i32>} : memref<2x16x512xf32, #tpu.memory_space<vmem>>, vector<1x1x16xf32>,
        %parallel_loop3A_406 = vector.shape_cast %parallel_loop3A_405 : vector<1x1x16xf32> to vector<16xf32>
        %parallel_loop3A_407 = vector.shape_cast %parallel_loop3A_401 : vector<16xf32> to vector<1x1x16xf32>
        tpu.vector_store %arg15[%parallel_loop3A_402, %parallel_loop3A_403, %parallel_loop3A_404], %parallel_loop3A_407 {strides = array<i32>} : memref<2x16x512xf32, #tpu.memory_space<vmem>>, vector<1x1x16xf32>,
        %parallel_loop3A_408 = arith.index_cast %and3A_89 : i32 to index
        %parallel_loop3A_409 = arith.index_cast %parallel_loop3A_324 : i32 to index
        %parallel_loop3A_410 = arith.constant 80 : index
        %parallel_loop3A_411 = tpu.vector_load %arg15[%parallel_loop3A_408, %parallel_loop3A_409, %parallel_loop3A_410] {strides = array<i32>} : memref<2x16x512xf32, #tpu.memory_space<vmem>>, vector<1x1x16xf32>,
        %parallel_loop3A_412 = vector.shape_cast %parallel_loop3A_411 : vector<1x1x16xf32> to vector<16xf32>
        %parallel_loop3A_413 = arith.subf %parallel_loop3A_412, %parallel_loop3A_328 : vector<16xf32>
        %parallel_loop3A_414 = arith.mulf %parallel_loop3A_413, %parallel_loop3A_332 : vector<16xf32>
        %parallel_loop3A_415 = arith.mulf %parallel_loop3A_414, %get3A_127 : vector<16xf32>
        %parallel_loop3A_416 = arith.addf %parallel_loop3A_415, %get3A_175 : vector<16xf32>
        %parallel_loop3A_417 = arith.index_cast %and3A_89 : i32 to index
        %parallel_loop3A_418 = arith.index_cast %parallel_loop3A_324 : i32 to index
        %parallel_loop3A_419 = arith.constant 80 : index
        %parallel_loop3A_420 = tpu.vector_load %arg15[%parallel_loop3A_417, %parallel_loop3A_418, %parallel_loop3A_419] {strides = array<i32>} : memref<2x16x512xf32, #tpu.memory_space<vmem>>, vector<1x1x16xf32>,
        %parallel_loop3A_421 = vector.shape_cast %parallel_loop3A_420 : vector<1x1x16xf32> to vector<16xf32>
        %parallel_loop3A_422 = vector.shape_cast %parallel_loop3A_416 : vector<16xf32> to vector<1x1x16xf32>
        tpu.vector_store %arg15[%parallel_loop3A_417, %parallel_loop3A_418, %parallel_loop3A_419], %parallel_loop3A_422 {strides = array<i32>} : memref<2x16x512xf32, #tpu.memory_space<vmem>>, vector<1x1x16xf32>,
        %parallel_loop3A_423 = arith.index_cast %and3A_89 : i32 to index
        %parallel_loop3A_424 = arith.index_cast %parallel_loop3A_324 : i32 to index
        %parallel_loop3A_425 = arith.constant 96 : index
        %parallel_loop3A_426 = tpu.vector_load %arg15[%parallel_loop3A_423, %parallel_loop3A_424, %parallel_loop3A_425] {strides = array<i32>} : memref<2x16x512xf32, #tpu.memory_space<vmem>>, vector<1x1x16xf32>,
        %parallel_loop3A_427 = vector.shape_cast %parallel_loop3A_426 : vector<1x1x16xf32> to vector<16xf32>
        %parallel_loop3A_428 = arith.subf %parallel_loop3A_427, %parallel_loop3A_328 : vector<16xf32>
        %parallel_loop3A_429 = arith.mulf %parallel_loop3A_428, %parallel_loop3A_332 : vector<16xf32>
        %parallel_loop3A_430 = arith.mulf %parallel_loop3A_429, %get3A_130 : vector<16xf32>
        %parallel_loop3A_431 = arith.addf %parallel_loop3A_430, %get3A_178 : vector<16xf32>
        %parallel_loop3A_432 = arith.index_cast %and3A_89 : i32 to index
        %parallel_loop3A_433 = arith.index_cast %parallel_loop3A_324 : i32 to index
        %parallel_loop3A_434 = arith.constant 96 : index
        %parallel_loop3A_435 = tpu.vector_load %arg15[%parallel_loop3A_432, %parallel_loop3A_433, %parallel_loop3A_434] {strides = array<i32>} : memref<2x16x512xf32, #tpu.memory_space<vmem>>, vector<1x1x16xf32>,
        %parallel_loop3A_436 = vector.shape_cast %parallel_loop3A_435 : vector<1x1x16xf32> to vector<16xf32>
        %parallel_loop3A_437 = vector.shape_cast %parallel_loop3A_431 : vector<16xf32> to vector<1x1x16xf32>
        tpu.vector_store %arg15[%parallel_loop3A_432, %parallel_loop3A_433, %parallel_loop3A_434], %parallel_loop3A_437 {strides = array<i32>} : memref<2x16x512xf32, #tpu.memory_space<vmem>>, vector<1x1x16xf32>,
        %parallel_loop3A_438 = arith.index_cast %and3A_89 : i32 to index
        %parallel_loop3A_439 = arith.index_cast %parallel_loop3A_324 : i32 to index
        %parallel_loop3A_440 = arith.constant 112 : index
        %parallel_loop3A_441 = tpu.vector_load %arg15[%parallel_loop3A_438, %parallel_loop3A_439, %parallel_loop3A_440] {strides = array<i32>} : memref<2x16x512xf32, #tpu.memory_space<vmem>>, vector<1x1x16xf32>,
        %parallel_loop3A_442 = vector.shape_cast %parallel_loop3A_441 : vector<1x1x16xf32> to vector<16xf32>
        %parallel_loop3A_443 = arith.subf %parallel_loop3A_442, %parallel_loop3A_328 : vector<16xf32>
        %parallel_loop3A_444 = arith.mulf %parallel_loop3A_443, %parallel_loop3A_332 : vector<16xf32>
        %parallel_loop3A_445 = arith.mulf %parallel_loop3A_444, %get3A_133 : vector<16xf32>
        %parallel_loop3A_446 = arith.addf %parallel_loop3A_445, %get3A_181 : vector<16xf32>
        %parallel_loop3A_447 = arith.index_cast %and3A_89 : i32 to index
        %parallel_loop3A_448 = arith.index_cast %parallel_loop3A_324 : i32 to index
        %parallel_loop3A_449 = arith.constant 112 : index
        %parallel_loop3A_450 = tpu.vector_load %arg15[%parallel_loop3A_447, %parallel_loop3A_448, %parallel_loop3A_449] {strides = array<i32>} : memref<2x16x512xf32, #tpu.memory_space<vmem>>, vector<1x1x16xf32>,
        %parallel_loop3A_451 = vector.shape_cast %parallel_loop3A_450 : vector<1x1x16xf32> to vector<16xf32>
        %parallel_loop3A_452 = vector.shape_cast %parallel_loop3A_446 : vector<16xf32> to vector<1x1x16xf32>
        tpu.vector_store %arg15[%parallel_loop3A_447, %parallel_loop3A_448, %parallel_loop3A_449], %parallel_loop3A_452 {strides = array<i32>} : memref<2x16x512xf32, #tpu.memory_space<vmem>>, vector<1x1x16xf32>,
        %parallel_loop3A_453 = arith.index_cast %and3A_89 : i32 to index
        %parallel_loop3A_454 = arith.index_cast %parallel_loop3A_324 : i32 to index
        %parallel_loop3A_455 = arith.constant 128 : index
        %parallel_loop3A_456 = tpu.vector_load %arg15[%parallel_loop3A_453, %parallel_loop3A_454, %parallel_loop3A_455] {strides = array<i32>} : memref<2x16x512xf32, #tpu.memory_space<vmem>>, vector<1x1x16xf32>,
        %parallel_loop3A_457 = vector.shape_cast %parallel_loop3A_456 : vector<1x1x16xf32> to vector<16xf32>
        %parallel_loop3A_458 = arith.subf %parallel_loop3A_457, %parallel_loop3A_328 : vector<16xf32>
        %parallel_loop3A_459 = arith.mulf %parallel_loop3A_458, %parallel_loop3A_332 : vector<16xf32>
        %parallel_loop3A_460 = arith.mulf %parallel_loop3A_459, %get3A_136 : vector<16xf32>
        %parallel_loop3A_461 = arith.addf %parallel_loop3A_460, %get3A_184 : vector<16xf32>
        %parallel_loop3A_462 = arith.index_cast %and3A_89 : i32 to index
        %parallel_loop3A_463 = arith.index_cast %parallel_loop3A_324 : i32 to index
        %parallel_loop3A_464 = arith.constant 128 : index
        %parallel_loop3A_465 = tpu.vector_load %arg15[%parallel_loop3A_462, %parallel_loop3A_463, %parallel_loop3A_464] {strides = array<i32>} : memref<2x16x512xf32, #tpu.memory_space<vmem>>, vector<1x1x16xf32>,
        %parallel_loop3A_466 = vector.shape_cast %parallel_loop3A_465 : vector<1x1x16xf32> to vector<16xf32>
        %parallel_loop3A_467 = vector.shape_cast %parallel_loop3A_461 : vector<16xf32> to vector<1x1x16xf32>
        tpu.vector_store %arg15[%parallel_loop3A_462, %parallel_loop3A_463, %parallel_loop3A_464], %parallel_loop3A_467 {strides = array<i32>} : memref<2x16x512xf32, #tpu.memory_space<vmem>>, vector<1x1x16xf32>,
        %parallel_loop3A_468 = arith.index_cast %and3A_89 : i32 to index
        %parallel_loop3A_469 = arith.index_cast %parallel_loop3A_324 : i32 to index
        %parallel_loop3A_470 = arith.constant 144 : index
        %parallel_loop3A_471 = tpu.vector_load %arg15[%parallel_loop3A_468, %parallel_loop3A_469, %parallel_loop3A_470] {strides = array<i32>} : memref<2x16x512xf32, #tpu.memory_space<vmem>>, vector<1x1x16xf32>,
        %parallel_loop3A_472 = vector.shape_cast %parallel_loop3A_471 : vector<1x1x16xf32> to vector<16xf32>
        %parallel_loop3A_473 = arith.subf %parallel_loop3A_472, %parallel_loop3A_328 : vector<16xf32>
        %parallel_loop3A_474 = arith.mulf %parallel_loop3A_473, %parallel_loop3A_332 : vector<16xf32>
        %parallel_loop3A_475 = arith.mulf %parallel_loop3A_474, %get3A_139 : vector<16xf32>
        %parallel_loop3A_476 = arith.addf %parallel_loop3A_475, %get3A_187 : vector<16xf32>
        %parallel_loop3A_477 = arith.index_cast %and3A_89 : i32 to index
        %parallel_loop3A_478 = arith.index_cast %parallel_loop3A_324 : i32 to index
        %parallel_loop3A_479 = arith.constant 144 : index
        %parallel_loop3A_480 = tpu.vector_load %arg15[%parallel_loop3A_477, %parallel_loop3A_478, %parallel_loop3A_479] {strides = array<i32>} : memref<2x16x512xf32, #tpu.memory_space<vmem>>, vector<1x1x16xf32>,
        %parallel_loop3A_481 = vector.shape_cast %parallel_loop3A_480 : vector<1x1x16xf32> to vector<16xf32>
        %parallel_loop3A_482 = vector.shape_cast %parallel_loop3A_476 : vector<16xf32> to vector<1x1x16xf32>
        tpu.vector_store %arg15[%parallel_loop3A_477, %parallel_loop3A_478, %parallel_loop3A_479], %parallel_loop3A_482 {strides = array<i32>} : memref<2x16x512xf32, #tpu.memory_space<vmem>>, vector<1x1x16xf32>,
        %parallel_loop3A_483 = arith.index_cast %and3A_89 : i32 to index
        %parallel_loop3A_484 = arith.index_cast %parallel_loop3A_324 : i32 to index
        %parallel_loop3A_485 = arith.constant 160 : index
        %parallel_loop3A_486 = tpu.vector_load %arg15[%parallel_loop3A_483, %parallel_loop3A_484, %parallel_loop3A_485] {strides = array<i32>} : memref<2x16x512xf32, #tpu.memory_space<vmem>>, vector<1x1x16xf32>,
        %parallel_loop3A_487 = vector.shape_cast %parallel_loop3A_486 : vector<1x1x16xf32> to vector<16xf32>
        %parallel_loop3A_488 = arith.subf %parallel_loop3A_487, %parallel_loop3A_328 : vector<16xf32>
        %parallel_loop3A_489 = arith.mulf %parallel_loop3A_488, %parallel_loop3A_332 : vector<16xf32>
        %parallel_loop3A_490 = arith.mulf %parallel_loop3A_489, %get3A_142 : vector<16xf32>
        %parallel_loop3A_491 = arith.addf %parallel_loop3A_490, %get3A_190 : vector<16xf32>
        %parallel_loop3A_492 = arith.index_cast %and3A_89 : i32 to index
        %parallel_loop3A_493 = arith.index_cast %parallel_loop3A_324 : i32 to index
        %parallel_loop3A_494 = arith.constant 160 : index
        %parallel_loop3A_495 = tpu.vector_load %arg15[%parallel_loop3A_492, %parallel_loop3A_493, %parallel_loop3A_494] {strides = array<i32>} : memref<2x16x512xf32, #tpu.memory_space<vmem>>, vector<1x1x16xf32>,
        %parallel_loop3A_496 = vector.shape_cast %parallel_loop3A_495 : vector<1x1x16xf32> to vector<16xf32>
        %parallel_loop3A_497 = vector.shape_cast %parallel_loop3A_491 : vector<16xf32> to vector<1x1x16xf32>
        tpu.vector_store %arg15[%parallel_loop3A_492, %parallel_loop3A_493, %parallel_loop3A_494], %parallel_loop3A_497 {strides = array<i32>} : memref<2x16x512xf32, #tpu.memory_space<vmem>>, vector<1x1x16xf32>,
        %parallel_loop3A_498 = arith.index_cast %and3A_89 : i32 to index
        %parallel_loop3A_499 = arith.index_cast %parallel_loop3A_324 : i32 to index
        %parallel_loop3A_500 = arith.constant 176 : index
        %parallel_loop3A_501 = tpu.vector_load %arg15[%parallel_loop3A_498, %parallel_loop3A_499, %parallel_loop3A_500] {strides = array<i32>} : memref<2x16x512xf32, #tpu.memory_space<vmem>>, vector<1x1x16xf32>,
        %parallel_loop3A_502 = vector.shape_cast %parallel_loop3A_501 : vector<1x1x16xf32> to vector<16xf32>
        %parallel_loop3A_503 = arith.subf %parallel_loop3A_502, %parallel_loop3A_328 : vector<16xf32>
        %parallel_loop3A_504 = arith.mulf %parallel_loop3A_503, %parallel_loop3A_332 : vector<16xf32>
        %parallel_loop3A_505 = arith.mulf %parallel_loop3A_504, %get3A_145 : vector<16xf32>
        %parallel_loop3A_506 = arith.addf %parallel_loop3A_505, %get3A_193 : vector<16xf32>
        %parallel_loop3A_507 = arith.index_cast %and3A_89 : i32 to index
        %parallel_loop3A_508 = arith.index_cast %parallel_loop3A_324 : i32 to index
        %parallel_loop3A_509 = arith.constant 176 : index
        %parallel_loop3A_510 = tpu.vector_load %arg15[%parallel_loop3A_507, %parallel_loop3A_508, %parallel_loop3A_509] {strides = array<i32>} : memref<2x16x512xf32, #tpu.memory_space<vmem>>, vector<1x1x16xf32>,
        %parallel_loop3A_511 = vector.shape_cast %parallel_loop3A_510 : vector<1x1x16xf32> to vector<16xf32>
        %parallel_loop3A_512 = vector.shape_cast %parallel_loop3A_506 : vector<16xf32> to vector<1x1x16xf32>
        tpu.vector_store %arg15[%parallel_loop3A_507, %parallel_loop3A_508, %parallel_loop3A_509], %parallel_loop3A_512 {strides = array<i32>} : memref<2x16x512xf32, #tpu.memory_space<vmem>>, vector<1x1x16xf32>,
        %parallel_loop3A_513 = arith.index_cast %and3A_89 : i32 to index
        %parallel_loop3A_514 = arith.index_cast %parallel_loop3A_324 : i32 to index
        %parallel_loop3A_515 = arith.constant 192 : index
        %parallel_loop3A_516 = tpu.vector_load %arg15[%parallel_loop3A_513, %parallel_loop3A_514, %parallel_loop3A_515] {strides = array<i32>} : memref<2x16x512xf32, #tpu.memory_space<vmem>>, vector<1x1x16xf32>,
        %parallel_loop3A_517 = vector.shape_cast %parallel_loop3A_516 : vector<1x1x16xf32> to vector<16xf32>
        %parallel_loop3A_518 = arith.subf %parallel_loop3A_517, %parallel_loop3A_328 : vector<16xf32>
        %parallel_loop3A_519 = arith.mulf %parallel_loop3A_518, %parallel_loop3A_332 : vector<16xf32>
        %parallel_loop3A_520 = arith.mulf %parallel_loop3A_519, %get3A_148 : vector<16xf32>
        %parallel_loop3A_521 = arith.addf %parallel_loop3A_520, %get3A_196 : vector<16xf32>
        %parallel_loop3A_522 = arith.index_cast %and3A_89 : i32 to index
        %parallel_loop3A_523 = arith.index_cast %parallel_loop3A_324 : i32 to index
        %parallel_loop3A_524 = arith.constant 192 : index
        %parallel_loop3A_525 = tpu.vector_load %arg15[%parallel_loop3A_522, %parallel_loop3A_523, %parallel_loop3A_524] {strides = array<i32>} : memref<2x16x512xf32, #tpu.memory_space<vmem>>, vector<1x1x16xf32>,
        %parallel_loop3A_526 = vector.shape_cast %parallel_loop3A_525 : vector<1x1x16xf32> to vector<16xf32>
        %parallel_loop3A_527 = vector.shape_cast %parallel_loop3A_521 : vector<16xf32> to vector<1x1x16xf32>
        tpu.vector_store %arg15[%parallel_loop3A_522, %parallel_loop3A_523, %parallel_loop3A_524], %parallel_loop3A_527 {strides = array<i32>} : memref<2x16x512xf32, #tpu.memory_space<vmem>>, vector<1x1x16xf32>,
        %parallel_loop3A_528 = arith.index_cast %and3A_89 : i32 to index
        %parallel_loop3A_529 = arith.index_cast %parallel_loop3A_324 : i32 to index
        %parallel_loop3A_530 = arith.constant 208 : index
        %parallel_loop3A_531 = tpu.vector_load %arg15[%parallel_loop3A_528, %parallel_loop3A_529, %parallel_loop3A_530] {strides = array<i32>} : memref<2x16x512xf32, #tpu.memory_space<vmem>>, vector<1x1x16xf32>,
        %parallel_loop3A_532 = vector.shape_cast %parallel_loop3A_531 : vector<1x1x16xf32> to vector<16xf32>
        %parallel_loop3A_533 = arith.subf %parallel_loop3A_532, %parallel_loop3A_328 : vector<16xf32>
        %parallel_loop3A_534 = arith.mulf %parallel_loop3A_533, %parallel_loop3A_332 : vector<16xf32>
        %parallel_loop3A_535 = arith.mulf %parallel_loop3A_534, %get3A_151 : vector<16xf32>
        %parallel_loop3A_536 = arith.addf %parallel_loop3A_535, %get3A_199 : vector<16xf32>
        %parallel_loop3A_537 = arith.index_cast %and3A_89 : i32 to index
        %parallel_loop3A_538 = arith.index_cast %parallel_loop3A_324 : i32 to index
        %parallel_loop3A_539 = arith.constant 208 : index
        %parallel_loop3A_540 = tpu.vector_load %arg15[%parallel_loop3A_537, %parallel_loop3A_538, %parallel_loop3A_539] {strides = array<i32>} : memref<2x16x512xf32, #tpu.memory_space<vmem>>, vector<1x1x16xf32>,
        %parallel_loop3A_541 = vector.shape_cast %parallel_loop3A_540 : vector<1x1x16xf32> to vector<16xf32>
        %parallel_loop3A_542 = vector.shape_cast %parallel_loop3A_536 : vector<16xf32> to vector<1x1x16xf32>
        tpu.vector_store %arg15[%parallel_loop3A_537, %parallel_loop3A_538, %parallel_loop3A_539], %parallel_loop3A_542 {strides = array<i32>} : memref<2x16x512xf32, #tpu.memory_space<vmem>>, vector<1x1x16xf32>,
        %parallel_loop3A_543 = arith.index_cast %and3A_89 : i32 to index
        %parallel_loop3A_544 = arith.index_cast %parallel_loop3A_324 : i32 to index
        %parallel_loop3A_545 = arith.constant 224 : index
        %parallel_loop3A_546 = tpu.vector_load %arg15[%parallel_loop3A_543, %parallel_loop3A_544, %parallel_loop3A_545] {strides = array<i32>} : memref<2x16x512xf32, #tpu.memory_space<vmem>>, vector<1x1x16xf32>,
        %parallel_loop3A_547 = vector.shape_cast %parallel_loop3A_546 : vector<1x1x16xf32> to vector<16xf32>
        %parallel_loop3A_548 = arith.subf %parallel_loop3A_547, %parallel_loop3A_328 : vector<16xf32>
        %parallel_loop3A_549 = arith.mulf %parallel_loop3A_548, %parallel_loop3A_332 : vector<16xf32>
        %parallel_loop3A_550 = arith.mulf %parallel_loop3A_549, %get3A_154 : vector<16xf32>
        %parallel_loop3A_551 = arith.addf %parallel_loop3A_550, %get3A_202 : vector<16xf32>
        %parallel_loop3A_552 = arith.index_cast %and3A_89 : i32 to index
        %parallel_loop3A_553 = arith.index_cast %parallel_loop3A_324 : i32 to index
        %parallel_loop3A_554 = arith.constant 224 : index
        %parallel_loop3A_555 = tpu.vector_load %arg15[%parallel_loop3A_552, %parallel_loop3A_553, %parallel_loop3A_554] {strides = array<i32>} : memref<2x16x512xf32, #tpu.memory_space<vmem>>, vector<1x1x16xf32>,
        %parallel_loop3A_556 = vector.shape_cast %parallel_loop3A_555 : vector<1x1x16xf32> to vector<16xf32>
        %parallel_loop3A_557 = vector.shape_cast %parallel_loop3A_551 : vector<16xf32> to vector<1x1x16xf32>
        tpu.vector_store %arg15[%parallel_loop3A_552, %parallel_loop3A_553, %parallel_loop3A_554], %parallel_loop3A_557 {strides = array<i32>} : memref<2x16x512xf32, #tpu.memory_space<vmem>>, vector<1x1x16xf32>,
        %parallel_loop3A_558 = arith.index_cast %and3A_89 : i32 to index
        %parallel_loop3A_559 = arith.index_cast %parallel_loop3A_324 : i32 to index
        %parallel_loop3A_560 = arith.constant 240 : index
        %parallel_loop3A_561 = tpu.vector_load %arg15[%parallel_loop3A_558, %parallel_loop3A_559, %parallel_loop3A_560] {strides = array<i32>} : memref<2x16x512xf32, #tpu.memory_space<vmem>>, vector<1x1x16xf32>,
        %parallel_loop3A_562 = vector.shape_cast %parallel_loop3A_561 : vector<1x1x16xf32> to vector<16xf32>
        %parallel_loop3A_563 = arith.subf %parallel_loop3A_562, %parallel_loop3A_328 : vector<16xf32>
        %parallel_loop3A_564 = arith.mulf %parallel_loop3A_563, %parallel_loop3A_332 : vector<16xf32>
        %parallel_loop3A_565 = arith.mulf %parallel_loop3A_564, %get3A_157 : vector<16xf32>
        %parallel_loop3A_566 = arith.addf %parallel_loop3A_565, %get3A_205 : vector<16xf32>
        %parallel_loop3A_567 = arith.index_cast %and3A_89 : i32 to index
        %parallel_loop3A_568 = arith.index_cast %parallel_loop3A_324 : i32 to index
        %parallel_loop3A_569 = arith.constant 240 : index
        %parallel_loop3A_570 = tpu.vector_load %arg15[%parallel_loop3A_567, %parallel_loop3A_568, %parallel_loop3A_569] {strides = array<i32>} : memref<2x16x512xf32, #tpu.memory_space<vmem>>, vector<1x1x16xf32>,
        %parallel_loop3A_571 = vector.shape_cast %parallel_loop3A_570 : vector<1x1x16xf32> to vector<16xf32>
        %parallel_loop3A_572 = vector.shape_cast %parallel_loop3A_566 : vector<16xf32> to vector<1x1x16xf32>
        tpu.vector_store %arg15[%parallel_loop3A_567, %parallel_loop3A_568, %parallel_loop3A_569], %parallel_loop3A_572 {strides = array<i32>} : memref<2x16x512xf32, #tpu.memory_space<vmem>>, vector<1x1x16xf32>,
      } {sc.loop_unroll_factor = 1 : i64, sc.parallel_access}
      %get3A_209 = arith.constant 256 : index
      %get3A_210 = tpu.vector_load %arg10[%get3A_209] {strides = array<i32>} : memref<512xf32, #tpu.memory_space<vmem>>, vector<16xf32>,
      %get3A_211 = vector.shape_cast %get3A_210 : vector<16xf32> to vector<16xf32>
      %get3A_212 = arith.constant 272 : index
      %get3A_213 = tpu.vector_load %arg10[%get3A_212] {strides = array<i32>} : memref<512xf32, #tpu.memory_space<vmem>>, vector<16xf32>,
      %get3A_214 = vector.shape_cast %get3A_213 : vector<16xf32> to vector<16xf32>
      %get3A_215 = arith.constant 288 : index
      %get3A_216 = tpu.vector_load %arg10[%get3A_215] {strides = array<i32>} : memref<512xf32, #tpu.memory_space<vmem>>, vector<16xf32>,
      %get3A_217 = vector.shape_cast %get3A_216 : vector<16xf32> to vector<16xf32>
      %get3A_218 = arith.constant 304 : index
      %get3A_219 = tpu.vector_load %arg10[%get3A_218] {strides = array<i32>} : memref<512xf32, #tpu.memory_space<vmem>>, vector<16xf32>,
      %get3A_220 = vector.shape_cast %get3A_219 : vector<16xf32> to vector<16xf32>
      %get3A_221 = arith.constant 320 : index
      %get3A_222 = tpu.vector_load %arg10[%get3A_221] {strides = array<i32>} : memref<512xf32, #tpu.memory_space<vmem>>, vector<16xf32>,
      %get3A_223 = vector.shape_cast %get3A_222 : vector<16xf32> to vector<16xf32>
      %get3A_224 = arith.constant 336 : index
      %get3A_225 = tpu.vector_load %arg10[%get3A_224] {strides = array<i32>} : memref<512xf32, #tpu.memory_space<vmem>>, vector<16xf32>,
      %get3A_226 = vector.shape_cast %get3A_225 : vector<16xf32> to vector<16xf32>
      %get3A_227 = arith.constant 352 : index
      %get3A_228 = tpu.vector_load %arg10[%get3A_227] {strides = array<i32>} : memref<512xf32, #tpu.memory_space<vmem>>, vector<16xf32>,
      %get3A_229 = vector.shape_cast %get3A_228 : vector<16xf32> to vector<16xf32>
      %get3A_230 = arith.constant 368 : index
      %get3A_231 = tpu.vector_load %arg10[%get3A_230] {strides = array<i32>} : memref<512xf32, #tpu.memory_space<vmem>>, vector<16xf32>,
      %get3A_232 = vector.shape_cast %get3A_231 : vector<16xf32> to vector<16xf32>
      %get3A_233 = arith.constant 384 : index
      %get3A_234 = tpu.vector_load %arg10[%get3A_233] {strides = array<i32>} : memref<512xf32, #tpu.memory_space<vmem>>, vector<16xf32>,
      %get3A_235 = vector.shape_cast %get3A_234 : vector<16xf32> to vector<16xf32>
      %get3A_236 = arith.constant 400 : index
      %get3A_237 = tpu.vector_load %arg10[%get3A_236] {strides = array<i32>} : memref<512xf32, #tpu.memory_space<vmem>>, vector<16xf32>,
      %get3A_238 = vector.shape_cast %get3A_237 : vector<16xf32> to vector<16xf32>
      %get3A_239 = arith.constant 416 : index
      %get3A_240 = tpu.vector_load %arg10[%get3A_239] {strides = array<i32>} : memref<512xf32, #tpu.memory_space<vmem>>, vector<16xf32>,
      %get3A_241 = vector.shape_cast %get3A_240 : vector<16xf32> to vector<16xf32>
      %get3A_242 = arith.constant 432 : index
      %get3A_243 = tpu.vector_load %arg10[%get3A_242] {strides = array<i32>} : memref<512xf32, #tpu.memory_space<vmem>>, vector<16xf32>,
      %get3A_244 = vector.shape_cast %get3A_243 : vector<16xf32> to vector<16xf32>
      %get3A_245 = arith.constant 448 : index
      %get3A_246 = tpu.vector_load %arg10[%get3A_245] {strides = array<i32>} : memref<512xf32, #tpu.memory_space<vmem>>, vector<16xf32>,
      %get3A_247 = vector.shape_cast %get3A_246 : vector<16xf32> to vector<16xf32>
      %get3A_248 = arith.constant 464 : index
      %get3A_249 = tpu.vector_load %arg10[%get3A_248] {strides = array<i32>} : memref<512xf32, #tpu.memory_space<vmem>>, vector<16xf32>,
      %get3A_250 = vector.shape_cast %get3A_249 : vector<16xf32> to vector<16xf32>
      %get3A_251 = arith.constant 480 : index
      %get3A_252 = tpu.vector_load %arg10[%get3A_251] {strides = array<i32>} : memref<512xf32, #tpu.memory_space<vmem>>, vector<16xf32>,
      %get3A_253 = vector.shape_cast %get3A_252 : vector<16xf32> to vector<16xf32>
      %get3A_254 = arith.constant 496 : index
      %get3A_255 = tpu.vector_load %arg10[%get3A_254] {strides = array<i32>} : memref<512xf32, #tpu.memory_space<vmem>>, vector<16xf32>,
      %get3A_256 = vector.shape_cast %get3A_255 : vector<16xf32> to vector<16xf32>
      %get3A_257 = arith.constant 256 : index
      %get3A_258 = tpu.vector_load %arg11[%get3A_257] {strides = array<i32>} : memref<512xf32, #tpu.memory_space<vmem>>, vector<16xf32>,
      %get3A_259 = vector.shape_cast %get3A_258 : vector<16xf32> to vector<16xf32>
      %get3A_260 = arith.constant 272 : index
      %get3A_261 = tpu.vector_load %arg11[%get3A_260] {strides = array<i32>} : memref<512xf32, #tpu.memory_space<vmem>>, vector<16xf32>,
      %get3A_262 = vector.shape_cast %get3A_261 : vector<16xf32> to vector<16xf32>
      %get3A_263 = arith.constant 288 : index
      %get3A_264 = tpu.vector_load %arg11[%get3A_263] {strides = array<i32>} : memref<512xf32, #tpu.memory_space<vmem>>, vector<16xf32>,
      %get3A_265 = vector.shape_cast %get3A_264 : vector<16xf32> to vector<16xf32>
      %get3A_266 = arith.constant 304 : index
      %get3A_267 = tpu.vector_load %arg11[%get3A_266] {strides = array<i32>} : memref<512xf32, #tpu.memory_space<vmem>>, vector<16xf32>,
      %get3A_268 = vector.shape_cast %get3A_267 : vector<16xf32> to vector<16xf32>
      %get3A_269 = arith.constant 320 : index
      %get3A_270 = tpu.vector_load %arg11[%get3A_269] {strides = array<i32>} : memref<512xf32, #tpu.memory_space<vmem>>, vector<16xf32>,
      %get3A_271 = vector.shape_cast %get3A_270 : vector<16xf32> to vector<16xf32>
      %get3A_272 = arith.constant 336 : index
      %get3A_273 = tpu.vector_load %arg11[%get3A_272] {strides = array<i32>} : memref<512xf32, #tpu.memory_space<vmem>>, vector<16xf32>,
      %get3A_274 = vector.shape_cast %get3A_273 : vector<16xf32> to vector<16xf32>
      %get3A_275 = arith.constant 352 : index
      %get3A_276 = tpu.vector_load %arg11[%get3A_275] {strides = array<i32>} : memref<512xf32, #tpu.memory_space<vmem>>, vector<16xf32>,
      %get3A_277 = vector.shape_cast %get3A_276 : vector<16xf32> to vector<16xf32>
      %get3A_278 = arith.constant 368 : index
      %get3A_279 = tpu.vector_load %arg11[%get3A_278] {strides = array<i32>} : memref<512xf32, #tpu.memory_space<vmem>>, vector<16xf32>,
      %get3A_280 = vector.shape_cast %get3A_279 : vector<16xf32> to vector<16xf32>
      %get3A_281 = arith.constant 384 : index
      %get3A_282 = tpu.vector_load %arg11[%get3A_281] {strides = array<i32>} : memref<512xf32, #tpu.memory_space<vmem>>, vector<16xf32>,
      %get3A_283 = vector.shape_cast %get3A_282 : vector<16xf32> to vector<16xf32>
      %get3A_284 = arith.constant 400 : index
      %get3A_285 = tpu.vector_load %arg11[%get3A_284] {strides = array<i32>} : memref<512xf32, #tpu.memory_space<vmem>>, vector<16xf32>,
      %get3A_286 = vector.shape_cast %get3A_285 : vector<16xf32> to vector<16xf32>
      %get3A_287 = arith.constant 416 : index
      %get3A_288 = tpu.vector_load %arg11[%get3A_287] {strides = array<i32>} : memref<512xf32, #tpu.memory_space<vmem>>, vector<16xf32>,
      %get3A_289 = vector.shape_cast %get3A_288 : vector<16xf32> to vector<16xf32>
      %get3A_290 = arith.constant 432 : index
      %get3A_291 = tpu.vector_load %arg11[%get3A_290] {strides = array<i32>} : memref<512xf32, #tpu.memory_space<vmem>>, vector<16xf32>,
      %get3A_292 = vector.shape_cast %get3A_291 : vector<16xf32> to vector<16xf32>
      %get3A_293 = arith.constant 448 : index
      %get3A_294 = tpu.vector_load %arg11[%get3A_293] {strides = array<i32>} : memref<512xf32, #tpu.memory_space<vmem>>, vector<16xf32>,
      %get3A_295 = vector.shape_cast %get3A_294 : vector<16xf32> to vector<16xf32>
      %get3A_296 = arith.constant 464 : index
      %get3A_297 = tpu.vector_load %arg11[%get3A_296] {strides = array<i32>} : memref<512xf32, #tpu.memory_space<vmem>>, vector<16xf32>,
      %get3A_298 = vector.shape_cast %get3A_297 : vector<16xf32> to vector<16xf32>
      %get3A_299 = arith.constant 480 : index
      %get3A_300 = tpu.vector_load %arg11[%get3A_299] {strides = array<i32>} : memref<512xf32, #tpu.memory_space<vmem>>, vector<16xf32>,
      %get3A_301 = vector.shape_cast %get3A_300 : vector<16xf32> to vector<16xf32>
      %get3A_302 = arith.constant 496 : index
      %get3A_303 = tpu.vector_load %arg11[%get3A_302] {strides = array<i32>} : memref<512xf32, #tpu.memory_space<vmem>>, vector<16xf32>,
      %get3A_304 = vector.shape_cast %get3A_303 : vector<16xf32> to vector<16xf32>
      %parallel_loop3A_305 = arith.constant 0 : i32
      %parallel_loop3A_306 = arith.constant 16 : i32
      %parallel_loop3A_307 = arith.constant 1 : i32
      scf.for %parallel_loop3A_324 = %parallel_loop3A_305 to %parallel_loop3A_306 step %parallel_loop3A_307  : i32 {
        %parallel_loop3A_325 = arith.index_cast %parallel_loop3A_324 : i32 to index
        %parallel_loop3A_326 = arith.constant 0 : index
        %parallel_loop3A_327 = tpu.vector_load %arg12[%parallel_loop3A_325, %parallel_loop3A_326] {strides = array<i32>} : memref<16x16xf32, #tpu.memory_space<vmem>>, vector<1x16xf32>,
        %parallel_loop3A_328 = vector.shape_cast %parallel_loop3A_327 : vector<1x16xf32> to vector<16xf32>
        %parallel_loop3A_329 = arith.index_cast %parallel_loop3A_324 : i32 to index
        %parallel_loop3A_330 = arith.constant 0 : index
        %parallel_loop3A_331 = tpu.vector_load %arg13[%parallel_loop3A_329, %parallel_loop3A_330] {strides = array<i32>} : memref<16x16xf32, #tpu.memory_space<vmem>>, vector<1x16xf32>,
        %parallel_loop3A_332 = vector.shape_cast %parallel_loop3A_331 : vector<1x16xf32> to vector<16xf32>
        %parallel_loop3A_333 = arith.index_cast %and3A_89 : i32 to index
        %parallel_loop3A_334 = arith.index_cast %parallel_loop3A_324 : i32 to index
        %parallel_loop3A_335 = arith.constant 256 : index
        %parallel_loop3A_336 = tpu.vector_load %arg15[%parallel_loop3A_333, %parallel_loop3A_334, %parallel_loop3A_335] {strides = array<i32>} : memref<2x16x512xf32, #tpu.memory_space<vmem>>, vector<1x1x16xf32>,
        %parallel_loop3A_337 = vector.shape_cast %parallel_loop3A_336 : vector<1x1x16xf32> to vector<16xf32>
        %parallel_loop3A_338 = arith.subf %parallel_loop3A_337, %parallel_loop3A_328 : vector<16xf32>
        %parallel_loop3A_339 = arith.mulf %parallel_loop3A_338, %parallel_loop3A_332 : vector<16xf32>
        %parallel_loop3A_340 = arith.mulf %parallel_loop3A_339, %get3A_211 : vector<16xf32>
        %parallel_loop3A_341 = arith.addf %parallel_loop3A_340, %get3A_259 : vector<16xf32>
        %parallel_loop3A_342 = arith.index_cast %and3A_89 : i32 to index
        %parallel_loop3A_343 = arith.index_cast %parallel_loop3A_324 : i32 to index
        %parallel_loop3A_344 = arith.constant 256 : index
        %parallel_loop3A_345 = tpu.vector_load %arg15[%parallel_loop3A_342, %parallel_loop3A_343, %parallel_loop3A_344] {strides = array<i32>} : memref<2x16x512xf32, #tpu.memory_space<vmem>>, vector<1x1x16xf32>,
        %parallel_loop3A_346 = vector.shape_cast %parallel_loop3A_345 : vector<1x1x16xf32> to vector<16xf32>
        %parallel_loop3A_347 = vector.shape_cast %parallel_loop3A_341 : vector<16xf32> to vector<1x1x16xf32>
        tpu.vector_store %arg15[%parallel_loop3A_342, %parallel_loop3A_343, %parallel_loop3A_344], %parallel_loop3A_347 {strides = array<i32>} : memref<2x16x512xf32, #tpu.memory_space<vmem>>, vector<1x1x16xf32>,
        %parallel_loop3A_348 = arith.index_cast %and3A_89 : i32 to index
        %parallel_loop3A_349 = arith.index_cast %parallel_loop3A_324 : i32 to index
        %parallel_loop3A_350 = arith.constant 272 : index
        %parallel_loop3A_351 = tpu.vector_load %arg15[%parallel_loop3A_348, %parallel_loop3A_349, %parallel_loop3A_350] {strides = array<i32>} : memref<2x16x512xf32, #tpu.memory_space<vmem>>, vector<1x1x16xf32>,
        %parallel_loop3A_352 = vector.shape_cast %parallel_loop3A_351 : vector<1x1x16xf32> to vector<16xf32>
        %parallel_loop3A_353 = arith.subf %parallel_loop3A_352, %parallel_loop3A_328 : vector<16xf32>
        %parallel_loop3A_354 = arith.mulf %parallel_loop3A_353, %parallel_loop3A_332 : vector<16xf32>
        %parallel_loop3A_355 = arith.mulf %parallel_loop3A_354, %get3A_214 : vector<16xf32>
        %parallel_loop3A_356 = arith.addf %parallel_loop3A_355, %get3A_262 : vector<16xf32>
        %parallel_loop3A_357 = arith.index_cast %and3A_89 : i32 to index
        %parallel_loop3A_358 = arith.index_cast %parallel_loop3A_324 : i32 to index
        %parallel_loop3A_359 = arith.constant 272 : index
        %parallel_loop3A_360 = tpu.vector_load %arg15[%parallel_loop3A_357, %parallel_loop3A_358, %parallel_loop3A_359] {strides = array<i32>} : memref<2x16x512xf32, #tpu.memory_space<vmem>>, vector<1x1x16xf32>,
        %parallel_loop3A_361 = vector.shape_cast %parallel_loop3A_360 : vector<1x1x16xf32> to vector<16xf32>
        %parallel_loop3A_362 = vector.shape_cast %parallel_loop3A_356 : vector<16xf32> to vector<1x1x16xf32>
        tpu.vector_store %arg15[%parallel_loop3A_357, %parallel_loop3A_358, %parallel_loop3A_359], %parallel_loop3A_362 {strides = array<i32>} : memref<2x16x512xf32, #tpu.memory_space<vmem>>, vector<1x1x16xf32>,
        %parallel_loop3A_363 = arith.index_cast %and3A_89 : i32 to index
        %parallel_loop3A_364 = arith.index_cast %parallel_loop3A_324 : i32 to index
        %parallel_loop3A_365 = arith.constant 288 : index
        %parallel_loop3A_366 = tpu.vector_load %arg15[%parallel_loop3A_363, %parallel_loop3A_364, %parallel_loop3A_365] {strides = array<i32>} : memref<2x16x512xf32, #tpu.memory_space<vmem>>, vector<1x1x16xf32>,
        %parallel_loop3A_367 = vector.shape_cast %parallel_loop3A_366 : vector<1x1x16xf32> to vector<16xf32>
        %parallel_loop3A_368 = arith.subf %parallel_loop3A_367, %parallel_loop3A_328 : vector<16xf32>
        %parallel_loop3A_369 = arith.mulf %parallel_loop3A_368, %parallel_loop3A_332 : vector<16xf32>
        %parallel_loop3A_370 = arith.mulf %parallel_loop3A_369, %get3A_217 : vector<16xf32>
        %parallel_loop3A_371 = arith.addf %parallel_loop3A_370, %get3A_265 : vector<16xf32>
        %parallel_loop3A_372 = arith.index_cast %and3A_89 : i32 to index
        %parallel_loop3A_373 = arith.index_cast %parallel_loop3A_324 : i32 to index
        %parallel_loop3A_374 = arith.constant 288 : index
        %parallel_loop3A_375 = tpu.vector_load %arg15[%parallel_loop3A_372, %parallel_loop3A_373, %parallel_loop3A_374] {strides = array<i32>} : memref<2x16x512xf32, #tpu.memory_space<vmem>>, vector<1x1x16xf32>,
        %parallel_loop3A_376 = vector.shape_cast %parallel_loop3A_375 : vector<1x1x16xf32> to vector<16xf32>
        %parallel_loop3A_377 = vector.shape_cast %parallel_loop3A_371 : vector<16xf32> to vector<1x1x16xf32>
        tpu.vector_store %arg15[%parallel_loop3A_372, %parallel_loop3A_373, %parallel_loop3A_374], %parallel_loop3A_377 {strides = array<i32>} : memref<2x16x512xf32, #tpu.memory_space<vmem>>, vector<1x1x16xf32>,
        %parallel_loop3A_378 = arith.index_cast %and3A_89 : i32 to index
        %parallel_loop3A_379 = arith.index_cast %parallel_loop3A_324 : i32 to index
        %parallel_loop3A_380 = arith.constant 304 : index
        %parallel_loop3A_381 = tpu.vector_load %arg15[%parallel_loop3A_378, %parallel_loop3A_379, %parallel_loop3A_380] {strides = array<i32>} : memref<2x16x512xf32, #tpu.memory_space<vmem>>, vector<1x1x16xf32>,
        %parallel_loop3A_382 = vector.shape_cast %parallel_loop3A_381 : vector<1x1x16xf32> to vector<16xf32>
        %parallel_loop3A_383 = arith.subf %parallel_loop3A_382, %parallel_loop3A_328 : vector<16xf32>
        %parallel_loop3A_384 = arith.mulf %parallel_loop3A_383, %parallel_loop3A_332 : vector<16xf32>
        %parallel_loop3A_385 = arith.mulf %parallel_loop3A_384, %get3A_220 : vector<16xf32>
        %parallel_loop3A_386 = arith.addf %parallel_loop3A_385, %get3A_268 : vector<16xf32>
        %parallel_loop3A_387 = arith.index_cast %and3A_89 : i32 to index
        %parallel_loop3A_388 = arith.index_cast %parallel_loop3A_324 : i32 to index
        %parallel_loop3A_389 = arith.constant 304 : index
        %parallel_loop3A_390 = tpu.vector_load %arg15[%parallel_loop3A_387, %parallel_loop3A_388, %parallel_loop3A_389] {strides = array<i32>} : memref<2x16x512xf32, #tpu.memory_space<vmem>>, vector<1x1x16xf32>,
        %parallel_loop3A_391 = vector.shape_cast %parallel_loop3A_390 : vector<1x1x16xf32> to vector<16xf32>
        %parallel_loop3A_392 = vector.shape_cast %parallel_loop3A_386 : vector<16xf32> to vector<1x1x16xf32>
        tpu.vector_store %arg15[%parallel_loop3A_387, %parallel_loop3A_388, %parallel_loop3A_389], %parallel_loop3A_392 {strides = array<i32>} : memref<2x16x512xf32, #tpu.memory_space<vmem>>, vector<1x1x16xf32>,
        %parallel_loop3A_393 = arith.index_cast %and3A_89 : i32 to index
        %parallel_loop3A_394 = arith.index_cast %parallel_loop3A_324 : i32 to index
        %parallel_loop3A_395 = arith.constant 320 : index
        %parallel_loop3A_396 = tpu.vector_load %arg15[%parallel_loop3A_393, %parallel_loop3A_394, %parallel_loop3A_395] {strides = array<i32>} : memref<2x16x512xf32, #tpu.memory_space<vmem>>, vector<1x1x16xf32>,
        %parallel_loop3A_397 = vector.shape_cast %parallel_loop3A_396 : vector<1x1x16xf32> to vector<16xf32>
        %parallel_loop3A_398 = arith.subf %parallel_loop3A_397, %parallel_loop3A_328 : vector<16xf32>
        %parallel_loop3A_399 = arith.mulf %parallel_loop3A_398, %parallel_loop3A_332 : vector<16xf32>
        %parallel_loop3A_400 = arith.mulf %parallel_loop3A_399, %get3A_223 : vector<16xf32>
        %parallel_loop3A_401 = arith.addf %parallel_loop3A_400, %get3A_271 : vector<16xf32>
        %parallel_loop3A_402 = arith.index_cast %and3A_89 : i32 to index
        %parallel_loop3A_403 = arith.index_cast %parallel_loop3A_324 : i32 to index
        %parallel_loop3A_404 = arith.constant 320 : index
        %parallel_loop3A_405 = tpu.vector_load %arg15[%parallel_loop3A_402, %parallel_loop3A_403, %parallel_loop3A_404] {strides = array<i32>} : memref<2x16x512xf32, #tpu.memory_space<vmem>>, vector<1x1x16xf32>,
        %parallel_loop3A_406 = vector.shape_cast %parallel_loop3A_405 : vector<1x1x16xf32> to vector<16xf32>
        %parallel_loop3A_407 = vector.shape_cast %parallel_loop3A_401 : vector<16xf32> to vector<1x1x16xf32>
        tpu.vector_store %arg15[%parallel_loop3A_402, %parallel_loop3A_403, %parallel_loop3A_404], %parallel_loop3A_407 {strides = array<i32>} : memref<2x16x512xf32, #tpu.memory_space<vmem>>, vector<1x1x16xf32>,
        %parallel_loop3A_408 = arith.index_cast %and3A_89 : i32 to index
        %parallel_loop3A_409 = arith.index_cast %parallel_loop3A_324 : i32 to index
        %parallel_loop3A_410 = arith.constant 336 : index
        %parallel_loop3A_411 = tpu.vector_load %arg15[%parallel_loop3A_408, %parallel_loop3A_409, %parallel_loop3A_410] {strides = array<i32>} : memref<2x16x512xf32, #tpu.memory_space<vmem>>, vector<1x1x16xf32>,
        %parallel_loop3A_412 = vector.shape_cast %parallel_loop3A_411 : vector<1x1x16xf32> to vector<16xf32>
        %parallel_loop3A_413 = arith.subf %parallel_loop3A_412, %parallel_loop3A_328 : vector<16xf32>
        %parallel_loop3A_414 = arith.mulf %parallel_loop3A_413, %parallel_loop3A_332 : vector<16xf32>
        %parallel_loop3A_415 = arith.mulf %parallel_loop3A_414, %get3A_226 : vector<16xf32>
        %parallel_loop3A_416 = arith.addf %parallel_loop3A_415, %get3A_274 : vector<16xf32>
        %parallel_loop3A_417 = arith.index_cast %and3A_89 : i32 to index
        %parallel_loop3A_418 = arith.index_cast %parallel_loop3A_324 : i32 to index
        %parallel_loop3A_419 = arith.constant 336 : index
        %parallel_loop3A_420 = tpu.vector_load %arg15[%parallel_loop3A_417, %parallel_loop3A_418, %parallel_loop3A_419] {strides = array<i32>} : memref<2x16x512xf32, #tpu.memory_space<vmem>>, vector<1x1x16xf32>,
        %parallel_loop3A_421 = vector.shape_cast %parallel_loop3A_420 : vector<1x1x16xf32> to vector<16xf32>
        %parallel_loop3A_422 = vector.shape_cast %parallel_loop3A_416 : vector<16xf32> to vector<1x1x16xf32>
        tpu.vector_store %arg15[%parallel_loop3A_417, %parallel_loop3A_418, %parallel_loop3A_419], %parallel_loop3A_422 {strides = array<i32>} : memref<2x16x512xf32, #tpu.memory_space<vmem>>, vector<1x1x16xf32>,
        %parallel_loop3A_423 = arith.index_cast %and3A_89 : i32 to index
        %parallel_loop3A_424 = arith.index_cast %parallel_loop3A_324 : i32 to index
        %parallel_loop3A_425 = arith.constant 352 : index
        %parallel_loop3A_426 = tpu.vector_load %arg15[%parallel_loop3A_423, %parallel_loop3A_424, %parallel_loop3A_425] {strides = array<i32>} : memref<2x16x512xf32, #tpu.memory_space<vmem>>, vector<1x1x16xf32>,
        %parallel_loop3A_427 = vector.shape_cast %parallel_loop3A_426 : vector<1x1x16xf32> to vector<16xf32>
        %parallel_loop3A_428 = arith.subf %parallel_loop3A_427, %parallel_loop3A_328 : vector<16xf32>
        %parallel_loop3A_429 = arith.mulf %parallel_loop3A_428, %parallel_loop3A_332 : vector<16xf32>
        %parallel_loop3A_430 = arith.mulf %parallel_loop3A_429, %get3A_229 : vector<16xf32>
        %parallel_loop3A_431 = arith.addf %parallel_loop3A_430, %get3A_277 : vector<16xf32>
        %parallel_loop3A_432 = arith.index_cast %and3A_89 : i32 to index
        %parallel_loop3A_433 = arith.index_cast %parallel_loop3A_324 : i32 to index
        %parallel_loop3A_434 = arith.constant 352 : index
        %parallel_loop3A_435 = tpu.vector_load %arg15[%parallel_loop3A_432, %parallel_loop3A_433, %parallel_loop3A_434] {strides = array<i32>} : memref<2x16x512xf32, #tpu.memory_space<vmem>>, vector<1x1x16xf32>,
        %parallel_loop3A_436 = vector.shape_cast %parallel_loop3A_435 : vector<1x1x16xf32> to vector<16xf32>
        %parallel_loop3A_437 = vector.shape_cast %parallel_loop3A_431 : vector<16xf32> to vector<1x1x16xf32>
        tpu.vector_store %arg15[%parallel_loop3A_432, %parallel_loop3A_433, %parallel_loop3A_434], %parallel_loop3A_437 {strides = array<i32>} : memref<2x16x512xf32, #tpu.memory_space<vmem>>, vector<1x1x16xf32>,
        %parallel_loop3A_438 = arith.index_cast %and3A_89 : i32 to index
        %parallel_loop3A_439 = arith.index_cast %parallel_loop3A_324 : i32 to index
        %parallel_loop3A_440 = arith.constant 368 : index
        %parallel_loop3A_441 = tpu.vector_load %arg15[%parallel_loop3A_438, %parallel_loop3A_439, %parallel_loop3A_440] {strides = array<i32>} : memref<2x16x512xf32, #tpu.memory_space<vmem>>, vector<1x1x16xf32>,
        %parallel_loop3A_442 = vector.shape_cast %parallel_loop3A_441 : vector<1x1x16xf32> to vector<16xf32>
        %parallel_loop3A_443 = arith.subf %parallel_loop3A_442, %parallel_loop3A_328 : vector<16xf32>
        %parallel_loop3A_444 = arith.mulf %parallel_loop3A_443, %parallel_loop3A_332 : vector<16xf32>
        %parallel_loop3A_445 = arith.mulf %parallel_loop3A_444, %get3A_232 : vector<16xf32>
        %parallel_loop3A_446 = arith.addf %parallel_loop3A_445, %get3A_280 : vector<16xf32>
        %parallel_loop3A_447 = arith.index_cast %and3A_89 : i32 to index
        %parallel_loop3A_448 = arith.index_cast %parallel_loop3A_324 : i32 to index
        %parallel_loop3A_449 = arith.constant 368 : index
        %parallel_loop3A_450 = tpu.vector_load %arg15[%parallel_loop3A_447, %parallel_loop3A_448, %parallel_loop3A_449] {strides = array<i32>} : memref<2x16x512xf32, #tpu.memory_space<vmem>>, vector<1x1x16xf32>,
        %parallel_loop3A_451 = vector.shape_cast %parallel_loop3A_450 : vector<1x1x16xf32> to vector<16xf32>
        %parallel_loop3A_452 = vector.shape_cast %parallel_loop3A_446 : vector<16xf32> to vector<1x1x16xf32>
        tpu.vector_store %arg15[%parallel_loop3A_447, %parallel_loop3A_448, %parallel_loop3A_449], %parallel_loop3A_452 {strides = array<i32>} : memref<2x16x512xf32, #tpu.memory_space<vmem>>, vector<1x1x16xf32>,
        %parallel_loop3A_453 = arith.index_cast %and3A_89 : i32 to index
        %parallel_loop3A_454 = arith.index_cast %parallel_loop3A_324 : i32 to index
        %parallel_loop3A_455 = arith.constant 384 : index
        %parallel_loop3A_456 = tpu.vector_load %arg15[%parallel_loop3A_453, %parallel_loop3A_454, %parallel_loop3A_455] {strides = array<i32>} : memref<2x16x512xf32, #tpu.memory_space<vmem>>, vector<1x1x16xf32>,
        %parallel_loop3A_457 = vector.shape_cast %parallel_loop3A_456 : vector<1x1x16xf32> to vector<16xf32>
        %parallel_loop3A_458 = arith.subf %parallel_loop3A_457, %parallel_loop3A_328 : vector<16xf32>
        %parallel_loop3A_459 = arith.mulf %parallel_loop3A_458, %parallel_loop3A_332 : vector<16xf32>
        %parallel_loop3A_460 = arith.mulf %parallel_loop3A_459, %get3A_235 : vector<16xf32>
        %parallel_loop3A_461 = arith.addf %parallel_loop3A_460, %get3A_283 : vector<16xf32>
        %parallel_loop3A_462 = arith.index_cast %and3A_89 : i32 to index
        %parallel_loop3A_463 = arith.index_cast %parallel_loop3A_324 : i32 to index
        %parallel_loop3A_464 = arith.constant 384 : index
        %parallel_loop3A_465 = tpu.vector_load %arg15[%parallel_loop3A_462, %parallel_loop3A_463, %parallel_loop3A_464] {strides = array<i32>} : memref<2x16x512xf32, #tpu.memory_space<vmem>>, vector<1x1x16xf32>,
        %parallel_loop3A_466 = vector.shape_cast %parallel_loop3A_465 : vector<1x1x16xf32> to vector<16xf32>
        %parallel_loop3A_467 = vector.shape_cast %parallel_loop3A_461 : vector<16xf32> to vector<1x1x16xf32>
        tpu.vector_store %arg15[%parallel_loop3A_462, %parallel_loop3A_463, %parallel_loop3A_464], %parallel_loop3A_467 {strides = array<i32>} : memref<2x16x512xf32, #tpu.memory_space<vmem>>, vector<1x1x16xf32>,
        %parallel_loop3A_468 = arith.index_cast %and3A_89 : i32 to index
        %parallel_loop3A_469 = arith.index_cast %parallel_loop3A_324 : i32 to index
        %parallel_loop3A_470 = arith.constant 400 : index
        %parallel_loop3A_471 = tpu.vector_load %arg15[%parallel_loop3A_468, %parallel_loop3A_469, %parallel_loop3A_470] {strides = array<i32>} : memref<2x16x512xf32, #tpu.memory_space<vmem>>, vector<1x1x16xf32>,
        %parallel_loop3A_472 = vector.shape_cast %parallel_loop3A_471 : vector<1x1x16xf32> to vector<16xf32>
        %parallel_loop3A_473 = arith.subf %parallel_loop3A_472, %parallel_loop3A_328 : vector<16xf32>
        %parallel_loop3A_474 = arith.mulf %parallel_loop3A_473, %parallel_loop3A_332 : vector<16xf32>
        %parallel_loop3A_475 = arith.mulf %parallel_loop3A_474, %get3A_238 : vector<16xf32>
        %parallel_loop3A_476 = arith.addf %parallel_loop3A_475, %get3A_286 : vector<16xf32>
        %parallel_loop3A_477 = arith.index_cast %and3A_89 : i32 to index
        %parallel_loop3A_478 = arith.index_cast %parallel_loop3A_324 : i32 to index
        %parallel_loop3A_479 = arith.constant 400 : index
        %parallel_loop3A_480 = tpu.vector_load %arg15[%parallel_loop3A_477, %parallel_loop3A_478, %parallel_loop3A_479] {strides = array<i32>} : memref<2x16x512xf32, #tpu.memory_space<vmem>>, vector<1x1x16xf32>,
        %parallel_loop3A_481 = vector.shape_cast %parallel_loop3A_480 : vector<1x1x16xf32> to vector<16xf32>
        %parallel_loop3A_482 = vector.shape_cast %parallel_loop3A_476 : vector<16xf32> to vector<1x1x16xf32>
        tpu.vector_store %arg15[%parallel_loop3A_477, %parallel_loop3A_478, %parallel_loop3A_479], %parallel_loop3A_482 {strides = array<i32>} : memref<2x16x512xf32, #tpu.memory_space<vmem>>, vector<1x1x16xf32>,
        %parallel_loop3A_483 = arith.index_cast %and3A_89 : i32 to index
        %parallel_loop3A_484 = arith.index_cast %parallel_loop3A_324 : i32 to index
        %parallel_loop3A_485 = arith.constant 416 : index
        %parallel_loop3A_486 = tpu.vector_load %arg15[%parallel_loop3A_483, %parallel_loop3A_484, %parallel_loop3A_485] {strides = array<i32>} : memref<2x16x512xf32, #tpu.memory_space<vmem>>, vector<1x1x16xf32>,
        %parallel_loop3A_487 = vector.shape_cast %parallel_loop3A_486 : vector<1x1x16xf32> to vector<16xf32>
        %parallel_loop3A_488 = arith.subf %parallel_loop3A_487, %parallel_loop3A_328 : vector<16xf32>
        %parallel_loop3A_489 = arith.mulf %parallel_loop3A_488, %parallel_loop3A_332 : vector<16xf32>
        %parallel_loop3A_490 = arith.mulf %parallel_loop3A_489, %get3A_241 : vector<16xf32>
        %parallel_loop3A_491 = arith.addf %parallel_loop3A_490, %get3A_289 : vector<16xf32>
        %parallel_loop3A_492 = arith.index_cast %and3A_89 : i32 to index
        %parallel_loop3A_493 = arith.index_cast %parallel_loop3A_324 : i32 to index
        %parallel_loop3A_494 = arith.constant 416 : index
        %parallel_loop3A_495 = tpu.vector_load %arg15[%parallel_loop3A_492, %parallel_loop3A_493, %parallel_loop3A_494] {strides = array<i32>} : memref<2x16x512xf32, #tpu.memory_space<vmem>>, vector<1x1x16xf32>,
        %parallel_loop3A_496 = vector.shape_cast %parallel_loop3A_495 : vector<1x1x16xf32> to vector<16xf32>
        %parallel_loop3A_497 = vector.shape_cast %parallel_loop3A_491 : vector<16xf32> to vector<1x1x16xf32>
        tpu.vector_store %arg15[%parallel_loop3A_492, %parallel_loop3A_493, %parallel_loop3A_494], %parallel_loop3A_497 {strides = array<i32>} : memref<2x16x512xf32, #tpu.memory_space<vmem>>, vector<1x1x16xf32>,
        %parallel_loop3A_498 = arith.index_cast %and3A_89 : i32 to index
        %parallel_loop3A_499 = arith.index_cast %parallel_loop3A_324 : i32 to index
        %parallel_loop3A_500 = arith.constant 432 : index
        %parallel_loop3A_501 = tpu.vector_load %arg15[%parallel_loop3A_498, %parallel_loop3A_499, %parallel_loop3A_500] {strides = array<i32>} : memref<2x16x512xf32, #tpu.memory_space<vmem>>, vector<1x1x16xf32>,
        %parallel_loop3A_502 = vector.shape_cast %parallel_loop3A_501 : vector<1x1x16xf32> to vector<16xf32>
        %parallel_loop3A_503 = arith.subf %parallel_loop3A_502, %parallel_loop3A_328 : vector<16xf32>
        %parallel_loop3A_504 = arith.mulf %parallel_loop3A_503, %parallel_loop3A_332 : vector<16xf32>
        %parallel_loop3A_505 = arith.mulf %parallel_loop3A_504, %get3A_244 : vector<16xf32>
        %parallel_loop3A_506 = arith.addf %parallel_loop3A_505, %get3A_292 : vector<16xf32>
        %parallel_loop3A_507 = arith.index_cast %and3A_89 : i32 to index
        %parallel_loop3A_508 = arith.index_cast %parallel_loop3A_324 : i32 to index
        %parallel_loop3A_509 = arith.constant 432 : index
        %parallel_loop3A_510 = tpu.vector_load %arg15[%parallel_loop3A_507, %parallel_loop3A_508, %parallel_loop3A_509] {strides = array<i32>} : memref<2x16x512xf32, #tpu.memory_space<vmem>>, vector<1x1x16xf32>,
        %parallel_loop3A_511 = vector.shape_cast %parallel_loop3A_510 : vector<1x1x16xf32> to vector<16xf32>
        %parallel_loop3A_512 = vector.shape_cast %parallel_loop3A_506 : vector<16xf32> to vector<1x1x16xf32>
        tpu.vector_store %arg15[%parallel_loop3A_507, %parallel_loop3A_508, %parallel_loop3A_509], %parallel_loop3A_512 {strides = array<i32>} : memref<2x16x512xf32, #tpu.memory_space<vmem>>, vector<1x1x16xf32>,
        %parallel_loop3A_513 = arith.index_cast %and3A_89 : i32 to index
        %parallel_loop3A_514 = arith.index_cast %parallel_loop3A_324 : i32 to index
        %parallel_loop3A_515 = arith.constant 448 : index
        %parallel_loop3A_516 = tpu.vector_load %arg15[%parallel_loop3A_513, %parallel_loop3A_514, %parallel_loop3A_515] {strides = array<i32>} : memref<2x16x512xf32, #tpu.memory_space<vmem>>, vector<1x1x16xf32>,
        %parallel_loop3A_517 = vector.shape_cast %parallel_loop3A_516 : vector<1x1x16xf32> to vector<16xf32>
        %parallel_loop3A_518 = arith.subf %parallel_loop3A_517, %parallel_loop3A_328 : vector<16xf32>
        %parallel_loop3A_519 = arith.mulf %parallel_loop3A_518, %parallel_loop3A_332 : vector<16xf32>
        %parallel_loop3A_520 = arith.mulf %parallel_loop3A_519, %get3A_247 : vector<16xf32>
        %parallel_loop3A_521 = arith.addf %parallel_loop3A_520, %get3A_295 : vector<16xf32>
        %parallel_loop3A_522 = arith.index_cast %and3A_89 : i32 to index
        %parallel_loop3A_523 = arith.index_cast %parallel_loop3A_324 : i32 to index
        %parallel_loop3A_524 = arith.constant 448 : index
        %parallel_loop3A_525 = tpu.vector_load %arg15[%parallel_loop3A_522, %parallel_loop3A_523, %parallel_loop3A_524] {strides = array<i32>} : memref<2x16x512xf32, #tpu.memory_space<vmem>>, vector<1x1x16xf32>,
        %parallel_loop3A_526 = vector.shape_cast %parallel_loop3A_525 : vector<1x1x16xf32> to vector<16xf32>
        %parallel_loop3A_527 = vector.shape_cast %parallel_loop3A_521 : vector<16xf32> to vector<1x1x16xf32>
        tpu.vector_store %arg15[%parallel_loop3A_522, %parallel_loop3A_523, %parallel_loop3A_524], %parallel_loop3A_527 {strides = array<i32>} : memref<2x16x512xf32, #tpu.memory_space<vmem>>, vector<1x1x16xf32>,
        %parallel_loop3A_528 = arith.index_cast %and3A_89 : i32 to index
        %parallel_loop3A_529 = arith.index_cast %parallel_loop3A_324 : i32 to index
        %parallel_loop3A_530 = arith.constant 464 : index
        %parallel_loop3A_531 = tpu.vector_load %arg15[%parallel_loop3A_528, %parallel_loop3A_529, %parallel_loop3A_530] {strides = array<i32>} : memref<2x16x512xf32, #tpu.memory_space<vmem>>, vector<1x1x16xf32>,
        %parallel_loop3A_532 = vector.shape_cast %parallel_loop3A_531 : vector<1x1x16xf32> to vector<16xf32>
        %parallel_loop3A_533 = arith.subf %parallel_loop3A_532, %parallel_loop3A_328 : vector<16xf32>
        %parallel_loop3A_534 = arith.mulf %parallel_loop3A_533, %parallel_loop3A_332 : vector<16xf32>
        %parallel_loop3A_535 = arith.mulf %parallel_loop3A_534, %get3A_250 : vector<16xf32>
        %parallel_loop3A_536 = arith.addf %parallel_loop3A_535, %get3A_298 : vector<16xf32>
        %parallel_loop3A_537 = arith.index_cast %and3A_89 : i32 to index
        %parallel_loop3A_538 = arith.index_cast %parallel_loop3A_324 : i32 to index
        %parallel_loop3A_539 = arith.constant 464 : index
        %parallel_loop3A_540 = tpu.vector_load %arg15[%parallel_loop3A_537, %parallel_loop3A_538, %parallel_loop3A_539] {strides = array<i32>} : memref<2x16x512xf32, #tpu.memory_space<vmem>>, vector<1x1x16xf32>,
        %parallel_loop3A_541 = vector.shape_cast %parallel_loop3A_540 : vector<1x1x16xf32> to vector<16xf32>
        %parallel_loop3A_542 = vector.shape_cast %parallel_loop3A_536 : vector<16xf32> to vector<1x1x16xf32>
        tpu.vector_store %arg15[%parallel_loop3A_537, %parallel_loop3A_538, %parallel_loop3A_539], %parallel_loop3A_542 {strides = array<i32>} : memref<2x16x512xf32, #tpu.memory_space<vmem>>, vector<1x1x16xf32>,
        %parallel_loop3A_543 = arith.index_cast %and3A_89 : i32 to index
        %parallel_loop3A_544 = arith.index_cast %parallel_loop3A_324 : i32 to index
        %parallel_loop3A_545 = arith.constant 480 : index
        %parallel_loop3A_546 = tpu.vector_load %arg15[%parallel_loop3A_543, %parallel_loop3A_544, %parallel_loop3A_545] {strides = array<i32>} : memref<2x16x512xf32, #tpu.memory_space<vmem>>, vector<1x1x16xf32>,
        %parallel_loop3A_547 = vector.shape_cast %parallel_loop3A_546 : vector<1x1x16xf32> to vector<16xf32>
        %parallel_loop3A_548 = arith.subf %parallel_loop3A_547, %parallel_loop3A_328 : vector<16xf32>
        %parallel_loop3A_549 = arith.mulf %parallel_loop3A_548, %parallel_loop3A_332 : vector<16xf32>
        %parallel_loop3A_550 = arith.mulf %parallel_loop3A_549, %get3A_253 : vector<16xf32>
        %parallel_loop3A_551 = arith.addf %parallel_loop3A_550, %get3A_301 : vector<16xf32>
        %parallel_loop3A_552 = arith.index_cast %and3A_89 : i32 to index
        %parallel_loop3A_553 = arith.index_cast %parallel_loop3A_324 : i32 to index
        %parallel_loop3A_554 = arith.constant 480 : index
        %parallel_loop3A_555 = tpu.vector_load %arg15[%parallel_loop3A_552, %parallel_loop3A_553, %parallel_loop3A_554] {strides = array<i32>} : memref<2x16x512xf32, #tpu.memory_space<vmem>>, vector<1x1x16xf32>,
        %parallel_loop3A_556 = vector.shape_cast %parallel_loop3A_555 : vector<1x1x16xf32> to vector<16xf32>
        %parallel_loop3A_557 = vector.shape_cast %parallel_loop3A_551 : vector<16xf32> to vector<1x1x16xf32>
        tpu.vector_store %arg15[%parallel_loop3A_552, %parallel_loop3A_553, %parallel_loop3A_554], %parallel_loop3A_557 {strides = array<i32>} : memref<2x16x512xf32, #tpu.memory_space<vmem>>, vector<1x1x16xf32>,
        %parallel_loop3A_558 = arith.index_cast %and3A_89 : i32 to index
        %parallel_loop3A_559 = arith.index_cast %parallel_loop3A_324 : i32 to index
        %parallel_loop3A_560 = arith.constant 496 : index
        %parallel_loop3A_561 = tpu.vector_load %arg15[%parallel_loop3A_558, %parallel_loop3A_559, %parallel_loop3A_560] {strides = array<i32>} : memref<2x16x512xf32, #tpu.memory_space<vmem>>, vector<1x1x16xf32>,
        %parallel_loop3A_562 = vector.shape_cast %parallel_loop3A_561 : vector<1x1x16xf32> to vector<16xf32>
        %parallel_loop3A_563 = arith.subf %parallel_loop3A_562, %parallel_loop3A_328 : vector<16xf32>
        %parallel_loop3A_564 = arith.mulf %parallel_loop3A_563, %parallel_loop3A_332 : vector<16xf32>
        %parallel_loop3A_565 = arith.mulf %parallel_loop3A_564, %get3A_256 : vector<16xf32>
        %parallel_loop3A_566 = arith.addf %parallel_loop3A_565, %get3A_304 : vector<16xf32>
        %parallel_loop3A_567 = arith.index_cast %and3A_89 : i32 to index
        %parallel_loop3A_568 = arith.index_cast %parallel_loop3A_324 : i32 to index
        %parallel_loop3A_569 = arith.constant 496 : index
        %parallel_loop3A_570 = tpu.vector_load %arg15[%parallel_loop3A_567, %parallel_loop3A_568, %parallel_loop3A_569] {strides = array<i32>} : memref<2x16x512xf32, #tpu.memory_space<vmem>>, vector<1x1x16xf32>,
        %parallel_loop3A_571 = vector.shape_cast %parallel_loop3A_570 : vector<1x1x16xf32> to vector<16xf32>
        %parallel_loop3A_572 = vector.shape_cast %parallel_loop3A_566 : vector<16xf32> to vector<1x1x16xf32>
        tpu.vector_store %arg15[%parallel_loop3A_567, %parallel_loop3A_568, %parallel_loop3A_569], %parallel_loop3A_572 {strides = array<i32>} : memref<2x16x512xf32, #tpu.memory_space<vmem>>, vector<1x1x16xf32>,
      } {sc.loop_unroll_factor = 1 : i64, sc.parallel_access}
      %dma_start3A_308 = arith.constant 0 : i32
      %dma_start3A_309 = arith.constant 0 : i32
      %dma_start3A_310 = tpu.memref_slice %arg15[%and3A_89, %dma_start3A_308, %dma_start3A_309] : memref<2x16x512xf32, #tpu.memory_space<vmem>> -> memref<1x16x512xf32, #tpu.memory_space<vmem>>
      %dma_start3A_311 = tpu.memref_squeeze %dma_start3A_310 : memref<1x16x512xf32, #tpu.memory_space<vmem>> -> memref<16x512xf32, #tpu.memory_space<vmem>>
      %dma_start3A_312 = arith.constant 0 : i32
      %dma_start3A_313 = tpu.memref_slice %arg7[%scan3A_87, %mul3A_2, %dma_start3A_312] : memref<64x512x512xf32, #tpu.memory_space<hbm>> -> memref<1x16x512xf32, #tpu.memory_space<hbm>>
      %dma_start3A_314 = tpu.memref_squeeze %dma_start3A_313 : memref<1x16x512xf32, #tpu.memory_space<hbm>> -> memref<16x512xf32, #tpu.memory_space<hbm>>
      %dma_start3A_315 = tpu.memref_slice %arg17[%and3A_89] : memref<2x!tpu.dma_semaphore, #tpu.memory_space<semaphore_mem>> -> memref<1x!tpu.dma_semaphore, #tpu.memory_space<semaphore_mem>>
      %dma_start3A_316 = tpu.memref_squeeze %dma_start3A_315 : memref<1x!tpu.dma_semaphore, #tpu.memory_space<semaphore_mem>> -> memref<!tpu.dma_semaphore, #tpu.memory_space<semaphore_mem>>
      %dma_start3A_317 = arith.constant 0 : i32
      %dma_start3A_318 = tpu.memref_slice %arg7[%scan3A_87, %mul3A_2, %dma_start3A_317] : memref<64x512x512xf32, #tpu.memory_space<hbm>> -> memref<1x16x512xf32, #tpu.memory_space<hbm>>
      %dma_start3A_319 = tpu.memref_squeeze %dma_start3A_318 : memref<1x16x512xf32, #tpu.memory_space<hbm>> -> memref<16x512xf32, #tpu.memory_space<hbm>>
      %dma_start3A_320 = arith.constant 0 : i32
      %dma_start3A_321 = arith.constant 0 : i32
      %dma_start3A_322 = tpu.memref_slice %arg15[%and3A_89, %dma_start3A_320, %dma_start3A_321] : memref<2x16x512xf32, #tpu.memory_space<vmem>> -> memref<1x16x512xf32, #tpu.memory_space<vmem>>
      %dma_start3A_323 = tpu.memref_squeeze %dma_start3A_322 : memref<1x16x512xf32, #tpu.memory_space<vmem>> -> memref<16x512xf32, #tpu.memory_space<vmem>>
      tpu.enqueue_dma source(%dma_start3A_323 : memref<16x512xf32, #tpu.memory_space<vmem>>) target(%dma_start3A_319 : memref<16x512xf32, #tpu.memory_space<hbm>>) target_semaphore(%dma_start3A_316 : memref<!tpu.dma_semaphore, #tpu.memory_space<semaphore_mem>>)
    }
    %scan3A_48 = arith.constant 64 : i32
    %and3A = arith.constant 62 : i32
    %and3A_49 = arith.constant 1 : i32
    %and3A_50 = arith.andi %and3A, %and3A_49 : i32
    %dma_wait3A = arith.constant 62 : i32
    %dma_wait3A_51 = arith.constant 0 : i32
    %dma_wait3A_52 = arith.constant 0 : i32
    %dma_wait3A_53 = tpu.memref_slice %arg15[%and3A_50, %dma_wait3A_51, %dma_wait3A_52] : memref<2x16x512xf32, #tpu.memory_space<vmem>> -> memref<1x16x512xf32, #tpu.memory_space<vmem>>
    %dma_wait3A_54 = tpu.memref_squeeze %dma_wait3A_53 : memref<1x16x512xf32, #tpu.memory_space<vmem>> -> memref<16x512xf32, #tpu.memory_space<vmem>>
    %dma_wait3A_55 = arith.constant 0 : i32
    %dma_wait3A_56 = tpu.memref_slice %arg7[%dma_wait3A, %mul3A_2, %dma_wait3A_55] : memref<64x512x512xf32, #tpu.memory_space<hbm>> -> memref<1x16x512xf32, #tpu.memory_space<hbm>>
    %dma_wait3A_57 = tpu.memref_squeeze %dma_wait3A_56 : memref<1x16x512xf32, #tpu.memory_space<hbm>> -> memref<16x512xf32, #tpu.memory_space<hbm>>
    %dma_wait3A_58 = tpu.memref_slice %arg17[%and3A_50] : memref<2x!tpu.dma_semaphore, #tpu.memory_space<semaphore_mem>> -> memref<1x!tpu.dma_semaphore, #tpu.memory_space<semaphore_mem>>
    %dma_wait3A_59 = tpu.memref_squeeze %dma_wait3A_58 : memref<1x!tpu.dma_semaphore, #tpu.memory_space<semaphore_mem>> -> memref<!tpu.dma_semaphore, #tpu.memory_space<semaphore_mem>>
    %dma_wait3A_60 = arith.constant 0 : i32
    %dma_wait3A_61 = tpu.memref_slice %arg7[%dma_wait3A, %mul3A_2, %dma_wait3A_60] : memref<64x512x512xf32, #tpu.memory_space<hbm>> -> memref<1x16x512xf32, #tpu.memory_space<hbm>>
    %dma_wait3A_62 = tpu.memref_squeeze %dma_wait3A_61 : memref<1x16x512xf32, #tpu.memory_space<hbm>> -> memref<16x512xf32, #tpu.memory_space<hbm>>
    %dma_wait3A_63 = arith.constant 0 : i32
    %dma_wait3A_64 = arith.constant 0 : i32
    %dma_wait3A_65 = tpu.memref_slice %arg15[%and3A_50, %dma_wait3A_63, %dma_wait3A_64] : memref<2x16x512xf32, #tpu.memory_space<vmem>> -> memref<1x16x512xf32, #tpu.memory_space<vmem>>
    %dma_wait3A_66 = tpu.memref_squeeze %dma_wait3A_65 : memref<1x16x512xf32, #tpu.memory_space<vmem>> -> memref<16x512xf32, #tpu.memory_space<vmem>>
    tpu.wait_dma2 semaphore(%dma_wait3A_59 : memref<!tpu.dma_semaphore, #tpu.memory_space<semaphore_mem>>) src(%dma_wait3A_66 : memref<16x512xf32, #tpu.memory_space<vmem>>) dst(%dma_wait3A_62 : memref<16x512xf32, #tpu.memory_space<hbm>>)
    %and3A_67 = arith.constant 63 : i32
    %and3A_68 = arith.constant 1 : i32
    %and3A_69 = arith.andi %and3A_67, %and3A_68 : i32
    %dma_wait3A_70 = arith.constant 63 : i32
    %dma_wait3A_71 = arith.constant 0 : i32
    %dma_wait3A_72 = arith.constant 0 : i32
    %dma_wait3A_73 = tpu.memref_slice %arg15[%and3A_69, %dma_wait3A_71, %dma_wait3A_72] : memref<2x16x512xf32, #tpu.memory_space<vmem>> -> memref<1x16x512xf32, #tpu.memory_space<vmem>>
    %dma_wait3A_74 = tpu.memref_squeeze %dma_wait3A_73 : memref<1x16x512xf32, #tpu.memory_space<vmem>> -> memref<16x512xf32, #tpu.memory_space<vmem>>
    %dma_wait3A_75 = arith.constant 0 : i32
    %dma_wait3A_76 = tpu.memref_slice %arg7[%dma_wait3A_70, %mul3A_2, %dma_wait3A_75] : memref<64x512x512xf32, #tpu.memory_space<hbm>> -> memref<1x16x512xf32, #tpu.memory_space<hbm>>
    %dma_wait3A_77 = tpu.memref_squeeze %dma_wait3A_76 : memref<1x16x512xf32, #tpu.memory_space<hbm>> -> memref<16x512xf32, #tpu.memory_space<hbm>>
    %dma_wait3A_78 = tpu.memref_slice %arg17[%and3A_69] : memref<2x!tpu.dma_semaphore, #tpu.memory_space<semaphore_mem>> -> memref<1x!tpu.dma_semaphore, #tpu.memory_space<semaphore_mem>>
    %dma_wait3A_79 = tpu.memref_squeeze %dma_wait3A_78 : memref<1x!tpu.dma_semaphore, #tpu.memory_space<semaphore_mem>> -> memref<!tpu.dma_semaphore, #tpu.memory_space<semaphore_mem>>
    %dma_wait3A_80 = arith.constant 0 : i32
    %dma_wait3A_81 = tpu.memref_slice %arg7[%dma_wait3A_70, %mul3A_2, %dma_wait3A_80] : memref<64x512x512xf32, #tpu.memory_space<hbm>> -> memref<1x16x512xf32, #tpu.memory_space<hbm>>
    %dma_wait3A_82 = tpu.memref_squeeze %dma_wait3A_81 : memref<1x16x512xf32, #tpu.memory_space<hbm>> -> memref<16x512xf32, #tpu.memory_space<hbm>>
    %dma_wait3A_83 = arith.constant 0 : i32
    %dma_wait3A_84 = arith.constant 0 : i32
    %dma_wait3A_85 = tpu.memref_slice %arg15[%and3A_69, %dma_wait3A_83, %dma_wait3A_84] : memref<2x16x512xf32, #tpu.memory_space<vmem>> -> memref<1x16x512xf32, #tpu.memory_space<vmem>>
    %dma_wait3A_86 = tpu.memref_squeeze %dma_wait3A_85 : memref<1x16x512xf32, #tpu.memory_space<vmem>> -> memref<16x512xf32, #tpu.memory_space<vmem>>
    tpu.wait_dma2 semaphore(%dma_wait3A_79 : memref<!tpu.dma_semaphore, #tpu.memory_space<semaphore_mem>>) src(%dma_wait3A_86 : memref<16x512xf32, #tpu.memory_space<vmem>>) dst(%dma_wait3A_82 : memref<16x512xf32, #tpu.memory_space<hbm>>)
    return
  }
}

</mosaic_0001>

<sc_bundles>
// kernel: kernel.3.cloned.1.call-start
scs
__scs_entry_jumppad:
0x0: {  	(pc) =	sbr.rel $0x88, $3  }
0x1: {  	(tag) =	ssettag $0x0;
	lr =	simm.s32 $0x1  }
0x2: {  	[smem:$0x3F9C] =	sst lr;
	_ =	strace $0xD0000000  }
0x3: {  	_ = 	snop  }
0x4: {  	_ = 	snop  }
0x5: {  	_ = 	snop  }
0x6: {  	_ = 	snop  }
0x7: {  	_ = 	snop  }
__scs_overlays_trampoline_lowered:
0x8: {  	[smem:$0x3FAB] =	sst s0  }
0x9: {  	[smem:$0x3FAC] =	sst s1  }
0xa: {  	[smem:$0x3FAD] =	sst s2  }
0xb: {  	[smem:$0x3FAE] =	sst s3  }
0xc: {  	[smem:$0x3FAF] =	sst s4  }
0xd: {  	[smem:$0x3FB0] =	sst s5  }
0xe: {  	[smem:$0x3FB1] =	sst s6  }
0xf: {  	[smem:$0x3FB2] =	sst s7  }
0x10: {  	[smem:$0x3FB3] =	sst s8  }
0x11: {  	[smem:$0x3FB4] =	sst s9;
	s0 =	simm.s32 @!p0 $0x0  }
0x12: {  	s1 =	sld [smem:$0x3F9A];
	s0 =	simm.s32 @p0 $0x1  }
0x13: {  	[smem:$0x3FB5] =	sst s0;
	s0 =	simm.s32 @!p1 $0x0  }
0x14: {  	s2 =	sld [smem:$0x3F99];
	s0 =	simm.s32 @p1 $0x1  }
0x15: {  	[smem:$0x3FB6] =	sst s0;
	s0 =	simm.s32 @!p2 $0x0  }
0x16: {  	s3 =	sld [smem:$0x3FDB];
	s0 =	simm.s32 @p2 $0x1  }
0x17: {  	s4 =	simm.s32 $0x1BF5;
	[smem:$0x3FB8] =	sst s0  }
0x18: {  	s0 =	sld [smem:$0x3F9B];
	_ =	swait.ge [sflag:s4], $0x0  }
0x19: {  	s7 =	sld [smem:$0x3F9C]  }
0x1a: {  	s8 =	sadd.s32 $0xFFFFE003, lr  }
0x1b: {  	s9 =	sadd.s32 $0xFFFFFEF7, lr;
	s5 =	simm.s32 $0xFFFFFFFF;
	p2 =	slt.u32 s8, $0xFFFFF086  }
0x1c: {  	p1 =	slt.u32 s9, $0xF7A;
	s5 =	simm.s32 @!p2 $0x0  }
0x1d: {  	s5 =	simm.s32 @p1 $0x1;
	p0 =	seq.s32 s7, s2  }
0x1e: {  	s7 =	smul.u32 @!p0 $0xF7A, s2;
	p2 =	seq.s32 @!p0 s5, $0x0  }
0x1f: {  	s9 =	smul.u32 $0xF7A, s1;
	s8 =	simm.s32 @!p0 $0x1BF5;
	p2 =	por !p2, p0  }
0x20: {  	[sflag:s8] =	ssyncset.s32 @!p0 $0xFFFFF086;
	s6 =	sadd.s32 @!p0 s3, s7;
	s7 =	simm.s32 @!p0 $0x108  }
0x21: {  	s3 =	sadd.s32 s3, s9;
	s6 =	sadd.s32 @!p0 $0x88, s6;
	s7 =	simm.s32 @p2 $0x1082  }
0x22: {  	[simem:s7], [sflag:s8] =	dma.local @!p0 [hbm:s6], $0xF7A  }
0x23: {  	s9 =	sor.u32 $0xD0000000, s2;
	s6 =	simm.s32 $0x108;
	_ =	swait.ge @!p0 [sflag:s8], $0x0  }
0x24: {  	s3 =	sadd.s32 $0x88, s3;
	s6 =	simm.s32 @!p1 $0x1082;
	[sflag:s4] =	ssyncset.s32 $0xFFFFF086  }
0x25: {  	[simem:s6], [sflag:s4] =	dma.local [hbm:s3], $0xF7A  }
0x26: {  	[smem:$0x3F9C] =	sst s1;
	(tag) =	ssettag s2;
	_ =	strace s9  }
0x27: {  	s1 =	sld [smem:$0x3FAC]  }
0x28: {  	s2 =	sld [smem:$0x3FAD]  }
0x29: {  	s4 =	sld [smem:$0x3FAF]  }
0x2a: {  	p0 =	seq.s32 s5, $0x0;
	s5 =	sld [smem:$0x3FB0]  }
0x2b: {  	s6 =	sld [smem:$0x3FB1]  }
0x2c: {  	s7 =	sld [smem:$0x3FB2]  }
0x2d: {  	s3 =	simm.s32 $0x108;
	s8 =	sld [smem:$0x3FB3]  }
0x2e: {  	s3 =	simm.s32 @!p0 $0x1082;
	s9 =	sld [smem:$0x3FB4]  }
0x2f: {  	lr =	sadd.s32 s0, s3;
	s0 =	sld [smem:$0x3FAB]  }
0x30: {  	s3 =	sld [smem:$0x3FAE]  }
0x31: {  	[smem:$0x3FB7] =	sst s10  }
0x32: {  	s10 =	sld [smem:$0x3FB5];
	_ =	sdelay $0x3  }
0x33: {  	p0 =	seq.s32 s10, $0x1;
	s10 =	sld [smem:$0x3FB7];
	_ =	sdelay $0x3  }
0x34: {  	[smem:$0x3FB7] =	sst s10  }
0x35: {  	s10 =	sld [smem:$0x3FB6];
	_ =	sdelay $0x3  }
0x36: {  	p1 =	seq.s32 s10, $0x1;
	s10 =	sld [smem:$0x3FB7];
	_ =	sdelay $0x3  }
0x37: {  	[smem:$0x3FB7] =	sst s10  }
0x38: {  	s10 =	sld [smem:$0x3FB8]  }
0x39: {  	_ = 	snop;
	(pc) =	sbr.ind lr, $3  }
0x3a: {  	_ = 	snop  }
0x3b: {  	_ = 	snop  }
0x3c: {  	p2 =	seq.s32 s10, $0x1;
	s10 =	sld [smem:$0x3FB7]  }
0x3d: {  	_ =	shalt  }
0x3e: {  	_ =	shalt  }
0x3f: {  	_ =	shalt  }
0x40: {  	_ =	shalt  }
0x41: {  	_ =	shalt  }
0x42: {  	_ =	shalt  }
0x43: {  	_ =	shalt  }
0x44: {  	_ =	shalt  }
0x45: {  	_ =	shalt  }
0x46: {  	_ =	shalt  }
0x47: {  	_ =	shalt  }
0x48: {  	_ =	shalt  }
0x49: {  	_ =	shalt  }
0x4a: {  	_ =	shalt  }
0x4b: {  	_ =	shalt  }
0x4c: {  	_ =	shalt  }
0x4d: {  	_ =	shalt  }
0x4e: {  	_ =	shalt  }
0x4f: {  	_ =	shalt  }
0x50: {  	_ =	shalt  }
0x51: {  	_ =	shalt  }
0x52: {  	_ =	shalt  }
0x53: {  	_ =	shalt  }
0x54: {  	_ =	shalt  }
0x55: {  	_ =	shalt  }
0x56: {  	_ =	shalt  }
0x57: {  	_ =	shalt  }
0x58: {  	_ =	shalt  }
0x59: {  	_ =	shalt  }
0x5a: {  	_ =	shalt  }
0x5b: {  	_ =	shalt  }
0x5c: {  	_ =	shalt  }
0x5d: {  	_ =	shalt  }
0x5e: {  	_ =	shalt  }
0x5f: {  	_ =	shalt  }
0x60: {  	_ =	shalt  }
0x61: {  	_ =	shalt  }
0x62: {  	_ =	shalt  }
0x63: {  	_ =	shalt  }
0x64: {  	_ =	shalt  }
0x65: {  	_ =	shalt  }
0x66: {  	_ =	shalt  }
0x67: {  	_ =	shalt  }
0x68: {  	_ =	shalt  }
0x69: {  	_ =	shalt  }
0x6a: {  	_ =	shalt  }
0x6b: {  	_ =	shalt  }
0x6c: {  	_ =	shalt  }
0x6d: {  	_ =	shalt  }
0x6e: {  	_ =	shalt  }
0x6f: {  	_ =	shalt  }
0x70: {  	_ =	shalt  }
0x71: {  	_ =	shalt  }
0x72: {  	_ =	shalt  }
0x73: {  	_ =	shalt  }
0x74: {  	_ =	shalt  }
0x75: {  	_ =	shalt  }
0x76: {  	_ =	shalt  }
0x77: {  	_ =	shalt  }
0x78: {  	_ =	shalt  }
0x79: {  	_ =	shalt  }
0x7a: {  	_ =	shalt  }
0x7b: {  	_ =	shalt  }
0x7c: {  	_ =	shalt  }
0x7d: {  	_ =	shalt  }
0x7e: {  	_ =	shalt  }
0x7f: {  	_ =	shalt  }
0x80: {  	_ =	shalt  }
0x81: {  	_ =	shalt  }
0x82: {  	_ =	shalt  }
0x83: {  	_ =	shalt  }
0x84: {  	_ =	shalt  }
0x85: {  	_ =	shalt  }
0x86: {  	_ =	shalt  }
0x87: {  	_ =	shalt  }
.Lfunc_end0:
.L_simem_size_0:
called_computation_lowered:
.L_overlay_start_0:
0x88: {  	s2 =	sld [smem:$0x3FD9]  }
0x89: {  	s3 =	sld [smem:$0x3FFE];
	_ =	sdelay $0x1  }
0x8a: {  	s1 =	srdreg.scid  }
0x8b: {  	s0 =	sand.u32 $0x1, s1  }
0x8c: {  	s17 =	sshll.u32 s0, $0xA;
	s2 =	sadd.s32 s3, s2  }
0x8d: {  	s2 =	sadd.s32 s2, s17  }
0x8e: {  	[smem:$0x3FC3] =	sst s2  }
0x8f: {  	_ = 	snop  }
0x90: {  	s2 =	sld [smem:$0x3FC8]  }
0x91: {  	s18 =	sld [smem:$0x3FC7]  }
0x92: {  	s4 =	sld [smem:$0x3FC6]  }
0x93: {  	s5 =	sld [smem:$0x3FC5]  }
0x94: {  	s6 =	sld [smem:$0x3FD0];
	(tm) =	ssettm $0x1  }
0x95: {  	s7 =	sld [smem:$0x3FFB];
	_ =	sdelay $0x3  }
0x96: {  	_ =	strace s7  }
0x97: {  	s7 =	sld [smem:$0x3FFC];
	_ =	sdelay $0x3  }
0x98: {  	_ =	strace s7  }
0x99: {  	s7 =	sld [smem:$0x3FFD];
	_ =	sdelay $0x3  }
0x9a: {  	_ =	strace s7  }
0x9b: {  	_ =	strace $0x8FFFFFFF  }
0x9c: {  	s19 =	sld [smem:$0x3FDB];
	_ =	sdelay $0x1  }
0x9d: {  	s8 =	simm.s32 $_scs_section_size  }
0x9e: {  	s9 =	simm.s32 $_size__tile_overlayer_lowered;
	s10 =	simm.s32 $_tile_overlayer_lowered  }
0x9f: {  	s22 =	simm.s32 $0x1BFF;
	s21 =	sshll.u32 s10, $0x1;
	s7 =	sadd.s32 s8, s19  }
0xa0: {  	s11 =	simm.s32 $0x0;
	s20 =	sshll.u32 s9, $0x1;
	s9 =	sadd.s32 s21, s7  }
0xa1: {  	[timem:s11], [sflag:s22] =	dma.local [hbm:s9], s20  }
0xa2: {  	_ =	swait.ge [sflag:s22], s20  }
0xa3: {  	s8 =	ssub.s32 $0x0, s20;
	[sflag:s22] =	ssyncset.done $0x0  }
0xa4: {  	[sflag:s22] =	ssyncadd.s32 s8;
	_ =	sdelay $0x1  }
0xa5: {  	s23 =	simm.s32 $0x1B8B  }
0xa6: {  	_ =	swait.ge [sflag:s23], $0x1  }
0xa7: {  	[sflag:s23] =	ssyncset.done $0x0  }
0xa8: {  	s25 =	simm.s32 $0x1B8E;
	s24 =	sld [smem:$0x3FFE];
	[sflag:s23] =	ssyncadd.s32 $0xFFFFFFFF  }
0xa9: {  	s26 =	simm.s32 $execute0_lowered;
	[smem:$0x3FD2] =	sst s25  }
0xaa: {  	s9 =	sshll.u32 s26, $0x1;
	_ =	strace $0x80000046;
	[dreg:$0x1] =	wrdreg $0xFFFFFFFF  }
0xab: {  	s28 =	simm.s32 $_size_execute0_lowered;
	s7 =	sadd.s32 s7, s9;
	[dreg:$0x0] =	wrdreg $0x0  }
0xac: {  	s9 =	sshll.u32 s28, $0x1;
	[dreg:$0x2] =	wrdreg s7  }
0xad: {  	[dreg:$0x3] =	wrdreg s9  }
0xae: {  	[dreg:$0x4] =	wrdreg $0xC0  }
0xaf: {  	_ =	task [dreg:s11], $0x5FFFF  }
0xb0: {  	[dreg:$0x1] =	wrdreg $0xFFFFFFFF  }
0xb1: {  	[dreg:$0x0] =	wrdreg $0x60  }
0xb2: {  	[dreg:$0x2] =	wrdreg s24  }
0xb3: {  	[dreg:$0x3] =	wrdreg s2  }
0xb4: {  	[dreg:$0x4] =	wrdreg s18  }
0xb5: {  	[dreg:$0x5] =	wrdreg s4  }
0xb6: {  	[dreg:$0x6] =	wrdreg s5  }
0xb7: {  	[dreg:$0x7] =	wrdreg s6  }
0xb8: {  	[dreg:$0x8] =	wrdreg $0x9  }
0xb9: {  	_ =	task.clear_ibuf [dreg:s11], $0x9FFFF;
	_ =	strace $0x90000046  }
0xba: {  	s29 =	simm.s32 $0x9;
	_ =	strace $0x80000048  }
0xbb: {  	_ =	swait.ge [sflag:s29], $0x1  }
0xbc: {  	[sflag:s29] =	ssyncadd.s32 $0xFFFFFFFF  }
0xbd: {  	_ =	strace $0x90000048  }
0xbe: {  	_ =	sfence  }
0xbf: {  	s30 =	sld [smem:$0x0];
	_ =	sdelay $0x2  }
0xc0: {  	s31 =	sshll.u32 s1, $0xD;
	s1 =	sshrl.u32 s1, $0x2  }
0xc1: {  	s3 =	sand.u32 $0x4000, s31;
	s1 =	sadd.s32 s1, s30  }
0xc2: {  	s0 =	sor.u32 s3, s0;
	s1 =	sshll.u32 s1, $0x11  }
0xc3: {  	s0 =	sor.u32 s1, s0  }
0xc4: {  	s0 =	sadd.s32 $0x8F2B, s0  }
0xc5: {  	[sflag:s0] =	ssyncadd.remote.s32 $0x1  }
0xc6: {  	_ =	sfence.sel $0xFFFF  }
0xc7: {  	[dreg:$0x0] =	wrdreg $0xFFFFFFFF;
	(pc) =	sbr.abs _section_cstart, $3  }
0xc8: {  	[dreg:$0x1] =	wrdreg $0xFFFFFFFF  }
0xc9: {  	_ =	task.clear_ibuf [dreg:s11], $0x2FFFF;
	_ =	strace $0x9FFFFFFF  }
0xca: {  	(tm) =	ssettm $0x7FFFFFFF  }
0xcb: {  	_ =	shalt  }
tec
execute0_lowered:
.L_overlay_start_1:
0x0: {  	(tag) =	ssettag $0x1  }
0x1: {  	v0 =	vimm.s32 $0xBA98FEDC;
	v1 =	vimm.s32 $0x76543210;
	v2 =	vimm.s32 $0xFEDCBA98  }
0x2: {  	v3 =	vimm.s32 $0x32107654;
	v4 =	vimm.s32 $0xDCFE98BA;
	v5 =	vimm.s32 $0x54761032  }
0x3: {  	v6 =	vimm.s32 $0xEFCDAB89;
	v7 =	vimm.s32 $0x67452301;
	v59 =	vlaneseq.u32  }
0x4: {  	v0 =	vunpack.c.l.s4.s8 v0;
	v1 =	vunpack.c.l.s4.s8 v1;
	v3 =	vunpack.c.l.s4.s8 v3  }
0x5: {  	s1 =	rddreg [dreg:$0x0];
	v4 =	vunpack.c.l.s4.s8 v4;
	v5 =	vunpack.c.l.s4.s8 v5;
	v6 =	vunpack.c.l.s4.s8 v6  }
0x6: {  	s0 =	rddreg [dreg:$0x1];
	v7 =	vunpack.c.l.s4.s8 v7;
	v2 =	vunpack.c.l.s4.s8 v2;
	v60 =	vshrl.u32 v59, $0x3  }
0x7: {  	s2 =	rddreg [dreg:$0x2];
	v61 =	vand.u32 $0x7, v59;
	v62 =	vor.u32 $0x8, v59;
	v0 =	vunpack.c.0.s8.s32 v0  }
0x8: {  	s3 =	rddreg [dreg:$0x5];
	s5 =	simm.s32 $0x0;
	v4 =	vunpack.c.0.s8.s32 v4;
	v5 =	vunpack.c.0.s8.s32 v5;
	v2 =	vunpack.c.0.s8.s32 v2  }
0x9: {  	s4 =	srdreg.scid;
	[smem:$0x7FF] =	sst s5;
	v3 =	vunpack.c.0.s8.s32 v3;
	v57 =	vunpack.c.0.s8.s32 v6;
	v1 =	vunpack.c.0.s8.s32 v1  }
0xa: {  	s6 =	stileid.u32;
	s11 =	simm.s32 $0x5;
	_ =	strace $0x80000047;
	[tilespmem:$0x1FF90] =	vst v61;
	v4 =	vcombine.low v5, v4;
	v5 =	vmul.u32 $0x8, v60;
	v2 =	vand.u32 $0xF, v2  }
0xb: {  	s23 =	simm.s32 $0x3;
	s24 =	simm.s32 $0x4;
	s4 =	sand.u32 $0x1, s4;
	[tilespmem:$0x1FFB0] =	vst v62;
	v58 =	vunpack.c.0.s8.s32 v7;
	v0 =	vcombine.low v3, v0;
	v49 =	vcombine.low v2, v1  }
0xc: {  	s25 =	simm.s32 $0x0;
	s6 =	sshll.u32 s6, $0xB;
	s7 =	sshll.u32 s4, $0xA;
	[tilespmem:$0x1FFA0] =	vst v5  }
0xd: {  	s8 =	sadd.s32 $0x100, s0;
	s4 =	ssub.s32 $0x2, s4;
	s9 =	sor.u32 s7, s6;
	v3 =	vcombine.low v58, v57;
	v50 =	vand.u32 $0xF, v0;
	[tilespmem:$0x1FFC0] =	vst v49  }
0xe: {  	s30 =	sshrl.u32 s4, $0x1;
	s1 =	sadd.s32 s9, s1;
	s31 =	sadd.s32 s2, s9;
	v63 =	vand.u32 $0xF, v4;
	[tilespmem:$0x1FFD0] =	vst v50  }
0xf: {  	s4 =	ssub.s32 s4, s30;
	s1 =	sadd.s32 $0x400, s1;
	[dreg:$0x8] =	wrdreg s31;
	v52 =	vand.u32 $0xF, v3;
	[tilespmem:$0x1FFE0] =	vst v63  }
0x10: {  	vm0 =	vmmov $0xffff;
	s9 =	sadd.s32 s3, s9;
	s10 =	smax.u32 s4, $0x1;
	[dreg:$0x7] =	wrdreg s1;
	[tilespmem:$0x1FFF0] =	vst v52  }
.LBB2_1:
0x11: {  	s1 =	rddreg [dreg:$0x7]  }
0x12: {  	[tilespmem:s5], [sflag:$0x5] =	stream.linear.gather [hbm4b:s1+s5], $0x2000, $0x38;
	[tilespmem:$0xD400] =	vst v63  }
0x13: {  	_ =	swait.ge [sflag:s11], $0x2000  }
0x14: {  	[sflag:s11] =	ssyncset.done $0x0  }
0x15: {  	s2 =	simm.s32 $0x2000;
	s15 =	rddreg [dreg:$0x8];
	[sflag:s11] =	ssyncadd.s32 $0xFFFFE000  }
0x16: {  	[tilespmem:s2], [sflag:$0x5] =	stream.linear.gather [hbm4b:s15+s5], $0x2000, $0x38;
	[tilespmem:$0xD400] =	vst v63  }
0x17: {  	_ =	swait.ge [sflag:s11], $0x2000  }
0x18: {  	[sflag:s11] =	ssyncset.done $0x0  }
0x19: {  	[sflag:s11] =	ssyncadd.s32 $0xFFFFE000  }
0x1a: {  	s17 =	simm.s32 $0x4000;
	s16 =	rddreg [dreg:$0x3]  }
0x1b: {  	[tilespmem:s17], [sflag:$0x5] =	stream.linear.gather [hbm4b:s16+s5], $0x200, $0x38;
	[tilespmem:$0xD400] =	vst v63  }
0x1c: {  	_ =	swait.ge [sflag:s11], $0x200  }
0x1d: {  	[sflag:s11] =	ssyncset.done $0x0  }
0x1e: {  	[sflag:s11] =	ssyncadd.s32 $0xFFFFFE00  }
0x1f: {  	s19 =	simm.s32 $0x4200;
	s18 =	rddreg [dreg:$0x4]  }
0x20: {  	[tilespmem:s19], [sflag:$0x5] =	stream.linear.gather [hbm4b:s18+s5], $0x200, $0x38;
	[tilespmem:$0xD400] =	vst v63  }
0x21: {  	_ =	swait.ge [sflag:s11], $0x200  }
0x22: {  	[sflag:s11] =	ssyncset.done $0x0  }
0x23: {  	[sflag:s11] =	ssyncadd.s32 $0xFFFFFE00  }
0x24: {  	v0 =	vld [tilespmem:$0x0];
	_ =	sdelay $0x2  }
0x25: {  	v2 =	vld [tilespmem:$0x1FF90];
	_ =	sdelay $0x1  }
0x26: {  	v3 =	vld [tilespmem:$0x1FFA0];
	v1 =	vshll.u32 v0, $0x2  }
0x27: {  	v0 =	vand.u32 $0x7, v0;
	v1 =	vand.u32 $0xFFFFFFE0, v1  }
0x28: {  	v4 =	vld [tilespmem:$0x1FFB0];
	v0 =	vor.u32 v0, v1  }
0x29: {  	v1 =	vperm.xlane v0, v2;
	_ =	sdelay $0x1  }
0x2a: {  	v1 =	vadd.s32 v3, v1;
	_ =	sdelay $0x1  }
0x2b: {  	v0 =	vperm.xlane v0, v4;
	_ =	sdelay $0x1  }
0x2c: {  	s20 =	simm.s32 $0x5400;
	v0 =	vadd.s32 v3, v0  }
0x2d: {  	[tilespmem:s20], [sflag:$0x1] =	stream.indirect_vreg.gather [hbm4b:s0+s5], $0x80, v1, vm0, $0xb8;
	[tilespmem:$0xD400] =	vst v63  }
0x2e: {  	s21 =	simm.s32 $0x5C00  }
0x2f: {  	[tilespmem:s21], [sflag:$0x1] =	stream.indirect_vreg.gather [hbm4b:s8+s5], $0x80, v1, vm0, $0xb8;
	[tilespmem:$0xD400] =	vst v63  }
0x30: {  	s22 =	simm.s32 $0x6400  }
0x31: {  	[tilespmem:s22], [sflag:$0x1] =	stream.indirect_vreg.gather [hbm4b:s0+s5], $0x80, v0, vm0, $0xb8;
	[tilespmem:$0xD400] =	vst v63  }
0x32: {  	s26 =	simm.s32 $0x6C00  }
0x33: {  	[tilespmem:s26], [sflag:$0x1] =	stream.indirect_vreg.gather [hbm4b:s8+s5], $0x80, v0, vm0, $0xb8;
	[tilespmem:$0xD400] =	vst v63  }
0x34: {  	v0 =	vld [tilespmem:$0x80];
	_ =	sdelay $0x4  }
0x35: {  	v63 =	vshll.u32 v0, $0x2  }
0x36: {  	v0 =	vand.u32 $0x7, v0;
	v1 =	vand.u32 $0xFFFFFFE0, v63  }
0x37: {  	v0 =	vor.u32 v0, v1  }
0x38: {  	v1 =	vperm.xlane v0, v2;
	_ =	sdelay $0x1  }
0x39: {  	v1 =	vadd.s32 v3, v1;
	_ =	sdelay $0x1  }
0x3a: {  	v0 =	vperm.xlane v0, v4;
	_ =	sdelay $0x1  }
0x3b: {  	s28 =	simm.s32 $0x7400;
	v0 =	vadd.s32 v3, v0  }
0x3c: {  	[tilespmem:s28], [sflag:$0x2] =	stream.indirect_vreg.gather [hbm4b:s0+s5], $0x80, v1, vm0, $0xb8;
	[tilespmem:$0xD400] =	vst v63  }
0x3d: {  	s29 =	simm.s32 $0x7C00  }
0x3e: {  	[tilespmem:s29], [sflag:$0x2] =	stream.indirect_vreg.gather [hbm4b:s8+s5], $0x80, v1, vm0, $0xb8;
	[tilespmem:$0xD400] =	vst v63  }
0x3f: {  	s30 =	simm.s32 $0x8400  }
0x40: {  	[tilespmem:s30], [sflag:$0x2] =	stream.indirect_vreg.gather [hbm4b:s0+s5], $0x80, v0, vm0, $0xb8;
	[tilespmem:$0xD400] =	vst v63  }
0x41: {  	s31 =	simm.s32 $0x8C00;
	s26 =	simm.s32 $0x0  }
0x42: {  	[tilespmem:s31], [sflag:$0x2] =	stream.indirect_vreg.gather [hbm4b:s8+s5], $0x80, v0, vm0, $0xb8;
	[tilespmem:$0xD400] =	vst v63  }
.LBB2_2:
0x43: {  	s28 =	sand.u32 $0x1, s26  }
0x44: {  	s30 =	sadd.s32 $0x1, s28  }
0x45: {  	_ =	swait.ge [sflag:s30], $0x2000  }
0x46: {  	p0 =	slt.u32 s26, $0x2;
	[sflag:s30] =	ssyncset.done $0x0  }
0x47: {  	s1 =	sadd.s32 @!p0 $0x3, s28;
	[sflag:s30] =	ssyncadd.s32 $0xFFFFE000  }
0x48: {  	s31 =	simm.s32 $0x0;
	_ =	swait.ge @!p0 [sflag:s1], $0x2000  }
0x49: {  	s2 =	sand.u32 $0x1000, s31;
	s3 =	sand.u32 $0x380, s31;
	[sflag:s1] =	ssyncset.done @!p0 $0x0  }
0x4a: {  	s29 =	sshll.u32 s28, $0xD;
	s19 =	sor.u32 s3, s2;
	[sflag:s1] =	ssyncadd.s32 @!p0 $0xFFFFE000  }
0x4b: {  	s3 =	sor.u32 s29, s19;
	v0 =	vld [tilespmem:s19+$0x2000]  }
0x4c: {  	v1 =	vld [tilespmem:s3+$0x5400];
	_ =	sdelay $0x4  }
0x4d: {  	v1 =	vadd.f32 v0, v1;
	_ =	sdelay $0x1  }
0x4e: {  	v0 =	vld [tilespmem:s3+$0x5410];
	[tilespmem:s3+$0x9400] =	vst v1  }
0x4f: {  	v2 =	vld [tilespmem:s19+$0x2010];
	_ =	sdelay $0x4  }
0x50: {  	v2 =	vadd.f32 v2, v0;
	_ =	sdelay $0x1  }
0x51: {  	v0 =	vld [tilespmem:s3+$0x5420];
	[tilespmem:s3+$0x9410] =	vst v2  }
0x52: {  	v3 =	vld [tilespmem:s19+$0x2020];
	_ =	sdelay $0x4  }
0x53: {  	v10 =	vadd.f32 v3, v0;
	_ =	sdelay $0x1  }
0x54: {  	v0 =	vld [tilespmem:s3+$0x5430];
	[tilespmem:s3+$0x9420] =	vst v10  }
0x55: {  	v3 =	vld [tilespmem:s19+$0x2030];
	_ =	sdelay $0x4  }
0x56: {  	v7 =	vadd.f32 v3, v0;
	_ =	sdelay $0x1  }
0x57: {  	v0 =	vld [tilespmem:s3+$0x5440];
	[tilespmem:s3+$0x9430] =	vst v7  }
0x58: {  	v3 =	vld [tilespmem:s19+$0x2040];
	_ =	sdelay $0x4  }
0x59: {  	v3 =	vadd.f32 v3, v0;
	_ =	sdelay $0x1  }
0x5a: {  	v0 =	vld [tilespmem:s3+$0x5450];
	[tilespmem:s3+$0x9440] =	vst v3  }
0x5b: {  	v4 =	vld [tilespmem:s19+$0x2050];
	_ =	sdelay $0x4  }
0x5c: {  	v6 =	vadd.f32 v4, v0;
	_ =	sdelay $0x1  }
0x5d: {  	v0 =	vld [tilespmem:s3+$0x5460];
	[tilespmem:s3+$0x9450] =	vst v6  }
0x5e: {  	v4 =	vld [tilespmem:s19+$0x2060];
	_ =	sdelay $0x1  }
0x5f: {  	s21 =	simm.s32 $0x80;
	s4 =	simm.s32 $0x200  }
0x60: {  	s22 =	sand.u32 $0x1000, s4;
	s1 =	sand.u32 $0x380, s21  }
0x61: {  	s17 =	sor.u32 s1, s22  }
0x62: {  	s1 =	sor.u32 s29, s17;
	v8 =	vld [tilespmem:s17+$0x2000];
	v0 =	vadd.f32 v4, v0  }
0x63: {  	v9 =	vld [tilespmem:s1+$0x5400]  }
0x64: {  	v4 =	vld [tilespmem:s3+$0x5470];
	[tilespmem:s3+$0x9460] =	vst v0  }
0x65: {  	v5 =	vld [tilespmem:s19+$0x2070];
	_ =	sdelay $0x3  }
0x66: {  	v9 =	vadd.f32 v8, v9  }
0x67: {  	v11 =	vadd.f32 v5, v4  }
0x68: {  	v4 =	vld [tilespmem:s3+$0x5800];
	[tilespmem:$0x1FD60] =	vst v9  }
0x69: {  	[tilespmem:s3+$0x9470] =	vst v11  }
0x6a: {  	v8 =	vld [tilespmem:s19+$0x2400];
	_ =	sdelay $0x1  }
0x6b: {  	v5 =	vld [tilespmem:s1+$0x5410];
	[tilespmem:s1+$0x9400] =	vst v9  }
0x6c: {  	v9 =	vld [tilespmem:s17+$0x2010];
	_ =	sdelay $0x1  }
0x6d: {  	v8 =	vadd.f32 v8, v4;
	_ =	sdelay $0x1  }
0x6e: {  	v4 =	vld [tilespmem:s3+$0x5810];
	[tilespmem:s3+$0x9800] =	vst v8  }
0x6f: {  	v61 =	vadd.f32 v9, v5;
	v5 =	vld [tilespmem:s19+$0x2410];
	_ =	sdelay $0x4  }
0x70: {  	v9 =	vld [tilespmem:s1+$0x5420];
	[tilespmem:s1+$0x9410] =	vst v61;
	v17 =	vadd.f32 v5, v4  }
0x71: {  	v12 =	vld [tilespmem:s17+$0x2020]  }
0x72: {  	v4 =	vld [tilespmem:s3+$0x5820];
	[tilespmem:s3+$0x9810] =	vst v17  }
0x73: {  	v5 =	vld [tilespmem:s19+$0x2420];
	_ =	sdelay $0x2  }
0x74: {  	v57 =	vadd.f32 v12, v9;
	_ =	sdelay $0x1  }
0x75: {  	v9 =	vld [tilespmem:s1+$0x5430];
	[tilespmem:s1+$0x9420] =	vst v57;
	v13 =	vadd.f32 v5, v4  }
0x76: {  	v12 =	vld [tilespmem:s17+$0x2030]  }
0x77: {  	v4 =	vld [tilespmem:s3+$0x5830];
	[tilespmem:s3+$0x9820] =	vst v13  }
0x78: {  	v5 =	vld [tilespmem:s19+$0x2430];
	_ =	sdelay $0x2  }
0x79: {  	v62 =	vadd.f32 v12, v9;
	_ =	sdelay $0x1  }
0x7a: {  	v9 =	vld [tilespmem:s1+$0x5440];
	[tilespmem:s1+$0x9430] =	vst v62;
	v19 =	vadd.f32 v5, v4  }
0x7b: {  	v12 =	vld [tilespmem:s17+$0x2040]  }
0x7c: {  	v4 =	vld [tilespmem:s3+$0x5840];
	[tilespmem:s3+$0x9830] =	vst v19  }
0x7d: {  	v5 =	vld [tilespmem:s19+$0x2440];
	_ =	sdelay $0x2  }
0x7e: {  	v58 =	vadd.f32 v12, v9;
	_ =	sdelay $0x1  }
0x7f: {  	v9 =	vld [tilespmem:s1+$0x5450];
	[tilespmem:s1+$0x9440] =	vst v58;
	v14 =	vadd.f32 v5, v4  }
0x80: {  	v4 =	vld [tilespmem:s17+$0x2050]  }
0x81: {  	v5 =	vld [tilespmem:s3+$0x5850];
	[tilespmem:s3+$0x9840] =	vst v14  }
0x82: {  	v12 =	vld [tilespmem:s19+$0x2450];
	_ =	sdelay $0x2  }
0x83: {  	v4 =	vadd.f32 v4, v9;
	_ =	sdelay $0x1  }
0x84: {  	[tilespmem:s1+$0x9450] =	vst v4;
	v24 =	vadd.f32 v12, v5;
	v5 =	vld [tilespmem:s1+$0x5460]  }
0x85: {  	v12 =	vld [tilespmem:s17+$0x2060];
	_ =	sdelay $0x2  }
0x86: {  	v9 =	vld [tilespmem:s3+$0x5860];
	[tilespmem:s3+$0x9850] =	vst v24  }
0x87: {  	v15 =	vld [tilespmem:s19+$0x2460]  }
0x88: {  	v12 =	vadd.f32 v12, v5;
	_ =	sdelay $0x1  }
0x89: {  	[tilespmem:$0x1FDF0] =	vst v12  }
0x8a: {  	s12 =	simm.s32 $0x100;
	s2 =	simm.s32 $0x400;
	v5 =	vld [tilespmem:s3+$0x5870]  }
0x8b: {  	s12 =	sand.u32 $0x380, s12;
	s13 =	sand.u32 $0x1000, s2;
	v18 =	vadd.f32 v15, v9;
	[tilespmem:s1+$0x9460] =	vst v12;
	v9 =	vld [tilespmem:s1+$0x5470]  }
0x8c: {  	s15 =	sor.u32 s12, s13;
	v12 =	vld [tilespmem:s17+$0x2070]  }
0x8d: {  	s12 =	sor.u32 s29, s15;
	v16 =	vld [tilespmem:s15+$0x2000]  }
0x8e: {  	v20 =	vld [tilespmem:s12+$0x5400];
	[tilespmem:s3+$0x9860] =	vst v18  }
0x8f: {  	v15 =	vld [tilespmem:s19+$0x2470];
	_ =	sdelay $0x1  }
0x90: {  	v25 =	vadd.f32 v12, v9;
	_ =	sdelay $0x1  }
0x91: {  	v20 =	vadd.f32 v16, v20;
	v9 =	vld [tilespmem:s1+$0x5800];
	[tilespmem:s1+$0x9470] =	vst v25  }
0x92: {  	v27 =	vadd.f32 v15, v5;
	v5 =	vld [tilespmem:s17+$0x2400]  }
0x93: {  	v12 =	vld [tilespmem:s3+$0x5C00];
	[tilespmem:$0x1FF80] =	vst v20  }
0x94: {  	v15 =	vld [tilespmem:s12+$0x5410];
	[tilespmem:s12+$0x9400] =	vst v20  }
0x95: {  	[tilespmem:s3+$0x9870] =	vst v27;
	v20 =	vld [tilespmem:s15+$0x2010]  }
0x96: {  	v16 =	vld [tilespmem:s19+$0x2800]  }
0x97: {  	v21 =	vadd.f32 v5, v9;
	_ =	sdelay $0x1  }
0x98: {  	[tilespmem:$0x1FE00] =	vst v21  }
0x99: {  	v53 =	vadd.f32 v20, v15;
	v5 =	vld [tilespmem:s1+$0x5810]  }
0x9a: {  	v22 =	vadd.f32 v16, v12;
	[tilespmem:s1+$0x9800] =	vst v21;
	v16 =	vld [tilespmem:s12+$0x5420]  }
0x9b: {  	v12 =	vld [tilespmem:s17+$0x2410];
	[tilespmem:s12+$0x9410] =	vst v53  }
0x9c: {  	v20 =	vld [tilespmem:s15+$0x2020]  }
0x9d: {  	v9 =	vld [tilespmem:s3+$0x5C10];
	[tilespmem:s3+$0x9C00] =	vst v22  }
0x9e: {  	v15 =	vld [tilespmem:s19+$0x2810];
	_ =	sdelay $0x1  }
0x9f: {  	v29 =	vadd.f32 v12, v5  }
0xa0: {  	v16 =	vadd.f32 v20, v16  }
0xa1: {  	v5 =	vld [tilespmem:s1+$0x5820];
	[tilespmem:s1+$0x9810] =	vst v29  }
0xa2: {  	v30 =	vadd.f32 v15, v9;
	v9 =	vld [tilespmem:s3+$0x5C20];
	[tilespmem:$0x1FE10] =	vst v16  }
0xa3: {  	v12 =	vld [tilespmem:s17+$0x2420];
	_ =	sdelay $0x1  }
0xa4: {  	[tilespmem:s3+$0x9C10] =	vst v30  }
0xa5: {  	v15 =	vld [tilespmem:s19+$0x2820];
	_ =	sdelay $0x1  }
0xa6: {  	[tilespmem:s12+$0x9420] =	vst v16;
	v16 =	vld [tilespmem:s12+$0x5430];
	v12 =	vadd.f32 v12, v5  }
0xa7: {  	v20 =	vld [tilespmem:s15+$0x2030]  }
0xa8: {  	[tilespmem:$0x1FE30] =	vst v12  }
0xa9: {  	v26 =	vadd.f32 v15, v9;
	v5 =	vld [tilespmem:s1+$0x5830];
	[tilespmem:s1+$0x9820] =	vst v12  }
0xaa: {  	v12 =	vld [tilespmem:s17+$0x2430]  }
0xab: {  	v9 =	vld [tilespmem:s3+$0x5C30];
	[tilespmem:s3+$0x9C20] =	vst v26  }
0xac: {  	v59 =	vadd.f32 v20, v16;
	v15 =	vld [tilespmem:s19+$0x2830];
	_ =	sdelay $0x1  }
0xad: {  	[tilespmem:s12+$0x9430] =	vst v59;
	v16 =	vld [tilespmem:s12+$0x5440]  }
0xae: {  	v20 =	vld [tilespmem:s15+$0x2040];
	v31 =	vadd.f32 v12, v5;
	_ =	sdelay $0x1  }
0xaf: {  	v5 =	vld [tilespmem:s1+$0x5840];
	v32 =	vadd.f32 v15, v9;
	[tilespmem:s1+$0x9830] =	vst v31  }
0xb0: {  	v12 =	vld [tilespmem:s17+$0x2440]  }
0xb1: {  	v9 =	vld [tilespmem:s3+$0x5C40];
	[tilespmem:s3+$0x9C30] =	vst v32  }
0xb2: {  	v16 =	vadd.f32 v20, v16;
	v15 =	vld [tilespmem:s19+$0x2840];
	_ =	sdelay $0x1  }
0xb3: {  	[tilespmem:$0x1FE40] =	vst v16  }
0xb4: {  	[tilespmem:s12+$0x9440] =	vst v16;
	v16 =	vadd.f32 v12, v5;
	_ =	sdelay $0x1  }
0xb5: {  	v20 =	vld [tilespmem:s12+$0x5450];
	v21 =	vadd.f32 v15, v9;
	[tilespmem:$0x1FE60] =	vst v16  }
0xb6: {  	v5 =	vld [tilespmem:s15+$0x2050]  }
0xb7: {  	v12 =	vld [tilespmem:s1+$0x5850];
	[tilespmem:$0x1FE70] =	vst v21  }
0xb8: {  	v9 =	vld [tilespmem:s3+$0x5C50];
	[tilespmem:s1+$0x9840] =	vst v16  }
0xb9: {  	[tilespmem:s3+$0x9C40] =	vst v21;
	v15 =	vld [tilespmem:s17+$0x2450]  }
0xba: {  	v21 =	vld [tilespmem:s19+$0x2850];
	_ =	sdelay $0x2  }
0xbb: {  	v34 =	vadd.f32 v5, v20;
	v5 =	vld [tilespmem:s1+$0x5860]  }
0xbc: {  	v33 =	vadd.f32 v15, v12;
	v12 =	vld [tilespmem:s12+$0x5460]  }
0xbd: {  	[tilespmem:s12+$0x9450] =	vst v34;
	v35 =	vadd.f32 v21, v9;
	v15 =	vld [tilespmem:s3+$0x5C60]  }
0xbe: {  	v9 =	vld [tilespmem:s15+$0x2060];
	[tilespmem:s1+$0x9850] =	vst v33  }
0xbf: {  	[tilespmem:s3+$0x9C50] =	vst v35;
	v20 =	vld [tilespmem:s17+$0x2460]  }
0xc0: {  	v21 =	vld [tilespmem:s19+$0x2860];
	_ =	sdelay $0x1  }
0xc1: {  	v28 =	vld [tilespmem:s3+$0x6000]  }
0xc2: {  	v16 =	vadd.f32 v9, v12;
	v9 =	vld [tilespmem:s3+$0x5C70]  }
0xc3: {  	v12 =	vld [tilespmem:s12+$0x5470];
	v55 =	vadd.f32 v20, v5  }
0xc4: {  	v5 =	vld [tilespmem:s1+$0x5870];
	[tilespmem:s12+$0x9460] =	vst v16;
	v63 =	vadd.f32 v21, v15  }
0xc5: {  	s14 =	simm.s32 $0x180;
	s13 =	simm.s32 $0x600;
	v15 =	vld [tilespmem:s15+$0x2070];
	[tilespmem:s1+$0x9860] =	vst v55  }
0xc6: {  	s14 =	sand.u32 $0x380, s14;
	s16 =	sand.u32 $0x1000, s13;
	[tilespmem:s3+$0x9C60] =	vst v63;
	v20 =	vld [tilespmem:s17+$0x2470]  }
0xc7: {  	s16 =	sor.u32 s14, s16;
	v21 =	vld [tilespmem:s19+$0x2870]  }
0xc8: {  	v37 =	vld [tilespmem:s16+$0x2000]  }
0xc9: {  	s14 =	sor.u32 s29, s16;
	v40 =	vld [tilespmem:s12+$0x5800]  }
0xca: {  	v36 =	vadd.f32 v15, v12;
	v12 =	vld [tilespmem:s14+$0x5400]  }
0xcb: {  	v23 =	vld [tilespmem:s3+$0x6070];
	v39 =	vadd.f32 v20, v5  }
0xcc: {  	v5 =	vld [tilespmem:s1+$0x5C00];
	v38 =	vadd.f32 v21, v9;
	[tilespmem:s12+$0x9470] =	vst v36  }
0xcd: {  	v9 =	vld [tilespmem:s15+$0x2400];
	[tilespmem:s1+$0x9870] =	vst v39  }
0xce: {  	[tilespmem:s3+$0x9C70] =	vst v38;
	v20 =	vld [tilespmem:s17+$0x2800]  }
0xcf: {  	v21 =	vld [tilespmem:s19+$0x2C00];
	v15 =	vadd.f32 v37, v12  }
0xd0: {  	v12 =	vld [tilespmem:s14+$0x5410];
	[tilespmem:$0x1FCC0] =	vst v23  }
0xd1: {  	v48 =	vld [tilespmem:s12+$0x5810];
	[tilespmem:s14+$0x9400] =	vst v15  }
0xd2: {  	v56 =	vadd.f32 v9, v40;
	v9 =	vld [tilespmem:s16+$0x2010]  }
0xd3: {  	v41 =	vld [tilespmem:s3+$0x6010];
	v5 =	vadd.f32 v20, v5  }
0xd4: {  	v20 =	vld [tilespmem:s1+$0x5C10];
	[tilespmem:s12+$0x9800] =	vst v56;
	v60 =	vadd.f32 v21, v28  }
0xd5: {  	v21 =	vld [tilespmem:s15+$0x2410];
	[tilespmem:s1+$0x9C00] =	vst v5  }
0xd6: {  	[tilespmem:s3+$0xA000] =	vst v60;
	v51 =	vld [tilespmem:s17+$0x2810]  }
0xd7: {  	v45 =	vadd.f32 v9, v12;
	v9 =	vld [tilespmem:s19+$0x2C10]  }
0xd8: {  	v42 =	vld [tilespmem:s12+$0x5820]  }
0xd9: {  	v12 =	vld [tilespmem:s14+$0x5420];
	[tilespmem:s14+$0x9410] =	vst v45  }
0xda: {  	v37 =	vadd.f32 v21, v48;
	v21 =	vld [tilespmem:s16+$0x2020]  }
0xdb: {  	v44 =	vld [tilespmem:s3+$0x6020];
	v40 =	vadd.f32 v51, v20  }
0xdc: {  	v20 =	vld [tilespmem:s1+$0x5C20];
	[tilespmem:s12+$0x9810] =	vst v37;
	v41 =	vadd.f32 v9, v41  }
0xdd: {  	v9 =	vld [tilespmem:s15+$0x2420];
	[tilespmem:s1+$0x9C10] =	vst v40  }
0xde: {  	[tilespmem:s3+$0xA010] =	vst v41;
	v43 =	vld [tilespmem:s17+$0x2820]  }
0xdf: {  	v23 =	vadd.f32 v21, v12;
	v12 =	vld [tilespmem:s19+$0x2C20];
	_ =	sdelay $0x1  }
0xe0: {  	v21 =	vld [tilespmem:s14+$0x5430];
	[tilespmem:s14+$0x9420] =	vst v23  }
0xe1: {  	v28 =	vadd.f32 v9, v42;
	v54 =	vld [tilespmem:s16+$0x2030]  }
0xe2: {  	v51 =	vadd.f32 v43, v20;
	v20 =	vld [tilespmem:s12+$0x5830]  }
0xe3: {  	v9 =	vadd.f32 v12, v44;
	[tilespmem:s12+$0x9820] =	vst v28;
	v12 =	vld [tilespmem:s1+$0x5C30]  }
0xe4: {  	v43 =	vld [tilespmem:s15+$0x2430];
	[tilespmem:s1+$0x9C20] =	vst v51  }
0xe5: {  	v48 =	vadd.f32 $0.0e+00, v1;
	v46 =	vld [tilespmem:s17+$0x2830]  }
0xe6: {  	v42 =	vld [tilespmem:s3+$0x6030];
	[tilespmem:s3+$0xA020] =	vst v9;
	v54 =	vadd.f32 v54, v21;
	v21 =	vadd.f32 $0.0e+00, v2  }
0xe7: {  	v1 =	vmul.f32 v1, v1;
	v44 =	vadd.f32 v10, v48;
	v10 =	vmul.f32 v10, v10;
	v47 =	vld [tilespmem:s19+$0x2C30]  }
0xe8: {  	v2 =	vmul.f32 v2, v2;
	v21 =	vadd.f32 v7, v21;
	v7 =	vmul.f32 v7, v7  }
0xe9: {  	v1 =	vadd.f32 v10, v1;
	v10 =	vadd.f32 v43, v20;
	v20 =	vld [tilespmem:s12+$0x5840]  }
0xea: {  	[tilespmem:s14+$0x9430] =	vst v54;
	v43 =	vld [tilespmem:s14+$0x5440];
	v2 =	vadd.f32 v7, v2;
	v7 =	vadd.f32 v46, v12;
	v12 =	vmul.f32 v3, v3  }
0xeb: {  	v21 =	vadd.f32 v6, v21;
	v6 =	vmul.f32 v6, v6;
	v3 =	vadd.f32 v3, v44;
	[tilespmem:s12+$0x9830] =	vst v10;
	v44 =	vld [tilespmem:s16+$0x2040]  }
0xec: {  	v1 =	vadd.f32 v12, v1;
	v12 =	vadd.f32 v47, v42;
	v42 =	vld [tilespmem:s15+$0x2440]  }
0xed: {  	v46 =	vmul.f32 v11, v11;
	v2 =	vadd.f32 v6, v2;
	v11 =	vadd.f32 v11, v21  }
0xee: {  	v6 =	vmul.f32 v0, v0;
	v0 =	vadd.f32 v0, v3  }
0xef: {  	v48 =	vld [tilespmem:s1+$0x5C40];
	v2 =	vadd.f32 v46, v2;
	v11 =	vadd.f32 v17, v11  }
0xf0: {  	[tilespmem:s1+$0x9C30] =	vst v7;
	v3 =	vld [tilespmem:s3+$0x6040];
	v17 =	vmul.f32 v17, v17;
	v1 =	vadd.f32 v6, v1;
	v0 =	vadd.f32 v8, v0  }
0xf1: {  	v47 =	vld [tilespmem:s17+$0x2840];
	[tilespmem:s3+$0xA030] =	vst v12;
	v8 =	vmul.f32 v8, v8;
	v21 =	vadd.f32 v44, v43;
	v44 =	vadd.f32 v42, v20  }
0xf2: {  	v6 =	vld [tilespmem:s19+$0x2C40];
	v2 =	vadd.f32 v17, v2;
	v11 =	vadd.f32 v19, v11  }
0xf3: {  	v17 =	vmul.f32 v19, v19;
	v19 =	vmul.f32 v13, v13;
	v1 =	vadd.f32 v8, v1;
	v8 =	vld [tilespmem:s12+$0x5850];
	[tilespmem:s12+$0x9840] =	vst v44  }
0xf4: {  	v0 =	vadd.f32 v13, v0;
	v13 =	vld [tilespmem:s15+$0x2450]  }
0xf5: {  	v1 =	vadd.f32 v19, v1;
	v19 =	vadd.f32 $0.0e+00, v61  }
0xf6: {  	v46 =	vmov v55;
	v55 =	vld [tilespmem:s14+$0x5450];
	v48 =	vadd.f32 v47, v48;
	v0 =	vadd.f32 v14, v0  }
0xf7: {  	v42 =	vld [tilespmem:s1+$0x5C50];
	[tilespmem:s14+$0x9440] =	vst v21;
	v20 =	vadd.f32 v6, v3;
	v6 =	vmul.f32 v14, v14;
	v14 =	vadd.f32 v62, v19  }
0xf8: {  	v2 =	vadd.f32 v17, v2;
	v11 =	vadd.f32 v24, v11;
	v3 =	vld [tilespmem:s16+$0x2050];
	[tilespmem:s1+$0x9C40] =	vst v48  }
0xf9: {  	v17 =	vmul.f32 v24, v24;
	v24 =	vld [tilespmem:s17+$0x2850];
	[tilespmem:s3+$0xA040] =	vst v20;
	v8 =	vadd.f32 v13, v8;
	v13 =	vadd.f32 v4, v14  }
0xfa: {  	v1 =	vadd.f32 v6, v1;
	v6 =	vld [tilespmem:s3+$0x6050];
	[tilespmem:$0x1FCD0] =	vst v62  }
0xfb: {  	v2 =	vadd.f32 v17, v2;
	v17 =	vld [tilespmem:s19+$0x2C50];
	v4 =	vmul.f32 v4, v4;
	v13 =	vadd.f32 v25, v13;
	_ =	sdelay $0x1  }
0xfc: {  	[tilespmem:$0x1FCE0] =	vst v4;
	v4 =	vadd.f32 v27, v11;
	v11 =	vmul.f32 v27, v27;
	v13 =	vadd.f32 v29, v13  }
0xfd: {  	v14 =	vmul.f32 v25, v25  }
0xfe: {  	[tilespmem:$0x1FD10] =	vst v59;
	v11 =	vadd.f32 v11, v2;
	v2 =	vadd.f32 v31, v13;
	v13 =	vmul.f32 v31, v31  }
0xff: {  	v0 =	vadd.f32 v18, v0;
	[tilespmem:$0x1FCF0] =	vst v14;
	v27 =	vadd.f32 v17, v6;
	v17 =	vmul.f32 v29, v29  }
0x100: {  	[tilespmem:$0x1FD20] =	vst v13;
	v13 =	vmul.f32 v34, v34  }
0x101: {  	v0 =	vadd.f32 v22, v0;
	v14 =	vmul.f32 v30, v30;
	v4 =	vadd.f32 v30, v4;
	[tilespmem:$0x1FD00] =	vst v17  }
0x102: {  	v17 =	vmul.f32 v22, v22;
	v22 =	vmul.f32 v39, v39;
	[tilespmem:$0x1FD30] =	vst v13;
	v13 =	vadd.f32 v33, v2  }
0x103: {  	[tilespmem:$0x1FD50] =	vst v45;
	v3 =	vadd.f32 v3, v55;
	v4 =	vadd.f32 v32, v4  }
0x104: {  	v30 =	vadd.f32 v14, v11;
	v11 =	vmul.f32 v36, v36;
	[tilespmem:$0x1FD40] =	vst v22;
	v13 =	vadd.f32 v39, v13  }
0x105: {  	v18 =	vmul.f32 v18, v18;
	v29 =	vadd.f32 $0.0e+00, v45;
	v45 =	vld [tilespmem:$0x1FD60];
	v4 =	vadd.f32 v35, v4;
	[tilespmem:s14+$0x9450] =	vst v3  }
0x106: {  	v31 =	vld [tilespmem:s12+$0x5860];
	[tilespmem:$0x1FD70] =	vst v11;
	v11 =	vadd.f32 v40, v13;
	v13 =	vmul.f32 v40, v40  }
0x107: {  	v1 =	vadd.f32 v18, v1;
	v18 =	vmul.f32 v26, v26;
	v4 =	vadd.f32 v38, v4  }
0x108: {  	v0 =	vadd.f32 v26, v0;
	v6 =	vadd.f32 $0.0e+00, v53;
	v26 =	vld [tilespmem:s14+$0x5460];
	[tilespmem:$0x1FD80] =	vst v13;
	v13 =	vmul.f32 v37, v37  }
0x109: {  	v1 =	vadd.f32 v17, v1;
	v17 =	vadd.f32 v41, v4;
	v4 =	vld [tilespmem:s16+$0x2060];
	[tilespmem:$0x1FDA0] =	vst v54  }
0x10a: {  	v14 =	vadd.f32 v7, v11;
	v7 =	vmul.f32 v7, v7;
	[tilespmem:$0x1FD90] =	vst v13  }
0x10b: {  	v6 =	vadd.f32 v59, v6;
	v13 =	vadd.f32 v54, v29;
	[tilespmem:s12+$0x9850] =	vst v8  }
0x10c: {  	v29 =	vld [tilespmem:s1+$0x5C60];
	[tilespmem:$0x1FDB0] =	vst v7;
	v7 =	vmul.f32 v10, v10  }
0x10d: {  	v6 =	vadd.f32 v34, v6;
	v11 =	vadd.f32 v3, v13;
	v3 =	vmul.f32 v3, v3  }
0x10e: {  	v19 =	vadd.f32 v24, v42;
	v22 =	vmul.f32 v38, v38;
	v38 =	vld [tilespmem:s15+$0x2460];
	[tilespmem:$0x1FDC0] =	vst v7  }
0x10f: {  	v6 =	vadd.f32 v36, v6;
	[tilespmem:$0x1FDD0] =	vst v3;
	v3 =	vmul.f32 v8, v8  }
0x110: {  	[tilespmem:s1+$0x9C50] =	vst v19  }
0x111: {  	v6 =	vadd.f32 v37, v6;
	[tilespmem:$0x1FDE0] =	vst v3;
	v3 =	vld [tilespmem:$0x1FDF0];
	_ =	sdelay $0x1  }
0x112: {  	v6 =	vadd.f32 v10, v6  }
0x113: {  	v24 =	vmul.f32 v32, v32;
	v32 =	vmul.f32 v41, v41  }
0x114: {  	v54 =	vmovc v57;
	v13 =	vadd.f32 v8, v6;
	v6 =	vmul.f32 v57, v57;
	v57 =	vmov v58  }
0x115: {  	v41 =	vadd.f32 v4, v26;
	v7 =	vmul.f32 v58, v58;
	v58 =	vmovc v3;
	v4 =	vmul.f32 v3, v3;
	v3 =	vld [tilespmem:$0x1FE10];
	_ =	sdelay $0x4  }
0x116: {  	v3 =	vmul.f32 v3, v3;
	_ =	sdelay $0x1  }
0x117: {  	v10 =	vld [tilespmem:s17+$0x2860];
	[tilespmem:$0x1FE20] =	vst v3  }
0x118: {  	v59 =	vld [tilespmem:$0x1FE00];
	[tilespmem:s3+$0xA050] =	vst v27  }
0x119: {  	v8 =	vld [tilespmem:$0x1FE40];
	_ =	sdelay $0x4  }
0x11a: {  	v8 =	vmul.f32 v8, v8  }
0x11b: {  	v18 =	vadd.f32 v18, v1  }
0x11c: {  	v1 =	vmul.f32 v59, v59;
	v59 =	vadd.f32 v10, v29;
	v10 =	vmul.f32 v16, v16;
	[tilespmem:$0x1FE50] =	vst v8  }
0x11d: {  	v24 =	vadd.f32 v24, v30;
	v30 =	vld [tilespmem:s3+$0x6060];
	[tilespmem:$0x1FE80] =	vst v16  }
0x11e: {  	[tilespmem:$0x1FE90] =	vst v10  }
0x11f: {  	v2 =	vmul.f32 v33, v33;
	v33 =	vadd.f32 v38, v31;
	v29 =	vmul.f32 v56, v56;
	v31 =	vld [tilespmem:s19+$0x2C60];
	[tilespmem:$0x1FEA0] =	vst v56  }
0x120: {  	v62 =	vld [tilespmem:$0x1FE70];
	[tilespmem:$0x1FEC0] =	vst v23;
	v23 =	vmul.f32 v23, v23  }
0x121: {  	[tilespmem:$0x1FEB0] =	vst v29  }
0x122: {  	v3 =	vld [tilespmem:$0x1FE30];
	[tilespmem:$0x1FED0] =	vst v23  }
0x123: {  	v8 =	vld [tilespmem:$0x1FE60];
	v23 =	vmul.f32 v28, v28;
	[tilespmem:s14+$0x9460] =	vst v41  }
0x124: {  	v37 =	vld [tilespmem:s1+$0x5C70];
	[tilespmem:$0x1FEE0] =	vst v28  }
0x125: {  	v0 =	vadd.f32 v62, v0;
	[tilespmem:$0x1FEF0] =	vst v23;
	v23 =	vmul.f32 v51, v51  }
0x126: {  	v25 =	vmul.f32 v35, v35;
	[tilespmem:$0x1FF00] =	vst v51  }
0x127: {  	v56 =	vmov v33;
	[tilespmem:$0x1FF10] =	vst v23;
	v23 =	vadd.f32 v63, v0;
	v0 =	vmul.f32 v21, v21  }
0x128: {  	v26 =	vmul.f32 v62, v62;
	v40 =	vld [tilespmem:s12+$0x5870];
	[tilespmem:s12+$0x9860] =	vst v56  }
0x129: {  	v25 =	vadd.f32 v25, v24;
	v35 =	vld [tilespmem:s14+$0x5470];
	[tilespmem:$0x1FF20] =	vst v0;
	v0 =	vmul.f32 v44, v44  }
0x12a: {  	v26 =	vadd.f32 v26, v18;
	v16 =	vmul.f32 v63, v63;
	[tilespmem:$0x1FF30] =	vst v44  }
0x12b: {  	v33 =	vadd.f32 v31, v30;
	v30 =	vadd.f32 v22, v25;
	v22 =	vmul.f32 v48, v48;
	[tilespmem:$0x1FF40] =	vst v0  }
0x12c: {  	v26 =	vadd.f32 v16, v26;
	v16 =	vmul.f32 v19, v19;
	[tilespmem:s1+$0x9C60] =	vst v59  }
0x12d: {  	v44 =	vld [tilespmem:s16+$0x2070];
	[tilespmem:$0x1FF50] =	vst v22  }
0x12e: {  	v43 =	vld [tilespmem:s15+$0x2470];
	[tilespmem:$0x1FF60] =	vst v16  }
0x12f: {  	v47 =	vmov v61;
	v24 =	vmul.f32 v9, v9;
	[tilespmem:s3+$0xA060] =	vst v33  }
0x130: {  	v61 =	vmovc v3;
	v3 =	vmul.f32 v3, v3;
	v18 =	vmul.f32 v60, v60;
	v39 =	vadd.f32 v60, v23;
	v60 =	vld [tilespmem:$0x1FF80]  }
0x131: {  	v10 =	vmul.f32 v46, v46;
	v16 =	vmul.f32 v41, v41  }
0x132: {  	v55 =	vmovc v53;
	v29 =	vmul.f32 v12, v12;
	v53 =	vmov v8;
	v8 =	vmul.f32 v8, v8  }
0x133: {  	v31 =	vmul.f32 v20, v20;
	v25 =	vmul.f32 v56, v56;
	v42 =	vld [tilespmem:s17+$0x2870];
	[tilespmem:$0x1FF70] =	vst v16  }
0x134: {  	v38 =	vmovc v5;
	v30 =	vadd.f32 v32, v30;
	v34 =	vmul.f32 v33, v33;
	v23 =	vmul.f32 v59, v59;
	v36 =	vld [tilespmem:s1+$0x6000]  }
0x135: {  	s20 =	simm.s32 $0x800;
	s18 =	sor.u32 $0x5400, s29;
	s22 =	simm.s32 $0x200;
	v0 =	vmovc v48;
	v22 =	vmul.f32 v27, v27;
	v48 =	vmovc v15;
	v32 =	vld [tilespmem:s19+$0x2C70];
	v16 =	vmov v45;
	v51 =	vmov v60  }
.LBB2_3:
0x136: {  	v12 =	vadd.f32 v12, v17;
	_ =	sdelay $0x1  }
0x137: {  	[tilespmem:$0x1FC80] =	vst v5;
	s6 =	sand.u32 $0x1000, s20;
	s7 =	sand.u32 $0x380, s22;
	v12 =	vadd.f32 v27, v12;
	v27 =	vld [tilespmem:$0x1FCC0]  }
0x138: {  	[tilespmem:$0x1FF80] =	vst v15;
	v5 =	vld [tilespmem:s12+$0x5C00];
	s21 =	smov.u32 s16;
	v15 =	vadd.f32 v18, v26;
	v18 =	vmov v23;
	s16 =	sor.u32 s7, s6  }
0x139: {  	[tilespmem:$0x1FCA0] =	vst v18;
	v18 =	vadd.f32 v44, v35;
	s6 =	sor.u32 s29, s16;
	v63 =	vld [tilespmem:s16+$0x2000]  }
0x13a: {  	v9 =	vadd.f32 v9, v39;
	v62 =	vadd.f32 v43, v40;
	v17 =	vld [tilespmem:s6+$0x5400]  }
0x13b: {  	v23 =	vld [tilespmem:s14+$0x5800];
	v37 =	vadd.f32 v42, v37;
	v15 =	vadd.f32 v24, v15;
	[tilespmem:s14+$0x9470] =	vst v18  }
0x13c: {  	v24 =	vadd.f32 v29, v30;
	v29 =	vld [tilespmem:s21+$0x2400];
	[tilespmem:s12+$0x9870] =	vst v62;
	v30 =	vadd.f32 v32, v27  }
0x13d: {  	v9 =	vadd.f32 v20, v9;
	v15 =	vadd.f32 v31, v15;
	v43 =	vld [tilespmem:s15+$0x2800];
	[tilespmem:s1+$0x9C70] =	vst v37  }
0x13e: {  	v20 =	vadd.f32 v22, v24;
	v31 =	vld [tilespmem:s6+$0x5410];
	[tilespmem:s3+$0xA070] =	vst v30;
	v12 =	vadd.f32 v30, v12;
	s3 =	smov.u32 s1  }
0x13f: {  	v22 =	vmul.f32 v30, v30;
	v30 =	vadd.f32 v34, v15;
	v15 =	vadd.f32 v63, v17;
	v17 =	vld [tilespmem:s3+$0x6070];
	_ =	sdelay $0x2  }
0x140: {  	v9 =	vadd.f32 v33, v9  }
0x141: {  	v24 =	vld [tilespmem:s17+$0x2C00]  }
0x142: {  	v28 =	vmov v46;
	v46 =	vld [tilespmem:$0x1FFE0];
	s1 =	smov.u32 s12;
	s12 =	smov.u32 s14;
	s14 =	smov.u32 s6;
	v9 =	vadd.f32 v12, v9;
	[tilespmem:$0x1FCC0] =	vst v17  }
0x143: {  	v25 =	vmov v25;
	v17 =	vadd.f32 v22, v20;
	v20 =	vadd.f32 v29, v23;
	v22 =	vld [tilespmem:s1+$0x5C10];
	[tilespmem:s14+$0x9400] =	vst v15  }
0x144: {  	[tilespmem:$0x1FCB0] =	vst v25;
	v27 =	vmul.f32 v18, v18;
	v5 =	vadd.f32 v43, v5;
	v12 =	vld [tilespmem:s12+$0x5810]  }
0x145: {  	v29 =	vadd.f32 v18, v11;
	v18 =	vperm.xlane v9, v49;
	v23 =	vld [tilespmem:s16+$0x2010];
	v17 =	vadd.f32 v17, v30;
	[tilespmem:s12+$0x9800] =	vst v20  }
0x146: {  	v30 =	vadd.f32 v24, v36;
	v44 =	vld [tilespmem:s21+$0x2410];
	[tilespmem:s1+$0x9C00] =	vst v5  }
0x147: {  	[tilespmem:$0x1FD60] =	vst v51;
	v9 =	vadd.f32 v9, v18;
	v24 =	vperm.xlane v17, v49;
	v49 =	vld [tilespmem:s15+$0x2810]  }
0x148: {  	v25 =	vmul.f32 v62, v62;
	[tilespmem:s3+$0xA000] =	vst v30;
	v51 =	vld [tilespmem:s3+$0x6010]  }
0x149: {  	v13 =	vadd.f32 v62, v13;
	v62 =	vperm.xlane v9, v50;
	v17 =	vadd.f32 v24, v17;
	v24 =	vld [tilespmem:s17+$0x2C10]  }
0x14a: {  	v14 =	vadd.f32 v19, v14  }
0x14b: {  	v9 =	vadd.f32 v9, v62;
	v19 =	vperm.xlane v17, v50  }
0x14c: {  	v14 =	vadd.f32 v37, v14;
	v36 =	vld [tilespmem:s1+$0x5C20];
	v31 =	vadd.f32 v23, v31  }
0x14d: {  	v39 =	vld [tilespmem:s12+$0x5820];
	v12 =	vadd.f32 v44, v12;
	v19 =	vadd.f32 v19, v17;
	v17 =	vperm.xlane v9, v46  }
0x14e: {  	v40 =	vmul.f32 v45, v16;
	v63 =	vld [tilespmem:s14+$0x5420];
	[tilespmem:s14+$0x9410] =	vst v31;
	v22 =	vadd.f32 v49, v22;
	v24 =	vadd.f32 v24, v51  }
0x14f: {  	v26 =	vmul.f32 v37, v37;
	v45 =	vld [tilespmem:s16+$0x2020];
	[tilespmem:s12+$0x9810] =	vst v12;
	v50 =	vperm.xlane v19, v46;
	v9 =	vadd.f32 v9, v17  }
0x150: {  	v49 =	vld [tilespmem:s21+$0x2420];
	[tilespmem:s1+$0x9C10] =	vst v22;
	v37 =	vadd.f32 v22, v13;
	v23 =	vmul.f32 v22, v22;
	v17 =	vadd.f32 v24, v14  }
0x151: {  	v22 =	vld [tilespmem:s15+$0x2820];
	[tilespmem:s3+$0xA010] =	vst v24;
	v32 =	vmul.f32 v24, v24;
	v24 =	vadd.f32 v50, v19;
	v51 =	vperm.xlane v9, v52;
	_ =	sdelay $0x1  }
0x152: {  	v52 =	vperm.xlane v24, v52;
	v9 =	vadd.f32 v9, v51  }
0x153: {  	v14 =	vld [tilespmem:s3+$0x6020]  }
0x154: {  	v24 =	vadd.f32 v52, v24;
	v52 =	vmul.f32 $1.953125000e-03, v9;
	v9 =	vld [tilespmem:$0x1FCD0]  }
0x155: {  	v29 =	vadd.f32 v12, v29;
	v13 =	vmul.f32 v12, v12;
	v12 =	vld [tilespmem:s17+$0x2C20];
	_ =	sdelay $0x1  }
0x156: {  	[tilespmem:$0x1FC90] =	vst v26;
	v44 =	vld [tilespmem:s1+$0x5C30]  }
0x157: {  	v26 =	vadd.f32 v6, v40;
	v43 =	vmul.f32 v47, v47;
	v35 =	vadd.f32 v45, v63;
	v63 =	vmovc v48;
	v48 =	vld [tilespmem:s14+$0x5430]  }
0x158: {  	v45 =	vadd.f32 $0.0e+00, v16;
	v19 =	vadd.f32 v49, v39;
	v39 =	vld [tilespmem:s12+$0x5830];
	v50 =	vmul.f32 v9, v9  }
0x159: {  	v6 =	vmovc v31;
	v40 =	vmul.f32 v52, v52;
	v9 =	vadd.f32 v12, v14;
	v14 =	vmul.f32 $1.953125000e-03, v24;
	v24 =	vld [tilespmem:$0x1FD50]  }
0x15a: {  	v33 =	vadd.f32 v22, v36;
	[tilespmem:$0x1FD50] =	vst v6;
	v6 =	vld [tilespmem:$0x1FE10];
	v43 =	vadd.f32 v50, v43  }
0x15b: {  	[tilespmem:s14+$0x9420] =	vst v35;
	v50 =	vadd.f32 v7, v26;
	v7 =	vsub.f32 v14, v40;
	v14 =	vld [tilespmem:$0x1FEC0]  }
0x15c: {  	v36 =	vld [tilespmem:s16+$0x2030];
	[tilespmem:s12+$0x9820] =	vst v19  }
0x15d: {  	v45 =	vadd.f32 v54, v45;
	v49 =	vld [tilespmem:s21+$0x2430];
	[tilespmem:s1+$0x9C20] =	vst v33  }
0x15e: {  	s7 =	sshra.s32 s31, $0x2;
	v12 =	vld [tilespmem:s15+$0x2830]  }
0x15f: {  	v45 =	vadd.f32 v57, v45;
	v57 =	vld [tilespmem:$0x1FE20];
	[tilespmem:s7+$0x4400] =	vst v52;
	v52 =	vmov v35  }
0x160: {  	[tilespmem:$0x1FEC0] =	vst v52;
	v52 =	vld [tilespmem:$0x1FDA0];
	v54 =	vmov v6;
	v6 =	vmov v14  }
0x161: {  	v14 =	vadd.f32 v36, v48;
	[tilespmem:$0x1FE10] =	vst v6;
	v6 =	vld [tilespmem:$0x1FCE0];
	_ =	sdelay $0x1  }
0x162: {  	v44 =	vadd.f32 v12, v44;
	v12 =	vmov v14  }
0x163: {  	[tilespmem:$0x1FDA0] =	vst v12;
	v12 =	vld [tilespmem:$0x1FE40]  }
0x164: {  	v36 =	vld [tilespmem:$0x1FED0]  }
0x165: {  	v46 =	vld [tilespmem:s3+$0x6030];
	[tilespmem:s3+$0xA020] =	vst v9;
	v40 =	vadd.f32 v6, v43;
	v6 =	vmov v57;
	v57 =	vmov v52  }
0x166: {  	v51 =	vld [tilespmem:s17+$0x2C30]  }
0x167: {  	v48 =	vld [tilespmem:$0x1FD10]  }
0x168: {  	[tilespmem:$0x1FD10] =	vst v57;
	v57 =	vmov v12;
	v12 =	vld [tilespmem:$0x1FE50]  }
0x169: {  	v26 =	vmov v36  }
0x16a: {  	v42 =	vadd.f32 $0.0e+00, v31;
	v31 =	vld [tilespmem:s1+$0x5C40];
	[tilespmem:$0x1FE20] =	vst v26;
	v26 =	vadd.f32 $9.999999960e-13, v7  }
0x16b: {  	v47 =	vmul.f32 v35, v35;
	v35 =	vadd.f32 v49, v39;
	v39 =	vld [tilespmem:s12+$0x5840]  }
0x16c: {  	v50 =	vadd.f32 v4, v50;
	v4 =	vld [tilespmem:$0x1FCF0];
	[tilespmem:s14+$0x9430] =	vst v14;
	v42 =	vadd.f32 v14, v42;
	v14 =	vshra.s32 v26, $0x1  }
0x16d: {  	v7 =	vmov v12;
	v12 =	vadd.f32 v51, v46;
	v46 =	vsub.s32 $0x5F3759DF, v14;
	v14 =	vld [tilespmem:$0x1FF20]  }
0x16e: {  	v49 =	vmov v48;
	v48 =	vadd.f32 v35, v29;
	v29 =	vld [tilespmem:$0x1FD30];
	v43 =	vmov v47  }
0x16f: {  	v47 =	vld [tilespmem:s16+$0x2040];
	[tilespmem:$0x1FED0] =	vst v43  }
0x170: {  	v43 =	vld [tilespmem:s14+$0x5440];
	[tilespmem:s12+$0x9830] =	vst v35  }
0x171: {  	v36 =	vmul.f32 v44, v44;
	[tilespmem:$0x1FCD0] =	vst v49;
	v49 =	vmul.f32 $5.000000000e-01, v26;
	v52 =	vld [tilespmem:s21+$0x2440];
	v26 =	vmov v21  }
0x172: {  	[tilespmem:s1+$0x9C30] =	vst v44;
	v21 =	vmov v14;
	v14 =	vadd.f32 v44, v37;
	v44 =	vadd.f32 v58, v45;
	v58 =	vld [tilespmem:$0x1FDD0]  }
0x173: {  	[tilespmem:$0x1FE50] =	vst v21;
	v21 =	vmul.f32 v46, v49  }
0x174: {  	[tilespmem:$0x1FE40] =	vst v26;
	v26 =	vmov v29  }
0x175: {  	v40 =	vadd.f32 v4, v40;
	v4 =	vmul.f32 v46, v21;
	v21 =	vld [tilespmem:$0x1FD70];
	_ =	sdelay $0x1  }
0x176: {  	[tilespmem:$0x1FCE0] =	vst v26;
	v26 =	vmov v58;
	_ =	sdelay $0x2  }
0x177: {  	[tilespmem:$0x1FD30] =	vst v26;
	v26 =	vmov v21  }
0x178: {  	[tilespmem:$0x1FCF0] =	vst v26;
	v26 =	vld [tilespmem:$0x1FE00];
	_ =	sdelay $0x3  }
0x179: {  	v39 =	vadd.f32 v52, v39;
	v52 =	vld [tilespmem:$0x1FE90]  }
0x17a: {  	v51 =	vld [tilespmem:$0x1FE80];
	v44 =	vadd.f32 v26, v44;
	v26 =	vmov v27  }
0x17b: {  	v27 =	vld [tilespmem:$0x1FEA0]  }
0x17c: {  	v37 =	vld [tilespmem:s15+$0x2840]  }
0x17d: {  	v45 =	vld [tilespmem:s3+$0x6040];
	[tilespmem:$0x1FD70] =	vst v26;
	v26 =	vmov v41  }
0x17e: {  	[tilespmem:$0x1FE80] =	vst v26;
	v26 =	vld [tilespmem:$0x1FD00]  }
0x17f: {  	[tilespmem:s3+$0xA030] =	vst v12;
	v21 =	vadd.f32 v47, v43;
	v41 =	vld [tilespmem:$0x1FF70]  }
0x180: {  	v11 =	vmul.f32 v20, v20;
	v1 =	vadd.f32 v1, v50;
	v58 =	vmovc v51;
	v51 =	vld [tilespmem:s17+$0x2C40];
	v47 =	vmov v27  }
0x181: {  	v43 =	vld [tilespmem:s1+$0x5C50];
	v27 =	vmov v20;
	v20 =	vsub.f32 $1.500000000e+00, v4;
	[tilespmem:$0x1FE00] =	vst v47;
	v47 =	vmul.f32 v21, v21  }
0x182: {  	v3 =	vadd.f32 v3, v1;
	v44 =	vadd.f32 v61, v44;
	v61 =	vmov v11;
	v11 =	vld [tilespmem:$0x1FD90];
	[tilespmem:$0x1FEA0] =	vst v27  }
0x183: {  	v27 =	vld [tilespmem:s12+$0x5850];
	[tilespmem:$0x1FF20] =	vst v47;
	v47 =	vadd.f32 v37, v31;
	v31 =	vadd.f32 v26, v40;
	v40 =	vmul.f32 v46, v20  }
0x184: {  	v4 =	vmov v52;
	[tilespmem:s14+$0x9440] =	vst v21;
	v52 =	vmov v41;
	v41 =	vld [tilespmem:s14+$0x5450]  }
0x185: {  	v37 =	vld [tilespmem:s16+$0x2050];
	[tilespmem:s12+$0x9840] =	vst v39;
	v49 =	vmul.f32 v40, v49  }
0x186: {  	v46 =	vld [tilespmem:s21+$0x2450]  }
0x187: {  	v8 =	vadd.f32 v8, v3;
	v3 =	vmovc v13;
	v26 =	vmov v11;
	v11 =	vmul.f32 v49, v40  }
0x188: {  	v1 =	vld [tilespmem:$0x1FD20];
	[tilespmem:$0x1FD90] =	vst v3  }
0x189: {  	v22 =	vmul.f32 v19, v19;
	v3 =	vld [tilespmem:$0x1FEE0];
	[tilespmem:s1+$0x9C40] =	vst v47  }
0x18a: {  	v20 =	vadd.f32 v51, v45;
	v45 =	vld [tilespmem:s15+$0x2850];
	v13 =	vadd.f32 v37, v41  }
0x18b: {  	[tilespmem:$0x1FD00] =	vst v26;
	v26 =	vmovc v19;
	v19 =	vld [tilespmem:$0x1FEF0];
	v41 =	vadd.f32 v46, v27;
	v27 =	vsub.f32 $1.500000000e+00, v11;
	v11 =	vmov v22  }
0x18c: {  	[tilespmem:$0x1FEF0] =	vst v11;
	v11 =	vld [tilespmem:$0x1FDC0]  }
0x18d: {  	v51 =	vadd.f32 v1, v31;
	v31 =	vld [tilespmem:$0x1FEB0]  }
0x18e: {  	v44 =	vadd.f32 v53, v44;
	[tilespmem:s3+$0xA040] =	vst v20;
	v53 =	vld [tilespmem:s3+$0x6050]  }
0x18f: {  	v35 =	vmul.f32 v35, v35;
	v2 =	vadd.f32 v2, v51;
	v51 =	vld [tilespmem:s17+$0x2C50]  }
0x190: {  	[tilespmem:$0x1FEB0] =	vst v61;
	v49 =	vld [tilespmem:s1+$0x5C60]  }
0x191: {  	v61 =	vmovc v3;
	v37 =	vadd.f32 v28, v44;
	v44 =	vld [tilespmem:s12+$0x5860];
	[tilespmem:s14+$0x9450] =	vst v13;
	v3 =	vmovc v19;
	v19 =	vmov v11;
	v11 =	vmov v35  }
0x192: {  	[tilespmem:$0x1FDC0] =	vst v11;
	v11 =	vadd.f32 v13, v42;
	v13 =	vmul.f32 v13, v13;
	_ =	sdelay $0x1  }
0x193: {  	[tilespmem:$0x1FDD0] =	vst v13;
	v13 =	vadd.f32 v41, v48;
	v48 =	vld [tilespmem:$0x1FD40]  }
0x194: {  	v25 =	vmov v25  }
0x195: {  	[tilespmem:$0x1FD40] =	vst v25;
	v25 =	vld [tilespmem:$0x1FD80];
	_ =	sdelay $0x2  }
0x196: {  	v2 =	vadd.f32 v48, v2  }
0x197: {  	v8 =	vadd.f32 v10, v8;
	v10 =	vmul.f32 v27, v40;
	v22 =	vld [tilespmem:$0x1FC80]  }
0x198: {  	v27 =	vadd.f32 v51, v53;
	v53 =	vmovc v23;
	v23 =	vmov v33;
	v2 =	vadd.f32 v25, v2;
	v25 =	vld [tilespmem:$0x1FF00]  }
0x199: {  	[tilespmem:$0x1FF00] =	vst v23;
	v23 =	vld [tilespmem:$0x1FF30];
	_ =	sdelay $0x1  }
0x19a: {  	[tilespmem:$0x1FEE0] =	vst v26;
	v35 =	vld [tilespmem:s14+$0x5460]  }
0x19b: {  	[tilespmem:$0x1FD20] =	vst v19;
	v42 =	vld [tilespmem:s16+$0x2060]  }
0x19c: {  	v26 =	vadd.f32 v38, v37;
	v22 =	vmul.f32 v22, v38;
	v19 =	vadd.f32 v45, v43;
	[tilespmem:s12+$0x9850] =	vst v41  }
0x19d: {  	[tilespmem:$0x1FD80] =	vst v53;
	v53 =	vmov v23;
	v23 =	vld [tilespmem:$0x1FF10]  }
0x19e: {  	v34 =	vmul.f32 v33, v33;
	v40 =	vld [tilespmem:s21+$0x2460];
	[tilespmem:s1+$0x9C50] =	vst v19;
	v48 =	vadd.f32 v22, v8;
	v25 =	vadd.f32 v25, v26  }
0x19f: {  	v28 =	vmul.f32 v41, v41;
	v43 =	vld [tilespmem:s15+$0x2860]  }
0x1a0: {  	[tilespmem:s7+$0x4C00] =	vst v10;
	v41 =	vadd.f32 v42, v35;
	v35 =	vmov v34;
	v34 =	vadd.f32 v0, v25;
	v0 =	vld [tilespmem:$0x1FF50]  }
0x1a1: {  	v10 =	vld [tilespmem:s3+$0x6060]  }
0x1a2: {  	[tilespmem:s3+$0xA050] =	vst v27;
	v42 =	vld [tilespmem:$0x1FF40];
	v23 =	vadd.f32 v23, v48;
	v48 =	vmov v39  }
0x1a3: {  	[tilespmem:$0x1FF30] =	vst v48;
	v48 =	vadd.f32 v40, v44;
	v44 =	vld [tilespmem:$0x1FDB0]  }
0x1a4: {  	v50 =	vmul.f32 v39, v39;
	v46 =	vld [tilespmem:s17+$0x2C60];
	v39 =	vmov v36  }
0x1a5: {  	[tilespmem:$0x1FDB0] =	vst v39;
	v39 =	vadd.f32 v0, v23;
	v0 =	vld [tilespmem:$0x1FF60]  }
0x1a6: {  	v51 =	vld [tilespmem:$0x1FF80]  }
0x1a7: {  	v37 =	vld [tilespmem:s1+$0x5C70]  }
0x1a8: {  	v8 =	vmov v42;
	v42 =	vld [tilespmem:$0x1FDE0];
	v33 =	vadd.f32 v44, v2  }
0x1a9: {  	v26 =	vmov v50;
	v50 =	vld [tilespmem:$0x1FFD0]  }
0x1aa: {  	v45 =	vmul.f32 v19, v19;
	[tilespmem:$0x1FF40] =	vst v26;
	v26 =	vadd.f32 v0, v33;
	v33 =	vadd.f32 v46, v10;
	v10 =	vld [tilespmem:$0x1FC90]  }
0x1ab: {  	[tilespmem:$0x1FF10] =	vst v35;
	v35 =	vld [tilespmem:s14+$0x5470]  }
0x1ac: {  	[tilespmem:$0x1FE90] =	vst v52;
	v34 =	vadd.f32 v59, v34;
	v59 =	vmov v45;
	v45 =	vld [tilespmem:$0x1FD60];
	v44 =	vmul.f32 v41, v41  }
0x1ad: {  	v52 =	vmul.f32 v47, v47;
	v40 =	vld [tilespmem:s12+$0x5870];
	[tilespmem:s14+$0x9460] =	vst v41  }
0x1ae: {  	[tilespmem:$0x1FF70] =	vst v44;
	v44 =	vld [tilespmem:s16+$0x2070]  }
0x1af: {  	v46 =	vmov v52;
	v52 =	vld [tilespmem:$0x1FFF0];
	v10 =	vadd.f32 v10, v26;
	v26 =	vmov v28  }
0x1b0: {  	v18 =	vmul.f32 v30, v30;
	v62 =	vmov v56;
	v56 =	vmov v55;
	[tilespmem:$0x1FDE0] =	vst v26;
	v26 =	vld [tilespmem:$0x1FCA0]  }
0x1b1: {  	p0 =	sne.s32 s22, $0x780;
	v16 =	vmovc v60;
	v55 =	vmov v24;
	v24 =	vmul.f32 v9, v9;
	v49 =	vadd.f32 v43, v49;
	[tilespmem:s12+$0x9860] =	vst v48;
	v28 =	vld [tilespmem:$0x1FCB0]  }
.Ltmp0:
0x1b2: {  	v60 =	vmovc v15;
	v29 =	vmul.f32 v12, v12;
	v1 =	vmov v31;
	v31 =	vmul.f32 v20, v20;
	[tilespmem:$0x1FF60] =	vst v59;
	v43 =	vld [tilespmem:s21+$0x2470];
	(pc) =	sbr.rel @p0 .LBB2_3-.Ltmp0, $4  }
0x1b3: {  	s19 =	smov.u32 s22;
	v38 =	vmov v5;
	v22 =	vmul.f32 v27, v27;
	v23 =	vmul.f32 v49, v49;
	[tilespmem:s1+$0x9C60] =	vst v49;
	v36 =	vld [tilespmem:s1+$0x6000]  }
0x1b4: {  	s19 =	sadd.s32 $0x80, s22;
	s31 =	smov.u32 s4;
	s4 =	smov.u32 s2;
	v59 =	vmovc v49;
	v25 =	vmul.f32 v48, v48;
	v2 =	vmovc v42;
	v0 =	vmov v47;
	v47 =	vmov v56;
	[tilespmem:$0x1FF50] =	vst v46;
	v49 =	vld [tilespmem:$0x1FFC0]  }
0x1b5: {  	s2 =	smov.u32 s13;
	s13 =	smov.u32 s20;
	s20 =	sadd.s32 $0x200, s20;
	v56 =	vmovc v48;
	v48 =	vmovc v60;
	v60 =	vmov v63;
	v42 =	vld [tilespmem:s15+$0x2870];
	[tilespmem:s3+$0xA060] =	vst v33;
	v46 =	vmov v62;
	v26 =	vadd.f32 v26, v39  }
0x1b6: {  	s22 =	smov.u32 s19;
	v39 =	vadd.f32 v30, v34;
	v34 =	vmul.f32 v33, v33;
	v30 =	vadd.f32 v32, v10;
	v32 =	vld [tilespmem:s17+$0x2C70];
	v10 =	vmovc v28;
	s17 =	smov.u32 s15;
	s15 =	smov.u32 s21  }
0x1b7: {  	v35 =	vadd.f32 v44, v35;
	_ =	sdelay $0x1  }
0x1b8: {  	[tilespmem:$0x1FB90] =	vst v35  }
0x1b9: {  	v28 =	vld [tilespmem:s14+$0x5800];
	[tilespmem:s14+$0x9470] =	vst v35  }
0x1ba: {  	v35 =	vld [tilespmem:s16+$0x2400];
	_ =	sdelay $0x4  }
0x1bb: {  	v35 =	vadd.f32 v35, v28;
	_ =	sdelay $0x1  }
0x1bc: {  	[tilespmem:$0x1FC30] =	vst v35  }
0x1bd: {  	v28 =	vld [tilespmem:s14+$0x5810];
	[tilespmem:s14+$0x9800] =	vst v35  }
0x1be: {  	v35 =	vld [tilespmem:s16+$0x2410];
	_ =	sdelay $0x4  }
0x1bf: {  	v35 =	vadd.f32 v35, v28;
	_ =	sdelay $0x1  }
0x1c0: {  	[tilespmem:$0x1FBC0] =	vst v35  }
0x1c1: {  	v28 =	vld [tilespmem:s14+$0x5820];
	[tilespmem:s14+$0x9810] =	vst v35  }
0x1c2: {  	v35 =	vld [tilespmem:s16+$0x2420];
	_ =	sdelay $0x4  }
0x1c3: {  	v35 =	vadd.f32 v35, v28;
	_ =	sdelay $0x1  }
0x1c4: {  	[tilespmem:$0x1FC40] =	vst v35  }
0x1c5: {  	v28 =	vld [tilespmem:s14+$0x5830];
	[tilespmem:s14+$0x9820] =	vst v35  }
0x1c6: {  	v35 =	vld [tilespmem:s16+$0x2430];
	_ =	sdelay $0x3  }
0x1c7: {  	v43 =	vadd.f32 v43, v40  }
0x1c8: {  	v62 =	vadd.f32 v35, v28  }
0x1c9: {  	[tilespmem:$0x1FB80] =	vst v43  }
0x1ca: {  	[tilespmem:$0x1FBF0] =	vst v62  }
0x1cb: {  	v28 =	vld [tilespmem:s12+$0x5C00]  }
0x1cc: {  	[tilespmem:s12+$0x9870] =	vst v43;
	v35 =	vld [tilespmem:s14+$0x5840]  }
0x1cd: {  	[tilespmem:s14+$0x9830] =	vst v62;
	v63 =	vld [tilespmem:s15+$0x2800]  }
0x1ce: {  	v62 =	vld [tilespmem:s16+$0x2440];
	_ =	sdelay $0x3  }
0x1cf: {  	v63 =	vadd.f32 v63, v28  }
0x1d0: {  	v62 =	vadd.f32 v62, v35  }
0x1d1: {  	[tilespmem:$0x1FBB0] =	vst v63  }
0x1d2: {  	[tilespmem:$0x1FC50] =	vst v62  }
0x1d3: {  	v28 =	vld [tilespmem:s12+$0x5C10]  }
0x1d4: {  	[tilespmem:s12+$0x9C00] =	vst v63;
	v35 =	vld [tilespmem:s14+$0x5850]  }
0x1d5: {  	[tilespmem:s14+$0x9840] =	vst v62;
	v63 =	vld [tilespmem:s15+$0x2810]  }
0x1d6: {  	v62 =	vld [tilespmem:s16+$0x2450];
	_ =	sdelay $0x3  }
0x1d7: {  	v40 =	vadd.f32 v63, v28  }
0x1d8: {  	v28 =	vadd.f32 v62, v35  }
0x1d9: {  	[tilespmem:$0x1FBA0] =	vst v40  }
0x1da: {  	[tilespmem:$0x1FC10] =	vst v28  }
0x1db: {  	v35 =	vld [tilespmem:s12+$0x5C20]  }
0x1dc: {  	[tilespmem:s12+$0x9C10] =	vst v40;
	v40 =	vld [tilespmem:s14+$0x5860]  }
0x1dd: {  	[tilespmem:s14+$0x9850] =	vst v28;
	v43 =	vld [tilespmem:s15+$0x2820]  }
0x1de: {  	v62 =	vadd.f32 v42, v37;
	v37 =	vld [tilespmem:s16+$0x2460];
	_ =	sdelay $0x3  }
0x1df: {  	v43 =	vadd.f32 v43, v35  }
0x1e0: {  	[tilespmem:s1+$0x9C70] =	vst v62;
	v40 =	vadd.f32 v37, v40  }
0x1e1: {  	v63 =	vld [tilespmem:s17+$0x2C00];
	[tilespmem:$0x1FBD0] =	vst v43  }
0x1e2: {  	[tilespmem:$0x1FC60] =	vst v40  }
0x1e3: {  	v35 =	vld [tilespmem:s12+$0x5C30]  }
0x1e4: {  	v37 =	vld [tilespmem:s14+$0x5870]  }
0x1e5: {  	[tilespmem:s12+$0x9C20] =	vst v43;
	v28 =	vld [tilespmem:s1+$0x6070]  }
0x1e6: {  	[tilespmem:s14+$0x9860] =	vst v40;
	v40 =	vld [tilespmem:s15+$0x2830]  }
0x1e7: {  	v63 =	vadd.f32 v63, v36;
	v36 =	vld [tilespmem:s16+$0x2470];
	_ =	sdelay $0x3  }
0x1e8: {  	[tilespmem:$0x1FB70] =	vst v28;
	v28 =	vadd.f32 v40, v35  }
0x1e9: {  	[tilespmem:s1+$0xA000] =	vst v63;
	v36 =	vadd.f32 v36, v37  }
0x1ea: {  	v42 =	vld [tilespmem:s1+$0x6010];
	[tilespmem:$0x1FBE0] =	vst v28  }
0x1eb: {  	v35 =	vld [tilespmem:s17+$0x2C10];
	[tilespmem:$0x1FC20] =	vst v36  }
0x1ec: {  	v37 =	vld [tilespmem:s12+$0x5C40]  }
0x1ed: {  	[tilespmem:s12+$0x9C30] =	vst v28;
	v40 =	vld [tilespmem:s14+$0x5C00]  }
0x1ee: {  	[tilespmem:s14+$0x9870] =	vst v36;
	v43 =	vld [tilespmem:s15+$0x2840]  }
0x1ef: {  	v44 =	vld [tilespmem:s16+$0x2800];
	_ =	sdelay $0x2  }
0x1f0: {  	v36 =	vadd.f32 v35, v42  }
0x1f1: {  	v43 =	vadd.f32 v43, v37  }
0x1f2: {  	[tilespmem:s1+$0xA010] =	vst v36;
	v42 =	vadd.f32 v44, v40  }
0x1f3: {  	[tilespmem:$0x1FC00] =	vst v43  }
0x1f4: {  	v35 =	vld [tilespmem:s1+$0x6020];
	[tilespmem:$0x1FC70] =	vst v42  }
0x1f5: {  	v37 =	vld [tilespmem:s12+$0x5C50]  }
0x1f6: {  	[tilespmem:s12+$0x9C40] =	vst v43;
	v40 =	vld [tilespmem:s14+$0x5C10]  }
0x1f7: {  	[tilespmem:s14+$0x9C00] =	vst v42;
	v42 =	vld [tilespmem:s15+$0x2850]  }
0x1f8: {  	v28 =	vld [tilespmem:s16+$0x2810]  }
0x1f9: {  	v44 =	vld [tilespmem:s17+$0x2C20];
	_ =	sdelay $0x2  }
0x1fa: {  	v43 =	vadd.f32 v42, v37  }
0x1fb: {  	v42 =	vadd.f32 v28, v40  }
0x1fc: {  	v40 =	vld [tilespmem:s12+$0x5C60];
	v37 =	vadd.f32 v44, v35;
	[tilespmem:s12+$0x9C50] =	vst v43  }
0x1fd: {  	v39 =	vadd.f32 v9, v39;
	v9 =	vadd.f32 v12, v17;
	v35 =	vld [tilespmem:s14+$0x5C20];
	[tilespmem:s14+$0x9C10] =	vst v42  }
0x1fe: {  	v44 =	vmov v42;
	[tilespmem:s1+$0xA020] =	vst v37;
	v42 =	vld [tilespmem:s15+$0x2860]  }
0x1ff: {  	v27 =	vadd.f32 v27, v9;
	v9 =	vld [tilespmem:$0x1FCC0]  }
0x200: {  	v18 =	vadd.f32 v18, v26;
	v26 =	vld [tilespmem:s16+$0x2820]  }
0x201: {  	v17 =	vld [tilespmem:s1+$0x6030]  }
0x202: {  	v12 =	vadd.f32 v24, v18;
	v24 =	vadd.f32 v29, v30;
	v29 =	vld [tilespmem:s17+$0x2C30];
	_ =	sdelay $0x1  }
0x203: {  	v9 =	vadd.f32 v32, v9;
	v18 =	vadd.f32 v42, v40  }
0x204: {  	v30 =	vadd.f32 v31, v12;
	v31 =	vld [tilespmem:s14+$0x5C30];
	v12 =	vadd.f32 v26, v35  }
0x205: {  	v22 =	vadd.f32 v22, v24;
	v26 =	vld [tilespmem:s12+$0x5C70];
	[tilespmem:s12+$0x9C60] =	vst v18;
	v24 =	vmul.f32 v9, v9  }
0x206: {  	v20 =	vadd.f32 v20, v39;
	v29 =	vadd.f32 v29, v17;
	[tilespmem:s14+$0x9C20] =	vst v12;
	v17 =	vld [tilespmem:s15+$0x2870]  }
0x207: {  	v22 =	vadd.f32 v24, v22;
	v24 =	vadd.f32 v9, v27;
	v27 =	vld [tilespmem:s16+$0x2830]  }
0x208: {  	v30 =	vadd.f32 v34, v30;
	[tilespmem:s1+$0xA030] =	vst v29  }
0x209: {  	v20 =	vadd.f32 v33, v20;
	v40 =	vld [tilespmem:s17+$0x2C40]  }
0x20a: {  	v22 =	vadd.f32 v22, v30;
	v30 =	vld [tilespmem:s1+$0x6040]  }
0x20b: {  	v24 =	vadd.f32 v24, v20;
	v20 =	vadd.f32 v17, v26  }
0x20c: {  	v17 =	vadd.f32 v27, v31;
	v27 =	vadd.f32 $0.0e+00, v16  }
0x20d: {  	v16 =	vmul.f32 v45, v16;
	[tilespmem:s12+$0x9C70] =	vst v20  }
0x20e: {  	v27 =	vadd.f32 v54, v27;
	v54 =	vld [tilespmem:$0x1FCD0]  }
0x20f: {  	v26 =	vperm.xlane v24, v49;
	v6 =	vadd.f32 v6, v16;
	v16 =	vadd.f32 v40, v30  }
0x210: {  	v31 =	vld [tilespmem:s12+$0x6000];
	[tilespmem:s14+$0x9C30] =	vst v17  }
0x211: {  	v24 =	vadd.f32 v24, v26;
	v26 =	vld [tilespmem:s14+$0x5C40];
	[tilespmem:s1+$0xA040] =	vst v16  }
0x212: {  	v6 =	vadd.f32 v7, v6;
	v7 =	vld [tilespmem:$0x1FCE0]  }
0x213: {  	v47 =	vmul.f32 v47, v47;
	v30 =	vld [tilespmem:s16+$0x2840];
	v34 =	vmul.f32 v54, v54  }
0x214: {  	v45 =	vadd.f32 v4, v6;
	v4 =	vld [tilespmem:$0x1FCF0]  }
0x215: {  	v39 =	vld [tilespmem:s15+$0x2C00];
	v40 =	vadd.f32 v34, v47;
	_ =	sdelay $0x1  }
0x216: {  	v14 =	vadd.f32 v19, v14;
	v19 =	vadd.f32 v7, v40;
	_ =	sdelay $0x1  }
0x217: {  	v42 =	vperm.xlane v22, v49;
	v19 =	vadd.f32 v4, v19;
	v4 =	vadd.f32 v30, v26;
	v26 =	vld [tilespmem:$0x1FE00]  }
0x218: {  	v27 =	vadd.f32 v57, v27;
	v7 =	vadd.f32 v39, v31  }
0x219: {  	v22 =	vadd.f32 v42, v22;
	v42 =	vld [tilespmem:s1+$0x6050];
	v31 =	vperm.xlane v24, v50  }
0x21a: {  	v27 =	vadd.f32 v58, v27;
	v47 =	vld [tilespmem:s17+$0x2C50];
	[tilespmem:s12+$0xA000] =	vst v7  }
0x21b: {  	v1 =	vadd.f32 v1, v45;
	v24 =	vadd.f32 v24, v31;
	v31 =	vld [tilespmem:$0x1FD00]  }
0x21c: {  	v30 =	vld [tilespmem:s14+$0x5C50];
	v26 =	vadd.f32 v26, v27;
	v27 =	vperm.xlane v22, v50  }
0x21d: {  	v1 =	vadd.f32 v3, v1;
	v54 =	vld [tilespmem:s15+$0x2C10];
	[tilespmem:s14+$0x9C40] =	vst v4  }
0x21e: {  	v3 =	vld [tilespmem:$0x1FD20];
	v27 =	vadd.f32 v27, v22;
	v22 =	vadd.f32 v61, v26  }
0x21f: {  	v32 =	vadd.f32 v47, v42;
	v39 =	vld [tilespmem:$0x1FFE0]  }
0x220: {  	v19 =	vadd.f32 v31, v19;
	v31 =	vld [tilespmem:s12+$0x6010];
	v22 =	vadd.f32 v53, v22  }
0x221: {  	[tilespmem:s1+$0xA050] =	vst v32;
	v26 =	vld [tilespmem:s16+$0x2850]  }
0x222: {  	v1 =	vadd.f32 v8, v1;
	v8 =	vadd.f32 v46, v22;
	v22 =	vld [tilespmem:$0x1FD40]  }
0x223: {  	v3 =	vadd.f32 v3, v19  }
0x224: {  	v19 =	vperm.xlane v24, v39  }
0x225: {  	v1 =	vadd.f32 v10, v1;
	v3 =	vadd.f32 v2, v3  }
0x226: {  	v10 =	vperm.xlane v27, v39;
	v19 =	vadd.f32 v24, v19;
	v2 =	vadd.f32 v26, v30  }
0x227: {  	v5 =	vmul.f32 v5, v38;
	v3 =	vadd.f32 v22, v3;
	v22 =	vadd.f32 v54, v31  }
0x228: {  	v10 =	vadd.f32 v10, v27;
	v27 =	vperm.xlane v19, v52;
	[tilespmem:s14+$0x9C50] =	vst v2  }
0x229: {  	v1 =	vadd.f32 v5, v1;
	v5 =	vld [tilespmem:$0x1FD80];
	[tilespmem:s12+$0xA010] =	vst v22  }
0x22a: {  	v19 =	vadd.f32 v19, v27;
	v27 =	vld [tilespmem:$0x1FF00];
	_ =	sdelay $0x2  }
0x22b: {  	v8 =	vadd.f32 v38, v8;
	_ =	sdelay $0x1  }
0x22c: {  	v57 =	vld [tilespmem:$0x1FF10];
	v8 =	vadd.f32 v27, v8;
	_ =	sdelay $0x1  }
0x22d: {  	v8 =	vadd.f32 v0, v8;
	v0 =	vld [tilespmem:$0x1FF50];
	_ =	sdelay $0x1  }
0x22e: {  	v24 =	vld [tilespmem:s1+$0x6060]  }
0x22f: {  	v58 =	vld [tilespmem:$0x1FDB0];
	v1 =	vadd.f32 v57, v1  }
0x230: {  	v26 =	vld [tilespmem:s14+$0x5C60]  }
0x231: {  	v1 =	vadd.f32 v0, v1;
	v0 =	vld [tilespmem:$0x1FF60]  }
0x232: {  	v3 =	vadd.f32 v5, v3;
	v5 =	vld [tilespmem:s16+$0x2860]  }
0x233: {  	v14 =	vadd.f32 v62, v14;
	v31 =	vld [tilespmem:s12+$0x6020]  }
0x234: {  	v61 =	vld [tilespmem:s15+$0x2C20];
	v27 =	vperm.xlane v10, v52;
	v3 =	vadd.f32 v58, v3  }
0x235: {  	v14 =	vadd.f32 v36, v14;
	v30 =	vld [tilespmem:s17+$0x2C60]  }
0x236: {  	v10 =	vadd.f32 v27, v10;
	v27 =	vadd.f32 v0, v3  }
0x237: {  	v3 =	vadd.f32 v5, v26;
	v5 =	vmul.f32 v62, v62;
	v0 =	vmul.f32 $1.953125000e-03, v19  }
0x238: {  	v8 =	vadd.f32 v59, v8;
	v10 =	vmul.f32 $1.953125000e-03, v10;
	v1 =	vadd.f32 v23, v1  }
0x239: {  	v19 =	vld [tilespmem:s14+$0x5C70];
	v26 =	vadd.f32 v5, v27;
	v5 =	vadd.f32 v61, v31;
	[tilespmem:s14+$0x9C60] =	vst v3;
	v23 =	vmul.f32 v0, v0  }
0x23a: {  	v28 =	vmul.f32 v36, v36;
	v24 =	vadd.f32 v30, v24;
	v30 =	vmul.f32 v63, v63;
	v27 =	vld [tilespmem:s16+$0x2870]  }
0x23b: {  	v8 =	vadd.f32 v63, v8;
	[tilespmem:s12+$0xA020] =	vst v5;
	v33 =	vsub.f32 v10, v23;
	v10 =	vld [tilespmem:s12+$0x6030]  }
0x23c: {  	v1 =	vadd.f32 v30, v1;
	v23 =	vadd.f32 v28, v26;
	v26 =	vmul.f32 v37, v37;
	v28 =	vld [tilespmem:s15+$0x2C30]  }
0x23d: {  	v14 =	vadd.f32 v29, v14;
	v29 =	vmul.f32 v29, v29  }
0x23e: {  	[tilespmem:s1+$0xA060] =	vst v24;
	v30 =	vadd.f32 v37, v8;
	v26 =	vadd.f32 v26, v1  }
0x23f: {  	v31 =	vld [tilespmem:s17+$0x2C70];
	v8 =	vadd.f32 v27, v19;
	v19 =	vadd.f32 v29, v23;
	v23 =	vmul.f32 v16, v16  }
0x240: {  	v1 =	vld [tilespmem:$0x1FB70]  }
0x241: {  	v23 =	vadd.f32 v23, v26;
	v26 =	vadd.f32 v28, v10  }
0x242: {  	v16 =	vadd.f32 v16, v30;
	[tilespmem:s14+$0x9C70] =	vst v8  }
0x243: {  	[tilespmem:s12+$0xA030] =	vst v26  }
0x244: {  	v10 =	vmul.f32 v24, v24;
	v24 =	vadd.f32 v24, v16;
	v16 =	vld [tilespmem:$0x1FE10]  }
0x245: {  	v29 =	vmul.f32 v32, v32;
	v1 =	vadd.f32 v31, v1;
	_ =	sdelay $0x1  }
0x246: {  	v30 =	vadd.f32 $0.0e+00, v60;
	v19 =	vadd.f32 v29, v19;
	v29 =	vmul.f32 v1, v1;
	_ =	sdelay $0x1  }
0x247: {  	v19 =	vadd.f32 v29, v19;
	v29 =	vadd.f32 v16, v30;
	v16 =	vld [tilespmem:$0x1FE20];
	_ =	sdelay $0x2  }
0x248: {  	v23 =	vadd.f32 v10, v23;
	v10 =	vmul.f32 v51, v60;
	_ =	sdelay $0x1  }
0x249: {  	v31 =	vadd.f32 v16, v10;
	v16 =	vld [tilespmem:$0x1FD10]  }
0x24a: {  	v27 =	vld [tilespmem:s14+$0x6000]  }
0x24b: {  	v28 =	vld [tilespmem:s16+$0x2C00];
	_ =	sdelay $0x2  }
0x24c: {  	v10 =	vmul.f32 v55, v55;
	v38 =	vmul.f32 v16, v16  }
0x24d: {  	v14 =	vadd.f32 v32, v14  }
0x24e: {  	v16 =	vadd.f32 v28, v27;
	v27 =	vadd.f32 v38, v10;
	v10 =	vld [tilespmem:$0x1FE40]  }
0x24f: {  	v14 =	vadd.f32 v1, v14;
	_ =	sdelay $0x1  }
0x250: {  	v14 =	vadd.f32 v14, v24;
	v24 =	vld [tilespmem:$0x1FE50]  }
0x251: {  	v40 =	vld [tilespmem:s15+$0x2C40];
	[tilespmem:s14+$0xA000] =	vst v16  }
0x252: {  	v28 =	vadd.f32 v10, v29;
	v29 =	vld [tilespmem:$0x1FD30]  }
0x253: {  	v30 =	vld [tilespmem:s12+$0x6040]  }
0x254: {  	v19 =	vadd.f32 v19, v23;
	v23 =	vld [tilespmem:$0x1FD70]  }
0x255: {  	v24 =	vadd.f32 v24, v31;
	v31 =	vld [tilespmem:$0x1FE90];
	_ =	sdelay $0x1  }
0x256: {  	v42 =	vld [tilespmem:$0x1FEA0];
	v27 =	vadd.f32 v29, v27  }
0x257: {  	v30 =	vadd.f32 v40, v30;
	v29 =	vld [tilespmem:$0x1FE80]  }
0x258: {  	v45 =	vld [tilespmem:$0x1FEB0];
	v23 =	vadd.f32 v23, v27;
	v27 =	vperm.xlane v14, v49  }
0x259: {  	v24 =	vadd.f32 v31, v24;
	v31 =	vld [tilespmem:s16+$0x2C10];
	[tilespmem:s12+$0xA040] =	vst v30  }
0x25a: {  	v14 =	vadd.f32 v14, v27;
	v27 =	vld [tilespmem:$0x1FD90]  }
0x25b: {  	v54 =	vld [tilespmem:$0x1FDC0]  }
0x25c: {  	v28 =	vadd.f32 v29, v28;
	v29 =	vld [tilespmem:s14+$0x6010];
	_ =	sdelay $0x2  }
0x25d: {  	v46 =	vld [tilespmem:$0x1FEE0];
	v23 =	vadd.f32 v27, v23;
	_ =	sdelay $0x1  }
0x25e: {  	v35 =	vadd.f32 v54, v23;
	v23 =	vadd.f32 v31, v29;
	v29 =	vld [tilespmem:$0x1FF30]  }
0x25f: {  	v28 =	vadd.f32 v42, v28;
	_ =	sdelay $0x1  }
0x260: {  	v47 =	vld [tilespmem:$0x1FEF0];
	v28 =	vadd.f32 v46, v28;
	_ =	sdelay $0x1  }
0x261: {  	v28 =	vadd.f32 v29, v28;
	v29 =	vld [tilespmem:$0x1FF40]  }
0x262: {  	v24 =	vadd.f32 v45, v24  }
0x263: {  	v53 =	vld [tilespmem:s15+$0x2C50]  }
0x264: {  	v24 =	vadd.f32 v47, v24;
	v27 =	vld [tilespmem:s12+$0x6050]  }
0x265: {  	v31 =	vld [tilespmem:s14+$0x6020]  }
0x266: {  	v24 =	vadd.f32 v29, v24;
	v29 =	vld [tilespmem:$0x1FDE0];
	[tilespmem:s14+$0xA010] =	vst v23  }
0x267: {  	v55 =	vld [tilespmem:$0x1FB80]  }
0x268: {  	v57 =	vld [tilespmem:s16+$0x2C20]  }
0x269: {  	v38 =	vld [tilespmem:$0x1FB90]  }
0x26a: {  	v27 =	vadd.f32 v53, v27;
	v58 =	vld [tilespmem:$0x1FBA0]  }
0x26b: {  	v42 =	vld [tilespmem:$0x1FBB0]  }
0x26c: {  	v37 =	vld [tilespmem:$0x1FBC0];
	[tilespmem:s12+$0xA050] =	vst v27  }
0x26d: {  	v45 =	vld [tilespmem:$0x1FBD0]  }
0x26e: {  	v24 =	vadd.f32 v25, v24;
	v47 =	vld [tilespmem:$0x1FBE0];
	v29 =	vadd.f32 v29, v35;
	v25 =	vmul.f32 v55, v55  }
0x26f: {  	v51 =	vperm.xlane v19, v49;
	v13 =	vadd.f32 v55, v13  }
0x270: {  	v28 =	vadd.f32 v56, v28;
	v55 =	vld [tilespmem:$0x1FC00];
	v25 =	vadd.f32 v25, v29;
	v29 =	vmul.f32 v42, v42  }
0x271: {  	v19 =	vadd.f32 v51, v19;
	v13 =	vadd.f32 v58, v13  }
0x272: {  	v46 =	vld [tilespmem:s12+$0x6060];
	v59 =	vmul.f32 v58, v58;
	v28 =	vadd.f32 v42, v28;
	v24 =	vadd.f32 v29, v24  }
0x273: {  	v29 =	vmul.f32 v45, v45;
	v51 =	vadd.f32 v47, v13;
	v13 =	vadd.f32 v57, v31;
	v31 =	vld [tilespmem:s15+$0x2C60]  }
0x274: {  	v53 =	vmul.f32 v47, v47;
	v28 =	vadd.f32 v45, v28;
	v25 =	vadd.f32 v59, v25  }
0x275: {  	v54 =	vld [tilespmem:$0x1FBF0];
	v24 =	vadd.f32 v29, v24;
	v29 =	vmul.f32 v55, v55  }
0x276: {  	v58 =	vld [tilespmem:s14+$0x6030];
	v28 =	vadd.f32 v55, v28;
	v25 =	vadd.f32 v53, v25;
	[tilespmem:s14+$0xA020] =	vst v13  }
0x277: {  	v57 =	vmul.f32 v43, v43;
	v56 =	vadd.f32 v43, v51;
	v24 =	vadd.f32 v29, v24;
	v29 =	vld [tilespmem:s16+$0x2C30]  }
0x278: {  	v6 =	vld [tilespmem:s12+$0x6070];
	v28 =	vadd.f32 v18, v28;
	v18 =	vmul.f32 v18, v18;
	v31 =	vadd.f32 v31, v46  }
0x279: {  	v59 =	vld [tilespmem:$0x1FC10];
	v25 =	vadd.f32 v57, v25;
	v32 =	vadd.f32 v20, v56;
	v20 =	vmul.f32 v20, v20  }
0x27a: {  	v60 =	vld [tilespmem:$0x1FC20];
	v18 =	vadd.f32 v18, v24;
	v24 =	vmul.f32 v7, v7;
	[tilespmem:s12+$0xA060] =	vst v31  }
0x27b: {  	v32 =	vadd.f32 v22, v32;
	v22 =	vmul.f32 v22, v22;
	v20 =	vadd.f32 v20, v25;
	v25 =	vld [tilespmem:s15+$0x2C70]  }
0x27c: {  	v29 =	vadd.f32 v29, v58  }
0x27d: {  	v18 =	vadd.f32 v24, v18;
	v24 =	vmul.f32 v26, v26;
	v20 =	vadd.f32 v22, v20  }
0x27e: {  	v7 =	vadd.f32 v7, v28;
	[tilespmem:s14+$0xA030] =	vst v29  }
0x27f: {  	v20 =	vadd.f32 v24, v20;
	v24 =	vld [tilespmem:$0x1FD50]  }
0x280: {  	v63 =	vmul.f32 v5, v5;
	v7 =	vadd.f32 v5, v7;
	v5 =	vadd.f32 v25, v6;
	v25 =	vld [tilespmem:$0x1FDA0]  }
0x281: {  	v22 =	vadd.f32 v26, v32;
	v26 =	vld [tilespmem:s14+$0x6040]  }
0x282: {  	v28 =	vld [tilespmem:s16+$0x2C40];
	_ =	sdelay $0x2  }
0x283: {  	v45 =	vld [tilespmem:$0x1FED0];
	v24 =	vmul.f32 v24, v24;
	v25 =	vmul.f32 v25, v25  }
0x284: {  	v22 =	vadd.f32 v27, v22  }
0x285: {  	v24 =	vadd.f32 v25, v24;
	v25 =	vadd.f32 v28, v26;
	v26 =	vmul.f32 v27, v27;
	v27 =	vld [tilespmem:$0x1FF20]  }
0x286: {  	v6 =	vmul.f32 v15, v48  }
0x287: {  	v36 =	vld [tilespmem:$0x1FEC0]  }
0x288: {  	v6 =	vadd.f32 v45, v6  }
0x289: {  	v18 =	vadd.f32 v63, v18;
	v7 =	vadd.f32 v30, v7;
	v30 =	vmul.f32 v30, v30;
	v47 =	vld [tilespmem:$0x1FC30]  }
0x28a: {  	v15 =	vadd.f32 $0.0e+00, v48;
	v6 =	vadd.f32 v27, v6;
	v27 =	vld [tilespmem:$0x1FDD0];
	[tilespmem:s14+$0xA040] =	vst v25  }
0x28b: {  	v11 =	vadd.f32 v38, v11;
	v18 =	vadd.f32 v30, v18;
	v30 =	vld [tilespmem:$0x1FF70]  }
0x28c: {  	v15 =	vadd.f32 v36, v15  }
0x28d: {  	v11 =	vadd.f32 v37, v11  }
0x28e: {  	v15 =	vadd.f32 v21, v15;
	v20 =	vadd.f32 v26, v20;
	v26 =	vld [tilespmem:s14+$0x6050]  }
0x28f: {  	v11 =	vadd.f32 v54, v11;
	v46 =	vmul.f32 v38, v38;
	v48 =	vld [tilespmem:$0x1FC40];
	v24 =	vadd.f32 v27, v24  }
0x290: {  	v15 =	vadd.f32 v41, v15;
	v6 =	vadd.f32 v30, v6;
	v30 =	vld [tilespmem:s16+$0x2C50]  }
0x291: {  	v21 =	vmul.f32 v47, v47;
	v53 =	vld [tilespmem:$0x1FC50];
	v27 =	vmul.f32 v37, v37;
	v24 =	vadd.f32 v46, v24  }
0x292: {  	v7 =	vadd.f32 v31, v7;
	v15 =	vadd.f32 v47, v15  }
0x293: {  	v6 =	vadd.f32 v21, v6;
	v21 =	vadd.f32 v27, v24;
	v27 =	vmul.f32 v31, v31;
	v31 =	vld [tilespmem:$0x1FC60]  }
0x294: {  	v15 =	vadd.f32 v48, v15  }
0x295: {  	v11 =	vadd.f32 v59, v11;
	v26 =	vadd.f32 v30, v26  }
0x296: {  	v28 =	vmul.f32 v48, v48;
	v15 =	vadd.f32 v53, v15  }
0x297: {  	v51 =	vmul.f32 v54, v54;
	v61 =	vadd.f32 v60, v11;
	v11 =	vadd.f32 $9.999999960e-13, v33;
	[tilespmem:s14+$0xA050] =	vst v26  }
0x298: {  	v6 =	vadd.f32 v28, v6;
	v28 =	vmul.f32 v31, v31;
	v15 =	vadd.f32 v31, v15;
	v31 =	vld [tilespmem:$0x1FC70]  }
0x299: {  	v54 =	vmul.f32 v53, v53;
	v24 =	vmul.f32 v59, v59;
	v21 =	vadd.f32 v51, v21  }
0x29a: {  	v62 =	vadd.f32 v44, v61;
	v18 =	vadd.f32 v27, v18  }
0x29b: {  	v27 =	vmul.f32 v60, v60;
	v6 =	vadd.f32 v54, v6;
	v21 =	vadd.f32 v24, v21  }
0x29c: {  	v33 =	vadd.f32 v17, v62;
	v22 =	vadd.f32 v5, v22;
	v30 =	vmul.f32 v5, v5  }
0x29d: {  	v21 =	vadd.f32 v27, v21;
	v27 =	vld [tilespmem:s16+$0x2C60];
	v6 =	vadd.f32 v28, v6;
	v24 =	vmul.f32 v31, v31  }
0x29e: {  	v20 =	vadd.f32 v30, v20;
	v30 =	vmul.f32 v44, v44;
	v28 =	vld [tilespmem:s14+$0x6060];
	v15 =	vadd.f32 v31, v15  }
0x29f: {  	v7 =	vadd.f32 v22, v7;
	v31 =	vmul.f32 v12, v12;
	v6 =	vadd.f32 v24, v6  }
0x2a0: {  	v17 =	vmul.f32 v17, v17;
	v21 =	vadd.f32 v30, v21;
	v12 =	vadd.f32 v12, v15  }
0x2a1: {  	v22 =	vadd.f32 v2, v33;
	v15 =	vmul.f32 v4, v4;
	v6 =	vadd.f32 v31, v6  }
0x2a2: {  	v2 =	vmul.f32 v2, v2;
	v17 =	vadd.f32 v17, v21;
	v4 =	vadd.f32 v4, v12  }
0x2a3: {  	v12 =	vmul.f32 v3, v3;
	v6 =	vadd.f32 v15, v6;
	v15 =	vadd.f32 v27, v28  }
0x2a4: {  	v21 =	vmul.f32 v8, v8;
	v8 =	vadd.f32 v8, v22;
	v2 =	vadd.f32 v2, v17  }
0x2a5: {  	v10 =	vld [tilespmem:s14+$0x6070];
	v17 =	vmul.f32 v16, v16;
	v3 =	vadd.f32 v3, v4;
	v4 =	vadd.f32 v12, v6;
	[tilespmem:s14+$0xA060] =	vst v15  }
0x2a6: {  	v2 =	vadd.f32 v21, v2;
	v6 =	vadd.f32 v23, v8;
	v8 =	vmul.f32 v23, v23;
	v12 =	vld [tilespmem:s16+$0x2C70]  }
0x2a7: {  	v21 =	vmul.f32 v13, v13;
	v3 =	vadd.f32 v16, v3;
	v4 =	vadd.f32 v17, v4  }
0x2a8: {  	v16 =	vmul.f32 v29, v29;
	v2 =	vadd.f32 v8, v2;
	v6 =	vadd.f32 v29, v6  }
0x2a9: {  	v8 =	vmul.f32 v25, v25;
	v3 =	vadd.f32 v13, v3;
	v4 =	vadd.f32 v21, v4  }
0x2aa: {  	v13 =	vmul.f32 v26, v26;
	v2 =	vadd.f32 v16, v2;
	v6 =	vadd.f32 v26, v6  }
0x2ab: {  	v16 =	vperm.xlane v14, v50;
	v3 =	vadd.f32 v25, v3;
	v10 =	vadd.f32 v12, v10  }
0x2ac: {  	v12 =	vmul.f32 v15, v15;
	v4 =	vadd.f32 v8, v4;
	v2 =	vadd.f32 v13, v2  }
0x2ad: {  	v3 =	vadd.f32 v15, v3;
	v6 =	vadd.f32 v10, v6;
	v8 =	vmul.f32 v10, v10  }
0x2ae: {  	v13 =	vadd.f32 v20, v18;
	v15 =	vperm.xlane v7, v49;
	v4 =	vadd.f32 v12, v4  }
0x2af: {  	v12 =	vperm.xlane v19, v50;
	v2 =	vadd.f32 v8, v2;
	v3 =	vadd.f32 v6, v3  }
0x2b0: {  	v7 =	vadd.f32 v7, v15;
	v6 =	vadd.f32 v14, v16;
	v8 =	vperm.xlane v13, v49  }
0x2b1: {  	v12 =	vadd.f32 v12, v19;
	v2 =	vadd.f32 v2, v4;
	v4 =	vperm.xlane v3, v49  }
0x2b2: {  	v14 =	vperm.xlane v6, v39;
	v8 =	vadd.f32 v8, v13;
	v13 =	vperm.xlane v7, v50  }
0x2b3: {  	v15 =	vperm.xlane v12, v39;
	v16 =	vperm.xlane v2, v49;
	v3 =	vadd.f32 v3, v4  }
0x2b4: {  	v4 =	vadd.f32 v6, v14;
	v6 =	vperm.xlane v8, v50;
	v7 =	vadd.f32 v7, v13  }
0x2b5: {  	v12 =	vadd.f32 v15, v12;
	v2 =	vadd.f32 v16, v2;
	v13 =	vperm.xlane v3, v50  }
0x2b6: {  	v14 =	vperm.xlane v4, v52;
	v6 =	vadd.f32 v6, v8;
	v8 =	vperm.xlane v7, v39  }
0x2b7: {  	v15 =	vperm.xlane v12, v52;
	v16 =	vperm.xlane v2, v50;
	v3 =	vadd.f32 v3, v13  }
0x2b8: {  	v4 =	vadd.f32 v4, v14;
	v13 =	vperm.xlane v6, v39;
	v7 =	vadd.f32 v7, v8  }
0x2b9: {  	v8 =	vadd.f32 v15, v12;
	v2 =	vadd.f32 v16, v2;
	v12 =	vperm.xlane v3, v39  }
0x2ba: {  	v4 =	vmul.f32 $1.953125000e-03, v4;
	v6 =	vadd.f32 v13, v6;
	v13 =	vperm.xlane v7, v52  }
0x2bb: {  	v8 =	vmul.f32 $1.953125000e-03, v8;
	v14 =	vperm.xlane v2, v39;
	v3 =	vadd.f32 v3, v12  }
0x2bc: {  	v12 =	vmul.f32 v4, v4;
	v15 =	vperm.xlane v6, v52;
	v7 =	vadd.f32 v7, v13  }
0x2bd: {  	v13 =	vshra.s32 v11, $0x1;
	v2 =	vadd.f32 v14, v2;
	v14 =	vperm.xlane v3, v52  }
0x2be: {  	v8 =	vsub.f32 v8, v12;
	v6 =	vadd.f32 v15, v6;
	v7 =	vmul.f32 $1.953125000e-03, v7  }
0x2bf: {  	v11 =	vmul.f32 $5.000000000e-01, v11;
	v12 =	vperm.xlane v2, v52;
	v3 =	vadd.f32 v3, v14  }
0x2c0: {  	v8 =	vadd.f32 $9.999999960e-13, v8;
	v6 =	vmul.f32 $1.953125000e-03, v6;
	v14 =	vmul.f32 v7, v7  }
0x2c1: {  	v13 =	vsub.s32 $0x5F3759DF, v13;
	v2 =	vadd.f32 v12, v2;
	v3 =	vmul.f32 $1.953125000e-03, v3  }
0x2c2: {  	v12 =	vmul.f32 v13, v11;
	v15 =	vmul.f32 $5.000000000e-01, v8;
	v6 =	vsub.f32 v6, v14  }
0x2c3: {  	v8 =	vshra.s32 v8, $0x1;
	v2 =	vmul.f32 $1.953125000e-03, v2;
	v14 =	vmul.f32 v3, v3  }
0x2c4: {  	v8 =	vsub.s32 $0x5F3759DF, v8;
	v12 =	vmul.f32 v13, v12;
	v6 =	vadd.f32 $9.999999960e-13, v6  }
0x2c5: {  	v16 =	vmul.f32 v8, v15;
	v2 =	vsub.f32 v2, v14  }
0x2c6: {  	v12 =	vsub.f32 $1.500000000e+00, v12;
	v14 =	vshra.s32 v6, $0x1;
	v6 =	vmul.f32 $5.000000000e-01, v6  }
0x2c7: {  	v16 =	vmul.f32 v8, v16;
	v14 =	vsub.s32 $0x5F3759DF, v14;
	v2 =	vadd.f32 $9.999999960e-13, v2  }
0x2c8: {  	v12 =	vmul.f32 v13, v12;
	v13 =	vmul.f32 v14, v6  }
0x2c9: {  	v16 =	vsub.f32 $1.500000000e+00, v16;
	v17 =	vshra.s32 v2, $0x1;
	v2 =	vmul.f32 $5.000000000e-01, v2  }
0x2ca: {  	v11 =	vmul.f32 v12, v11;
	v13 =	vmul.f32 v14, v13;
	v17 =	vsub.s32 $0x5F3759DF, v17  }
0x2cb: {  	v8 =	vmul.f32 v8, v16;
	v16 =	vmul.f32 v17, v2  }
0x2cc: {  	v11 =	vmul.f32 v11, v12  }
0x2cd: {  	v13 =	vsub.f32 $1.500000000e+00, v13;
	v15 =	vmul.f32 v8, v15;
	v16 =	vmul.f32 v17, v16  }
0x2ce: {  	v11 =	vsub.f32 $1.500000000e+00, v11  }
0x2cf: {  	v13 =	vmul.f32 v14, v13;
	v14 =	vmul.f32 v15, v8;
	v15 =	vsub.f32 $1.500000000e+00, v16  }
0x2d0: {  	s20 =	sshra.s32 s31, $0x2;
	[tilespmem:s3+$0xA070] =	vst v9  }
0x2d1: {  	[tilespmem:s20+$0x4400] =	vst v0;
	v9 =	vmul.f32 v11, v12;
	v0 =	vsub.f32 $1.500000000e+00, v14;
	v11 =	vmul.f32 v17, v15  }
0x2d2: {  	[tilespmem:s1+$0xA070] =	vst v1;
	v6 =	vmul.f32 v13, v6  }
0x2d3: {  	[tilespmem:s12+$0xA070] =	vst v5;
	v0 =	vmul.f32 v0, v8;
	v1 =	vmul.f32 v11, v2  }
0x2d4: {  	s21 =	sshra.s32 s4, $0x2;
	[tilespmem:s14+$0xA070] =	vst v10;
	v6 =	vmul.f32 v6, v13  }
0x2d5: {  	[tilespmem:s21+$0x4C00] =	vst v0;
	v0 =	vmul.f32 v1, v11  }
0x2d6: {  	s22 =	sshra.s32 s2, $0x2;
	[tilespmem:s21+$0x4400] =	vst v4;
	v2 =	vsub.f32 $1.500000000e+00, v6  }
0x2d7: {  	s31 =	sshra.s32 s13, $0x2;
	[tilespmem:s22+$0x4400] =	vst v7;
	v0 =	vsub.f32 $1.500000000e+00, v0  }
0x2d8: {  	[tilespmem:s31+$0x4400] =	vst v3;
	v1 =	vmul.f32 v2, v13  }
0x2d9: {  	p0 =	sgt.u32 s26, $0x3D;
	[tilespmem:s20+$0x4C00] =	vst v9;
	v0 =	vmul.f32 v0, v11  }
0x2da: {  	s2 =	sshll.u32 @!p0 s26, $0x7;
	[tilespmem:s22+$0x4C00] =	vst v1  }
0x2db: {  	s1 =	sand.u32 @!p0 $0x3FFFFF80, s2;
	[tilespmem:s31+$0x4C00] =	vst v0  }
0x2dc: {  	v0 =	vld @!p0 [tilespmem:s1+$0x100];
	_ =	sdelay $0x4  }
0x2dd: {  	v1 =	vshll.u32 @!p0 v0, $0x2  }
0x2de: {  	v2 =	vlaneseq.u32 @!p0;
	v0 =	vand.u32 @!p0 $0x7, v0;
	v1 =	vand.u32 @!p0 $0xFFFFFFE0, v1  }
0x2df: {  	v3 =	vshrl.u32 @!p0 v2, $0x3;
	v0 =	vor.u32 @!p0 v0, v1;
	v1 =	vand.u32 @!p0 $0x7, v2  }
0x2e0: {  	v3 =	vmul.u32 @!p0 $0x8, v3;
	v1 =	vperm.xlane @!p0 v0, v1;
	_ =	sdelay $0x1  }
0x2e1: {  	v1 =	vadd.s32 @!p0 v3, v1  }
0x2e2: {  	v2 =	vor.u32 @!p0 $0x8, v2  }
0x2e3: {  	v0 =	vperm.xlane @!p0 v0, v2;
	_ =	sdelay $0x1  }
0x2e4: {  	vm1 =	vmmov @!p0 $0xffff;
	s1 =	simm.s32 @!p0 $0x0;
	v0 =	vadd.s32 @!p0 v3, v0  }
0x2e5: {  	[tilespmem:s18], [sflag:s30] =	stream.indirect_vreg.gather @!p0 [hbm4b:s0+s1], $0x80, v1, vm1, $0xb8;
	[tilespmem:$0xD400] =	vst v63  }
0x2e6: {  	s2 =	sadd.s32 @!p0 $0x5C00, s29  }
0x2e7: {  	[tilespmem:s2], [sflag:s30] =	stream.indirect_vreg.gather @!p0 [hbm4b:s8+s1], $0x80, v1, vm1, $0xb8;
	[tilespmem:$0xD400] =	vst v63  }
0x2e8: {  	s2 =	sadd.s32 @!p0 $0x6400, s29  }
0x2e9: {  	[tilespmem:s2], [sflag:s30] =	stream.indirect_vreg.gather @!p0 [hbm4b:s0+s1], $0x80, v0, vm1, $0xb8;
	[tilespmem:$0xD400] =	vst v63  }
0x2ea: {  	s2 =	sadd.s32 @!p0 $0x6C00, s29  }
0x2eb: {  	[tilespmem:s2], [sflag:s30] =	stream.indirect_vreg.gather @!p0 [hbm4b:s8+s1], $0x80, v0, vm1, $0xb8;
	[tilespmem:$0xD400] =	vst v63  }
0x2ec: {  	v39 =	vld [tilespmem:$0x4000]  }
0x2ed: {  	v36 =	vld [tilespmem:$0x4010]  }
0x2ee: {  	v32 =	vld [tilespmem:$0x4020]  }
0x2ef: {  	v26 =	vld [tilespmem:$0x4030]  }
0x2f0: {  	v22 =	vld [tilespmem:$0x4040]  }
0x2f1: {  	v14 =	vld [tilespmem:$0x4050]  }
0x2f2: {  	v10 =	vld [tilespmem:$0x4060]  }
0x2f3: {  	v8 =	vld [tilespmem:$0x4070]  }
0x2f4: {  	v43 =	vld [tilespmem:$0x4080]  }
0x2f5: {  	v40 =	vld [tilespmem:$0x4090]  }
0x2f6: {  	v37 =	vld [tilespmem:$0x40A0]  }
0x2f7: {  	v33 =	vld [tilespmem:$0x40B0]  }
0x2f8: {  	v27 =	vld [tilespmem:$0x40C0]  }
0x2f9: {  	v23 =	vld [tilespmem:$0x40D0]  }
0x2fa: {  	v15 =	vld [tilespmem:$0x40E0]  }
0x2fb: {  	v11 =	vld [tilespmem:$0x40F0]  }
0x2fc: {  	v42 =	vld [tilespmem:$0x4200]  }
0x2fd: {  	v7 =	vmov s29;
	v38 =	vld [tilespmem:$0x4210]  }
0x2fe: {  	v34 =	vld [tilespmem:$0x4220]  }
0x2ff: {  	s3 =	simm.s32 $0x0;
	v28 =	vld [tilespmem:$0x4230]  }
0x300: {  	s6 =	simm.s32 $0x0;
	s4 =	sand.u32 $0x1000, s3;
	s1 =	sand.u32 $0x380, s3;
	v24 =	vld [tilespmem:$0x4240]  }
0x301: {  	s1 =	sor.u32 s1, s4;
	v6 =	vld [tilespmem:s6+$0x4400]  }
0x302: {  	v0 =	vld.idx.msk [tilespmem:v7+s1+$0x9800 ss:$0x1], $0xffff  }
0x303: {  	v17 =	vld [tilespmem:$0x4250]  }
0x304: {  	v5 =	vld [tilespmem:s6+$0x4C00]  }
0x305: {  	v12 =	vld [tilespmem:$0x4260]  }
0x306: {  	v9 =	vld [tilespmem:$0x4270]  }
0x307: {  	v1 =	vld [tilespmem:$0x4280];
	v0 =	vsub.f32 v0, v6  }
0x308: {  	v3 =	vld.idx.msk [tilespmem:v7+s1+$0x9400 ss:$0x1], $0xffff  }
0x309: {  	v2 =	vld [tilespmem:$0x4290];
	v0 =	vmul.f32 v0, v5  }
0x30a: {  	v41 =	vld [tilespmem:$0x42A0]  }
0x30b: {  	v35 =	vld [tilespmem:$0x42B0];
	v0 =	vmul.f32 v0, v43  }
0x30c: {  	v29 =	vld [tilespmem:$0x42C0]  }
0x30d: {  	v25 =	vld [tilespmem:$0x42D0];
	v3 =	vsub.f32 v3, v6;
	v0 =	vadd.f32 v0, v1  }
0x30e: {  	v18 =	vld [tilespmem:$0x42E0]  }
0x30f: {  	v13 =	vld [tilespmem:$0x42F0];
	v3 =	vmul.f32 v3, v5;
	[tilespmem:v7+s1+$0x9800 ss:$0x1] =	vst.idx.msk $0xffff, v0  }
0x310: {  	v0 =	vld.idx.msk [tilespmem:v7+s1+$0x9810 ss:$0x1], $0xffff  }
0x311: {  	v3 =	vmul.f32 v3, v39;
	_ =	sdelay $0x1  }
0x312: {  	v3 =	vadd.f32 v3, v42;
	_ =	sdelay $0x1  }
0x313: {  	[tilespmem:v7+s1+$0x9400 ss:$0x1] =	vst.idx.msk $0xffff, v3;
	v0 =	vsub.f32 v0, v6  }
0x314: {  	v3 =	vld.idx.msk [tilespmem:v7+s1+$0x9410 ss:$0x1], $0xffff  }
0x315: {  	s7 =	simm.s32 $0x80;
	s12 =	simm.s32 $0x200;
	v0 =	vmul.f32 v0, v5  }
0x316: {  	s13 =	simm.s32 $0x80;
	s3 =	sand.u32 $0x1000, s12;
	s2 =	sand.u32 $0x380, s7  }
0x317: {  	s2 =	sor.u32 s2, s3;
	v16 =	vld [tilespmem:s13+$0x4400];
	v0 =	vmul.f32 v0, v40  }
0x318: {  	v4 =	vld.idx.msk [tilespmem:v7+s2+$0x9800 ss:$0x1], $0xffff  }
0x319: {  	v3 =	vsub.f32 v3, v6;
	v0 =	vadd.f32 v0, v2  }
0x31a: {  	v19 =	vld [tilespmem:s13+$0x4C00]  }
0x31b: {  	v3 =	vmul.f32 v3, v5;
	[tilespmem:v7+s1+$0x9810 ss:$0x1] =	vst.idx.msk $0xffff, v0  }
0x31c: {  	v0 =	vld.idx.msk [tilespmem:v7+s1+$0x9820 ss:$0x1], $0xffff  }
0x31d: {  	v20 =	vld.idx.msk [tilespmem:v7+s2+$0x9400 ss:$0x1], $0xffff;
	v4 =	vsub.f32 v4, v16;
	v3 =	vmul.f32 v3, v36;
	_ =	sdelay $0x1  }
0x31e: {  	v4 =	vmul.f32 v4, v19;
	v3 =	vadd.f32 v3, v38;
	_ =	sdelay $0x1  }
0x31f: {  	[tilespmem:v7+s1+$0x9410 ss:$0x1] =	vst.idx.msk $0xffff, v3;
	v3 =	vmul.f32 v4, v43;
	v0 =	vsub.f32 v0, v6  }
0x320: {  	v20 =	vsub.f32 v20, v16;
	v4 =	vld.idx.msk [tilespmem:v7+s1+$0x9420 ss:$0x1], $0xffff  }
0x321: {  	v3 =	vadd.f32 v3, v1;
	v0 =	vmul.f32 v0, v5  }
0x322: {  	v20 =	vmul.f32 v20, v19  }
0x323: {  	[tilespmem:v7+s2+$0x9800 ss:$0x1] =	vst.idx.msk $0xffff, v3;
	v0 =	vmul.f32 v0, v37  }
0x324: {  	v3 =	vmul.f32 v20, v39;
	v20 =	vld.idx.msk [tilespmem:v7+s2+$0x9810 ss:$0x1], $0xffff  }
0x325: {  	v4 =	vsub.f32 v4, v6;
	v0 =	vadd.f32 v0, v41  }
0x326: {  	v3 =	vadd.f32 v3, v42  }
0x327: {  	v4 =	vmul.f32 v4, v5;
	[tilespmem:v7+s1+$0x9820 ss:$0x1] =	vst.idx.msk $0xffff, v0  }
0x328: {  	[tilespmem:v7+s2+$0x9400 ss:$0x1] =	vst.idx.msk $0xffff, v3;
	v0 =	vld.idx.msk [tilespmem:v7+s1+$0x9830 ss:$0x1], $0xffff  }
0x329: {  	v3 =	vmul.f32 v4, v32;
	v4 =	vld.idx.msk [tilespmem:v7+s2+$0x9410 ss:$0x1], $0xffff;
	v20 =	vsub.f32 v20, v16;
	_ =	sdelay $0x1  }
0x32a: {  	s15 =	simm.s32 $0x400;
	s14 =	simm.s32 $0x100;
	v3 =	vadd.f32 v3, v34;
	v20 =	vmul.f32 v20, v19  }
0x32b: {  	s4 =	sand.u32 $0x1000, s15;
	s3 =	sand.u32 $0x380, s14  }
0x32c: {  	s3 =	sor.u32 s3, s4;
	[tilespmem:v7+s1+$0x9420 ss:$0x1] =	vst.idx.msk $0xffff, v3;
	v3 =	vmul.f32 v20, v40;
	v0 =	vsub.f32 v0, v6  }
0x32d: {  	v31 =	vld.idx.msk [tilespmem:v7+s3+$0x9800 ss:$0x1], $0xffff;
	v4 =	vsub.f32 v4, v16  }
0x32e: {  	s16 =	simm.s32 $0x100;
	v30 =	vld.idx.msk [tilespmem:v7+s1+$0x9430 ss:$0x1], $0xffff;
	v3 =	vadd.f32 v3, v2;
	v0 =	vmul.f32 v0, v5  }
0x32f: {  	v20 =	vld [tilespmem:s16+$0x4400];
	v4 =	vmul.f32 v4, v19  }
0x330: {  	v21 =	vld [tilespmem:s16+$0x4C00];
	[tilespmem:v7+s2+$0x9810 ss:$0x1] =	vst.idx.msk $0xffff, v3;
	v0 =	vmul.f32 v0, v33  }
0x331: {  	v3 =	vmul.f32 v4, v36;
	v4 =	vld.idx.msk [tilespmem:v7+s2+$0x9820 ss:$0x1], $0xffff  }
0x332: {  	v55 =	vld.idx.msk [tilespmem:v7+s3+$0x9400 ss:$0x1], $0xffff;
	v0 =	vadd.f32 v0, v35  }
0x333: {  	v30 =	vsub.f32 v30, v6;
	v3 =	vadd.f32 v3, v38  }
0x334: {  	[tilespmem:v7+s1+$0x9830 ss:$0x1] =	vst.idx.msk $0xffff, v0;
	v0 =	vsub.f32 v31, v20  }
0x335: {  	v30 =	vmul.f32 v30, v5;
	[tilespmem:v7+s2+$0x9410 ss:$0x1] =	vst.idx.msk $0xffff, v3;
	v3 =	vld.idx.msk [tilespmem:v7+s1+$0x9840 ss:$0x1], $0xffff  }
0x336: {  	v4 =	vsub.f32 v4, v16;
	v31 =	vld.idx.msk [tilespmem:v7+s2+$0x9420 ss:$0x1], $0xffff;
	v0 =	vmul.f32 v0, v21  }
0x337: {  	v44 =	vsub.f32 v55, v20;
	v30 =	vmul.f32 v30, v26  }
0x338: {  	v4 =	vmul.f32 v4, v19;
	v0 =	vmul.f32 v0, v43  }
0x339: {  	v44 =	vmul.f32 v44, v21;
	v30 =	vadd.f32 v30, v28  }
0x33a: {  	v4 =	vmul.f32 v4, v37;
	v0 =	vadd.f32 v0, v1;
	v3 =	vsub.f32 v3, v6  }
0x33b: {  	[tilespmem:v7+s1+$0x9430 ss:$0x1] =	vst.idx.msk $0xffff, v30;
	v30 =	vsub.f32 v31, v16;
	v31 =	vmul.f32 v44, v39  }
0x33c: {  	v56 =	vld.idx.msk [tilespmem:v7+s1+$0x9440 ss:$0x1], $0xffff;
	[tilespmem:v7+s3+$0x9800 ss:$0x1] =	vst.idx.msk $0xffff, v0;
	v0 =	vmul.f32 v3, v5;
	v3 =	vadd.f32 v4, v41  }
0x33d: {  	v30 =	vmul.f32 v30, v19;
	v31 =	vadd.f32 v31, v42;
	v4 =	vld.idx.msk [tilespmem:v7+s3+$0x9810 ss:$0x1], $0xffff  }
0x33e: {  	v0 =	vmul.f32 v0, v27;
	[tilespmem:v7+s2+$0x9820 ss:$0x1] =	vst.idx.msk $0xffff, v3  }
0x33f: {  	[tilespmem:v7+s3+$0x9400 ss:$0x1] =	vst.idx.msk $0xffff, v31;
	v3 =	vmul.f32 v30, v32;
	v30 =	vld.idx.msk [tilespmem:v7+s2+$0x9830 ss:$0x1], $0xffff  }
0x340: {  	v31 =	vld.idx.msk [tilespmem:v7+s3+$0x9410 ss:$0x1], $0xffff;
	v0 =	vadd.f32 v0, v29  }
0x341: {  	v44 =	vsub.f32 v56, v6;
	v3 =	vadd.f32 v3, v34  }
0x342: {  	[tilespmem:v7+s1+$0x9840 ss:$0x1] =	vst.idx.msk $0xffff, v0;
	v0 =	vsub.f32 v4, v20  }
0x343: {  	s17 =	simm.s32 $0x180;
	s6 =	simm.s32 $0x600;
	v4 =	vmul.f32 v44, v5;
	[tilespmem:v7+s2+$0x9420 ss:$0x1] =	vst.idx.msk $0xffff, v3;
	v3 =	vld.idx.msk [tilespmem:v7+s1+$0x9850 ss:$0x1], $0xffff  }
0x344: {  	s6 =	sand.u32 $0x1000, s6;
	s4 =	sand.u32 $0x380, s17;
	v57 =	vld.idx.msk [tilespmem:v7+s2+$0x9430 ss:$0x1], $0xffff;
	v0 =	vmul.f32 v0, v21;
	v30 =	vsub.f32 v30, v16  }
0x345: {  	s4 =	sor.u32 s4, s6;
	v31 =	vsub.f32 v31, v20;
	v4 =	vmul.f32 v4, v22  }
0x346: {  	s18 =	simm.s32 $0x180;
	v58 =	vld.idx.msk [tilespmem:v7+s4+$0x9800 ss:$0x1], $0xffff;
	v0 =	vmul.f32 v0, v40;
	v30 =	vmul.f32 v30, v19  }
0x347: {  	v59 =	vmul.f32 v31, v21;
	v31 =	vld [tilespmem:s18+$0x4400];
	v4 =	vadd.f32 v4, v24  }
0x348: {  	v0 =	vadd.f32 v0, v2;
	v3 =	vsub.f32 v3, v6;
	v60 =	vmul.f32 v30, v33  }
0x349: {  	v61 =	vmul.f32 v59, v36;
	[tilespmem:v7+s1+$0x9440 ss:$0x1] =	vst.idx.msk $0xffff, v4;
	v4 =	vsub.f32 v57, v16;
	v30 =	vld [tilespmem:s18+$0x4C00]  }
0x34a: {  	v62 =	vld.idx.msk [tilespmem:v7+s1+$0x9450 ss:$0x1], $0xffff;
	[tilespmem:v7+s3+$0x9810 ss:$0x1] =	vst.idx.msk $0xffff, v0;
	v0 =	vmul.f32 v3, v5;
	v3 =	vadd.f32 v60, v35  }
0x34b: {  	v44 =	vadd.f32 v61, v38;
	v4 =	vmul.f32 v4, v19;
	v63 =	vld.idx.msk [tilespmem:v7+s3+$0x9820 ss:$0x1], $0xffff  }
0x34c: {  	v52 =	vld.idx.msk [tilespmem:v7+s4+$0x9400 ss:$0x1], $0xffff;
	v0 =	vmul.f32 v0, v23;
	[tilespmem:v7+s2+$0x9830 ss:$0x1] =	vst.idx.msk $0xffff, v3;
	v3 =	vsub.f32 v58, v31  }
0x34d: {  	[tilespmem:v7+s3+$0x9410 ss:$0x1] =	vst.idx.msk $0xffff, v44;
	v4 =	vmul.f32 v4, v26;
	v53 =	vld.idx.msk [tilespmem:v7+s2+$0x9840 ss:$0x1], $0xffff  }
0x34e: {  	v54 =	vld.idx.msk [tilespmem:v7+s3+$0x9420 ss:$0x1], $0xffff;
	v0 =	vadd.f32 v0, v25;
	v3 =	vmul.f32 v3, v30  }
0x34f: {  	v46 =	vsub.f32 v62, v6;
	v4 =	vadd.f32 v4, v28  }
0x350: {  	[tilespmem:v7+s1+$0x9850 ss:$0x1] =	vst.idx.msk $0xffff, v0;
	v0 =	vsub.f32 v63, v20;
	v3 =	vmul.f32 v3, v43  }
0x351: {  	v46 =	vmul.f32 v46, v5;
	[tilespmem:v7+s2+$0x9430 ss:$0x1] =	vst.idx.msk $0xffff, v4;
	v4 =	vsub.f32 v52, v31;
	v55 =	vld.idx.msk [tilespmem:v7+s1+$0x9860 ss:$0x1], $0xffff  }
0x352: {  	v0 =	vmul.f32 v0, v21;
	v3 =	vadd.f32 v3, v1;
	v44 =	vsub.f32 v53, v16  }
0x353: {  	v45 =	vsub.f32 v54, v20;
	v46 =	vmul.f32 v46, v14;
	v4 =	vmul.f32 v4, v30  }
0x354: {  	v56 =	vld.idx.msk [tilespmem:v7+s2+$0x9440 ss:$0x1], $0xffff;
	v0 =	vmul.f32 v0, v37;
	[tilespmem:v7+s4+$0x9800 ss:$0x1] =	vst.idx.msk $0xffff, v3;
	v3 =	vmul.f32 v44, v19  }
0x355: {  	v45 =	vmul.f32 v45, v21;
	v57 =	vadd.f32 v46, v17;
	v4 =	vmul.f32 v4, v39;
	v58 =	vld.idx.msk [tilespmem:v7+s4+$0x9810 ss:$0x1], $0xffff  }
0x356: {  	v0 =	vadd.f32 v0, v41;
	v3 =	vmul.f32 v3, v27;
	v47 =	vsub.f32 v55, v6  }
0x357: {  	v45 =	vmul.f32 v45, v32;
	v4 =	vadd.f32 v4, v42;
	[tilespmem:v7+s1+$0x9450 ss:$0x1] =	vst.idx.msk $0xffff, v57  }
0x358: {  	v62 =	vld.idx.msk [tilespmem:v7+s1+$0x9460 ss:$0x1], $0xffff;
	[tilespmem:v7+s3+$0x9820 ss:$0x1] =	vst.idx.msk $0xffff, v0;
	v0 =	vadd.f32 v3, v29;
	v47 =	vmul.f32 v47, v5  }
0x359: {  	v45 =	vadd.f32 v45, v34;
	v3 =	vsub.f32 v56, v16;
	[tilespmem:v7+s4+$0x9400 ss:$0x1] =	vst.idx.msk $0xffff, v4;
	v4 =	vld.idx.msk [tilespmem:v7+s3+$0x9830 ss:$0x1], $0xffff  }
0x35a: {  	s19 =	simm.s32 $0x200;
	s7 =	simm.s32 $0x800;
	v59 =	vld.idx.msk [tilespmem:v7+s4+$0x9410 ss:$0x1], $0xffff;
	[tilespmem:v7+s2+$0x9840 ss:$0x1] =	vst.idx.msk $0xffff, v0;
	v0 =	vsub.f32 v58, v31;
	v60 =	vmul.f32 v47, v15  }
0x35b: {  	s7 =	sand.u32 $0x1000, s7;
	s6 =	sand.u32 $0x380, s19;
	[tilespmem:v7+s3+$0x9420 ss:$0x1] =	vst.idx.msk $0xffff, v45;
	v3 =	vmul.f32 v3, v19;
	v61 =	vld.idx.msk [tilespmem:v7+s2+$0x9850 ss:$0x1], $0xffff  }
0x35c: {  	s12 =	sor.u32 s6, s7;
	v45 =	vld.idx.msk [tilespmem:v7+s3+$0x9430 ss:$0x1], $0xffff;
	v0 =	vmul.f32 v0, v30;
	v44 =	vadd.f32 v60, v18  }
0x35d: {  	s20 =	simm.s32 $0x200;
	v63 =	vld.idx.msk [tilespmem:v7+s12+$0x9800 ss:$0x1], $0xffff;
	v3 =	vmul.f32 v3, v22;
	v47 =	vsub.f32 v62, v6  }
0x35e: {  	v4 =	vsub.f32 v4, v20;
	v0 =	vmul.f32 v0, v40;
	[tilespmem:v7+s1+$0x9860 ss:$0x1] =	vst.idx.msk $0xffff, v44;
	v44 =	vld [tilespmem:s20+$0x4400]  }
0x35f: {  	v3 =	vadd.f32 v3, v24;
	v48 =	vsub.f32 v59, v31;
	v59 =	vld.idx.msk [tilespmem:v7+s12+$0x9400 ss:$0x1], $0xffff;
	v47 =	vmul.f32 v47, v5  }
0x360: {  	v56 =	vld.idx.msk [tilespmem:v7+s1+$0x9870 ss:$0x1], $0xffff;
	v4 =	vmul.f32 v4, v21;
	v57 =	vadd.f32 v0, v2;
	v46 =	vsub.f32 v61, v16  }
0x361: {  	v45 =	vsub.f32 v45, v20;
	[tilespmem:v7+s2+$0x9440 ss:$0x1] =	vst.idx.msk $0xffff, v3;
	v3 =	vmul.f32 v48, v30;
	v0 =	vld [tilespmem:s20+$0x4C00]  }
0x362: {  	v58 =	vld.idx.msk [tilespmem:v7+s2+$0x9450 ss:$0x1], $0xffff;
	v4 =	vmul.f32 v4, v33;
	[tilespmem:v7+s4+$0x9810 ss:$0x1] =	vst.idx.msk $0xffff, v57;
	v46 =	vmul.f32 v46, v19  }
0x363: {  	v45 =	vmul.f32 v45, v21;
	v3 =	vmul.f32 v3, v36;
	v51 =	vld.idx.msk [tilespmem:v7+s4+$0x9820 ss:$0x1], $0xffff;
	v49 =	vsub.f32 v63, v44  }
0x364: {  	v52 =	vsub.f32 v59, v44;
	v4 =	vadd.f32 v4, v35;
	v46 =	vmul.f32 v46, v23  }
0x365: {  	v45 =	vmul.f32 v45, v26;
	v3 =	vadd.f32 v3, v38;
	v61 =	vsub.f32 v56, v6  }
0x366: {  	v60 =	vmul.f32 v49, v0;
	[tilespmem:v7+s3+$0x9830 ss:$0x1] =	vst.idx.msk $0xffff, v4;
	v4 =	vadd.f32 v46, v25  }
0x367: {  	v45 =	vadd.f32 v45, v28;
	[tilespmem:v7+s4+$0x9410 ss:$0x1] =	vst.idx.msk $0xffff, v3;
	v48 =	vsub.f32 v58, v16;
	v3 =	vld.idx.msk [tilespmem:v7+s3+$0x9840 ss:$0x1], $0xffff  }
0x368: {  	v52 =	vmul.f32 v52, v0;
	v62 =	vld.idx.msk [tilespmem:v7+s4+$0x9420 ss:$0x1], $0xffff;
	[tilespmem:v7+s2+$0x9850 ss:$0x1] =	vst.idx.msk $0xffff, v4;
	v4 =	vsub.f32 v51, v31  }
0x369: {  	v46 =	vmul.f32 v60, v43;
	v48 =	vmul.f32 v48, v19  }
0x36a: {  	v49 =	vmul.f32 v61, v5;
	[tilespmem:v7+s3+$0x9430 ss:$0x1] =	vst.idx.msk $0xffff, v45;
	v63 =	vld.idx.msk [tilespmem:v7+s2+$0x9860 ss:$0x1], $0xffff;
	v4 =	vmul.f32 v4, v30  }
0x36b: {  	v55 =	vmul.f32 v52, v39;
	v46 =	vadd.f32 v46, v1;
	v48 =	vmul.f32 v48, v14  }
0x36c: {  	v49 =	vmul.f32 v49, v11;
	v3 =	vsub.f32 v3, v20;
	v4 =	vmul.f32 v4, v37  }
0x36d: {  	[tilespmem:v7+s12+$0x9800 ss:$0x1] =	vst.idx.msk $0xffff, v46;
	v54 =	vsub.f32 v62, v31;
	v48 =	vadd.f32 v48, v17  }
0x36e: {  	v46 =	vadd.f32 v55, v42;
	v56 =	vld.idx.msk [tilespmem:v7+s12+$0x9810 ss:$0x1], $0xffff;
	v3 =	vmul.f32 v3, v21;
	v4 =	vadd.f32 v4, v41  }
0x36f: {  	v57 =	vld.idx.msk [tilespmem:v7+s3+$0x9440 ss:$0x1], $0xffff;
	v51 =	vsub.f32 v63, v16;
	v45 =	vmul.f32 v54, v30;
	[tilespmem:v7+s2+$0x9450 ss:$0x1] =	vst.idx.msk $0xffff, v48  }
0x370: {  	v62 =	vadd.f32 v49, v13;
	[tilespmem:v7+s12+$0x9400 ss:$0x1] =	vst.idx.msk $0xffff, v46;
	v48 =	vld.idx.msk [tilespmem:v7+s2+$0x9460 ss:$0x1], $0xffff;
	v3 =	vmul.f32 v3, v27  }
0x371: {  	[tilespmem:v7+s4+$0x9820 ss:$0x1] =	vst.idx.msk $0xffff, v4;
	v4 =	vmul.f32 v51, v19;
	v45 =	vmul.f32 v45, v32;
	v51 =	vld.idx.msk [tilespmem:v7+s12+$0x9410 ss:$0x1], $0xffff  }
0x372: {  	v47 =	vmul.f32 v47, v10;
	[tilespmem:v7+s1+$0x9870 ss:$0x1] =	vst.idx.msk $0xffff, v62;
	v58 =	vld.idx.msk [tilespmem:v7+s4+$0x9830 ss:$0x1], $0xffff;
	v3 =	vadd.f32 v3, v29  }
0x373: {  	v50 =	vsub.f32 v56, v44;
	v4 =	vmul.f32 v4, v15;
	v45 =	vadd.f32 v45, v34  }
0x374: {  	s21 =	simm.s32 $0x280;
	s22 =	simm.s32 $0xA00;
	v47 =	vadd.f32 v47, v12;
	v59 =	vsub.f32 v57, v20;
	[tilespmem:v7+s3+$0x9840 ss:$0x1] =	vst.idx.msk $0xffff, v3  }
0x375: {  	s7 =	sand.u32 $0x1000, s22;
	s6 =	sand.u32 $0x380, s21;
	v3 =	vadd.f32 v4, v18;
	v4 =	vmul.f32 v50, v0;
	[tilespmem:v7+s4+$0x9420 ss:$0x1] =	vst.idx.msk $0xffff, v45;
	v60 =	vld.idx.msk [tilespmem:v7+s3+$0x9850 ss:$0x1], $0xffff  }
0x376: {  	s13 =	sor.u32 s6, s7;
	v63 =	vmul.f32 v59, v21;
	v48 =	vsub.f32 v48, v16;
	v61 =	vld.idx.msk [tilespmem:v7+s4+$0x9430 ss:$0x1], $0xffff;
	v59 =	vsub.f32 v51, v44  }
0x377: {  	v53 =	vld.idx.msk [tilespmem:v7+s13+$0x9800 ss:$0x1], $0xffff;
	[tilespmem:v7+s2+$0x9860 ss:$0x1] =	vst.idx.msk $0xffff, v3;
	v3 =	vsub.f32 v58, v31;
	v4 =	vmul.f32 v4, v40  }
0x378: {  	s30 =	simm.s32 $0x280;
	[tilespmem:v7+s1+$0x9460 ss:$0x1] =	vst.idx.msk $0xffff, v47;
	v58 =	vmul.f32 v63, v22;
	v50 =	vld.idx.msk [tilespmem:v7+s2+$0x9870 ss:$0x1], $0xffff;
	v49 =	vmul.f32 v59, v0  }
0x379: {  	v48 =	vmul.f32 v48, v19;
	v3 =	vmul.f32 v3, v30;
	v57 =	vadd.f32 v4, v2;
	v4 =	vld [tilespmem:s30+$0x4400]  }
0x37a: {  	v62 =	vld.idx.msk [tilespmem:v7+s13+$0x9400 ss:$0x1], $0xffff;
	v46 =	vadd.f32 v58, v24;
	v63 =	vmul.f32 v49, v36;
	v45 =	vsub.f32 v60, v20  }
0x37b: {  	v60 =	vmul.f32 v3, v33;
	v3 =	vld [tilespmem:s30+$0x4C00];
	[tilespmem:v7+s12+$0x9810 ss:$0x1] =	vst.idx.msk $0xffff, v57;
	v52 =	vsub.f32 v61, v31  }
0x37c: {  	v48 =	vmul.f32 v48, v10;
	[tilespmem:v7+s3+$0x9440 ss:$0x1] =	vst.idx.msk $0xffff, v46;
	v54 =	vld.idx.msk [tilespmem:v7+s12+$0x9820 ss:$0x1], $0xffff;
	v46 =	vadd.f32 v63, v38  }
0x37d: {  	v56 =	vld.idx.msk [tilespmem:v7+s3+$0x9450 ss:$0x1], $0xffff;
	v45 =	vmul.f32 v45, v21;
	v61 =	vadd.f32 v60, v35;
	v55 =	vmul.f32 v52, v30  }
0x37e: {  	v50 =	vsub.f32 v50, v16;
	v57 =	vsub.f32 v53, v4;
	[tilespmem:v7+s12+$0x9410 ss:$0x1] =	vst.idx.msk $0xffff, v46  }
0x37f: {  	v51 =	vsub.f32 v62, v4;
	v45 =	vmul.f32 v45, v23;
	v49 =	vmul.f32 v55, v26  }
0x380: {  	[tilespmem:v7+s4+$0x9830 ss:$0x1] =	vst.idx.msk $0xffff, v61;
	v50 =	vmul.f32 v50, v19;
	v52 =	vmul.f32 v57, v3  }
0x381: {  	v61 =	vld.idx.msk [tilespmem:v7+s12+$0x9420 ss:$0x1], $0xffff;
	v51 =	vmul.f32 v51, v3;
	v45 =	vadd.f32 v45, v25;
	v58 =	vsub.f32 v54, v44  }
0x382: {  	v59 =	vld.idx.msk [tilespmem:v7+s4+$0x9840 ss:$0x1], $0xffff;
	v50 =	vmul.f32 v50, v11;
	v49 =	vadd.f32 v49, v28;
	v47 =	vsub.f32 v56, v20  }
0x383: {  	v52 =	vmul.f32 v52, v43;
	v51 =	vmul.f32 v51, v39;
	[tilespmem:v7+s3+$0x9850 ss:$0x1] =	vst.idx.msk $0xffff, v45  }
0x384: {  	v60 =	vmul.f32 v58, v0;
	v50 =	vadd.f32 v50, v13;
	[tilespmem:v7+s4+$0x9430 ss:$0x1] =	vst.idx.msk $0xffff, v49;
	v62 =	vld.idx.msk [tilespmem:v7+s3+$0x9860 ss:$0x1], $0xffff  }
0x385: {  	v47 =	vmul.f32 v47, v21;
	v52 =	vadd.f32 v52, v1;
	v63 =	vld.idx.msk [tilespmem:v7+s4+$0x9440 ss:$0x1], $0xffff;
	v51 =	vadd.f32 v51, v42  }
0x386: {  	v56 =	vsub.f32 v61, v44;
	v61 =	vadd.f32 v48, v12;
	[tilespmem:v7+s2+$0x9870 ss:$0x1] =	vst.idx.msk $0xffff, v50  }
0x387: {  	v58 =	vld.idx.msk [tilespmem:v7+s1+$0x9470 ss:$0x1], $0xffff;
	v45 =	vmul.f32 v60, v37;
	v46 =	vsub.f32 v59, v31;
	[tilespmem:v7+s13+$0x9800 ss:$0x1] =	vst.idx.msk $0xffff, v52  }
0x388: {  	v47 =	vmul.f32 v47, v14;
	v52 =	vmul.f32 v56, v0;
	[tilespmem:v7+s2+$0x9460 ss:$0x1] =	vst.idx.msk $0xffff, v61  }
0x389: {  	v45 =	vadd.f32 v45, v41;
	v46 =	vmul.f32 v46, v30;
	v49 =	vsub.f32 v62, v20  }
0x38a: {  	v57 =	vld.idx.msk [tilespmem:v7+s13+$0x9810 ss:$0x1], $0xffff;
	[tilespmem:v7+s13+$0x9400 ss:$0x1] =	vst.idx.msk $0xffff, v51;
	v52 =	vmul.f32 v52, v32;
	v50 =	vsub.f32 v63, v31  }
0x38b: {  	v47 =	vadd.f32 v47, v17;
	v46 =	vmul.f32 v46, v27;
	v49 =	vmul.f32 v49, v21  }
0x38c: {  	v60 =	vld.idx.msk [tilespmem:v7+s13+$0x9410 ss:$0x1], $0xffff;
	v6 =	vsub.f32 v58, v6;
	[tilespmem:v7+s12+$0x9820 ss:$0x1] =	vst.idx.msk $0xffff, v45;
	v50 =	vmul.f32 v50, v30  }
0x38d: {  	[tilespmem:v7+s3+$0x9450 ss:$0x1] =	vst.idx.msk $0xffff, v47;
	v59 =	vld.idx.msk [tilespmem:v7+s12+$0x9830 ss:$0x1], $0xffff;
	v46 =	vadd.f32 v46, v29;
	v49 =	vmul.f32 v49, v15  }
0x38e: {  	v52 =	vadd.f32 v52, v34;
	v48 =	vld.idx.msk [tilespmem:v7+s3+$0x9460 ss:$0x1], $0xffff;
	v6 =	vmul.f32 v6, v5;
	v62 =	vmul.f32 v50, v22  }
0x38f: {  	v5 =	vld.idx.msk [tilespmem:v7+s2+$0x9470 ss:$0x1], $0xffff;
	v45 =	vsub.f32 v57, v4;
	[tilespmem:v7+s4+$0x9840 ss:$0x1] =	vst.idx.msk $0xffff, v46;
	v49 =	vadd.f32 v49, v18  }
0x390: {  	[tilespmem:v7+s12+$0x9420 ss:$0x1] =	vst.idx.msk $0xffff, v52;
	v51 =	vld.idx.msk [tilespmem:v7+s4+$0x9850 ss:$0x1], $0xffff;
	v63 =	vadd.f32 v62, v24  }
0x391: {  	v50 =	vld.idx.msk [tilespmem:v7+s12+$0x9430 ss:$0x1], $0xffff;
	v45 =	vmul.f32 v45, v3;
	[tilespmem:v7+s3+$0x9860 ss:$0x1] =	vst.idx.msk $0xffff, v49  }
0x392: {  	s31 =	simm.s32 $0x300;
	s15 =	simm.s32 $0xC00;
	v6 =	vmul.f32 v6, v8;
	v52 =	vsub.f32 v59, v44;
	[tilespmem:v7+s4+$0x9440 ss:$0x1] =	vst.idx.msk $0xffff, v63;
	v47 =	vld.idx.msk [tilespmem:v7+s3+$0x9870 ss:$0x1], $0xffff  }
0x393: {  	s14 =	simm.s32 $0x380;
	s17 =	sand.u32 $0x1000, s15;
	s18 =	sand.u32 $0x380, s31;
	v53 =	vsub.f32 v60, v4;
	v54 =	vmul.f32 v45, v40;
	v49 =	vld.idx.msk [tilespmem:v7+s4+$0x9450 ss:$0x1], $0xffff  }
.LBB2_5:
0x394: {  	p0 =	sne.s32 s14, $0x780;
	s6 =	sor.u32 s18, s17;
	v46 =	vmul.f32 v52, v0;
	v48 =	vsub.f32 v48, v20;
	v45 =	vadd.f32 v6, v9;
	v6 =	vmovc v31;
	s16 =	smov.u32 s1  }
0x395: {  	s7 =	sshra.s32 s15, $0x2;
	s1 =	smov.u32 s2;
	s2 =	smov.u32 s3;
	v52 =	vld.idx.msk [tilespmem:v7+s6+$0x9800 ss:$0x1], $0xffff;
	v53 =	vmul.f32 v53, v3;
	v54 =	vadd.f32 v54, v2;
	v51 =	vsub.f32 v51, v6  }
0x396: {  	v31 =	vmovc v44;
	s3 =	smov.u32 s4;
	s4 =	smov.u32 s12;
	s12 =	smov.u32 s13;
	v50 =	vsub.f32 v50, v44;
	v55 =	vld [tilespmem:s7+$0x4400];
	v46 =	vmul.f32 v46, v33;
	v48 =	vmul.f32 v48, v21  }
0x397: {  	v44 =	vmov v4;
	s13 =	smov.u32 s6;
	v56 =	vld [tilespmem:s7+$0x4C00];
	v53 =	vmul.f32 v53, v36;
	[tilespmem:v7+s12+$0x9810 ss:$0x1] =	vst.idx.msk $0xffff, v54;
	v51 =	vmul.f32 v51, v30  }
0x398: {  	v4 =	vmul.f32 v50, v0;
	v57 =	vsub.f32 v47, v20;
	v54 =	vld.idx.msk [tilespmem:v7+s12+$0x9820 ss:$0x1], $0xffff;
	v46 =	vadd.f32 v46, v35  }
0x399: {  	v49 =	vsub.f32 v49, v6;
	v50 =	vld.idx.msk [tilespmem:v7+s13+$0x9400 ss:$0x1], $0xffff;
	v53 =	vadd.f32 v53, v38;
	v51 =	vmul.f32 v51, v23  }
0x39a: {  	v47 =	vmov v19;
	v58 =	vmul.f32 v4, v26;
	[tilespmem:v7+s4+$0x9830 ss:$0x1] =	vst.idx.msk $0xffff, v46;
	v46 =	vmul.f32 v57, v21  }
0x39b: {  	v19 =	vsub.f32 v52, v55;
	[tilespmem:v7+s12+$0x9410 ss:$0x1] =	vst.idx.msk $0xffff, v53;
	v52 =	vld.idx.msk [tilespmem:v7+s4+$0x9840 ss:$0x1], $0xffff;
	v51 =	vadd.f32 v51, v25  }
0x39c: {  	v49 =	vmul.f32 v49, v30;
	v57 =	vadd.f32 v58, v28;
	v53 =	vld.idx.msk [tilespmem:v7+s12+$0x9420 ss:$0x1], $0xffff;
	v46 =	vmul.f32 v46, v11  }
0x39d: {  	v48 =	vmul.f32 v48, v10;
	v4 =	vmov v55;
	v59 =	vmul.f32 v19, v56;
	[tilespmem:v7+s3+$0x9850 ss:$0x1] =	vst.idx.msk $0xffff, v51  }
0x39e: {  	v51 =	vsub.f32 v54, v44;
	[tilespmem:v7+s4+$0x9430 ss:$0x1] =	vst.idx.msk $0xffff, v57;
	v54 =	vld.idx.msk [tilespmem:v7+s3+$0x9860 ss:$0x1], $0xffff;
	v46 =	vadd.f32 v46, v13  }
0x39f: {  	v49 =	vmul.f32 v49, v14;
	v50 =	vsub.f32 v50, v4;
	v55 =	vmul.f32 v59, v43;
	v57 =	vld.idx.msk [tilespmem:v7+s4+$0x9440 ss:$0x1], $0xffff  }
0x3a0: {  	v58 =	vadd.f32 v48, v12;
	v51 =	vmul.f32 v51, v3;
	v19 =	vmov v21;
	[tilespmem:v7+s2+$0x9870 ss:$0x1] =	vst.idx.msk $0xffff, v46  }
0x3a1: {  	v21 =	vmovc v30;
	v46 =	vmul.f32 v50, v56;
	v50 =	vsub.f32 v52, v31;
	v48 =	vadd.f32 v55, v1  }
0x3a2: {  	v49 =	vadd.f32 v49, v17;
	v30 =	vmovc v0;
	v52 =	vsub.f32 v53, v44;
	v51 =	vmul.f32 v51, v37  }
0x3a3: {  	v0 =	vmov v3;
	v46 =	vmul.f32 v46, v39;
	[tilespmem:v7+s13+$0x9800 ss:$0x1] =	vst.idx.msk $0xffff, v48;
	v48 =	vmul.f32 v50, v30  }
0x3a4: {  	v52 =	vmul.f32 v52, v0;
	v51 =	vadd.f32 v51, v41;
	v53 =	vsub.f32 v54, v6;
	v50 =	vld.idx.msk [tilespmem:v7+s13+$0x9810 ss:$0x1], $0xffff  }
0x3a5: {  	v3 =	vmovc v56;
	v46 =	vadd.f32 v46, v42;
	v54 =	vsub.f32 v57, v31;
	v48 =	vmul.f32 v48, v27  }
0x3a6: {  	v52 =	vmul.f32 v52, v32;
	[tilespmem:v7+s12+$0x9820 ss:$0x1] =	vst.idx.msk $0xffff, v51;
	v51 =	vmul.f32 v53, v21  }
0x3a7: {  	v53 =	vmul.f32 v54, v30;
	[tilespmem:v7+s13+$0x9400 ss:$0x1] =	vst.idx.msk $0xffff, v46;
	v46 =	vld.idx.msk [tilespmem:v7+s12+$0x9830 ss:$0x1], $0xffff;
	v48 =	vadd.f32 v48, v29  }
0x3a8: {  	v52 =	vadd.f32 v52, v34;
	v54 =	vld.idx.msk [tilespmem:v7+s13+$0x9410 ss:$0x1], $0xffff;
	[tilespmem:v7+s3+$0x9450 ss:$0x1] =	vst.idx.msk $0xffff, v49;
	v49 =	vmul.f32 v51, v15  }
0x3a9: {  	v5 =	vsub.f32 v5, v16;
	v53 =	vmul.f32 v53, v22;
	[tilespmem:v7+s4+$0x9840 ss:$0x1] =	vst.idx.msk $0xffff, v48;
	v48 =	vld.idx.msk [tilespmem:v7+s3+$0x9460 ss:$0x1], $0xffff  }
.Ltmp1:
0x3aa: {  	v57 =	vsub.f32 v50, v4;
	[tilespmem:v7+s12+$0x9420 ss:$0x1] =	vst.idx.msk $0xffff, v52;
	v51 =	vld.idx.msk [tilespmem:v7+s4+$0x9850 ss:$0x1], $0xffff;
	v49 =	vadd.f32 v49, v18;
	(pc) =	sbr.rel @p0 .LBB2_5-.Ltmp1, $4  }
0x3ab: {  	v55 =	vmul.f32 v5, v47;
	v53 =	vadd.f32 v53, v24;
	v50 =	vld.idx.msk [tilespmem:v7+s12+$0x9430 ss:$0x1], $0xffff;
	[tilespmem:v7+s2+$0x9460 ss:$0x1] =	vst.idx.msk $0xffff, v58  }
0x3ac: {  	v16 =	vmov v20;
	v20 =	vmov v6;
	v56 =	vmul.f32 v57, v3;
	[tilespmem:v7+s3+$0x9860 ss:$0x1] =	vst.idx.msk $0xffff, v49;
	v5 =	vld.idx.msk [tilespmem:v7+s2+$0x9470 ss:$0x1], $0xffff  }
0x3ad: {  	s15 =	sadd.s32 $0x200, s15;
	v6 =	vmul.f32 v55, v8;
	v52 =	vsub.f32 v46, v44;
	[tilespmem:v7+s4+$0x9440 ss:$0x1] =	vst.idx.msk $0xffff, v53;
	v47 =	vld.idx.msk [tilespmem:v7+s3+$0x9870 ss:$0x1], $0xffff  }
0x3ae: {  	s18 =	sand.u32 $0x380, s14;
	s14 =	sadd.s32 $0x80, s14;
	s17 =	sand.u32 $0x1000, s15;
	v53 =	vsub.f32 v54, v4;
	v54 =	vmul.f32 v56, v40;
	v49 =	vld.idx.msk [tilespmem:v7+s4+$0x9450 ss:$0x1], $0xffff;
	[tilespmem:v7+s16+$0x9470 ss:$0x1] =	vst.idx.msk $0xffff, v45  }
0x3af: {  	_ =	sdelay $0x2  }
0x3b0: {  	s14 =	sor.u32 s18, s17  }
0x3b1: {  	s6 =	sshra.s32 s15, $0x2;
	v55 =	vld.idx.msk [tilespmem:v7+s14+$0x9800 ss:$0x1], $0xffff  }
0x3b2: {  	v46 =	vld [tilespmem:s6+$0x4400];
	_ =	sdelay $0x1  }
0x3b3: {  	v45 =	vld [tilespmem:s6+$0x4C00];
	_ =	sdelay $0x2  }
0x3b4: {  	v55 =	vsub.f32 v55, v46;
	_ =	sdelay $0x1  }
0x3b5: {  	v55 =	vmul.f32 v55, v45;
	_ =	sdelay $0x1  }
0x3b6: {  	v43 =	vmul.f32 v55, v43;
	_ =	sdelay $0x1  }
0x3b7: {  	v1 =	vadd.f32 v43, v1  }
0x3b8: {  	v62 =	vld.idx.msk [tilespmem:v7+s14+$0x9400 ss:$0x1], $0xffff  }
0x3b9: {  	[tilespmem:v7+s14+$0x9800 ss:$0x1] =	vst.idx.msk $0xffff, v1  }
0x3ba: {  	v1 =	vld.idx.msk [tilespmem:v7+s14+$0x9810 ss:$0x1], $0xffff;
	_ =	sdelay $0x2  }
0x3bb: {  	v43 =	vsub.f32 v62, v46;
	_ =	sdelay $0x1  }
0x3bc: {  	v43 =	vmul.f32 v43, v45;
	v1 =	vsub.f32 v1, v46;
	_ =	sdelay $0x1  }
0x3bd: {  	v39 =	vmul.f32 v43, v39;
	v1 =	vmul.f32 v1, v45  }
0x3be: {  	v63 =	vadd.f32 v54, v2  }
0x3bf: {  	v39 =	vadd.f32 v39, v42;
	v1 =	vmul.f32 v1, v40  }
0x3c0: {  	[tilespmem:v7+s13+$0x9810 ss:$0x1] =	vst.idx.msk $0xffff, v63  }
0x3c1: {  	v54 =	vld.idx.msk [tilespmem:v7+s13+$0x9820 ss:$0x1], $0xffff;
	[tilespmem:v7+s14+$0x9400 ss:$0x1] =	vst.idx.msk $0xffff, v39;
	v1 =	vadd.f32 v1, v2  }
0x3c2: {  	v2 =	vld.idx.msk [tilespmem:v7+s14+$0x9410 ss:$0x1], $0xffff  }
0x3c3: {  	[tilespmem:v7+s14+$0x9810 ss:$0x1] =	vst.idx.msk $0xffff, v1  }
0x3c4: {  	v1 =	vld.idx.msk [tilespmem:v7+s14+$0x9820 ss:$0x1], $0xffff;
	_ =	sdelay $0x1  }
0x3c5: {  	v55 =	vmul.f32 v53, v3;
	v40 =	vsub.f32 v54, v4  }
0x3c6: {  	v2 =	vsub.f32 v2, v46  }
0x3c7: {  	v39 =	vmul.f32 v55, v36;
	v40 =	vmul.f32 v40, v3  }
0x3c8: {  	v2 =	vmul.f32 v2, v45;
	v1 =	vsub.f32 v1, v46  }
0x3c9: {  	v39 =	vadd.f32 v39, v38;
	v40 =	vmul.f32 v40, v37  }
0x3ca: {  	v2 =	vmul.f32 v2, v36;
	v1 =	vmul.f32 v1, v45  }
0x3cb: {  	[tilespmem:v7+s13+$0x9410 ss:$0x1] =	vst.idx.msk $0xffff, v39;
	v56 =	vadd.f32 v40, v41  }
0x3cc: {  	v39 =	vld.idx.msk [tilespmem:v7+s13+$0x9420 ss:$0x1], $0xffff;
	v2 =	vadd.f32 v2, v38;
	v1 =	vmul.f32 v1, v37  }
0x3cd: {  	[tilespmem:v7+s13+$0x9820 ss:$0x1] =	vst.idx.msk $0xffff, v56  }
0x3ce: {  	v36 =	vld.idx.msk [tilespmem:v7+s13+$0x9830 ss:$0x1], $0xffff;
	[tilespmem:v7+s14+$0x9410 ss:$0x1] =	vst.idx.msk $0xffff, v2;
	v1 =	vadd.f32 v1, v41  }
0x3cf: {  	v2 =	vld.idx.msk [tilespmem:v7+s14+$0x9420 ss:$0x1], $0xffff  }
0x3d0: {  	[tilespmem:v7+s14+$0x9820 ss:$0x1] =	vst.idx.msk $0xffff, v1  }
0x3d1: {  	v1 =	vsub.f32 v39, v4;
	v57 =	vld.idx.msk [tilespmem:v7+s14+$0x9830 ss:$0x1], $0xffff;
	_ =	sdelay $0x1  }
0x3d2: {  	v36 =	vsub.f32 v36, v4;
	v1 =	vmul.f32 v1, v3  }
0x3d3: {  	v58 =	vmul.f32 v52, v0;
	v2 =	vsub.f32 v2, v46  }
0x3d4: {  	v36 =	vmul.f32 v36, v3;
	v1 =	vmul.f32 v1, v32  }
0x3d5: {  	v38 =	vmul.f32 v58, v33;
	v2 =	vmul.f32 v2, v45;
	v37 =	vsub.f32 v57, v46  }
0x3d6: {  	v36 =	vmul.f32 v36, v33;
	v1 =	vadd.f32 v1, v34  }
0x3d7: {  	v38 =	vadd.f32 v38, v35;
	v2 =	vmul.f32 v2, v32;
	v59 =	vmul.f32 v37, v45  }
0x3d8: {  	[tilespmem:v7+s13+$0x9420 ss:$0x1] =	vst.idx.msk $0xffff, v1;
	v1 =	vadd.f32 v36, v35  }
0x3d9: {  	[tilespmem:v7+s12+$0x9830 ss:$0x1] =	vst.idx.msk $0xffff, v38;
	v60 =	vld.idx.msk [tilespmem:v7+s13+$0x9430 ss:$0x1], $0xffff;
	v2 =	vadd.f32 v2, v34;
	v32 =	vmul.f32 v59, v33  }
0x3da: {  	v61 =	vsub.f32 v51, v31;
	v62 =	vld.idx.msk [tilespmem:v7+s12+$0x9840 ss:$0x1], $0xffff;
	[tilespmem:v7+s13+$0x9830 ss:$0x1] =	vst.idx.msk $0xffff, v1  }
0x3db: {  	v1 =	vsub.f32 v50, v44;
	v63 =	vld.idx.msk [tilespmem:v7+s13+$0x9840 ss:$0x1], $0xffff;
	[tilespmem:v7+s14+$0x9420 ss:$0x1] =	vst.idx.msk $0xffff, v2;
	v2 =	vadd.f32 v32, v35  }
0x3dc: {  	v40 =	vmul.f32 v61, v30;
	v41 =	vld.idx.msk [tilespmem:v7+s14+$0x9430 ss:$0x1], $0xffff  }
0x3dd: {  	v1 =	vmul.f32 v1, v0;
	[tilespmem:v7+s14+$0x9830 ss:$0x1] =	vst.idx.msk $0xffff, v2  }
0x3de: {  	v2 =	vmul.f32 v40, v23;
	v42 =	vsub.f32 v60, v4;
	v43 =	vld.idx.msk [tilespmem:v7+s14+$0x9840 ss:$0x1], $0xffff  }
0x3df: {  	v34 =	vsub.f32 v62, v44;
	v1 =	vmul.f32 v1, v26  }
0x3e0: {  	v2 =	vadd.f32 v2, v25;
	v32 =	vmul.f32 v42, v3;
	v50 =	vsub.f32 v63, v4  }
0x3e1: {  	v34 =	vmul.f32 v34, v0;
	v1 =	vadd.f32 v1, v28;
	v33 =	vsub.f32 v41, v46  }
0x3e2: {  	[tilespmem:v7+s4+$0x9850 ss:$0x1] =	vst.idx.msk $0xffff, v2;
	v2 =	vmul.f32 v32, v26;
	v51 =	vmul.f32 v50, v3  }
0x3e3: {  	v34 =	vmul.f32 v34, v27;
	v33 =	vmul.f32 v33, v45;
	v35 =	vsub.f32 v43, v46  }
0x3e4: {  	[tilespmem:v7+s12+$0x9430 ss:$0x1] =	vst.idx.msk $0xffff, v1;
	v1 =	vadd.f32 v2, v28;
	v2 =	vmul.f32 v51, v27  }
0x3e5: {  	v34 =	vadd.f32 v34, v29;
	v52 =	vld.idx.msk [tilespmem:v7+s12+$0x9440 ss:$0x1], $0xffff;
	v26 =	vmul.f32 v33, v26;
	v53 =	vmul.f32 v35, v45  }
0x3e6: {  	v54 =	vld.idx.msk [tilespmem:v7+s4+$0x9860 ss:$0x1], $0xffff;
	[tilespmem:v7+s13+$0x9430 ss:$0x1] =	vst.idx.msk $0xffff, v1;
	v1 =	vadd.f32 v2, v29  }
0x3e7: {  	[tilespmem:v7+s12+$0x9840 ss:$0x1] =	vst.idx.msk $0xffff, v34;
	v2 =	vld.idx.msk [tilespmem:v7+s13+$0x9440 ss:$0x1], $0xffff;
	v26 =	vadd.f32 v26, v28;
	v27 =	vmul.f32 v53, v27  }
0x3e8: {  	v28 =	vld.idx.msk [tilespmem:v7+s12+$0x9850 ss:$0x1], $0xffff;
	[tilespmem:v7+s13+$0x9840 ss:$0x1] =	vst.idx.msk $0xffff, v1  }
0x3e9: {  	v55 =	vld.idx.msk [tilespmem:v7+s13+$0x9850 ss:$0x1], $0xffff;
	[tilespmem:v7+s14+$0x9430 ss:$0x1] =	vst.idx.msk $0xffff, v26;
	v26 =	vadd.f32 v27, v29  }
0x3ea: {  	v27 =	vsub.f32 v52, v44;
	v29 =	vld.idx.msk [tilespmem:v7+s14+$0x9440 ss:$0x1], $0xffff  }
0x3eb: {  	v1 =	vsub.f32 v49, v31;
	[tilespmem:v7+s14+$0x9840 ss:$0x1] =	vst.idx.msk $0xffff, v26  }
0x3ec: {  	v26 =	vmul.f32 v27, v0;
	v2 =	vsub.f32 v2, v4;
	v27 =	vld.idx.msk [tilespmem:v7+s14+$0x9850 ss:$0x1], $0xffff  }
0x3ed: {  	v57 =	vsub.f32 v54, v31;
	v1 =	vmul.f32 v1, v30;
	v28 =	vsub.f32 v28, v44  }
0x3ee: {  	v26 =	vmul.f32 v26, v22;
	v2 =	vmul.f32 v2, v3;
	v56 =	vsub.f32 v55, v4  }
0x3ef: {  	v1 =	vmul.f32 v1, v14;
	v28 =	vmul.f32 v28, v0;
	v29 =	vsub.f32 v29, v46  }
0x3f0: {  	v26 =	vadd.f32 v26, v24;
	v2 =	vmul.f32 v2, v22;
	v32 =	vmul.f32 v56, v3  }
0x3f1: {  	v28 =	vmul.f32 v28, v23;
	v29 =	vmul.f32 v29, v45;
	v27 =	vsub.f32 v27, v46  }
0x3f2: {  	[tilespmem:v7+s12+$0x9440 ss:$0x1] =	vst.idx.msk $0xffff, v26;
	v2 =	vadd.f32 v2, v24;
	v26 =	vmul.f32 v32, v23  }
0x3f3: {  	v28 =	vadd.f32 v28, v25;
	v58 =	vld.idx.msk [tilespmem:v7+s12+$0x9450 ss:$0x1], $0xffff;
	v22 =	vmul.f32 v29, v22;
	v27 =	vmul.f32 v27, v45  }
0x3f4: {  	v29 =	vmul.f32 v57, v30;
	[tilespmem:v7+s13+$0x9440 ss:$0x1] =	vst.idx.msk $0xffff, v2;
	v2 =	vadd.f32 v26, v25  }
0x3f5: {  	[tilespmem:v7+s12+$0x9850 ss:$0x1] =	vst.idx.msk $0xffff, v28;
	v26 =	vld.idx.msk [tilespmem:v7+s13+$0x9450 ss:$0x1], $0xffff;
	v22 =	vadd.f32 v22, v24;
	v23 =	vmul.f32 v27, v23  }
0x3f6: {  	v1 =	vadd.f32 v1, v17;
	v24 =	vld.idx.msk [tilespmem:v7+s12+$0x9860 ss:$0x1], $0xffff;
	[tilespmem:v7+s13+$0x9850 ss:$0x1] =	vst.idx.msk $0xffff, v2  }
0x3f7: {  	v2 =	vmul.f32 v29, v15;
	v27 =	vld.idx.msk [tilespmem:v7+s13+$0x9860 ss:$0x1], $0xffff;
	[tilespmem:v7+s14+$0x9440 ss:$0x1] =	vst.idx.msk $0xffff, v22;
	v22 =	vadd.f32 v23, v25  }
0x3f8: {  	[tilespmem:v7+s4+$0x9450 ss:$0x1] =	vst.idx.msk $0xffff, v1;
	v23 =	vsub.f32 v48, v20;
	v1 =	vsub.f32 v58, v44;
	v25 =	vld.idx.msk [tilespmem:v7+s14+$0x9450 ss:$0x1], $0xffff  }
0x3f9: {  	v2 =	vadd.f32 v2, v18;
	[tilespmem:v7+s14+$0x9850 ss:$0x1] =	vst.idx.msk $0xffff, v22  }
0x3fa: {  	v22 =	vmul.f32 v23, v21;
	v1 =	vmul.f32 v1, v0;
	v23 =	vsub.f32 v26, v4;
	v26 =	vld.idx.msk [tilespmem:v7+s14+$0x9860 ss:$0x1], $0xffff  }
0x3fb: {  	v28 =	vld.idx.msk [tilespmem:v7+s4+$0x9460 ss:$0x1], $0xffff;
	v29 =	vsub.f32 v47, v20;
	[tilespmem:v7+s4+$0x9860 ss:$0x1] =	vst.idx.msk $0xffff, v2;
	v2 =	vsub.f32 v24, v44  }
0x3fc: {  	v1 =	vmul.f32 v1, v14;
	v23 =	vmul.f32 v23, v3;
	v24 =	vsub.f32 v27, v4  }
0x3fd: {  	v27 =	vmul.f32 v29, v21;
	v29 =	vld.idx.msk [tilespmem:v7+s4+$0x9870 ss:$0x1], $0xffff;
	v2 =	vmul.f32 v2, v0;
	v25 =	vsub.f32 v25, v46  }
0x3fe: {  	v1 =	vadd.f32 v1, v17;
	v23 =	vmul.f32 v23, v14;
	v24 =	vmul.f32 v24, v3  }
0x3ff: {  	v2 =	vmul.f32 v2, v15;
	v25 =	vmul.f32 v25, v45;
	v26 =	vsub.f32 v26, v46  }
0x400: {  	[tilespmem:v7+s12+$0x9450 ss:$0x1] =	vst.idx.msk $0xffff, v1;
	v1 =	vadd.f32 v23, v17;
	v23 =	vmul.f32 v24, v15  }
0x401: {  	v2 =	vadd.f32 v2, v18;
	v14 =	vmul.f32 v25, v14;
	v24 =	vmul.f32 v26, v45  }
0x402: {  	v25 =	vsub.f32 v29, v31;
	v26 =	vld.idx.msk [tilespmem:v7+s12+$0x9460 ss:$0x1], $0xffff;
	[tilespmem:v7+s13+$0x9450 ss:$0x1] =	vst.idx.msk $0xffff, v1;
	v1 =	vadd.f32 v23, v18  }
0x403: {  	[tilespmem:v7+s12+$0x9860 ss:$0x1] =	vst.idx.msk $0xffff, v2;
	v2 =	vld.idx.msk [tilespmem:v7+s13+$0x9460 ss:$0x1], $0xffff;
	v14 =	vadd.f32 v14, v17;
	v15 =	vmul.f32 v24, v15  }
0x404: {  	v23 =	vsub.f32 v28, v31;
	v17 =	vmul.f32 v27, v11;
	v24 =	vld.idx.msk [tilespmem:v7+s12+$0x9870 ss:$0x1], $0xffff;
	[tilespmem:v7+s13+$0x9860 ss:$0x1] =	vst.idx.msk $0xffff, v1  }
0x405: {  	v1 =	vmul.f32 v25, v30;
	[tilespmem:v7+s14+$0x9450 ss:$0x1] =	vst.idx.msk $0xffff, v14;
	v14 =	vadd.f32 v15, v18  }
0x406: {  	v25 =	vld.idx.msk [tilespmem:v7+s13+$0x9870 ss:$0x1], $0xffff;
	v15 =	vmul.f32 v22, v10;
	v18 =	vmul.f32 v23, v30  }
0x407: {  	v17 =	vadd.f32 v17, v13;
	v22 =	vld.idx.msk [tilespmem:v7+s14+$0x9460 ss:$0x1], $0xffff;
	v1 =	vmul.f32 v1, v11;
	[tilespmem:v7+s14+$0x9860 ss:$0x1] =	vst.idx.msk $0xffff, v14  }
0x408: {  	v14 =	vadd.f32 v15, v12;
	v15 =	vmul.f32 v18, v10;
	v18 =	vld.idx.msk [tilespmem:v7+s14+$0x9870 ss:$0x1], $0xffff  }
0x409: {  	[tilespmem:v7+s3+$0x9870 ss:$0x1] =	vst.idx.msk $0xffff, v17;
	v1 =	vadd.f32 v1, v13;
	v17 =	vsub.f32 v24, v44  }
0x40a: {  	[tilespmem:v7+s3+$0x9460 ss:$0x1] =	vst.idx.msk $0xffff, v14;
	v14 =	vadd.f32 v15, v12;
	v15 =	vsub.f32 v26, v44  }
0x40b: {  	[tilespmem:v7+s4+$0x9870 ss:$0x1] =	vst.idx.msk $0xffff, v1;
	v1 =	vmul.f32 v17, v0;
	v17 =	vsub.f32 v25, v4  }
0x40c: {  	v2 =	vsub.f32 v2, v4;
	[tilespmem:v7+s4+$0x9460 ss:$0x1] =	vst.idx.msk $0xffff, v14;
	v14 =	vmul.f32 v15, v0  }
0x40d: {  	v1 =	vmul.f32 v1, v11;
	v15 =	vmul.f32 v17, v3;
	v17 =	vsub.f32 v18, v46  }
0x40e: {  	v2 =	vmul.f32 v2, v3;
	v14 =	vmul.f32 v14, v10;
	v18 =	vsub.f32 v22, v46  }
0x40f: {  	v1 =	vadd.f32 v1, v13;
	v15 =	vmul.f32 v15, v11;
	v17 =	vmul.f32 v17, v45  }
0x410: {  	v2 =	vmul.f32 v2, v10;
	v14 =	vadd.f32 v14, v12;
	v18 =	vmul.f32 v18, v45  }
0x411: {  	[tilespmem:v7+s12+$0x9870 ss:$0x1] =	vst.idx.msk $0xffff, v1;
	v1 =	vadd.f32 v15, v13;
	v11 =	vmul.f32 v17, v11  }
0x412: {  	v2 =	vadd.f32 v2, v12;
	[tilespmem:v7+s12+$0x9460 ss:$0x1] =	vst.idx.msk $0xffff, v14;
	v10 =	vmul.f32 v18, v10  }
0x413: {  	v14 =	vld.idx.msk [tilespmem:v7+s3+$0x9470 ss:$0x1], $0xffff;
	[tilespmem:v7+s13+$0x9870 ss:$0x1] =	vst.idx.msk $0xffff, v1;
	v1 =	vadd.f32 v11, v13  }
0x414: {  	v11 =	vld.idx.msk [tilespmem:v7+s4+$0x9470 ss:$0x1], $0xffff;
	[tilespmem:v7+s13+$0x9460 ss:$0x1] =	vst.idx.msk $0xffff, v2;
	v2 =	vadd.f32 v10, v12  }
0x415: {  	v10 =	vld.idx.msk [tilespmem:v7+s12+$0x9470 ss:$0x1], $0xffff;
	[tilespmem:v7+s14+$0x9870 ss:$0x1] =	vst.idx.msk $0xffff, v1  }
0x416: {  	v1 =	vsub.f32 v5, v16;
	v5 =	vld.idx.msk [tilespmem:v7+s13+$0x9470 ss:$0x1], $0xffff;
	[tilespmem:v7+s14+$0x9460 ss:$0x1] =	vst.idx.msk $0xffff, v2  }
0x417: {  	v2 =	vld.idx.msk [tilespmem:v7+s14+$0x9470 ss:$0x1], $0xffff  }
0x418: {  	v6 =	vadd.f32 v6, v9;
	v12 =	vsub.f32 v14, v20  }
0x419: {  	v1 =	vmul.f32 v1, v19;
	v11 =	vsub.f32 v11, v31  }
0x41a: {  	[tilespmem:v7+s1+$0x9470 ss:$0x1] =	vst.idx.msk $0xffff, v6;
	v12 =	vmul.f32 v12, v21;
	v10 =	vsub.f32 v10, v44  }
0x41b: {  	v1 =	vmul.f32 v1, v8;
	v6 =	vmul.f32 v11, v30;
	v4 =	vsub.f32 v5, v4  }
0x41c: {  	v5 =	vmul.f32 v12, v8;
	v0 =	vmul.f32 v10, v0;
	v2 =	vsub.f32 v2, v46  }
0x41d: {  	v1 =	vadd.f32 v1, v9;
	v6 =	vmul.f32 v6, v8;
	v3 =	vmul.f32 v4, v3  }
0x41e: {  	v4 =	vadd.f32 v5, v9;
	v0 =	vmul.f32 v0, v8;
	v2 =	vmul.f32 v2, v45  }
0x41f: {  	[tilespmem:v7+s2+$0x9470 ss:$0x1] =	vst.idx.msk $0xffff, v1;
	v1 =	vadd.f32 v6, v9;
	v3 =	vmul.f32 v3, v8  }
0x420: {  	[tilespmem:v7+s3+$0x9470 ss:$0x1] =	vst.idx.msk $0xffff, v4;
	v0 =	vadd.f32 v0, v9;
	v2 =	vmul.f32 v2, v8  }
0x421: {  	[tilespmem:v7+s4+$0x9470 ss:$0x1] =	vst.idx.msk $0xffff, v1;
	v1 =	vadd.f32 v3, v9  }
0x422: {  	[tilespmem:v7+s12+$0x9470 ss:$0x1] =	vst.idx.msk $0xffff, v0;
	v0 =	vadd.f32 v2, v9  }
0x423: {  	[tilespmem:v7+s13+$0x9470 ss:$0x1] =	vst.idx.msk $0xffff, v1  }
0x424: {  	[tilespmem:v7+s14+$0x9470 ss:$0x1] =	vst.idx.msk $0xffff, v0  }
0x425: {  	v39 =	vld [tilespmem:$0x4100]  }
0x426: {  	v36 =	vld [tilespmem:$0x4110]  }
0x427: {  	v32 =	vld [tilespmem:$0x4120]  }
0x428: {  	v26 =	vld [tilespmem:$0x4130]  }
0x429: {  	v22 =	vld [tilespmem:$0x4140]  }
0x42a: {  	v14 =	vld [tilespmem:$0x4150]  }
0x42b: {  	v10 =	vld [tilespmem:$0x4160]  }
0x42c: {  	v8 =	vld [tilespmem:$0x4170]  }
0x42d: {  	v43 =	vld [tilespmem:$0x4180]  }
0x42e: {  	v40 =	vld [tilespmem:$0x4190]  }
0x42f: {  	v37 =	vld [tilespmem:$0x41A0]  }
0x430: {  	v33 =	vld [tilespmem:$0x41B0]  }
0x431: {  	v27 =	vld [tilespmem:$0x41C0]  }
0x432: {  	v23 =	vld [tilespmem:$0x41D0]  }
0x433: {  	v15 =	vld [tilespmem:$0x41E0]  }
0x434: {  	v11 =	vld [tilespmem:$0x41F0]  }
0x435: {  	v42 =	vld [tilespmem:$0x4300]  }
0x436: {  	v38 =	vld [tilespmem:$0x4310]  }
0x437: {  	s2 =	simm.s32 $0x0;
	v34 =	vld [tilespmem:$0x4320]  }
0x438: {  	s3 =	sand.u32 $0x1000, s2;
	s1 =	sand.u32 $0x380, s2;
	v28 =	vld [tilespmem:$0x4330]  }
0x439: {  	s1 =	sor.u32 s1, s3;
	v24 =	vld [tilespmem:$0x4340]  }
0x43a: {  	s4 =	simm.s32 $0x0;
	v0 =	vld.idx.msk [tilespmem:v7+s1+$0xA000 ss:$0x1], $0xffff  }
0x43b: {  	v44 =	vld [tilespmem:s4+$0x4400]  }
0x43c: {  	v17 =	vld [tilespmem:$0x4350]  }
0x43d: {  	v6 =	vld [tilespmem:s4+$0x4C00]  }
0x43e: {  	v12 =	vld [tilespmem:$0x4360]  }
0x43f: {  	v9 =	vld [tilespmem:$0x4370]  }
0x440: {  	v1 =	vld.idx.msk [tilespmem:v7+s1+$0x9C00 ss:$0x1], $0xffff;
	v0 =	vsub.f32 v0, v44  }
0x441: {  	v3 =	vld [tilespmem:$0x4380]  }
0x442: {  	v2 =	vld [tilespmem:$0x4390];
	v0 =	vmul.f32 v0, v6  }
0x443: {  	v41 =	vld [tilespmem:$0x43A0]  }
0x444: {  	v35 =	vld [tilespmem:$0x43B0];
	v0 =	vmul.f32 v0, v43  }
0x445: {  	v29 =	vld [tilespmem:$0x43C0];
	v1 =	vsub.f32 v1, v44  }
0x446: {  	v25 =	vld [tilespmem:$0x43D0];
	v0 =	vadd.f32 v0, v3  }
0x447: {  	v18 =	vld [tilespmem:$0x43E0];
	v1 =	vmul.f32 v1, v6  }
0x448: {  	v13 =	vld [tilespmem:$0x43F0];
	[tilespmem:v7+s1+$0xA000 ss:$0x1] =	vst.idx.msk $0xffff, v0  }
0x449: {  	v0 =	vmul.f32 v1, v39;
	v1 =	vld.idx.msk [tilespmem:v7+s1+$0xA010 ss:$0x1], $0xffff;
	_ =	sdelay $0x1  }
0x44a: {  	v0 =	vadd.f32 v0, v42;
	_ =	sdelay $0x1  }
0x44b: {  	[tilespmem:v7+s1+$0x9C00 ss:$0x1] =	vst.idx.msk $0xffff, v0  }
0x44c: {  	v0 =	vld.idx.msk [tilespmem:v7+s1+$0x9C10 ss:$0x1], $0xffff;
	v1 =	vsub.f32 v1, v44;
	_ =	sdelay $0x1  }
0x44d: {  	s7 =	simm.s32 $0x200;
	s6 =	simm.s32 $0x80;
	v1 =	vmul.f32 v1, v6  }
0x44e: {  	s2 =	sand.u32 $0x380, s6;
	s3 =	sand.u32 $0x1000, s7  }
0x44f: {  	s2 =	sor.u32 s2, s3;
	v1 =	vmul.f32 v1, v40  }
0x450: {  	s12 =	simm.s32 $0x80;
	v4 =	vld.idx.msk [tilespmem:v7+s2+$0xA000 ss:$0x1], $0xffff;
	v0 =	vsub.f32 v0, v44  }
0x451: {  	v16 =	vld [tilespmem:s12+$0x4400];
	v1 =	vadd.f32 v1, v2  }
0x452: {  	v19 =	vld [tilespmem:s12+$0x4C00];
	v0 =	vmul.f32 v0, v6  }
0x453: {  	v5 =	vld.idx.msk [tilespmem:v7+s2+$0x9C00 ss:$0x1], $0xffff;
	[tilespmem:v7+s1+$0xA010 ss:$0x1] =	vst.idx.msk $0xffff, v1  }
0x454: {  	v0 =	vmul.f32 v0, v36;
	v1 =	vld.idx.msk [tilespmem:v7+s1+$0xA020 ss:$0x1], $0xffff;
	_ =	sdelay $0x1  }
0x455: {  	v4 =	vsub.f32 v4, v16;
	v0 =	vadd.f32 v0, v38;
	_ =	sdelay $0x1  }
0x456: {  	v5 =	vsub.f32 v5, v16;
	[tilespmem:v7+s1+$0x9C10 ss:$0x1] =	vst.idx.msk $0xffff, v0;
	v0 =	vmul.f32 v4, v19  }
0x457: {  	v4 =	vld.idx.msk [tilespmem:v7+s1+$0x9C20 ss:$0x1], $0xffff;
	v1 =	vsub.f32 v1, v44  }
0x458: {  	v5 =	vmul.f32 v5, v19;
	v0 =	vmul.f32 v0, v43  }
0x459: {  	v1 =	vmul.f32 v1, v6  }
0x45a: {  	v5 =	vmul.f32 v5, v39;
	v0 =	vadd.f32 v0, v3  }
0x45b: {  	v1 =	vmul.f32 v1, v37  }
0x45c: {  	v5 =	vadd.f32 v5, v42;
	v4 =	vsub.f32 v4, v44;
	[tilespmem:v7+s2+$0xA000 ss:$0x1] =	vst.idx.msk $0xffff, v0  }
0x45d: {  	v0 =	vld.idx.msk [tilespmem:v7+s2+$0xA010 ss:$0x1], $0xffff;
	v1 =	vadd.f32 v1, v41  }
0x45e: {  	[tilespmem:v7+s2+$0x9C00 ss:$0x1] =	vst.idx.msk $0xffff, v5;
	v4 =	vmul.f32 v4, v6  }
0x45f: {  	v5 =	vld.idx.msk [tilespmem:v7+s2+$0x9C10 ss:$0x1], $0xffff;
	[tilespmem:v7+s1+$0xA020 ss:$0x1] =	vst.idx.msk $0xffff, v1  }
0x460: {  	v1 =	vmul.f32 v4, v32;
	v4 =	vld.idx.msk [tilespmem:v7+s1+$0xA030 ss:$0x1], $0xffff;
	_ =	sdelay $0x1  }
0x461: {  	v1 =	vadd.f32 v1, v34;
	v0 =	vsub.f32 v0, v16;
	_ =	sdelay $0x1  }
0x462: {  	v5 =	vsub.f32 v5, v16;
	[tilespmem:v7+s1+$0x9C20 ss:$0x1] =	vst.idx.msk $0xffff, v1;
	v0 =	vmul.f32 v0, v19  }
0x463: {  	s13 =	simm.s32 $0x100;
	s14 =	simm.s32 $0x400;
	v1 =	vld.idx.msk [tilespmem:v7+s1+$0x9C30 ss:$0x1], $0xffff;
	v4 =	vsub.f32 v4, v44  }
0x464: {  	s15 =	simm.s32 $0x100;
	s3 =	sand.u32 $0x380, s13;
	s4 =	sand.u32 $0x1000, s14;
	v5 =	vmul.f32 v5, v19;
	v0 =	vmul.f32 v0, v40  }
0x465: {  	v20 =	vld [tilespmem:s15+$0x4400];
	s3 =	sor.u32 s3, s4;
	v4 =	vmul.f32 v4, v6  }
0x466: {  	v30 =	vld.idx.msk [tilespmem:v7+s3+$0xA000 ss:$0x1], $0xffff;
	v5 =	vmul.f32 v5, v36;
	v0 =	vadd.f32 v0, v2  }
0x467: {  	v21 =	vld [tilespmem:s15+$0x4C00];
	v4 =	vmul.f32 v4, v33  }
0x468: {  	v31 =	vld.idx.msk [tilespmem:v7+s3+$0x9C00 ss:$0x1], $0xffff;
	v5 =	vadd.f32 v5, v38;
	v1 =	vsub.f32 v1, v44;
	[tilespmem:v7+s2+$0xA010 ss:$0x1] =	vst.idx.msk $0xffff, v0  }
0x469: {  	v0 =	vld.idx.msk [tilespmem:v7+s2+$0xA020 ss:$0x1], $0xffff;
	v4 =	vadd.f32 v4, v35  }
0x46a: {  	[tilespmem:v7+s2+$0x9C10 ss:$0x1] =	vst.idx.msk $0xffff, v5;
	v1 =	vmul.f32 v1, v6  }
0x46b: {  	[tilespmem:v7+s1+$0xA030 ss:$0x1] =	vst.idx.msk $0xffff, v4;
	v4 =	vsub.f32 v30, v20;
	v30 =	vld.idx.msk [tilespmem:v7+s2+$0x9C20 ss:$0x1], $0xffff  }
0x46c: {  	v1 =	vmul.f32 v1, v26;
	v5 =	vld.idx.msk [tilespmem:v7+s1+$0xA040 ss:$0x1], $0xffff  }
0x46d: {  	v31 =	vsub.f32 v31, v20;
	v4 =	vmul.f32 v4, v21  }
0x46e: {  	v1 =	vadd.f32 v1, v28;
	v0 =	vsub.f32 v0, v16  }
0x46f: {  	v31 =	vmul.f32 v31, v21;
	v4 =	vmul.f32 v4, v43  }
0x470: {  	[tilespmem:v7+s1+$0x9C30 ss:$0x1] =	vst.idx.msk $0xffff, v1;
	v0 =	vmul.f32 v0, v19;
	v30 =	vsub.f32 v30, v16  }
0x471: {  	v31 =	vmul.f32 v31, v39;
	v1 =	vld.idx.msk [tilespmem:v7+s1+$0x9C40 ss:$0x1], $0xffff;
	v4 =	vadd.f32 v4, v3;
	v5 =	vsub.f32 v5, v44  }
0x472: {  	v0 =	vmul.f32 v0, v37;
	v30 =	vmul.f32 v30, v19  }
0x473: {  	v31 =	vadd.f32 v31, v42;
	[tilespmem:v7+s3+$0xA000 ss:$0x1] =	vst.idx.msk $0xffff, v4;
	v4 =	vmul.f32 v5, v6  }
0x474: {  	v0 =	vadd.f32 v0, v41;
	v5 =	vld.idx.msk [tilespmem:v7+s3+$0xA010 ss:$0x1], $0xffff;
	v30 =	vmul.f32 v30, v32  }
0x475: {  	[tilespmem:v7+s3+$0x9C00 ss:$0x1] =	vst.idx.msk $0xffff, v31;
	v4 =	vmul.f32 v4, v27  }
0x476: {  	v1 =	vsub.f32 v1, v44;
	[tilespmem:v7+s2+$0xA020 ss:$0x1] =	vst.idx.msk $0xffff, v0;
	v31 =	vld.idx.msk [tilespmem:v7+s3+$0x9C10 ss:$0x1], $0xffff;
	v30 =	vadd.f32 v30, v34  }
0x477: {  	v0 =	vld.idx.msk [tilespmem:v7+s2+$0xA030 ss:$0x1], $0xffff;
	v4 =	vadd.f32 v4, v29  }
0x478: {  	v1 =	vmul.f32 v1, v6;
	[tilespmem:v7+s2+$0x9C20 ss:$0x1] =	vst.idx.msk $0xffff, v30  }
0x479: {  	[tilespmem:v7+s1+$0xA040 ss:$0x1] =	vst.idx.msk $0xffff, v4;
	v4 =	vsub.f32 v5, v20;
	v30 =	vld.idx.msk [tilespmem:v7+s2+$0x9C30 ss:$0x1], $0xffff  }
0x47a: {  	s16 =	simm.s32 $0x180;
	s17 =	simm.s32 $0x600;
	v1 =	vmul.f32 v1, v22;
	v5 =	vld.idx.msk [tilespmem:v7+s1+$0xA050 ss:$0x1], $0xffff  }
0x47b: {  	s6 =	sand.u32 $0x1000, s17;
	s4 =	sand.u32 $0x380, s16;
	v31 =	vsub.f32 v31, v20;
	v4 =	vmul.f32 v4, v21  }
0x47c: {  	s4 =	sor.u32 s4, s6;
	v1 =	vadd.f32 v1, v24;
	v0 =	vsub.f32 v0, v16  }
0x47d: {  	s18 =	simm.s32 $0x180;
	v62 =	vld.idx.msk [tilespmem:v7+s4+$0x9C00 ss:$0x1], $0xffff;
	v59 =	vmul.f32 v31, v21;
	v4 =	vmul.f32 v4, v40  }
0x47e: {  	v31 =	vld [tilespmem:s18+$0x4400];
	[tilespmem:v7+s1+$0x9C40 ss:$0x1] =	vst.idx.msk $0xffff, v1;
	v0 =	vmul.f32 v0, v19;
	v61 =	vsub.f32 v30, v16  }
0x47f: {  	v1 =	vld.idx.msk [tilespmem:v7+s4+$0xA000 ss:$0x1], $0xffff;
	v45 =	vmul.f32 v59, v36;
	v4 =	vadd.f32 v4, v2;
	v5 =	vsub.f32 v5, v44  }
0x480: {  	v60 =	vld.idx.msk [tilespmem:v7+s1+$0x9C50 ss:$0x1], $0xffff;
	v0 =	vmul.f32 v0, v33;
	v47 =	vmul.f32 v61, v19  }
0x481: {  	v30 =	vld [tilespmem:s18+$0x4C00];
	v45 =	vadd.f32 v45, v38;
	[tilespmem:v7+s3+$0xA010 ss:$0x1] =	vst.idx.msk $0xffff, v4;
	v4 =	vmul.f32 v5, v6  }
0x482: {  	v0 =	vadd.f32 v0, v35;
	v47 =	vmul.f32 v47, v26  }
0x483: {  	v53 =	vsub.f32 v62, v31;
	v5 =	vld.idx.msk [tilespmem:v7+s3+$0xA020 ss:$0x1], $0xffff;
	[tilespmem:v7+s3+$0x9C10 ss:$0x1] =	vst.idx.msk $0xffff, v45;
	v4 =	vmul.f32 v4, v23  }
0x484: {  	[tilespmem:v7+s2+$0xA030 ss:$0x1] =	vst.idx.msk $0xffff, v0;
	v0 =	vsub.f32 v1, v31;
	v52 =	vld.idx.msk [tilespmem:v7+s3+$0x9C20 ss:$0x1], $0xffff;
	v47 =	vadd.f32 v47, v28  }
0x485: {  	v1 =	vsub.f32 v60, v44;
	v63 =	vld.idx.msk [tilespmem:v7+s2+$0xA040 ss:$0x1], $0xffff;
	v4 =	vadd.f32 v4, v25  }
0x486: {  	v0 =	vmul.f32 v0, v30;
	[tilespmem:v7+s2+$0x9C30 ss:$0x1] =	vst.idx.msk $0xffff, v47  }
0x487: {  	v1 =	vmul.f32 v1, v6;
	v47 =	vmul.f32 v53, v30;
	[tilespmem:v7+s1+$0xA050 ss:$0x1] =	vst.idx.msk $0xffff, v4  }
0x488: {  	v4 =	vsub.f32 v5, v20;
	v0 =	vmul.f32 v0, v43;
	v5 =	vld.idx.msk [tilespmem:v7+s1+$0xA060 ss:$0x1], $0xffff  }
0x489: {  	v54 =	vld.idx.msk [tilespmem:v7+s2+$0x9C40 ss:$0x1], $0xffff;
	v1 =	vmul.f32 v1, v14;
	v46 =	vsub.f32 v52, v20;
	v47 =	vmul.f32 v47, v39  }
0x48a: {  	v4 =	vmul.f32 v4, v21;
	v0 =	vadd.f32 v0, v3;
	v45 =	vsub.f32 v63, v16  }
0x48b: {  	v1 =	vadd.f32 v1, v17;
	v46 =	vmul.f32 v46, v21;
	v47 =	vadd.f32 v47, v42  }
0x48c: {  	v4 =	vmul.f32 v4, v37;
	[tilespmem:v7+s4+$0xA000 ss:$0x1] =	vst.idx.msk $0xffff, v0;
	v0 =	vmul.f32 v45, v19  }
0x48d: {  	[tilespmem:v7+s1+$0x9C50 ss:$0x1] =	vst.idx.msk $0xffff, v1;
	v46 =	vmul.f32 v46, v32;
	v5 =	vsub.f32 v5, v44  }
0x48e: {  	v55 =	vld.idx.msk [tilespmem:v7+s4+$0xA010 ss:$0x1], $0xffff;
	v48 =	vsub.f32 v54, v16;
	v4 =	vadd.f32 v4, v41;
	v0 =	vmul.f32 v0, v27  }
0x48f: {  	[tilespmem:v7+s4+$0x9C00 ss:$0x1] =	vst.idx.msk $0xffff, v47;
	v46 =	vadd.f32 v46, v34;
	v5 =	vmul.f32 v5, v6  }
0x490: {  	v57 =	vld.idx.msk [tilespmem:v7+s4+$0x9C10 ss:$0x1], $0xffff;
	[tilespmem:v7+s3+$0xA020 ss:$0x1] =	vst.idx.msk $0xffff, v4;
	v4 =	vmul.f32 v48, v19;
	v0 =	vadd.f32 v0, v29  }
0x491: {  	v56 =	vld.idx.msk [tilespmem:v7+s3+$0xA030 ss:$0x1], $0xffff;
	[tilespmem:v7+s3+$0x9C20 ss:$0x1] =	vst.idx.msk $0xffff, v46;
	v5 =	vmul.f32 v5, v15  }
0x492: {  	v1 =	vmul.f32 v4, v22;
	[tilespmem:v7+s2+$0xA040 ss:$0x1] =	vst.idx.msk $0xffff, v0;
	v0 =	vld.idx.msk [tilespmem:v7+s1+$0x9C60 ss:$0x1], $0xffff  }
0x493: {  	s19 =	simm.s32 $0x200;
	s7 =	simm.s32 $0x800;
	v4 =	vsub.f32 v55, v31;
	v46 =	vld.idx.msk [tilespmem:v7+s3+$0x9C30 ss:$0x1], $0xffff;
	v5 =	vadd.f32 v5, v18  }
0x494: {  	s7 =	sand.u32 $0x1000, s7;
	s6 =	sand.u32 $0x380, s19;
	v58 =	vld.idx.msk [tilespmem:v7+s2+$0xA050 ss:$0x1], $0xffff;
	v1 =	vadd.f32 v1, v24  }
0x495: {  	s12 =	sor.u32 s6, s7;
	v4 =	vmul.f32 v4, v30;
	[tilespmem:v7+s1+$0xA060 ss:$0x1] =	vst.idx.msk $0xffff, v5  }
0x496: {  	v61 =	vld.idx.msk [tilespmem:v7+s12+$0xA000 ss:$0x1], $0xffff;
	v5 =	vsub.f32 v56, v20;
	[tilespmem:v7+s2+$0x9C40 ss:$0x1] =	vst.idx.msk $0xffff, v1;
	v1 =	vsub.f32 v57, v31  }
0x497: {  	v4 =	vmul.f32 v4, v40;
	v59 =	vld.idx.msk [tilespmem:v7+s1+$0xA070 ss:$0x1], $0xffff;
	v0 =	vsub.f32 v0, v44  }
0x498: {  	s20 =	simm.s32 $0x200;
	v60 =	vld.idx.msk [tilespmem:v7+s2+$0x9C50 ss:$0x1], $0xffff;
	v46 =	vsub.f32 v46, v20;
	v5 =	vmul.f32 v5, v21;
	v62 =	vmul.f32 v1, v30  }
0x499: {  	v4 =	vadd.f32 v4, v2;
	v45 =	vsub.f32 v58, v16;
	v1 =	vld [tilespmem:s20+$0x4400];
	v51 =	vmul.f32 v0, v6  }
0x49a: {  	v56 =	vld.idx.msk [tilespmem:v7+s12+$0x9C00 ss:$0x1], $0xffff;
	v46 =	vmul.f32 v46, v21;
	v5 =	vmul.f32 v5, v33  }
0x49b: {  	v0 =	vld [tilespmem:s20+$0x4C00];
	v50 =	vmul.f32 v62, v36;
	[tilespmem:v7+s4+$0xA010 ss:$0x1] =	vst.idx.msk $0xffff, v4;
	v4 =	vmul.f32 v45, v19  }
0x49c: {  	v63 =	vld.idx.msk [tilespmem:v7+s4+$0xA020 ss:$0x1], $0xffff;
	v46 =	vmul.f32 v46, v26;
	v5 =	vadd.f32 v5, v35;
	v47 =	vsub.f32 v59, v44  }
0x49d: {  	v50 =	vadd.f32 v50, v38;
	v48 =	vsub.f32 v60, v16;
	v4 =	vmul.f32 v4, v23  }
0x49e: {  	v46 =	vadd.f32 v46, v28;
	[tilespmem:v7+s3+$0xA030 ss:$0x1] =	vst.idx.msk $0xffff, v5;
	v5 =	vsub.f32 v61, v1  }
0x49f: {  	v59 =	vsub.f32 v56, v1;
	[tilespmem:v7+s4+$0x9C10 ss:$0x1] =	vst.idx.msk $0xffff, v50;
	v4 =	vadd.f32 v4, v25;
	v57 =	vld.idx.msk [tilespmem:v7+s3+$0xA040 ss:$0x1], $0xffff  }
0x4a0: {  	v47 =	vmul.f32 v47, v6;
	v50 =	vld.idx.msk [tilespmem:v7+s4+$0x9C20 ss:$0x1], $0xffff;
	[tilespmem:v7+s3+$0x9C30 ss:$0x1] =	vst.idx.msk $0xffff, v46;
	v5 =	vmul.f32 v5, v0  }
0x4a1: {  	v48 =	vmul.f32 v48, v19;
	[tilespmem:v7+s2+$0xA050 ss:$0x1] =	vst.idx.msk $0xffff, v4;
	v4 =	vsub.f32 v63, v31;
	v60 =	vld.idx.msk [tilespmem:v7+s3+$0x9C40 ss:$0x1], $0xffff  }
0x4a2: {  	v46 =	vmul.f32 v59, v0;
	v58 =	vld.idx.msk [tilespmem:v7+s2+$0xA060 ss:$0x1], $0xffff;
	v5 =	vmul.f32 v5, v43  }
0x4a3: {  	v48 =	vmul.f32 v48, v14;
	v4 =	vmul.f32 v4, v30  }
0x4a4: {  	v46 =	vmul.f32 v46, v39;
	v5 =	vadd.f32 v5, v3;
	v49 =	vsub.f32 v57, v20  }
0x4a5: {  	v48 =	vadd.f32 v48, v17;
	v50 =	vsub.f32 v50, v31;
	v4 =	vmul.f32 v4, v37  }
0x4a6: {  	v52 =	vsub.f32 v60, v20;
	[tilespmem:v7+s12+$0xA000 ss:$0x1] =	vst.idx.msk $0xffff, v5;
	v5 =	vmul.f32 v49, v21  }
0x4a7: {  	v50 =	vmul.f32 v50, v30;
	v4 =	vadd.f32 v4, v41;
	v45 =	vsub.f32 v58, v16  }
0x4a8: {  	v46 =	vadd.f32 v46, v42;
	v61 =	vld.idx.msk [tilespmem:v7+s12+$0xA010 ss:$0x1], $0xffff;
	v63 =	vmul.f32 v52, v21;
	v5 =	vmul.f32 v5, v27  }
0x4a9: {  	v50 =	vmul.f32 v50, v32;
	[tilespmem:v7+s4+$0xA020 ss:$0x1] =	vst.idx.msk $0xffff, v4;
	v4 =	vmul.f32 v45, v19  }
0x4aa: {  	[tilespmem:v7+s12+$0x9C00 ss:$0x1] =	vst.idx.msk $0xffff, v46;
	v62 =	vld.idx.msk [tilespmem:v7+s4+$0xA030 ss:$0x1], $0xffff;
	v46 =	vmul.f32 v63, v22;
	v5 =	vadd.f32 v5, v29  }
0x4ab: {  	[tilespmem:v7+s2+$0x9C50 ss:$0x1] =	vst.idx.msk $0xffff, v48;
	v56 =	vld.idx.msk [tilespmem:v7+s12+$0x9C10 ss:$0x1], $0xffff;
	v50 =	vadd.f32 v50, v34;
	v4 =	vmul.f32 v4, v15  }
0x4ac: {  	v47 =	vmul.f32 v47, v11;
	v46 =	vadd.f32 v46, v24;
	[tilespmem:v7+s3+$0xA040 ss:$0x1] =	vst.idx.msk $0xffff, v5  }
0x4ad: {  	v5 =	vld.idx.msk [tilespmem:v7+s2+$0x9C60 ss:$0x1], $0xffff;
	v57 =	vsub.f32 v61, v1;
	[tilespmem:v7+s4+$0x9C20 ss:$0x1] =	vst.idx.msk $0xffff, v50;
	v4 =	vadd.f32 v4, v18  }
0x4ae: {  	v47 =	vadd.f32 v47, v13;
	v58 =	vmul.f32 v51, v10;
	v59 =	vld.idx.msk [tilespmem:v7+s3+$0xA050 ss:$0x1], $0xffff;
	[tilespmem:v7+s3+$0x9C40 ss:$0x1] =	vst.idx.msk $0xffff, v46  }
0x4af: {  	v60 =	vld.idx.msk [tilespmem:v7+s4+$0x9C30 ss:$0x1], $0xffff;
	v48 =	vmul.f32 v57, v0;
	[tilespmem:v7+s2+$0xA060 ss:$0x1] =	vst.idx.msk $0xffff, v4;
	v4 =	vsub.f32 v62, v31  }
0x4b0: {  	s21 =	simm.s32 $0x280;
	s22 =	simm.s32 $0xA00;
	v49 =	vadd.f32 v58, v12;
	v62 =	vsub.f32 v56, v1;
	v63 =	vld.idx.msk [tilespmem:v7+s3+$0x9C50 ss:$0x1], $0xffff  }
0x4b1: {  	s7 =	sand.u32 $0x1000, s22;
	s6 =	sand.u32 $0x380, s21;
	[tilespmem:v7+s1+$0xA070 ss:$0x1] =	vst.idx.msk $0xffff, v47;
	v61 =	vld.idx.msk [tilespmem:v7+s2+$0xA070 ss:$0x1], $0xffff;
	v48 =	vmul.f32 v48, v40;
	v4 =	vmul.f32 v4, v30  }
0x4b2: {  	s13 =	sor.u32 s6, s7;
	[tilespmem:v7+s1+$0x9C60 ss:$0x1] =	vst.idx.msk $0xffff, v49;
	v46 =	vmul.f32 v62, v0;
	v56 =	vsub.f32 v5, v16  }
0x4b3: {  	s30 =	simm.s32 $0x280;
	v57 =	vld.idx.msk [tilespmem:v7+s13+$0xA000 ss:$0x1], $0xffff;
	v48 =	vadd.f32 v48, v2;
	v50 =	vsub.f32 v59, v20;
	v58 =	vmul.f32 v4, v33  }
0x4b4: {  	v5 =	vld [tilespmem:s30+$0x4400];
	v47 =	vsub.f32 v60, v31;
	v46 =	vmul.f32 v46, v36;
	v51 =	vmul.f32 v56, v19  }
0x4b5: {  	v62 =	vld.idx.msk [tilespmem:v7+s13+$0x9C00 ss:$0x1], $0xffff;
	v49 =	vsub.f32 v63, v20;
	[tilespmem:v7+s12+$0xA010 ss:$0x1] =	vst.idx.msk $0xffff, v48;
	v59 =	vmul.f32 v50, v21  }
0x4b6: {  	v4 =	vld [tilespmem:s30+$0x4C00];
	v47 =	vmul.f32 v47, v30;
	v60 =	vadd.f32 v58, v35;
	v45 =	vsub.f32 v61, v16  }
0x4b7: {  	v46 =	vadd.f32 v46, v38;
	v49 =	vmul.f32 v49, v21;
	v48 =	vmul.f32 v59, v23  }
0x4b8: {  	v61 =	vld.idx.msk [tilespmem:v7+s12+$0xA020 ss:$0x1], $0xffff;
	v47 =	vmul.f32 v47, v26;
	[tilespmem:v7+s4+$0xA030 ss:$0x1] =	vst.idx.msk $0xffff, v60;
	v45 =	vmul.f32 v45, v19  }
0x4b9: {  	v63 =	vsub.f32 v57, v5;
	[tilespmem:v7+s12+$0x9C10 ss:$0x1] =	vst.idx.msk $0xffff, v46;
	v59 =	vmul.f32 v51, v10  }
0x4ba: {  	v62 =	vsub.f32 v62, v5;
	v57 =	vld.idx.msk [tilespmem:v7+s4+$0xA040 ss:$0x1], $0xffff;
	v49 =	vmul.f32 v49, v14;
	v56 =	vadd.f32 v48, v25  }
0x4bb: {  	v58 =	vld.idx.msk [tilespmem:v7+s12+$0x9C20 ss:$0x1], $0xffff;
	v47 =	vadd.f32 v47, v28;
	v45 =	vmul.f32 v45, v11;
	v50 =	vmul.f32 v63, v4  }
0x4bc: {  	v46 =	vadd.f32 v59, v12;
	v49 =	vadd.f32 v49, v17;
	[tilespmem:v7+s3+$0xA050 ss:$0x1] =	vst.idx.msk $0xffff, v56  }
0x4bd: {  	v60 =	vsub.f32 v61, v1;
	[tilespmem:v7+s4+$0x9C30 ss:$0x1] =	vst.idx.msk $0xffff, v47;
	v50 =	vmul.f32 v50, v43;
	v61 =	vld.idx.msk [tilespmem:v7+s3+$0xA060 ss:$0x1], $0xffff  }
0x4be: {  	v45 =	vadd.f32 v45, v13;
	v56 =	vmul.f32 v62, v4;
	v63 =	vld.idx.msk [tilespmem:v7+s4+$0x9C40 ss:$0x1], $0xffff;
	[tilespmem:v7+s3+$0x9C50 ss:$0x1] =	vst.idx.msk $0xffff, v49  }
0x4bf: {  	v51 =	vmul.f32 v60, v0;
	v50 =	vadd.f32 v50, v3;
	v48 =	vsub.f32 v57, v31  }
0x4c0: {  	[tilespmem:v7+s2+$0xA070 ss:$0x1] =	vst.idx.msk $0xffff, v45;
	v52 =	vsub.f32 v58, v1;
	v45 =	vmul.f32 v56, v39;
	v57 =	vld.idx.msk [tilespmem:v7+s1+$0x9C70 ss:$0x1], $0xffff  }
0x4c1: {  	v51 =	vmul.f32 v51, v37;
	[tilespmem:v7+s13+$0xA000 ss:$0x1] =	vst.idx.msk $0xffff, v50;
	v48 =	vmul.f32 v48, v30  }
0x4c2: {  	v52 =	vmul.f32 v52, v0;
	v45 =	vadd.f32 v45, v42;
	v47 =	vsub.f32 v61, v20  }
0x4c3: {  	v58 =	vld.idx.msk [tilespmem:v7+s13+$0xA010 ss:$0x1], $0xffff;
	v51 =	vadd.f32 v51, v41;
	v54 =	vsub.f32 v63, v31;
	v48 =	vmul.f32 v48, v27  }
0x4c4: {  	v52 =	vmul.f32 v52, v32;
	[tilespmem:v7+s13+$0x9C00 ss:$0x1] =	vst.idx.msk $0xffff, v45;
	v47 =	vmul.f32 v47, v21  }
0x4c5: {  	v61 =	vld.idx.msk [tilespmem:v7+s13+$0x9C10 ss:$0x1], $0xffff;
	v44 =	vsub.f32 v57, v44;
	[tilespmem:v7+s12+$0xA020 ss:$0x1] =	vst.idx.msk $0xffff, v51;
	v60 =	vmul.f32 v54, v30  }
0x4c6: {  	[tilespmem:v7+s2+$0x9C60 ss:$0x1] =	vst.idx.msk $0xffff, v46;
	v48 =	vadd.f32 v48, v29;
	v59 =	vld.idx.msk [tilespmem:v7+s12+$0xA030 ss:$0x1], $0xffff;
	v47 =	vmul.f32 v47, v15  }
0x4c7: {  	v52 =	vadd.f32 v52, v34;
	v44 =	vmul.f32 v44, v6;
	v6 =	vld.idx.msk [tilespmem:v7+s2+$0x9C70 ss:$0x1], $0xffff;
	v62 =	vmul.f32 v60, v22  }
0x4c8: {  	[tilespmem:v7+s4+$0xA040 ss:$0x1] =	vst.idx.msk $0xffff, v48;
	v48 =	vld.idx.msk [tilespmem:v7+s3+$0x9C60 ss:$0x1], $0xffff;
	v53 =	vsub.f32 v58, v5;
	v47 =	vadd.f32 v47, v18  }
0x4c9: {  	[tilespmem:v7+s12+$0x9C20 ss:$0x1] =	vst.idx.msk $0xffff, v52;
	v51 =	vld.idx.msk [tilespmem:v7+s4+$0xA050 ss:$0x1], $0xffff;
	v49 =	vadd.f32 v62, v24  }
0x4ca: {  	v50 =	vld.idx.msk [tilespmem:v7+s12+$0x9C30 ss:$0x1], $0xffff;
	v63 =	vmul.f32 v53, v4;
	[tilespmem:v7+s3+$0xA060 ss:$0x1] =	vst.idx.msk $0xffff, v47  }
0x4cb: {  	s31 =	simm.s32 $0x300;
	s15 =	simm.s32 $0xC00;
	v44 =	vmul.f32 v44, v8;
	v52 =	vsub.f32 v59, v1;
	[tilespmem:v7+s4+$0x9C40 ss:$0x1] =	vst.idx.msk $0xffff, v49;
	v47 =	vld.idx.msk [tilespmem:v7+s3+$0xA070 ss:$0x1], $0xffff  }
0x4cc: {  	s14 =	simm.s32 $0x380;
	s17 =	sand.u32 $0x1000, s15;
	s18 =	sand.u32 $0x380, s31;
	v53 =	vsub.f32 v61, v5;
	v54 =	vmul.f32 v63, v40;
	v49 =	vld.idx.msk [tilespmem:v7+s4+$0x9C50 ss:$0x1], $0xffff  }
.LBB2_7:
0x4cd: {  	p0 =	sne.s32 s14, $0x780;
	s6 =	sor.u32 s18, s17;
	v46 =	vmul.f32 v52, v0;
	v48 =	vsub.f32 v48, v20;
	v45 =	vadd.f32 v44, v9;
	v44 =	vmovc v31;
	s16 =	smov.u32 s1  }
0x4ce: {  	s7 =	sshra.s32 s15, $0x2;
	s1 =	smov.u32 s2;
	s2 =	smov.u32 s3;
	v52 =	vld.idx.msk [tilespmem:v7+s6+$0xA000 ss:$0x1], $0xffff;
	v53 =	vmul.f32 v53, v4;
	v54 =	vadd.f32 v54, v2;
	v51 =	vsub.f32 v51, v44  }
0x4cf: {  	v31 =	vmovc v1;
	s3 =	smov.u32 s4;
	s4 =	smov.u32 s12;
	s12 =	smov.u32 s13;
	v50 =	vsub.f32 v50, v1;
	v55 =	vld [tilespmem:s7+$0x4400];
	v46 =	vmul.f32 v46, v33;
	v48 =	vmul.f32 v48, v21  }
0x4d0: {  	v1 =	vmov v5;
	s13 =	smov.u32 s6;
	v56 =	vld [tilespmem:s7+$0x4C00];
	v53 =	vmul.f32 v53, v36;
	[tilespmem:v7+s12+$0xA010 ss:$0x1] =	vst.idx.msk $0xffff, v54;
	v51 =	vmul.f32 v51, v30  }
0x4d1: {  	v5 =	vmul.f32 v50, v0;
	v57 =	vsub.f32 v47, v20;
	v54 =	vld.idx.msk [tilespmem:v7+s12+$0xA020 ss:$0x1], $0xffff;
	v46 =	vadd.f32 v46, v35  }
0x4d2: {  	v49 =	vsub.f32 v49, v44;
	v50 =	vld.idx.msk [tilespmem:v7+s13+$0x9C00 ss:$0x1], $0xffff;
	v53 =	vadd.f32 v53, v38;
	v51 =	vmul.f32 v51, v23  }
0x4d3: {  	v47 =	vmov v19;
	v58 =	vmul.f32 v5, v26;
	[tilespmem:v7+s4+$0xA030 ss:$0x1] =	vst.idx.msk $0xffff, v46;
	v46 =	vmul.f32 v57, v21  }
0x4d4: {  	v19 =	vsub.f32 v52, v55;
	[tilespmem:v7+s12+$0x9C10 ss:$0x1] =	vst.idx.msk $0xffff, v53;
	v52 =	vld.idx.msk [tilespmem:v7+s4+$0xA040 ss:$0x1], $0xffff;
	v51 =	vadd.f32 v51, v25  }
0x4d5: {  	v49 =	vmul.f32 v49, v30;
	v57 =	vadd.f32 v58, v28;
	v53 =	vld.idx.msk [tilespmem:v7+s12+$0x9C20 ss:$0x1], $0xffff;
	v46 =	vmul.f32 v46, v11  }
0x4d6: {  	v48 =	vmul.f32 v48, v10;
	v5 =	vmov v55;
	v59 =	vmul.f32 v19, v56;
	[tilespmem:v7+s3+$0xA050 ss:$0x1] =	vst.idx.msk $0xffff, v51  }
0x4d7: {  	v51 =	vsub.f32 v54, v1;
	[tilespmem:v7+s4+$0x9C30 ss:$0x1] =	vst.idx.msk $0xffff, v57;
	v54 =	vld.idx.msk [tilespmem:v7+s3+$0xA060 ss:$0x1], $0xffff;
	v46 =	vadd.f32 v46, v13  }
0x4d8: {  	v49 =	vmul.f32 v49, v14;
	v50 =	vsub.f32 v50, v5;
	v55 =	vmul.f32 v59, v43;
	v57 =	vld.idx.msk [tilespmem:v7+s4+$0x9C40 ss:$0x1], $0xffff  }
0x4d9: {  	v58 =	vadd.f32 v48, v12;
	v51 =	vmul.f32 v51, v4;
	v19 =	vmov v21;
	[tilespmem:v7+s2+$0xA070 ss:$0x1] =	vst.idx.msk $0xffff, v46  }
0x4da: {  	v21 =	vmovc v30;
	v46 =	vmul.f32 v50, v56;
	v50 =	vsub.f32 v52, v31;
	v48 =	vadd.f32 v55, v3  }
0x4db: {  	v49 =	vadd.f32 v49, v17;
	v30 =	vmovc v0;
	v52 =	vsub.f32 v53, v1;
	v51 =	vmul.f32 v51, v37  }
0x4dc: {  	v0 =	vmov v4;
	v46 =	vmul.f32 v46, v39;
	[tilespmem:v7+s13+$0xA000 ss:$0x1] =	vst.idx.msk $0xffff, v48;
	v48 =	vmul.f32 v50, v30  }
0x4dd: {  	v52 =	vmul.f32 v52, v0;
	v51 =	vadd.f32 v51, v41;
	v53 =	vsub.f32 v54, v44;
	v50 =	vld.idx.msk [tilespmem:v7+s13+$0xA010 ss:$0x1], $0xffff  }
0x4de: {  	v4 =	vmovc v56;
	v46 =	vadd.f32 v46, v42;
	v54 =	vsub.f32 v57, v31;
	v48 =	vmul.f32 v48, v27  }
0x4df: {  	v52 =	vmul.f32 v52, v32;
	[tilespmem:v7+s12+$0xA020 ss:$0x1] =	vst.idx.msk $0xffff, v51;
	v51 =	vmul.f32 v53, v21  }
0x4e0: {  	v53 =	vmul.f32 v54, v30;
	[tilespmem:v7+s13+$0x9C00 ss:$0x1] =	vst.idx.msk $0xffff, v46;
	v46 =	vld.idx.msk [tilespmem:v7+s12+$0xA030 ss:$0x1], $0xffff;
	v48 =	vadd.f32 v48, v29  }
0x4e1: {  	v52 =	vadd.f32 v52, v34;
	v54 =	vld.idx.msk [tilespmem:v7+s13+$0x9C10 ss:$0x1], $0xffff;
	[tilespmem:v7+s3+$0x9C50 ss:$0x1] =	vst.idx.msk $0xffff, v49;
	v49 =	vmul.f32 v51, v15  }
0x4e2: {  	v6 =	vsub.f32 v6, v16;
	v53 =	vmul.f32 v53, v22;
	[tilespmem:v7+s4+$0xA040 ss:$0x1] =	vst.idx.msk $0xffff, v48;
	v48 =	vld.idx.msk [tilespmem:v7+s3+$0x9C60 ss:$0x1], $0xffff  }
.Ltmp2:
0x4e3: {  	v57 =	vsub.f32 v50, v5;
	[tilespmem:v7+s12+$0x9C20 ss:$0x1] =	vst.idx.msk $0xffff, v52;
	v51 =	vld.idx.msk [tilespmem:v7+s4+$0xA050 ss:$0x1], $0xffff;
	v49 =	vadd.f32 v49, v18;
	(pc) =	sbr.rel @p0 .LBB2_7-.Ltmp2, $4  }
0x4e4: {  	v55 =	vmul.f32 v6, v47;
	v53 =	vadd.f32 v53, v24;
	v50 =	vld.idx.msk [tilespmem:v7+s12+$0x9C30 ss:$0x1], $0xffff;
	[tilespmem:v7+s2+$0x9C60 ss:$0x1] =	vst.idx.msk $0xffff, v58  }
0x4e5: {  	v16 =	vmov v20;
	v20 =	vmov v44;
	v56 =	vmul.f32 v57, v4;
	[tilespmem:v7+s3+$0xA060 ss:$0x1] =	vst.idx.msk $0xffff, v49;
	v6 =	vld.idx.msk [tilespmem:v7+s2+$0x9C70 ss:$0x1], $0xffff  }
0x4e6: {  	s15 =	sadd.s32 $0x200, s15;
	v44 =	vmul.f32 v55, v8;
	v52 =	vsub.f32 v46, v1;
	[tilespmem:v7+s4+$0x9C40 ss:$0x1] =	vst.idx.msk $0xffff, v53;
	v47 =	vld.idx.msk [tilespmem:v7+s3+$0xA070 ss:$0x1], $0xffff  }
0x4e7: {  	s18 =	sand.u32 $0x380, s14;
	s14 =	sadd.s32 $0x80, s14;
	s17 =	sand.u32 $0x1000, s15;
	v53 =	vsub.f32 v54, v5;
	v54 =	vmul.f32 v56, v40;
	v49 =	vld.idx.msk [tilespmem:v7+s4+$0x9C50 ss:$0x1], $0xffff;
	[tilespmem:v7+s16+$0x9C70 ss:$0x1] =	vst.idx.msk $0xffff, v45  }
0x4e8: {  	_ =	sdelay $0x2  }
0x4e9: {  	s14 =	sor.u32 s18, s17  }
0x4ea: {  	s6 =	sshra.s32 s15, $0x2;
	v55 =	vld.idx.msk [tilespmem:v7+s14+$0xA000 ss:$0x1], $0xffff  }
0x4eb: {  	v46 =	vld [tilespmem:s6+$0x4400];
	_ =	sdelay $0x1  }
0x4ec: {  	v45 =	vld [tilespmem:s6+$0x4C00];
	_ =	sdelay $0x2  }
0x4ed: {  	v55 =	vsub.f32 v55, v46;
	_ =	sdelay $0x1  }
0x4ee: {  	v55 =	vmul.f32 v55, v45;
	_ =	sdelay $0x1  }
0x4ef: {  	v43 =	vmul.f32 v55, v43;
	_ =	sdelay $0x1  }
0x4f0: {  	v3 =	vadd.f32 v43, v3;
	_ =	sdelay $0x1  }
0x4f1: {  	v58 =	vld.idx.msk [tilespmem:v7+s14+$0x9C00 ss:$0x1], $0xffff;
	[tilespmem:v7+s14+$0xA000 ss:$0x1] =	vst.idx.msk $0xffff, v3  }
0x4f2: {  	v3 =	vld.idx.msk [tilespmem:v7+s14+$0xA010 ss:$0x1], $0xffff;
	_ =	sdelay $0x3  }
0x4f3: {  	v43 =	vsub.f32 v58, v46  }
0x4f4: {  	v3 =	vsub.f32 v3, v46  }
0x4f5: {  	v43 =	vmul.f32 v43, v45  }
0x4f6: {  	v3 =	vmul.f32 v3, v45  }
0x4f7: {  	v39 =	vmul.f32 v43, v39  }
0x4f8: {  	v59 =	vadd.f32 v54, v2;
	v3 =	vmul.f32 v3, v40  }
0x4f9: {  	v39 =	vadd.f32 v39, v42  }
0x4fa: {  	[tilespmem:v7+s13+$0xA010 ss:$0x1] =	vst.idx.msk $0xffff, v59;
	v61 =	vadd.f32 v3, v2  }
0x4fb: {  	v60 =	vld.idx.msk [tilespmem:v7+s13+$0xA020 ss:$0x1], $0xffff;
	[tilespmem:v7+s14+$0x9C00 ss:$0x1] =	vst.idx.msk $0xffff, v39  }
0x4fc: {  	v62 =	vld.idx.msk [tilespmem:v7+s14+$0x9C10 ss:$0x1], $0xffff;
	[tilespmem:v7+s14+$0xA010 ss:$0x1] =	vst.idx.msk $0xffff, v61  }
0x4fd: {  	v2 =	vld.idx.msk [tilespmem:v7+s14+$0xA020 ss:$0x1], $0xffff;
	_ =	sdelay $0x2  }
0x4fe: {  	v40 =	vsub.f32 v60, v5  }
0x4ff: {  	v63 =	vmul.f32 v53, v4;
	v3 =	vsub.f32 v62, v46  }
0x500: {  	v40 =	vmul.f32 v40, v4;
	v2 =	vsub.f32 v2, v46  }
0x501: {  	v39 =	vmul.f32 v63, v36;
	v3 =	vmul.f32 v3, v45  }
0x502: {  	v40 =	vmul.f32 v40, v37;
	v2 =	vmul.f32 v2, v45  }
0x503: {  	v39 =	vadd.f32 v39, v38;
	v3 =	vmul.f32 v3, v36  }
0x504: {  	v53 =	vadd.f32 v40, v41;
	v2 =	vmul.f32 v2, v37  }
0x505: {  	[tilespmem:v7+s13+$0x9C10 ss:$0x1] =	vst.idx.msk $0xffff, v39;
	v3 =	vadd.f32 v3, v38  }
0x506: {  	v39 =	vld.idx.msk [tilespmem:v7+s13+$0x9C20 ss:$0x1], $0xffff;
	[tilespmem:v7+s13+$0xA020 ss:$0x1] =	vst.idx.msk $0xffff, v53;
	v2 =	vadd.f32 v2, v41  }
0x507: {  	v36 =	vld.idx.msk [tilespmem:v7+s13+$0xA030 ss:$0x1], $0xffff;
	[tilespmem:v7+s14+$0x9C10 ss:$0x1] =	vst.idx.msk $0xffff, v3  }
0x508: {  	v3 =	vld.idx.msk [tilespmem:v7+s14+$0x9C20 ss:$0x1], $0xffff;
	[tilespmem:v7+s14+$0xA020 ss:$0x1] =	vst.idx.msk $0xffff, v2  }
0x509: {  	v55 =	vld.idx.msk [tilespmem:v7+s14+$0xA030 ss:$0x1], $0xffff;
	_ =	sdelay $0x1  }
0x50a: {  	v54 =	vsub.f32 v39, v5  }
0x50b: {  	v56 =	vmul.f32 v52, v0;
	v36 =	vsub.f32 v36, v5  }
0x50c: {  	v3 =	vsub.f32 v3, v46;
	v2 =	vmul.f32 v54, v4  }
0x50d: {  	v38 =	vmul.f32 v56, v33;
	v36 =	vmul.f32 v36, v4;
	v37 =	vsub.f32 v55, v46  }
0x50e: {  	v3 =	vmul.f32 v3, v45;
	v2 =	vmul.f32 v2, v32  }
0x50f: {  	v38 =	vadd.f32 v38, v35;
	v36 =	vmul.f32 v36, v33;
	v57 =	vmul.f32 v37, v45  }
0x510: {  	v3 =	vmul.f32 v3, v32;
	v2 =	vadd.f32 v2, v34  }
0x511: {  	[tilespmem:v7+s12+$0xA030 ss:$0x1] =	vst.idx.msk $0xffff, v38;
	v58 =	vadd.f32 v36, v35;
	v32 =	vmul.f32 v57, v33  }
0x512: {  	v61 =	vld.idx.msk [tilespmem:v7+s12+$0xA040 ss:$0x1], $0xffff;
	v3 =	vadd.f32 v3, v34;
	[tilespmem:v7+s13+$0x9C20 ss:$0x1] =	vst.idx.msk $0xffff, v2  }
0x513: {  	v60 =	vsub.f32 v51, v31;
	v59 =	vld.idx.msk [tilespmem:v7+s13+$0x9C30 ss:$0x1], $0xffff;
	[tilespmem:v7+s13+$0xA030 ss:$0x1] =	vst.idx.msk $0xffff, v58;
	v38 =	vadd.f32 v32, v35  }
0x514: {  	v62 =	vsub.f32 v50, v1;
	[tilespmem:v7+s14+$0x9C20 ss:$0x1] =	vst.idx.msk $0xffff, v3;
	v63 =	vld.idx.msk [tilespmem:v7+s13+$0xA040 ss:$0x1], $0xffff  }
0x515: {  	v39 =	vmul.f32 v60, v30;
	v40 =	vld.idx.msk [tilespmem:v7+s14+$0x9C30 ss:$0x1], $0xffff;
	[tilespmem:v7+s14+$0xA030 ss:$0x1] =	vst.idx.msk $0xffff, v38  }
0x516: {  	v2 =	vmul.f32 v62, v0;
	v43 =	vld.idx.msk [tilespmem:v7+s14+$0xA040 ss:$0x1], $0xffff  }
0x517: {  	v41 =	vmul.f32 v39, v23;
	v34 =	vsub.f32 v61, v1  }
0x518: {  	v2 =	vmul.f32 v2, v26;
	v42 =	vsub.f32 v59, v5  }
0x519: {  	v3 =	vadd.f32 v41, v25;
	v34 =	vmul.f32 v34, v0;
	v50 =	vsub.f32 v63, v5  }
0x51a: {  	v2 =	vadd.f32 v2, v28;
	v33 =	vsub.f32 v40, v46;
	v32 =	vmul.f32 v42, v4  }
0x51b: {  	v34 =	vmul.f32 v34, v27;
	v52 =	vmul.f32 v50, v4;
	v35 =	vsub.f32 v43, v46  }
0x51c: {  	[tilespmem:v7+s12+$0x9C30 ss:$0x1] =	vst.idx.msk $0xffff, v2;
	v33 =	vmul.f32 v33, v45;
	v51 =	vmul.f32 v32, v26  }
0x51d: {  	v34 =	vadd.f32 v34, v29;
	v55 =	vld.idx.msk [tilespmem:v7+s12+$0x9C40 ss:$0x1], $0xffff;
	v54 =	vmul.f32 v52, v27;
	v57 =	vmul.f32 v35, v45  }
0x51e: {  	[tilespmem:v7+s4+$0xA050 ss:$0x1] =	vst.idx.msk $0xffff, v3;
	v56 =	vmul.f32 v33, v26;
	v53 =	vadd.f32 v51, v28  }
0x51f: {  	v58 =	vld.idx.msk [tilespmem:v7+s4+$0xA060 ss:$0x1], $0xffff;
	[tilespmem:v7+s12+$0xA040 ss:$0x1] =	vst.idx.msk $0xffff, v34;
	v59 =	vadd.f32 v54, v29;
	v61 =	vmul.f32 v57, v27  }
0x520: {  	v63 =	vsub.f32 v49, v31;
	v62 =	vld.idx.msk [tilespmem:v7+s12+$0xA050 ss:$0x1], $0xffff;
	v26 =	vadd.f32 v56, v28;
	[tilespmem:v7+s13+$0x9C30 ss:$0x1] =	vst.idx.msk $0xffff, v53  }
0x521: {  	v60 =	vld.idx.msk [tilespmem:v7+s13+$0x9C40 ss:$0x1], $0xffff;
	[tilespmem:v7+s13+$0xA040 ss:$0x1] =	vst.idx.msk $0xffff, v59;
	v37 =	vadd.f32 v61, v29  }
0x522: {  	v2 =	vmul.f32 v63, v30;
	v38 =	vsub.f32 v55, v1;
	[tilespmem:v7+s14+$0x9C30 ss:$0x1] =	vst.idx.msk $0xffff, v26;
	v36 =	vld.idx.msk [tilespmem:v7+s13+$0xA050 ss:$0x1], $0xffff  }
0x523: {  	v39 =	vld.idx.msk [tilespmem:v7+s14+$0x9C40 ss:$0x1], $0xffff;
	[tilespmem:v7+s14+$0xA040 ss:$0x1] =	vst.idx.msk $0xffff, v37  }
0x524: {  	v2 =	vmul.f32 v2, v14;
	v40 =	vmul.f32 v38, v0;
	v41 =	vld.idx.msk [tilespmem:v7+s14+$0xA050 ss:$0x1], $0xffff  }
0x525: {  	v28 =	vsub.f32 v62, v1  }
0x526: {  	v2 =	vadd.f32 v2, v17;
	v26 =	vmul.f32 v40, v22;
	v3 =	vsub.f32 v60, v5  }
0x527: {  	v43 =	vsub.f32 v58, v31;
	v28 =	vmul.f32 v28, v0;
	v42 =	vsub.f32 v36, v5  }
0x528: {  	v26 =	vadd.f32 v26, v24;
	v29 =	vsub.f32 v39, v46;
	v3 =	vmul.f32 v3, v4  }
0x529: {  	v28 =	vmul.f32 v28, v23;
	v32 =	vmul.f32 v42, v4;
	v27 =	vsub.f32 v41, v46  }
0x52a: {  	[tilespmem:v7+s12+$0x9C40 ss:$0x1] =	vst.idx.msk $0xffff, v26;
	v29 =	vmul.f32 v29, v45;
	v3 =	vmul.f32 v3, v22  }
0x52b: {  	v28 =	vadd.f32 v28, v25;
	v50 =	vld.idx.msk [tilespmem:v7+s12+$0x9C50 ss:$0x1], $0xffff;
	v49 =	vmul.f32 v32, v23;
	v27 =	vmul.f32 v27, v45  }
0x52c: {  	[tilespmem:v7+s4+$0x9C50 ss:$0x1] =	vst.idx.msk $0xffff, v2;
	v51 =	vmul.f32 v29, v22;
	v3 =	vadd.f32 v3, v24  }
0x52d: {  	v63 =	vld.idx.msk [tilespmem:v7+s4+$0x9C60 ss:$0x1], $0xffff;
	[tilespmem:v7+s12+$0xA050 ss:$0x1] =	vst.idx.msk $0xffff, v28;
	v53 =	vadd.f32 v49, v25;
	v55 =	vmul.f32 v27, v23  }
0x52e: {  	v56 =	vld.idx.msk [tilespmem:v7+s12+$0xA060 ss:$0x1], $0xffff;
	v22 =	vadd.f32 v51, v24;
	[tilespmem:v7+s13+$0x9C40 ss:$0x1] =	vst.idx.msk $0xffff, v3  }
0x52f: {  	v52 =	vmul.f32 v43, v30;
	v54 =	vld.idx.msk [tilespmem:v7+s13+$0x9C50 ss:$0x1], $0xffff;
	[tilespmem:v7+s13+$0xA050 ss:$0x1] =	vst.idx.msk $0xffff, v53;
	v59 =	vadd.f32 v55, v25  }
0x530: {  	v35 =	vsub.f32 v47, v20;
	v61 =	vsub.f32 v50, v1;
	[tilespmem:v7+s14+$0x9C40 ss:$0x1] =	vst.idx.msk $0xffff, v22;
	v58 =	vld.idx.msk [tilespmem:v7+s13+$0xA060 ss:$0x1], $0xffff  }
0x531: {  	v57 =	vmul.f32 v52, v15;
	v60 =	vsub.f32 v48, v20;
	v62 =	vld.idx.msk [tilespmem:v7+s14+$0x9C50 ss:$0x1], $0xffff;
	[tilespmem:v7+s14+$0xA050 ss:$0x1] =	vst.idx.msk $0xffff, v59  }
0x532: {  	v38 =	vmul.f32 v35, v21;
	v2 =	vmul.f32 v61, v0;
	v34 =	vld.idx.msk [tilespmem:v7+s14+$0xA060 ss:$0x1], $0xffff  }
0x533: {  	v32 =	vmul.f32 v60, v21;
	v36 =	vsub.f32 v56, v1;
	v3 =	vadd.f32 v57, v18  }
0x534: {  	v53 =	vsub.f32 v63, v31;
	v2 =	vmul.f32 v2, v14;
	v33 =	vsub.f32 v54, v5  }
0x535: {  	[tilespmem:v7+s4+$0xA060 ss:$0x1] =	vst.idx.msk $0xffff, v3;
	v3 =	vmul.f32 v36, v0;
	v37 =	vsub.f32 v58, v5  }
0x536: {  	v2 =	vadd.f32 v2, v17;
	v25 =	vsub.f32 v62, v46;
	v23 =	vmul.f32 v33, v4  }
0x537: {  	v39 =	vld.idx.msk [tilespmem:v7+s4+$0xA070 ss:$0x1], $0xffff;
	v3 =	vmul.f32 v3, v15;
	v24 =	vmul.f32 v37, v4;
	v26 =	vsub.f32 v34, v46  }
0x538: {  	[tilespmem:v7+s12+$0x9C50 ss:$0x1] =	vst.idx.msk $0xffff, v2;
	v25 =	vmul.f32 v25, v45;
	v23 =	vmul.f32 v23, v14  }
0x539: {  	v3 =	vadd.f32 v3, v18;
	v41 =	vmul.f32 v24, v15;
	v43 =	vmul.f32 v26, v45  }
0x53a: {  	v58 =	vmul.f32 v32, v10;
	v42 =	vmul.f32 v25, v14;
	v40 =	vadd.f32 v23, v17  }
0x53b: {  	v48 =	vld.idx.msk [tilespmem:v7+s12+$0x9C60 ss:$0x1], $0xffff;
	[tilespmem:v7+s12+$0xA060 ss:$0x1] =	vst.idx.msk $0xffff, v3;
	v49 =	vadd.f32 v41, v18;
	v51 =	vmul.f32 v43, v15  }
0x53c: {  	v47 =	vsub.f32 v39, v31;
	v54 =	vld.idx.msk [tilespmem:v7+s12+$0xA070 ss:$0x1], $0xffff;
	v14 =	vadd.f32 v42, v17;
	[tilespmem:v7+s13+$0x9C50 ss:$0x1] =	vst.idx.msk $0xffff, v40  }
0x53d: {  	v59 =	vmul.f32 v53, v30;
	v50 =	vld.idx.msk [tilespmem:v7+s13+$0x9C60 ss:$0x1], $0xffff;
	[tilespmem:v7+s13+$0xA060 ss:$0x1] =	vst.idx.msk $0xffff, v49;
	v57 =	vadd.f32 v51, v18  }
0x53e: {  	v52 =	vmul.f32 v38, v11;
	v55 =	vmul.f32 v47, v30;
	[tilespmem:v7+s14+$0x9C50 ss:$0x1] =	vst.idx.msk $0xffff, v14;
	v56 =	vld.idx.msk [tilespmem:v7+s13+$0xA070 ss:$0x1], $0xffff  }
0x53f: {  	v61 =	vadd.f32 v58, v12;
	v62 =	vmul.f32 v59, v10;
	v60 =	vld.idx.msk [tilespmem:v7+s14+$0x9C60 ss:$0x1], $0xffff;
	[tilespmem:v7+s14+$0xA060 ss:$0x1] =	vst.idx.msk $0xffff, v57  }
0x540: {  	v17 =	vadd.f32 v52, v13;
	v2 =	vmul.f32 v55, v11;
	v27 =	vsub.f32 v48, v1;
	v63 =	vld.idx.msk [tilespmem:v7+s14+$0xA070 ss:$0x1], $0xffff  }
0x541: {  	v24 =	vadd.f32 v62, v12;
	v23 =	vsub.f32 v54, v1  }
0x542: {  	[tilespmem:v7+s3+$0xA070 ss:$0x1] =	vst.idx.msk $0xffff, v17;
	v2 =	vadd.f32 v2, v13;
	v32 =	vmul.f32 v27, v0  }
0x543: {  	[tilespmem:v7+s3+$0x9C60 ss:$0x1] =	vst.idx.msk $0xffff, v61;
	v28 =	vmul.f32 v23, v0;
	v29 =	vsub.f32 v56, v5  }
0x544: {  	[tilespmem:v7+s4+$0xA070 ss:$0x1] =	vst.idx.msk $0xffff, v2;
	v14 =	vmul.f32 v32, v10;
	v3 =	vsub.f32 v50, v5  }
0x545: {  	v2 =	vmul.f32 v28, v11;
	v33 =	vmul.f32 v29, v4;
	v34 =	vsub.f32 v63, v46  }
0x546: {  	[tilespmem:v7+s4+$0x9C60 ss:$0x1] =	vst.idx.msk $0xffff, v24;
	v35 =	vsub.f32 v60, v46;
	v3 =	vmul.f32 v3, v4  }
0x547: {  	v2 =	vadd.f32 v2, v13;
	v15 =	vmul.f32 v33, v11;
	v17 =	vmul.f32 v34, v45  }
0x548: {  	v14 =	vadd.f32 v14, v12;
	v18 =	vmul.f32 v35, v45;
	v3 =	vmul.f32 v3, v10  }
0x549: {  	[tilespmem:v7+s12+$0xA070 ss:$0x1] =	vst.idx.msk $0xffff, v2;
	v36 =	vadd.f32 v15, v13;
	v37 =	vmul.f32 v17, v11  }
0x54a: {  	[tilespmem:v7+s12+$0x9C60 ss:$0x1] =	vst.idx.msk $0xffff, v14;
	v38 =	vmul.f32 v18, v10;
	v3 =	vadd.f32 v3, v12  }
0x54b: {  	v39 =	vld.idx.msk [tilespmem:v7+s3+$0x9C70 ss:$0x1], $0xffff;
	[tilespmem:v7+s13+$0xA070 ss:$0x1] =	vst.idx.msk $0xffff, v36;
	v40 =	vadd.f32 v37, v13  }
0x54c: {  	v43 =	vld.idx.msk [tilespmem:v7+s12+$0x9C70 ss:$0x1], $0xffff;
	v42 =	vadd.f32 v38, v12;
	[tilespmem:v7+s13+$0x9C60 ss:$0x1] =	vst.idx.msk $0xffff, v3  }
0x54d: {  	v41 =	vld.idx.msk [tilespmem:v7+s4+$0x9C70 ss:$0x1], $0xffff;
	[tilespmem:v7+s14+$0xA070 ss:$0x1] =	vst.idx.msk $0xffff, v40  }
0x54e: {  	v48 =	vld.idx.msk [tilespmem:v7+s13+$0x9C70 ss:$0x1], $0xffff;
	[tilespmem:v7+s14+$0x9C60 ss:$0x1] =	vst.idx.msk $0xffff, v42  }
0x54f: {  	v47 =	vsub.f32 v6, v16;
	v3 =	vld.idx.msk [tilespmem:v7+s14+$0x9C70 ss:$0x1], $0xffff  }
0x550: {  	v50 =	vadd.f32 v44, v9;
	v49 =	vsub.f32 v39, v20  }
0x551: {  	v2 =	vmul.f32 v47, v19;
	v51 =	vsub.f32 v43, v1  }
0x552: {  	[tilespmem:v7+s1+$0x9C70 ss:$0x1] =	vst.idx.msk $0xffff, v50;
	v12 =	vmul.f32 v49, v21;
	v11 =	vsub.f32 v41, v31  }
0x553: {  	v2 =	vmul.f32 v2, v8;
	v55 =	vmul.f32 v51, v0;
	v53 =	vsub.f32 v48, v5  }
0x554: {  	v54 =	vmul.f32 v12, v8;
	v52 =	vmul.f32 v11, v30;
	v56 =	vsub.f32 v3, v46  }
0x555: {  	v2 =	vadd.f32 v2, v9;
	v0 =	vmul.f32 v55, v8;
	v58 =	vmul.f32 v53, v4  }
0x556: {  	v59 =	vadd.f32 v54, v9;
	v57 =	vmul.f32 v52, v8;
	v1 =	vmul.f32 v56, v45  }
0x557: {  	[tilespmem:v7+s2+$0x9C70 ss:$0x1] =	vst.idx.msk $0xffff, v2;
	v0 =	vadd.f32 v0, v9;
	v61 =	vmul.f32 v58, v8  }
0x558: {  	[tilespmem:v7+s3+$0x9C70 ss:$0x1] =	vst.idx.msk $0xffff, v59;
	v60 =	vadd.f32 v57, v9;
	v1 =	vmul.f32 v1, v8  }
0x559: {  	s22 =	sshll.u32 s26, $0xF;
	s26 =	sadd.s32 $0x1, s26;
	[tilespmem:v7+s12+$0x9C70 ss:$0x1] =	vst.idx.msk $0xffff, v0;
	v62 =	vadd.f32 v61, v9  }
0x55a: {  	p0 =	sne.s32 s26, $0x40;
	[tilespmem:v7+s4+$0x9C70 ss:$0x1] =	vst.idx.msk $0xffff, v60;
	v63 =	vadd.f32 v1, v9  }
.Ltmp3:
0x55b: {  	[tilespmem:v7+s13+$0x9C70 ss:$0x1] =	vst.idx.msk $0xffff, v62;
	(pc) =	sbr.rel @p0 .LBB2_2-.Ltmp3, $4  }
0x55c: {  	[tilespmem:v7+s14+$0x9C70 ss:$0x1] =	vst.idx.msk $0xffff, v63  }
0x55d: {  	v49 =	vld [tilespmem:$0x1FFC0]  }
0x55e: {  	s30 =	sadd.s32 $0x3, s28;
	s31 =	sadd.s32 $0x9400, s29;
	s1 =	sadd.s32 s22, s9;
	v50 =	vld [tilespmem:$0x1FFD0]  }
0x55f: {  	[hbm4b:s1+s5] =	stream.linear.scatter [tilespmem:s31], [sflag:s30], $0x2000, $0x38;
	v52 =	vld [tilespmem:$0x1FFF0]  }
0x560: {  	s25 =	sadd.s32 $0x1, s25  }
0x561: {  	_ =	swait.ge [sflag:s23], $0x2000;
	p0 =	sne.s32 s25, s10  }
.Ltmp4:
0x562: {  	[sflag:s23] =	ssyncset.done $0x0;
	(pc) =	sbr.rel @p0 .LBB2_1-.Ltmp4, $4  }
0x563: {  	[sflag:s23] =	ssyncadd.s32 $0xFFFFE000  }
0x564: {  	_ =	swait.ge [sflag:s24], $0x2000  }
0x565: {  	[sflag:s24] =	ssyncset.done $0x0  }
0x566: {  	[sflag:s24] =	ssyncadd.s32 $0xFFFFE000  }
0x567: {  	_ =	sfence.sel $0x180000  }
0x568: {  	[bflag:$0x0] =	sbarrier.arrive $0xFFFF  }
0x569: {  	_ =	strace $0x90000047  }
0x56a: {  	s0 =	stileid.u32;
	[bflag:$0x2] =	sbarrier.arrive $0xFFFF  }
0x56b: {  	p0 =	sne.s32 s0, $0x0;
	s0 =	rddreg [dreg:$0x6]  }
0x56c: {  	s0 =	sadd.s32 @!p0 $0x100000, s0  }
0x56d: {  	[sflag:s0] =	ssyncadd.tile.s32 @!p0 $0x1;
	_ =	shalt  }
.Lfunc_end2:
_tile_overlayer_lowered:
.L_overlay_start_2:
0x56e: {  	(tag) =	ssettag $0x2  }
0x56f: {  	s0 =	rddreg [dreg:$0x0];
	s2 =	stileid.u32  }
0x570: {  	s1 =	rddreg [dreg:$0x1];
	p0 =	sne.s32 s2, $0x0  }
0x571: {  	s3 =	rddreg [dreg:$0x2];
	[bflag:$0x3] =	sbarrier.arrive $0xFFFF;
	s2 =	simm.s32 @!p0 $0x1C05  }
0x572: {  	[timem:s3], [sflag:s2] =	dma.local @!p0 [hbm:s0], s1  }
0x573: {  	s0 =	simm.s32 @!p0 $0x5  }
0x574: {  	_ =	swait.ge @!p0 [sflag:s0], s1  }
0x575: {  	s1 =	ssub.s32 @!p0 $0x0, s1;
	[sflag:s0] =	ssyncset.done @!p0 $0x0  }
0x576: {  	[sflag:s0] =	ssyncadd.s32 @!p0 s1  }
0x577: {  	[bflag:$0x3] =	sbarrier.arrive $0xFFFF  }
0x578: {  	_ =	shalt  }

</sc_bundles>
